<compile_context>
chip_gen: v7x
topology: tpu7x:2x2x1
jax: 0.10.2.dev20260603
libtpu: 0.0.44.dev20260713+nightly
codegen_flags: <defaults>
</compile_context>

<pallas_src>
import functools

import jax
import jax.numpy as jnp
from jax import lax
from jax.experimental import pallas as pl
from jax.experimental.pallas import tpu as pltpu
from jax.experimental.pallas import tpu_sc as plsc

_N = 10000
_E = 160000
_H = 128
_NH = 4
_DH = _H // _NH
_VOCAB = 1000
_BLK = 1000
_EC = 128
_EPT = _E // 16
_RPT = _N // 16
_HF = 96


def _mm(a, b):
    return jax.lax.dot_general(
        a, b, (((a.ndim - 1,), (0,)), ((), ())),
        precision=jax.lax.Precision.HIGHEST,
        preferred_element_type=jnp.float32)


def _ln(x, g, b):
    mu = jnp.mean(x, axis=-1, keepdims=True)
    var = jnp.mean((x - mu) ** 2, axis=-1, keepdims=True)
    return (x - mu) * jax.lax.rsqrt(var + 1e-5) * g + b


def _mha3(xq, xv, WqT, bq, WkT, bk, WvT, bv, WoT, bo, R, Ex):
    q = [_mm(t, WqT) + bq for t in xq]
    k = [_mm(t, WkT) + bk for t in xq]
    v = [_mm(t, WvT) + bv for t in xv]
    scale = 1.0 / (_DH ** 0.5)
    out = []
    for i in range(3):
        s = [_mm(q[i] * k[j], R) * scale for j in range(3)]
        m = jnp.maximum(jnp.maximum(s[0], s[1]), s[2])
        e = [jnp.exp(t - m) for t in s]
        den = e[0] + e[1] + e[2]
        o = sum(_mm(e[j] / den, Ex) * v[j] for j in range(3))
        out.append(_mm(o, WoT) + bo)
    return out


def _encode_body(feats, emb, numW, numb, lng, lnb, lstmW, lstmb,
                 faqT, fabq, fakT, fabk, favT, fabv, faoT, fabo,
                 cwT, cb, taqT, tabq, takT, tabk, tavT, tabv, taoT, tabo,
                 teW, teb, R, Ex, out_ref):
    f = feats[...]
    enr, sd = f[:, 0:1], f[:, 1:2]
    ts = [f[:, 2 + i:3 + i] for i in range(3)]
    stf = f[:, 5:6]

    e_num = jax.nn.relu(_ln(enr * numW[...] + numb[...], lng[...], lnb[...]))

    gates = sd * lstmW[...] + lstmb[...]
    gi, gg, go = gates[:, :_H], gates[:, 2 * _H:3 * _H], gates[:, 3 * _H:]
    c = jax.nn.sigmoid(gi) * jnp.tanh(gg)
    e_temp = jax.nn.sigmoid(go) * jnp.tanh(c)

    iota = lax.broadcasted_iota(
        jnp.int32, (f.shape[0], _VOCAB), 1).astype(jnp.float32)
    onehot = (stf == iota).astype(jnp.float32)
    e_cat = _mm(onehot, emb[...])

    x = _mha3([e_num, e_temp, e_cat], [e_num, e_temp, e_cat],
              faqT[...], fabq[...], fakT[...], fabk[...], favT[...],
              fabv[...], faoT[...], fabo[...], R[...], Ex[...])

    w0, w1, w2 = cwT[0], cwT[1], cwT[2]
    xc = [
        _mm(x[0], w1) + _mm(x[1], w2) + cb[...],
        _mm(x[0], w0) + _mm(x[1], w1) + _mm(x[2], w2) + cb[...],
        _mm(x[1], w0) + _mm(x[2], w1) + cb[...],
    ]
    qin = [xc[i] + ts[i] * teW[...] + teb[...] for i in range(3)]
    y = _mha3(qin, xc, taqT[...], tabq[...], takT[...], tabk[...],
              tavT[...], tabv[...], taoT[...], tabo[...], R[...], Ex[...])
    for i in range(3):
        out_ref[:, i * _H:(i + 1) * _H] = y[i]


def _sage_body(final, xin, s, cnt, WlT, bl, WrT, g, b, owT, ob, out_ref):
    inv = 1.0 / jnp.maximum(cnt[:, 0:1], 1.0)
    for i in range(3):
        sl = slice(i * _H, (i + 1) * _H)
        xi = xin[:, sl]
        h = _mm(s[:, sl] * inv, WlT[...]) + bl[...] + _mm(xi, WrT[...])
        h = jax.nn.relu(_ln(h, g[...], b[...])) + xi
        if final:
            out_ref[:, i, :] = _mm(h, owT[...]) + ob[...]
        else:
            out_ref[:, sl] = h


def _full(shape):
    return pl.BlockSpec(shape, lambda i: tuple(0 for _ in shape))


def _encode(feats, emb, *ws):
    grid = _N // _BLK
    in_specs = [pl.BlockSpec((_BLK, 8), lambda i: (i, 0)),
                _full((_VOCAB, _H))] + [_full(w.shape) for w in ws]
    return pl.pallas_call(
        _encode_body,
        grid=(grid,),
        in_specs=in_specs,
        out_specs=pl.BlockSpec((_BLK, 3 * _H), lambda i: (i, 0)),
        out_shape=jax.ShapeDtypeStruct((_N, 3 * _H), jnp.float32),
    )(feats, emb, *ws)


def _sage(final, xin, s, cnt, *ws):
    grid = _N // _BLK
    in_specs = [pl.BlockSpec((_BLK, 3 * _H), lambda i: (i, 0)),
                pl.BlockSpec((_BLK, 3 * _H), lambda i: (i, 0)),
                pl.BlockSpec((_BLK, 8), lambda i: (i, 0))]
    in_specs += [_full(w.shape) for w in ws]
    if final:
        out_spec = pl.BlockSpec((_BLK, 3, _H), lambda i: (i, 0, 0))
        out_shape = jax.ShapeDtypeStruct((_N, 3, _H), jnp.float32)
    else:
        out_spec = pl.BlockSpec((_BLK, 3 * _H), lambda i: (i, 0))
        out_shape = jax.ShapeDtypeStruct((_N, 3 * _H), jnp.float32)
    return pl.pallas_call(
        functools.partial(_sage_body, final),
        grid=(grid,),
        in_specs=in_specs,
        out_specs=out_spec,
        out_shape=out_shape,
    )(xin, s, cnt, *ws)


def _make_seg(compute_cnt):
    mesh = plsc.VectorSubcoreMesh(core_axis_name="c", subcore_axis_name="s")
    out_type = [jax.ShapeDtypeStruct((_N, _HF), jnp.float32),
                jax.ShapeDtypeStruct((_N, _HF), jnp.float32)]
    scratch = [
        pltpu.VMEM((_EC,), jnp.int32),
        pltpu.VMEM((_EC,), jnp.int32),
        pltpu.VMEM((_EC, _HF), jnp.float32),
        pltpu.VMEM((16,), jnp.int32),
        pltpu.VMEM((16,), jnp.int32),
        pltpu.VMEM((16, _HF), jnp.float32),
        pltpu.VMEM((_EC, 8), jnp.float32),
        pltpu.VMEM_SHARED((_N, _HF), jnp.float32),
        pltpu.VMEM_SHARED((_N, 8), jnp.float32),
        pltpu.SemaphoreType.DMA,
    ]
    if compute_cnt:
        out_type.append(jax.ShapeDtypeStruct((_N, 8), jnp.float32))

    def body(xa, xb, src, dst, z192, z8, ones, *refs):
        if compute_cnt:
            sa, sb, cnt_out = refs[0], refs[1], refs[2]
            rest = refs[3:]
        else:
            sa, sb = refs[0], refs[1]
            rest = refs[2:]
        (idx_s, idx_d, rows, idx_st, idx_dt, rows_t, ones_v,
         acc, cacc, sem) = rest
        cid = lax.axis_index("c")
        sid = lax.axis_index("s")

        def _rows(fn):
            @pl.when(sid < 15)
            def _():
                fn(pl.multiple_of(sid * 624, 8), 624)

            @pl.when(sid == 15)
            def _():
                fn(15 * 624, _N - 15 * 624)

        def _init(r0, nr):
            pltpu.sync_copy(z192.at[pl.ds(r0, nr)], acc.at[pl.ds(r0, nr)])
            if compute_cnt:
                pltpu.sync_copy(z8.at[pl.ds(r0, nr)], cacc.at[pl.ds(r0, nr)])

        _rows(_init)
        if compute_cnt:
            pltpu.sync_copy(ones, ones_v)
        plsc.subcore_barrier()

        nfull = _EPT // _EC
        base0 = sid * _EPT

        def chunk(i, _):
            base = base0 + i * _EC
            pltpu.sync_copy(src.at[pl.ds(base, _EC)], idx_s)
            pltpu.sync_copy(dst.at[pl.ds(base, _EC)], idx_d)

            @pl.when(cid == 0)
            def _():
                pltpu.async_copy(xa.at[idx_s], rows, sem).wait()

            @pl.when(cid == 1)
            def _():
                pltpu.async_copy(xb.at[idx_s], rows, sem).wait()

            pltpu.sync_copy(rows, acc.at[idx_d], add=True)
            if compute_cnt:
                @pl.when(cid == 0)
                def _():
                    pltpu.sync_copy(ones_v, cacc.at[idx_d], add=True)
            return 0

        lax.fori_loop(0, nfull, chunk, 0)

        tail = _EPT - nfull * _EC
        if tail:
            base = base0 + nfull * _EC
            pltpu.sync_copy(src.at[pl.ds(base, tail)], idx_st)
            pltpu.sync_copy(dst.at[pl.ds(base, tail)], idx_dt)

            @pl.when(cid == 0)
            def _():
                pltpu.async_copy(xa.at[idx_st], rows_t, sem).wait()

            @pl.when(cid == 1)
            def _():
                pltpu.async_copy(xb.at[idx_st], rows_t, sem).wait()

            pltpu.sync_copy(rows_t, acc.at[idx_dt], add=True)
            if compute_cnt:
                @pl.when(cid == 0)
                def _():
                    pltpu.sync_copy(ones_v.at[pl.ds(0, tail)],
                                    cacc.at[idx_dt], add=True)

        plsc.subcore_barrier()

        def _writeback(r0, nr):
            @pl.when(cid == 0)
            def _():
                pltpu.sync_copy(acc.at[pl.ds(r0, nr)], sa.at[pl.ds(r0, nr)])
                if compute_cnt:
                    pltpu.sync_copy(cacc.at[pl.ds(r0, nr)],
                                    cnt_out.at[pl.ds(r0, nr)])

            @pl.when(cid == 1)
            def _():
                pltpu.sync_copy(acc.at[pl.ds(r0, nr)], sb.at[pl.ds(r0, nr)])

        _rows(_writeback)

    return pl.kernel(
        body, out_type=tuple(out_type), mesh=mesh, scratch_types=scratch,
        compiler_params=pltpu.CompilerParams(use_tc_tiling_on_sc=False))


_make_seg = functools.lru_cache(maxsize=None)(_make_seg)


def _seg_cnt(*args):
    return _make_seg(True)(*args)


def _seg(*args):
    return _make_seg(False)(*args)


def kernel(enrollment, start_date, study_type, time, edge_index, num_W,
           num_b, ln_num_g, ln_num_b, emb, lstm_Wih, lstm_Whh, lstm_bih,
           lstm_bhh, fa_Wi, fa_bi, fa_Wo, fa_bo, conv_W, conv_b, ta_Wi,
           ta_bi, ta_Wo, ta_bo, te_W, te_b, sage1_Wl, sage1_bl, sage1_Wr,
           sage2_Wl, sage2_bl, sage2_Wr, ln1_g, ln1_b, ln2_g, ln2_b,
           out_W, out_b):
    f32 = jnp.float32
    feats = jnp.concatenate(
        [enrollment[:, None], start_date[:, None], time,
         study_type.astype(f32)[:, None], jnp.zeros((_N, 2), f32)], axis=1)

    r1 = lambda v: v.reshape(1, -1)
    eye = jnp.eye(_NH, dtype=f32)
    R = jnp.repeat(eye, _DH, axis=0)
    Ex = R.T
    enc_ws = (
        r1(num_W[:, 0]), r1(num_b), r1(ln_num_g), r1(ln_num_b),
        r1(lstm_Wih[:, 0]), r1(lstm_bih + lstm_bhh),
        fa_Wi[:_H].T, r1(fa_bi[:_H]), fa_Wi[_H:2 * _H].T,
        r1(fa_bi[_H:2 * _H]), fa_Wi[2 * _H:].T, r1(fa_bi[2 * _H:]),
        fa_Wo.T, r1(fa_bo),
        jnp.transpose(conv_W, (2, 1, 0)), r1(conv_b),
        ta_Wi[:_H].T, r1(ta_bi[:_H]), ta_Wi[_H:2 * _H].T,
        r1(ta_bi[_H:2 * _H]), ta_Wi[2 * _H:].T, r1(ta_bi[2 * _H:]),
        ta_Wo.T, r1(ta_bo),
        r1(te_W[:, 0]), r1(te_b), R, Ex,
    )
    x = _encode(feats, emb, *enc_ws)

    src = edge_index[0].astype(jnp.int32)
    dst = edge_index[1].astype(jnp.int32)
    z192 = jnp.zeros((_N, _HF), f32)
    z8 = jnp.zeros((_N, 8), f32)
    ones = jnp.ones((_EC, 8), f32)

    def seg_all(v, first):
        parts = [v[:, i * _HF:(i + 1) * _HF] for i in range(4)]
        if first:
            a0, b0, cnt = _seg_cnt(parts[0], parts[1], src, dst, z192, z8,
                                   ones)
        else:
            a0, b0 = _seg(parts[0], parts[1], src, dst, z192, z8, ones)
            cnt = None
        a1, b1 = _seg(parts[2], parts[3], src, dst, z192, z8, ones)
        return jnp.concatenate([a0, b0, a1, b1], axis=1), cnt

    s, cnt = seg_all(x, True)
    h = _sage(False, x, s, cnt, sage1_Wl.T, r1(sage1_bl), sage1_Wr.T,
              r1(ln1_g), r1(ln1_b), out_W.T, r1(out_b))

    s2, _ = seg_all(h, False)
    return _sage(True, h, s2, cnt, sage2_Wl.T, r1(sage2_bl), sage2_Wr.T,
                 r1(ln2_g), r1(ln2_b), out_W.T, r1(out_b))

# --- scband reference (transcript-rebuilt; emitter-appended) ---
"""Pipeline reference for scband-improved-hetero-gnn-2138893713892 (READ-ONLY COPY).

The authoritative reference and input builder live on the scoring server;
editing this copy changes nothing except your own understanding.
"""

import jax, jax.numpy as jnp
import numpy as np

N = 10000
E = 160000
H = 128
OUT = 128
NH = 4
VOCAB = 1000

def setup_inputs(seed: int = 0):
    key = jax.random.key(seed)
    ks = jax.random.split(key, 40)
    def p(i, shape):
        return jax.random.normal(ks[i], shape, dtype=jnp.float32) * 0.05
    inp = {}
    inp['enrollment'] = jax.random.normal(ks[0], (N,), dtype=jnp.float32)
    inp['start_date'] = jax.random.uniform(ks[1], (N,), dtype=jnp.float32)
    inp['study_type'] = jax.random.randint(ks[2], (N,), 0, VOCAB)
    inp['time'] = jax.random.normal(ks[3], (N, 3), dtype=jnp.float32)
    inp['edge_index'] = jax.random.randint(ks[4], (2, E), 0, N)
    inp['num_W'] = p(5, (H, 1)); inp['num_b'] = p(6, (H,))
    inp['ln_num_g'] = jnp.ones((H,), jnp.float32); inp['ln_num_b'] = jnp.zeros((H,), jnp.float32)
    inp['emb'] = p(7, (VOCAB, H))
    inp['lstm_Wih'] = p(8, (4 * H, 1)); inp['lstm_Whh'] = p(9, (4 * H, H))
    inp['lstm_bih'] = p(10, (4 * H,)); inp['lstm_bhh'] = p(11, (4 * H,))
    inp['fa_Wi'] = p(12, (3 * H, H)); inp['fa_bi'] = p(13, (3 * H,))
    inp['fa_Wo'] = p(14, (H, H)); inp['fa_bo'] = p(15, (H,))
    inp['conv_W'] = p(16, (H, H, 3)); inp['conv_b'] = p(17, (H,))
    inp['ta_Wi'] = p(18, (3 * H, H)); inp['ta_bi'] = p(19, (3 * H,))
    inp['ta_Wo'] = p(20, (H, H)); inp['ta_bo'] = p(21, (H,))
    inp['te_W'] = p(22, (H, 1)); inp['te_b'] = p(23, (H,))
    inp['sage1_Wl'] = p(24, (H, H)); inp['sage1_bl'] = p(25, (H,)); inp['sage1_Wr'] = p(26, (H, H))
    inp['sage2_Wl'] = p(27, (H, H)); inp['sage2_bl'] = p(28, (H,)); inp['sage2_Wr'] = p(29, (H, H))
    inp['ln1_g'] = jnp.ones((H,), jnp.float32); inp['ln1_b'] = jnp.zeros((H,), jnp.float32)
    inp['ln2_g'] = jnp.ones((H,), jnp.float32); inp['ln2_b'] = jnp.zeros((H,), jnp.float32)
    inp['out_W'] = p(30, (OUT, H)); inp['out_b'] = p(31, (OUT,))
    return inp

def _layernorm(x, g, b):
    mu = jnp.mean(x, axis=-1, keepdims=True)
    var = jnp.mean((x - mu) ** 2, axis=-1, keepdims=True)
    return (x - mu) / jnp.sqrt(var + 1e-5) * g + b

def _mha(q_in, k_in, v_in, Wi, bi, Wo, bo):
    Hd = q_in.shape[-1]
    Wq, Wk, Wv = Wi[:Hd], Wi[Hd:2 * Hd], Wi[2 * Hd:]
    bq, bk, bv = bi[:Hd], bi[Hd:2 * Hd], bi[2 * Hd:]
    q = q_in @ Wq.T + bq
    k = k_in @ Wk.T + bk
    v = v_in @ Wv.T + bv
    n, s, _ = q.shape
    dh = Hd // NH
    def split(t):
        return t.reshape(n, s, NH, dh).transpose(0, 2, 1, 3)
    qh, kh, vh = split(q), split(k), split(v)
    attn = jax.nn.softmax(qh @ kh.transpose(0, 1, 3, 2) / jnp.sqrt(dh * 1.0), axis=-1)
    o = (attn @ vh).transpose(0, 2, 1, 3).reshape(n, s, Hd)
    return o @ Wo.T + bo

def _forward(enrollment, start_date, time, num_W, num_b, ln_num_g, ln_num_b, emb, lstm_Wih, lstm_Whh, lstm_bih, lstm_bhh, fa_Wi, fa_bi, fa_Wo, fa_bo, conv_W, conv_b, ta_Wi, ta_bi, ta_Wo, ta_bo, te_W, te_b, sage1_Wl, sage1_bl, sage1_Wr, sage2_Wl, sage2_bl, sage2_Wr, ln1_g, ln1_b, ln2_g, ln2_b, out_W, out_b, study_type, edge_index):
    n = enrollment.shape[0]
    e_num = jax.nn.relu(_layernorm(enrollment[:, None] @ num_W.T + num_b, ln_num_g, ln_num_b))
    h0 = jnp.zeros((n, lstm_Whh.shape[1]), jnp.float32)
    gates = start_date[:, None] @ lstm_Wih.T + h0 @ lstm_Whh.T + lstm_bih + lstm_bhh
    gi, gf, gg, go = jnp.split(gates, 4, axis=-1)
    c = jax.nn.sigmoid(gi) * jnp.tanh(gg)
    e_temp = jax.nn.sigmoid(go) * jnp.tanh(c)
    e_cat = emb[study_type]
    x = jnp.stack([e_num, e_temp, e_cat], axis=1)
    x = _mha(x, x, x, fa_Wi, fa_bi, fa_Wo, fa_bo)
    t_emb = time[..., None] @ te_W.T + te_b
    xp = jnp.pad(x, ((0, 0), (1, 1), (0, 0)))
    xc = xp[:, 0:3, :] @ conv_W[:, :, 0].T + xp[:, 1:4, :] @ conv_W[:, :, 1].T + xp[:, 2:5, :] @ conv_W[:, :, 2].T + conv_b
    x = _mha(xc + t_emb, xc + t_emb, xc, ta_Wi, ta_bi, ta_Wo, ta_bo)
    src, dst = edge_index[0], edge_index[1]
    def sage(hx, Wl, bl, Wr):
        s = jax.ops.segment_sum(hx[src], dst, num_segments=n)
        cnt = jax.ops.segment_sum(jnp.ones(src.shape, hx.dtype), dst, num_segments=n)
        m = s / jnp.maximum(cnt, 1.0)[:, None, None]
        return m @ Wl.T + bl + hx @ Wr.T
    h = sage(x, sage1_Wl, sage1_bl, sage1_Wr)
    h = jax.nn.relu(_layernorm(h, ln1_g, ln1_b)) + x
    h2 = sage(h, sage2_Wl, sage2_bl, sage2_Wr)
    h2 = jax.nn.relu(_layernorm(h2, ln2_g, ln2_b)) + h
    return h2 @ out_W.T + out_b

def reference(enrollment, start_date, study_type, time, edge_index, num_W, num_b, ln_num_g, ln_num_b, emb, lstm_Wih, lstm_Whh, lstm_bih, lstm_bhh, fa_Wi, fa_bi, fa_Wo, fa_bo, conv_W, conv_b, ta_Wi, ta_bi, ta_Wo, ta_bo, te_W, te_b, sage1_Wl, sage1_bl, sage1_Wr, sage2_Wl, sage2_bl, sage2_Wr, ln1_g, ln1_b, ln2_g, ln2_b, out_W, out_b):
    return _forward(enrollment, start_date, time, num_W, num_b, ln_num_g, ln_num_b, emb, lstm_Wih, lstm_Whh, lstm_bih, lstm_bhh, fa_Wi, fa_bi, fa_Wo, fa_bo, conv_W, conv_b, ta_Wi, ta_bi, ta_Wo, ta_bo, te_W, te_b, sage1_Wl, sage1_bl, sage1_Wr, sage2_Wl, sage2_bl, sage2_Wr, ln1_g, ln1_b, ln2_g, ln2_b, out_W, out_b, study_type, edge_index)

if __name__ == "__main__":
    import jax
    _d = setup_inputs()
    print(jax.jit(kernel)(*tuple(_d.values())))

</pallas_src>

<mosaic_0001>
#map = affine_map<(d0, d1) -> (0, 0)>
#map1 = affine_map<(d0, d1) -> (0)>
module attributes {stable_mosaic.version = 14 : i64} {
  func.func @body(%arg0: i32, %arg1: i32, %arg2: memref<10000x96xf32, #tpu.memory_space<hbm>>, %arg3: memref<10000x96xf32, #tpu.memory_space<hbm>>, %arg4: memref<160000xi32, #tpu.memory_space<hbm>>, %arg5: memref<160000xi32, #tpu.memory_space<hbm>>, %arg6: memref<10000x96xf32, #tpu.memory_space<hbm>>, %arg7: memref<10000x8xf32, #tpu.memory_space<hbm>>, %arg8: memref<128x8xf32, #tpu.memory_space<hbm>>, %arg9: memref<10000x96xf32, #tpu.memory_space<hbm>>, %arg10: memref<10000x96xf32, #tpu.memory_space<hbm>>, %arg11: memref<10000x8xf32, #tpu.memory_space<hbm>>, %arg12: memref<128xi32, #tpu.memory_space<vmem>>, %arg13: memref<128xi32, #tpu.memory_space<vmem>>, %arg14: memref<128x96xf32, #tpu.memory_space<vmem>>, %arg15: memref<16xi32, #tpu.memory_space<vmem>>, %arg16: memref<16xi32, #tpu.memory_space<vmem>>, %arg17: memref<16x96xf32, #tpu.memory_space<vmem>>, %arg18: memref<128x8xf32, #tpu.memory_space<vmem>>, %arg19: memref<10000x96xf32, #tpu.memory_space<vmem_shared>>, %arg20: memref<10000x8xf32, #tpu.memory_space<vmem_shared>>, %arg21: memref<!tpu.dma_semaphore, #tpu.memory_space<semaphore_mem>>) attributes {dimension_semantics = [#tpu.dimension_semantics<core_parallel>, #tpu.dimension_semantics<subcore_parallel>], iteration_bounds = array<i64: 2, 16>, scalar_prefetch = 0 : i64, scratch_operands = 10 : i64, tpu.core_type = #tpu.core_type<sc_vector_subcore>, window_params = [{transform_indices = #map}, {transform_indices = #map}, {transform_indices = #map1}, {transform_indices = #map1}, {transform_indices = #map}, {transform_indices = #map}, {transform_indices = #map}, {transform_indices = #map}, {transform_indices = #map}, {transform_indices = #map}]} {
    %lt3A = arith.constant 15 : i32
    %lt3A_0 = arith.cmpi slt, %arg1, %lt3A : i32
    %convert_element_type3A = arith.extui %lt3A_0 : i1 to i32
    %cond3A = arith.constant 0 : i32
    %cond3A_1 = arith.cmpi ne, %convert_element_type3A, %cond3A : i32
    scf.if %cond3A_1 {
      %mul3A_40 = arith.constant 624 : i32
      %mul3A_41 = arith.muli %arg1, %mul3A_40 : i32
      %multiple_of3A = tpu.assume_multiple %mul3A_41, 8 : i32
      "tpu.region"() ({
        %run_scoped3A = tpu.sem_alloc : memref<!tpu.dma_semaphore, #tpu.memory_space<semaphore_mem>>
        %dma_start3A = arith.constant 0 : i32
        %dma_start3A_42 = tpu.memref_slice %arg19[%multiple_of3A, %dma_start3A] : memref<10000x96xf32, #tpu.memory_space<vmem_shared>> -> memref<624x96xf32, #tpu.memory_space<vmem_shared>>
        %dma_start3A_43 = arith.constant 0 : i32
        %dma_start3A_44 = tpu.memref_slice %arg6[%multiple_of3A, %dma_start3A_43] : memref<10000x96xf32, #tpu.memory_space<hbm>> -> memref<624x96xf32, #tpu.memory_space<hbm>>
        tpu.enqueue_dma source(%dma_start3A_44 : memref<624x96xf32, #tpu.memory_space<hbm>>) target(%dma_start3A_42 : memref<624x96xf32, #tpu.memory_space<vmem_shared>>) target_semaphore(%run_scoped3A : memref<!tpu.dma_semaphore, #tpu.memory_space<semaphore_mem>>)
        %dma_wait3A = arith.constant 0 : i32
        %dma_wait3A_45 = tpu.memref_slice %arg19[%multiple_of3A, %dma_wait3A] : memref<10000x96xf32, #tpu.memory_space<vmem_shared>> -> memref<624x96xf32, #tpu.memory_space<vmem_shared>>
        %dma_wait3A_46 = arith.constant 0 : i32
        %dma_wait3A_47 = tpu.memref_slice %arg6[%multiple_of3A, %dma_wait3A_46] : memref<10000x96xf32, #tpu.memory_space<hbm>> -> memref<624x96xf32, #tpu.memory_space<hbm>>
        tpu.wait_dma2 semaphore(%run_scoped3A : memref<!tpu.dma_semaphore, #tpu.memory_space<semaphore_mem>>) src(%dma_wait3A_47 : memref<624x96xf32, #tpu.memory_space<hbm>>) dst(%dma_wait3A_45 : memref<624x96xf32, #tpu.memory_space<vmem_shared>>)
        tpu.yield
      }) : () -> ()
      "tpu.region"() ({
        %run_scoped3A = tpu.sem_alloc : memref<!tpu.dma_semaphore, #tpu.memory_space<semaphore_mem>>
        %dma_start3A = arith.constant 0 : i32
        %dma_start3A_42 = tpu.memref_slice %arg20[%multiple_of3A, %dma_start3A] : memref<10000x8xf32, #tpu.memory_space<vmem_shared>> -> memref<624x8xf32, #tpu.memory_space<vmem_shared>>
        %dma_start3A_43 = arith.constant 0 : i32
        %dma_start3A_44 = tpu.memref_slice %arg7[%multiple_of3A, %dma_start3A_43] : memref<10000x8xf32, #tpu.memory_space<hbm>> -> memref<624x8xf32, #tpu.memory_space<hbm>>
        tpu.enqueue_dma source(%dma_start3A_44 : memref<624x8xf32, #tpu.memory_space<hbm>>) target(%dma_start3A_42 : memref<624x8xf32, #tpu.memory_space<vmem_shared>>) target_semaphore(%run_scoped3A : memref<!tpu.dma_semaphore, #tpu.memory_space<semaphore_mem>>)
        %dma_wait3A = arith.constant 0 : i32
        %dma_wait3A_45 = tpu.memref_slice %arg20[%multiple_of3A, %dma_wait3A] : memref<10000x8xf32, #tpu.memory_space<vmem_shared>> -> memref<624x8xf32, #tpu.memory_space<vmem_shared>>
        %dma_wait3A_46 = arith.constant 0 : i32
        %dma_wait3A_47 = tpu.memref_slice %arg7[%multiple_of3A, %dma_wait3A_46] : memref<10000x8xf32, #tpu.memory_space<hbm>> -> memref<624x8xf32, #tpu.memory_space<hbm>>
        tpu.wait_dma2 semaphore(%run_scoped3A : memref<!tpu.dma_semaphore, #tpu.memory_space<semaphore_mem>>) src(%dma_wait3A_47 : memref<624x8xf32, #tpu.memory_space<hbm>>) dst(%dma_wait3A_45 : memref<624x8xf32, #tpu.memory_space<vmem_shared>>)
        tpu.yield
      }) : () -> ()
    } else {
    }
    %eq3A = arith.constant 15 : i32
    %eq3A_2 = arith.cmpi eq, %arg1, %eq3A : i32
    %convert_element_type3A_3 = arith.extui %eq3A_2 : i1 to i32
    %cond3A_4 = arith.constant 0 : i32
    %cond3A_5 = arith.cmpi ne, %convert_element_type3A_3, %cond3A_4 : i32
    scf.if %cond3A_5 {
      "tpu.region"() ({
        %run_scoped3A = tpu.sem_alloc : memref<!tpu.dma_semaphore, #tpu.memory_space<semaphore_mem>>
        %dma_start3A = arith.constant 9360 : i32
        %dma_start3A_40 = arith.constant 0 : i32
        %dma_start3A_41 = tpu.memref_slice %arg19[%dma_start3A, %dma_start3A_40] : memref<10000x96xf32, #tpu.memory_space<vmem_shared>> -> memref<640x96xf32, #tpu.memory_space<vmem_shared>>
        %dma_start3A_42 = arith.constant 9360 : i32
        %dma_start3A_43 = arith.constant 0 : i32
        %dma_start3A_44 = tpu.memref_slice %arg6[%dma_start3A_42, %dma_start3A_43] : memref<10000x96xf32, #tpu.memory_space<hbm>> -> memref<640x96xf32, #tpu.memory_space<hbm>>
        tpu.enqueue_dma source(%dma_start3A_44 : memref<640x96xf32, #tpu.memory_space<hbm>>) target(%dma_start3A_41 : memref<640x96xf32, #tpu.memory_space<vmem_shared>>) target_semaphore(%run_scoped3A : memref<!tpu.dma_semaphore, #tpu.memory_space<semaphore_mem>>)
        %dma_wait3A = arith.constant 9360 : i32
        %dma_wait3A_45 = arith.constant 0 : i32
        %dma_wait3A_46 = tpu.memref_slice %arg19[%dma_wait3A, %dma_wait3A_45] : memref<10000x96xf32, #tpu.memory_space<vmem_shared>> -> memref<640x96xf32, #tpu.memory_space<vmem_shared>>
        %dma_wait3A_47 = arith.constant 9360 : i32
        %dma_wait3A_48 = arith.constant 0 : i32
        %dma_wait3A_49 = tpu.memref_slice %arg6[%dma_wait3A_47, %dma_wait3A_48] : memref<10000x96xf32, #tpu.memory_space<hbm>> -> memref<640x96xf32, #tpu.memory_space<hbm>>
        tpu.wait_dma2 semaphore(%run_scoped3A : memref<!tpu.dma_semaphore, #tpu.memory_space<semaphore_mem>>) src(%dma_wait3A_49 : memref<640x96xf32, #tpu.memory_space<hbm>>) dst(%dma_wait3A_46 : memref<640x96xf32, #tpu.memory_space<vmem_shared>>)
        tpu.yield
      }) : () -> ()
      "tpu.region"() ({
        %run_scoped3A = tpu.sem_alloc : memref<!tpu.dma_semaphore, #tpu.memory_space<semaphore_mem>>
        %dma_start3A = arith.constant 9360 : i32
        %dma_start3A_40 = arith.constant 0 : i32
        %dma_start3A_41 = tpu.memref_slice %arg20[%dma_start3A, %dma_start3A_40] : memref<10000x8xf32, #tpu.memory_space<vmem_shared>> -> memref<640x8xf32, #tpu.memory_space<vmem_shared>>
        %dma_start3A_42 = arith.constant 9360 : i32
        %dma_start3A_43 = arith.constant 0 : i32
        %dma_start3A_44 = tpu.memref_slice %arg7[%dma_start3A_42, %dma_start3A_43] : memref<10000x8xf32, #tpu.memory_space<hbm>> -> memref<640x8xf32, #tpu.memory_space<hbm>>
        tpu.enqueue_dma source(%dma_start3A_44 : memref<640x8xf32, #tpu.memory_space<hbm>>) target(%dma_start3A_41 : memref<640x8xf32, #tpu.memory_space<vmem_shared>>) target_semaphore(%run_scoped3A : memref<!tpu.dma_semaphore, #tpu.memory_space<semaphore_mem>>)
        %dma_wait3A = arith.constant 9360 : i32
        %dma_wait3A_45 = arith.constant 0 : i32
        %dma_wait3A_46 = tpu.memref_slice %arg20[%dma_wait3A, %dma_wait3A_45] : memref<10000x8xf32, #tpu.memory_space<vmem_shared>> -> memref<640x8xf32, #tpu.memory_space<vmem_shared>>
        %dma_wait3A_47 = arith.constant 9360 : i32
        %dma_wait3A_48 = arith.constant 0 : i32
        %dma_wait3A_49 = tpu.memref_slice %arg7[%dma_wait3A_47, %dma_wait3A_48] : memref<10000x8xf32, #tpu.memory_space<hbm>> -> memref<640x8xf32, #tpu.memory_space<hbm>>
        tpu.wait_dma2 semaphore(%run_scoped3A : memref<!tpu.dma_semaphore, #tpu.memory_space<semaphore_mem>>) src(%dma_wait3A_49 : memref<640x8xf32, #tpu.memory_space<hbm>>) dst(%dma_wait3A_46 : memref<640x8xf32, #tpu.memory_space<vmem_shared>>)
        tpu.yield
      }) : () -> ()
    } else {
    }
    "tpu.region"() ({
      %run_scoped3A = tpu.sem_alloc : memref<!tpu.dma_semaphore, #tpu.memory_space<semaphore_mem>>
      tpu.enqueue_dma source(%arg8 : memref<128x8xf32, #tpu.memory_space<hbm>>) target(%arg18 : memref<128x8xf32, #tpu.memory_space<vmem>>) target_semaphore(%run_scoped3A : memref<!tpu.dma_semaphore, #tpu.memory_space<semaphore_mem>>)
      tpu.wait_dma2 semaphore(%run_scoped3A : memref<!tpu.dma_semaphore, #tpu.memory_space<semaphore_mem>>) src(%arg8 : memref<128x8xf32, #tpu.memory_space<hbm>>) dst(%arg18 : memref<128x8xf32, #tpu.memory_space<vmem>>)
      tpu.yield
    }) : () -> ()
    %barrier3A = arith.constant 0 : index
    tpu.barrier barrier_id(%barrier3A)
    %mul3A = arith.constant 10000 : i32
    %mul3A_6 = arith.muli %arg1, %mul3A : i32
    %scan3A = arith.constant 0 : i32
    %scan3A_7 = arith.constant 0 : i32
    %scan3A_8 = arith.constant 78 : i32
    %scan3A_9 = arith.addi %scan3A_7, %scan3A_8 : i32
    %scan3A_10 = arith.constant 1 : i32
    %scan3A_11 = scf.for %scan3A_40 = %scan3A_7 to %scan3A_9 step %scan3A_10 iter_args(%scan3A_41 = %scan3A) -> (i32)  : i32 {
      %mul3A_42 = arith.constant 128 : i32
      %mul3A_43 = arith.muli %scan3A_40, %mul3A_42 : i32
      %add3A_44 = arith.addi %mul3A_6, %mul3A_43 : i32
      "tpu.region"() ({
        %run_scoped3A = tpu.sem_alloc : memref<!tpu.dma_semaphore, #tpu.memory_space<semaphore_mem>>
        %dma_start3A = tpu.memref_slice %arg4[%add3A_44] : memref<160000xi32, #tpu.memory_space<hbm>> -> memref<128xi32, #tpu.memory_space<hbm>>
        %dma_start3A_61 = tpu.memref_slice %arg4[%add3A_44] : memref<160000xi32, #tpu.memory_space<hbm>> -> memref<128xi32, #tpu.memory_space<hbm>>
        tpu.enqueue_dma source(%dma_start3A_61 : memref<128xi32, #tpu.memory_space<hbm>>) target(%arg12 : memref<128xi32, #tpu.memory_space<vmem>>) target_semaphore(%run_scoped3A : memref<!tpu.dma_semaphore, #tpu.memory_space<semaphore_mem>>)
        %dma_wait3A = tpu.memref_slice %arg4[%add3A_44] : memref<160000xi32, #tpu.memory_space<hbm>> -> memref<128xi32, #tpu.memory_space<hbm>>
        %dma_wait3A_62 = tpu.memref_slice %arg4[%add3A_44] : memref<160000xi32, #tpu.memory_space<hbm>> -> memref<128xi32, #tpu.memory_space<hbm>>
        tpu.wait_dma2 semaphore(%run_scoped3A : memref<!tpu.dma_semaphore, #tpu.memory_space<semaphore_mem>>) src(%dma_wait3A_62 : memref<128xi32, #tpu.memory_space<hbm>>) dst(%arg12 : memref<128xi32, #tpu.memory_space<vmem>>)
        tpu.yield
      }) : () -> ()
      "tpu.region"() ({
        %run_scoped3A = tpu.sem_alloc : memref<!tpu.dma_semaphore, #tpu.memory_space<semaphore_mem>>
        %dma_start3A = tpu.memref_slice %arg5[%add3A_44] : memref<160000xi32, #tpu.memory_space<hbm>> -> memref<128xi32, #tpu.memory_space<hbm>>
        %dma_start3A_61 = tpu.memref_slice %arg5[%add3A_44] : memref<160000xi32, #tpu.memory_space<hbm>> -> memref<128xi32, #tpu.memory_space<hbm>>
        tpu.enqueue_dma source(%dma_start3A_61 : memref<128xi32, #tpu.memory_space<hbm>>) target(%arg13 : memref<128xi32, #tpu.memory_space<vmem>>) target_semaphore(%run_scoped3A : memref<!tpu.dma_semaphore, #tpu.memory_space<semaphore_mem>>)
        %dma_wait3A = tpu.memref_slice %arg5[%add3A_44] : memref<160000xi32, #tpu.memory_space<hbm>> -> memref<128xi32, #tpu.memory_space<hbm>>
        %dma_wait3A_62 = tpu.memref_slice %arg5[%add3A_44] : memref<160000xi32, #tpu.memory_space<hbm>> -> memref<128xi32, #tpu.memory_space<hbm>>
        tpu.wait_dma2 semaphore(%run_scoped3A : memref<!tpu.dma_semaphore, #tpu.memory_space<semaphore_mem>>) src(%dma_wait3A_62 : memref<128xi32, #tpu.memory_space<hbm>>) dst(%arg13 : memref<128xi32, #tpu.memory_space<vmem>>)
        tpu.yield
      }) : () -> ()
      %eq3A_45 = arith.constant 0 : i32
      %eq3A_46 = arith.cmpi eq, %arg0, %eq3A_45 : i32
      %convert_element_type3A_47 = arith.extui %eq3A_46 : i1 to i32
      %cond3A_48 = arith.constant 0 : i32
      %cond3A_49 = arith.cmpi ne, %convert_element_type3A_47, %cond3A_48 : i32
      scf.if %cond3A_49 {
        %dma_start3A = arith.constant 0 : i32
        %dma_start3A_61 = arith.constant 0 : i32
        %dma_start3A_62 = tpu.memref_slice %arg2[%dma_start3A, %dma_start3A_61] : memref<10000x96xf32, #tpu.memory_space<hbm>> -> memref<10000x96xf32, #tpu.memory_space<hbm>>
        tpu.enqueue_indirect_dma source(%dma_start3A_62 : memref<10000x96xf32, #tpu.memory_space<hbm>>) target(%arg14 : memref<128x96xf32, #tpu.memory_space<vmem>>) offsets(%arg12 : memref<128xi32, #tpu.memory_space<vmem>>) semaphore(%arg21 : memref<!tpu.dma_semaphore, #tpu.memory_space<semaphore_mem>>)
        %dma_wait3A = arith.constant 0 : i32
        %dma_wait3A_63 = arith.constant 0 : i32
        %dma_wait3A_64 = tpu.memref_slice %arg2[%dma_wait3A, %dma_wait3A_63] : memref<10000x96xf32, #tpu.memory_space<hbm>> -> memref<10000x96xf32, #tpu.memory_space<hbm>>
        tpu.wait_indirect_dma semaphore(%arg21 : memref<!tpu.dma_semaphore, #tpu.memory_space<semaphore_mem>>) src(%dma_wait3A_64 : memref<10000x96xf32, #tpu.memory_space<hbm>>) dst(%arg14 : memref<128x96xf32, #tpu.memory_space<vmem>>)
      } else {
      }
      %eq3A_50 = arith.constant 1 : i32
      %eq3A_51 = arith.cmpi eq, %arg0, %eq3A_50 : i32
      %convert_element_type3A_52 = arith.extui %eq3A_51 : i1 to i32
      %cond3A_53 = arith.constant 0 : i32
      %cond3A_54 = arith.cmpi ne, %convert_element_type3A_52, %cond3A_53 : i32
      scf.if %cond3A_54 {
        %dma_start3A = arith.constant 0 : i32
        %dma_start3A_61 = arith.constant 0 : i32
        %dma_start3A_62 = tpu.memref_slice %arg3[%dma_start3A, %dma_start3A_61] : memref<10000x96xf32, #tpu.memory_space<hbm>> -> memref<10000x96xf32, #tpu.memory_space<hbm>>
        tpu.enqueue_indirect_dma source(%dma_start3A_62 : memref<10000x96xf32, #tpu.memory_space<hbm>>) target(%arg14 : memref<128x96xf32, #tpu.memory_space<vmem>>) offsets(%arg12 : memref<128xi32, #tpu.memory_space<vmem>>) semaphore(%arg21 : memref<!tpu.dma_semaphore, #tpu.memory_space<semaphore_mem>>)
        %dma_wait3A = arith.constant 0 : i32
        %dma_wait3A_63 = arith.constant 0 : i32
        %dma_wait3A_64 = tpu.memref_slice %arg3[%dma_wait3A, %dma_wait3A_63] : memref<10000x96xf32, #tpu.memory_space<hbm>> -> memref<10000x96xf32, #tpu.memory_space<hbm>>
        tpu.wait_indirect_dma semaphore(%arg21 : memref<!tpu.dma_semaphore, #tpu.memory_space<semaphore_mem>>) src(%dma_wait3A_64 : memref<10000x96xf32, #tpu.memory_space<hbm>>) dst(%arg14 : memref<128x96xf32, #tpu.memory_space<vmem>>)
      } else {
      }
      "tpu.region"() ({
        %run_scoped3A = tpu.sem_alloc : memref<!tpu.dma_semaphore, #tpu.memory_space<semaphore_mem>>
        %dma_start3A = arith.constant 0 : i32
        %dma_start3A_61 = arith.constant 0 : i32
        %dma_start3A_62 = tpu.memref_slice %arg19[%dma_start3A, %dma_start3A_61] : memref<10000x96xf32, #tpu.memory_space<vmem_shared>> -> memref<10000x96xf32, #tpu.memory_space<vmem_shared>>
        tpu.enqueue_indirect_dma source(%arg14 : memref<128x96xf32, #tpu.memory_space<vmem>>) target(%dma_start3A_62 : memref<10000x96xf32, #tpu.memory_space<vmem_shared>>) offsets(%arg13 : memref<128xi32, #tpu.memory_space<vmem>>) semaphore(%run_scoped3A : memref<!tpu.dma_semaphore, #tpu.memory_space<semaphore_mem>>) {add = true}
        %dma_wait3A = arith.constant 0 : i32
        %dma_wait3A_63 = arith.constant 0 : i32
        %dma_wait3A_64 = tpu.memref_slice %arg19[%dma_wait3A, %dma_wait3A_63] : memref<10000x96xf32, #tpu.memory_space<vmem_shared>> -> memref<10000x96xf32, #tpu.memory_space<vmem_shared>>
        tpu.wait_indirect_dma semaphore(%run_scoped3A : memref<!tpu.dma_semaphore, #tpu.memory_space<semaphore_mem>>) src(%arg14 : memref<128x96xf32, #tpu.memory_space<vmem>>) dst(%dma_wait3A_64 : memref<10000x96xf32, #tpu.memory_space<vmem_shared>>)
        tpu.yield
      }) : () -> ()
      %eq3A_55 = arith.constant 0 : i32
      %eq3A_56 = arith.cmpi eq, %arg0, %eq3A_55 : i32
      %convert_element_type3A_57 = arith.extui %eq3A_56 : i1 to i32
      %cond3A_58 = arith.constant 0 : i32
      %cond3A_59 = arith.cmpi ne, %convert_element_type3A_57, %cond3A_58 : i32
      scf.if %cond3A_59 {
        "tpu.region"() ({
          %run_scoped3A = tpu.sem_alloc : memref<!tpu.dma_semaphore, #tpu.memory_space<semaphore_mem>>
          %dma_start3A = arith.constant 0 : i32
          %dma_start3A_61 = arith.constant 0 : i32
          %dma_start3A_62 = tpu.memref_slice %arg20[%dma_start3A, %dma_start3A_61] : memref<10000x8xf32, #tpu.memory_space<vmem_shared>> -> memref<10000x8xf32, #tpu.memory_space<vmem_shared>>
          tpu.enqueue_indirect_dma source(%arg18 : memref<128x8xf32, #tpu.memory_space<vmem>>) target(%dma_start3A_62 : memref<10000x8xf32, #tpu.memory_space<vmem_shared>>) offsets(%arg13 : memref<128xi32, #tpu.memory_space<vmem>>) semaphore(%run_scoped3A : memref<!tpu.dma_semaphore, #tpu.memory_space<semaphore_mem>>) {add = true}
          %dma_wait3A = arith.constant 0 : i32
          %dma_wait3A_63 = arith.constant 0 : i32
          %dma_wait3A_64 = tpu.memref_slice %arg20[%dma_wait3A, %dma_wait3A_63] : memref<10000x8xf32, #tpu.memory_space<vmem_shared>> -> memref<10000x8xf32, #tpu.memory_space<vmem_shared>>
          tpu.wait_indirect_dma semaphore(%run_scoped3A : memref<!tpu.dma_semaphore, #tpu.memory_space<semaphore_mem>>) src(%arg18 : memref<128x8xf32, #tpu.memory_space<vmem>>) dst(%dma_wait3A_64 : memref<10000x8xf32, #tpu.memory_space<vmem_shared>>)
          tpu.yield
        }) : () -> ()
      } else {
      }
      %scan3A_60 = arith.constant 0 : i32
      scf.yield %scan3A_60 : i32
    }
    %scan3A_12 = arith.constant 78 : i32
    %add3A = arith.constant 9984 : i32
    %add3A_13 = arith.addi %mul3A_6, %add3A : i32
    "tpu.region"() ({
      %run_scoped3A = tpu.sem_alloc : memref<!tpu.dma_semaphore, #tpu.memory_space<semaphore_mem>>
      %dma_start3A = tpu.memref_slice %arg4[%add3A_13] : memref<160000xi32, #tpu.memory_space<hbm>> -> memref<16xi32, #tpu.memory_space<hbm>>
      %dma_start3A_40 = tpu.memref_slice %arg4[%add3A_13] : memref<160000xi32, #tpu.memory_space<hbm>> -> memref<16xi32, #tpu.memory_space<hbm>>
      tpu.enqueue_dma source(%dma_start3A_40 : memref<16xi32, #tpu.memory_space<hbm>>) target(%arg15 : memref<16xi32, #tpu.memory_space<vmem>>) target_semaphore(%run_scoped3A : memref<!tpu.dma_semaphore, #tpu.memory_space<semaphore_mem>>)
      %dma_wait3A = tpu.memref_slice %arg4[%add3A_13] : memref<160000xi32, #tpu.memory_space<hbm>> -> memref<16xi32, #tpu.memory_space<hbm>>
      %dma_wait3A_41 = tpu.memref_slice %arg4[%add3A_13] : memref<160000xi32, #tpu.memory_space<hbm>> -> memref<16xi32, #tpu.memory_space<hbm>>
      tpu.wait_dma2 semaphore(%run_scoped3A : memref<!tpu.dma_semaphore, #tpu.memory_space<semaphore_mem>>) src(%dma_wait3A_41 : memref<16xi32, #tpu.memory_space<hbm>>) dst(%arg15 : memref<16xi32, #tpu.memory_space<vmem>>)
      tpu.yield
    }) : () -> ()
    "tpu.region"() ({
      %run_scoped3A = tpu.sem_alloc : memref<!tpu.dma_semaphore, #tpu.memory_space<semaphore_mem>>
      %dma_start3A = tpu.memref_slice %arg5[%add3A_13] : memref<160000xi32, #tpu.memory_space<hbm>> -> memref<16xi32, #tpu.memory_space<hbm>>
      %dma_start3A_40 = tpu.memref_slice %arg5[%add3A_13] : memref<160000xi32, #tpu.memory_space<hbm>> -> memref<16xi32, #tpu.memory_space<hbm>>
      tpu.enqueue_dma source(%dma_start3A_40 : memref<16xi32, #tpu.memory_space<hbm>>) target(%arg16 : memref<16xi32, #tpu.memory_space<vmem>>) target_semaphore(%run_scoped3A : memref<!tpu.dma_semaphore, #tpu.memory_space<semaphore_mem>>)
      %dma_wait3A = tpu.memref_slice %arg5[%add3A_13] : memref<160000xi32, #tpu.memory_space<hbm>> -> memref<16xi32, #tpu.memory_space<hbm>>
      %dma_wait3A_41 = tpu.memref_slice %arg5[%add3A_13] : memref<160000xi32, #tpu.memory_space<hbm>> -> memref<16xi32, #tpu.memory_space<hbm>>
      tpu.wait_dma2 semaphore(%run_scoped3A : memref<!tpu.dma_semaphore, #tpu.memory_space<semaphore_mem>>) src(%dma_wait3A_41 : memref<16xi32, #tpu.memory_space<hbm>>) dst(%arg16 : memref<16xi32, #tpu.memory_space<vmem>>)
      tpu.yield
    }) : () -> ()
    %eq3A_14 = arith.constant 0 : i32
    %eq3A_15 = arith.cmpi eq, %arg0, %eq3A_14 : i32
    %convert_element_type3A_16 = arith.extui %eq3A_15 : i1 to i32
    %cond3A_17 = arith.constant 0 : i32
    %cond3A_18 = arith.cmpi ne, %convert_element_type3A_16, %cond3A_17 : i32
    scf.if %cond3A_18 {
      %dma_start3A = arith.constant 0 : i32
      %dma_start3A_40 = arith.constant 0 : i32
      %dma_start3A_41 = tpu.memref_slice %arg2[%dma_start3A, %dma_start3A_40] : memref<10000x96xf32, #tpu.memory_space<hbm>> -> memref<10000x96xf32, #tpu.memory_space<hbm>>
      tpu.enqueue_indirect_dma source(%dma_start3A_41 : memref<10000x96xf32, #tpu.memory_space<hbm>>) target(%arg17 : memref<16x96xf32, #tpu.memory_space<vmem>>) offsets(%arg15 : memref<16xi32, #tpu.memory_space<vmem>>) semaphore(%arg21 : memref<!tpu.dma_semaphore, #tpu.memory_space<semaphore_mem>>)
      %dma_wait3A = arith.constant 0 : i32
      %dma_wait3A_42 = arith.constant 0 : i32
      %dma_wait3A_43 = tpu.memref_slice %arg2[%dma_wait3A, %dma_wait3A_42] : memref<10000x96xf32, #tpu.memory_space<hbm>> -> memref<10000x96xf32, #tpu.memory_space<hbm>>
      tpu.wait_indirect_dma semaphore(%arg21 : memref<!tpu.dma_semaphore, #tpu.memory_space<semaphore_mem>>) src(%dma_wait3A_43 : memref<10000x96xf32, #tpu.memory_space<hbm>>) dst(%arg17 : memref<16x96xf32, #tpu.memory_space<vmem>>)
    } else {
    }
    %eq3A_19 = arith.constant 1 : i32
    %eq3A_20 = arith.cmpi eq, %arg0, %eq3A_19 : i32
    %convert_element_type3A_21 = arith.extui %eq3A_20 : i1 to i32
    %cond3A_22 = arith.constant 0 : i32
    %cond3A_23 = arith.cmpi ne, %convert_element_type3A_21, %cond3A_22 : i32
    scf.if %cond3A_23 {
      %dma_start3A = arith.constant 0 : i32
      %dma_start3A_40 = arith.constant 0 : i32
      %dma_start3A_41 = tpu.memref_slice %arg3[%dma_start3A, %dma_start3A_40] : memref<10000x96xf32, #tpu.memory_space<hbm>> -> memref<10000x96xf32, #tpu.memory_space<hbm>>
      tpu.enqueue_indirect_dma source(%dma_start3A_41 : memref<10000x96xf32, #tpu.memory_space<hbm>>) target(%arg17 : memref<16x96xf32, #tpu.memory_space<vmem>>) offsets(%arg15 : memref<16xi32, #tpu.memory_space<vmem>>) semaphore(%arg21 : memref<!tpu.dma_semaphore, #tpu.memory_space<semaphore_mem>>)
      %dma_wait3A = arith.constant 0 : i32
      %dma_wait3A_42 = arith.constant 0 : i32
      %dma_wait3A_43 = tpu.memref_slice %arg3[%dma_wait3A, %dma_wait3A_42] : memref<10000x96xf32, #tpu.memory_space<hbm>> -> memref<10000x96xf32, #tpu.memory_space<hbm>>
      tpu.wait_indirect_dma semaphore(%arg21 : memref<!tpu.dma_semaphore, #tpu.memory_space<semaphore_mem>>) src(%dma_wait3A_43 : memref<10000x96xf32, #tpu.memory_space<hbm>>) dst(%arg17 : memref<16x96xf32, #tpu.memory_space<vmem>>)
    } else {
    }
    "tpu.region"() ({
      %run_scoped3A = tpu.sem_alloc : memref<!tpu.dma_semaphore, #tpu.memory_space<semaphore_mem>>
      %dma_start3A = arith.constant 0 : i32
      %dma_start3A_40 = arith.constant 0 : i32
      %dma_start3A_41 = tpu.memref_slice %arg19[%dma_start3A, %dma_start3A_40] : memref<10000x96xf32, #tpu.memory_space<vmem_shared>> -> memref<10000x96xf32, #tpu.memory_space<vmem_shared>>
      tpu.enqueue_indirect_dma source(%arg17 : memref<16x96xf32, #tpu.memory_space<vmem>>) target(%dma_start3A_41 : memref<10000x96xf32, #tpu.memory_space<vmem_shared>>) offsets(%arg16 : memref<16xi32, #tpu.memory_space<vmem>>) semaphore(%run_scoped3A : memref<!tpu.dma_semaphore, #tpu.memory_space<semaphore_mem>>) {add = true}
      %dma_wait3A = arith.constant 0 : i32
      %dma_wait3A_42 = arith.constant 0 : i32
      %dma_wait3A_43 = tpu.memref_slice %arg19[%dma_wait3A, %dma_wait3A_42] : memref<10000x96xf32, #tpu.memory_space<vmem_shared>> -> memref<10000x96xf32, #tpu.memory_space<vmem_shared>>
      tpu.wait_indirect_dma semaphore(%run_scoped3A : memref<!tpu.dma_semaphore, #tpu.memory_space<semaphore_mem>>) src(%arg17 : memref<16x96xf32, #tpu.memory_space<vmem>>) dst(%dma_wait3A_43 : memref<10000x96xf32, #tpu.memory_space<vmem_shared>>)
      tpu.yield
    }) : () -> ()
    %eq3A_24 = arith.constant 0 : i32
    %eq3A_25 = arith.cmpi eq, %arg0, %eq3A_24 : i32
    %convert_element_type3A_26 = arith.extui %eq3A_25 : i1 to i32
    %cond3A_27 = arith.constant 0 : i32
    %cond3A_28 = arith.cmpi ne, %convert_element_type3A_26, %cond3A_27 : i32
    scf.if %cond3A_28 {
      "tpu.region"() ({
        %run_scoped3A = tpu.sem_alloc : memref<!tpu.dma_semaphore, #tpu.memory_space<semaphore_mem>>
        %dma_start3A = arith.constant 0 : i32
        %dma_start3A_40 = arith.constant 0 : i32
        %dma_start3A_41 = tpu.memref_slice %arg18[%dma_start3A, %dma_start3A_40] : memref<128x8xf32, #tpu.memory_space<vmem>> -> memref<16x8xf32, #tpu.memory_space<vmem>>
        %dma_start3A_42 = arith.constant 0 : i32
        %dma_start3A_43 = arith.constant 0 : i32
        %dma_start3A_44 = tpu.memref_slice %arg20[%dma_start3A_42, %dma_start3A_43] : memref<10000x8xf32, #tpu.memory_space<vmem_shared>> -> memref<10000x8xf32, #tpu.memory_space<vmem_shared>>
        tpu.enqueue_indirect_dma source(%dma_start3A_41 : memref<16x8xf32, #tpu.memory_space<vmem>>) target(%dma_start3A_44 : memref<10000x8xf32, #tpu.memory_space<vmem_shared>>) offsets(%arg16 : memref<16xi32, #tpu.memory_space<vmem>>) semaphore(%run_scoped3A : memref<!tpu.dma_semaphore, #tpu.memory_space<semaphore_mem>>) {add = true}
        %dma_wait3A = arith.constant 0 : i32
        %dma_wait3A_45 = arith.constant 0 : i32
        %dma_wait3A_46 = tpu.memref_slice %arg18[%dma_wait3A, %dma_wait3A_45] : memref<128x8xf32, #tpu.memory_space<vmem>> -> memref<16x8xf32, #tpu.memory_space<vmem>>
        %dma_wait3A_47 = arith.constant 0 : i32
        %dma_wait3A_48 = arith.constant 0 : i32
        %dma_wait3A_49 = tpu.memref_slice %arg20[%dma_wait3A_47, %dma_wait3A_48] : memref<10000x8xf32, #tpu.memory_space<vmem_shared>> -> memref<10000x8xf32, #tpu.memory_space<vmem_shared>>
        tpu.wait_indirect_dma semaphore(%run_scoped3A : memref<!tpu.dma_semaphore, #tpu.memory_space<semaphore_mem>>) src(%dma_wait3A_46 : memref<16x8xf32, #tpu.memory_space<vmem>>) dst(%dma_wait3A_49 : memref<10000x8xf32, #tpu.memory_space<vmem_shared>>)
        tpu.yield
      }) : () -> ()
    } else {
    }
    %barrier3A_29 = arith.constant 0 : index
    tpu.barrier barrier_id(%barrier3A_29)
    %lt3A_30 = arith.constant 15 : i32
    %lt3A_31 = arith.cmpi slt, %arg1, %lt3A_30 : i32
    %convert_element_type3A_32 = arith.extui %lt3A_31 : i1 to i32
    %cond3A_33 = arith.constant 0 : i32
    %cond3A_34 = arith.cmpi ne, %convert_element_type3A_32, %cond3A_33 : i32
    scf.if %cond3A_34 {
      %mul3A_40 = arith.constant 624 : i32
      %mul3A_41 = arith.muli %arg1, %mul3A_40 : i32
      %multiple_of3A = tpu.assume_multiple %mul3A_41, 8 : i32
      %eq3A_42 = arith.constant 0 : i32
      %eq3A_43 = arith.cmpi eq, %arg0, %eq3A_42 : i32
      %convert_element_type3A_44 = arith.extui %eq3A_43 : i1 to i32
      %cond3A_45 = arith.constant 0 : i32
      %cond3A_46 = arith.cmpi ne, %convert_element_type3A_44, %cond3A_45 : i32
      scf.if %cond3A_46 {
        "tpu.region"() ({
          %run_scoped3A = tpu.sem_alloc : memref<!tpu.dma_semaphore, #tpu.memory_space<semaphore_mem>>
          %dma_start3A = arith.constant 0 : i32
          %dma_start3A_52 = tpu.memref_slice %arg9[%multiple_of3A, %dma_start3A] : memref<10000x96xf32, #tpu.memory_space<hbm>> -> memref<624x96xf32, #tpu.memory_space<hbm>>
          %dma_start3A_53 = arith.constant 0 : i32
          %dma_start3A_54 = tpu.memref_slice %arg19[%multiple_of3A, %dma_start3A_53] : memref<10000x96xf32, #tpu.memory_space<vmem_shared>> -> memref<624x96xf32, #tpu.memory_space<vmem_shared>>
          tpu.enqueue_dma source(%dma_start3A_54 : memref<624x96xf32, #tpu.memory_space<vmem_shared>>) target(%dma_start3A_52 : memref<624x96xf32, #tpu.memory_space<hbm>>) target_semaphore(%run_scoped3A : memref<!tpu.dma_semaphore, #tpu.memory_space<semaphore_mem>>)
          %dma_wait3A = arith.constant 0 : i32
          %dma_wait3A_55 = tpu.memref_slice %arg9[%multiple_of3A, %dma_wait3A] : memref<10000x96xf32, #tpu.memory_space<hbm>> -> memref<624x96xf32, #tpu.memory_space<hbm>>
          %dma_wait3A_56 = arith.constant 0 : i32
          %dma_wait3A_57 = tpu.memref_slice %arg19[%multiple_of3A, %dma_wait3A_56] : memref<10000x96xf32, #tpu.memory_space<vmem_shared>> -> memref<624x96xf32, #tpu.memory_space<vmem_shared>>
          tpu.wait_dma2 semaphore(%run_scoped3A : memref<!tpu.dma_semaphore, #tpu.memory_space<semaphore_mem>>) src(%dma_wait3A_57 : memref<624x96xf32, #tpu.memory_space<vmem_shared>>) dst(%dma_wait3A_55 : memref<624x96xf32, #tpu.memory_space<hbm>>)
          tpu.yield
        }) : () -> ()
        "tpu.region"() ({
          %run_scoped3A = tpu.sem_alloc : memref<!tpu.dma_semaphore, #tpu.memory_space<semaphore_mem>>
          %dma_start3A = arith.constant 0 : i32
          %dma_start3A_52 = tpu.memref_slice %arg11[%multiple_of3A, %dma_start3A] : memref<10000x8xf32, #tpu.memory_space<hbm>> -> memref<624x8xf32, #tpu.memory_space<hbm>>
          %dma_start3A_53 = arith.constant 0 : i32
          %dma_start3A_54 = tpu.memref_slice %arg20[%multiple_of3A, %dma_start3A_53] : memref<10000x8xf32, #tpu.memory_space<vmem_shared>> -> memref<624x8xf32, #tpu.memory_space<vmem_shared>>
          tpu.enqueue_dma source(%dma_start3A_54 : memref<624x8xf32, #tpu.memory_space<vmem_shared>>) target(%dma_start3A_52 : memref<624x8xf32, #tpu.memory_space<hbm>>) target_semaphore(%run_scoped3A : memref<!tpu.dma_semaphore, #tpu.memory_space<semaphore_mem>>)
          %dma_wait3A = arith.constant 0 : i32
          %dma_wait3A_55 = tpu.memref_slice %arg11[%multiple_of3A, %dma_wait3A] : memref<10000x8xf32, #tpu.memory_space<hbm>> -> memref<624x8xf32, #tpu.memory_space<hbm>>
          %dma_wait3A_56 = arith.constant 0 : i32
          %dma_wait3A_57 = tpu.memref_slice %arg20[%multiple_of3A, %dma_wait3A_56] : memref<10000x8xf32, #tpu.memory_space<vmem_shared>> -> memref<624x8xf32, #tpu.memory_space<vmem_shared>>
          tpu.wait_dma2 semaphore(%run_scoped3A : memref<!tpu.dma_semaphore, #tpu.memory_space<semaphore_mem>>) src(%dma_wait3A_57 : memref<624x8xf32, #tpu.memory_space<vmem_shared>>) dst(%dma_wait3A_55 : memref<624x8xf32, #tpu.memory_space<hbm>>)
          tpu.yield
        }) : () -> ()
      } else {
      }
      %eq3A_47 = arith.constant 1 : i32
      %eq3A_48 = arith.cmpi eq, %arg0, %eq3A_47 : i32
      %convert_element_type3A_49 = arith.extui %eq3A_48 : i1 to i32
      %cond3A_50 = arith.constant 0 : i32
      %cond3A_51 = arith.cmpi ne, %convert_element_type3A_49, %cond3A_50 : i32
      scf.if %cond3A_51 {
        "tpu.region"() ({
          %run_scoped3A = tpu.sem_alloc : memref<!tpu.dma_semaphore, #tpu.memory_space<semaphore_mem>>
          %dma_start3A = arith.constant 0 : i32
          %dma_start3A_52 = tpu.memref_slice %arg10[%multiple_of3A, %dma_start3A] : memref<10000x96xf32, #tpu.memory_space<hbm>> -> memref<624x96xf32, #tpu.memory_space<hbm>>
          %dma_start3A_53 = arith.constant 0 : i32
          %dma_start3A_54 = tpu.memref_slice %arg19[%multiple_of3A, %dma_start3A_53] : memref<10000x96xf32, #tpu.memory_space<vmem_shared>> -> memref<624x96xf32, #tpu.memory_space<vmem_shared>>
          tpu.enqueue_dma source(%dma_start3A_54 : memref<624x96xf32, #tpu.memory_space<vmem_shared>>) target(%dma_start3A_52 : memref<624x96xf32, #tpu.memory_space<hbm>>) target_semaphore(%run_scoped3A : memref<!tpu.dma_semaphore, #tpu.memory_space<semaphore_mem>>)
          %dma_wait3A = arith.constant 0 : i32
          %dma_wait3A_55 = tpu.memref_slice %arg10[%multiple_of3A, %dma_wait3A] : memref<10000x96xf32, #tpu.memory_space<hbm>> -> memref<624x96xf32, #tpu.memory_space<hbm>>
          %dma_wait3A_56 = arith.constant 0 : i32
          %dma_wait3A_57 = tpu.memref_slice %arg19[%multiple_of3A, %dma_wait3A_56] : memref<10000x96xf32, #tpu.memory_space<vmem_shared>> -> memref<624x96xf32, #tpu.memory_space<vmem_shared>>
          tpu.wait_dma2 semaphore(%run_scoped3A : memref<!tpu.dma_semaphore, #tpu.memory_space<semaphore_mem>>) src(%dma_wait3A_57 : memref<624x96xf32, #tpu.memory_space<vmem_shared>>) dst(%dma_wait3A_55 : memref<624x96xf32, #tpu.memory_space<hbm>>)
          tpu.yield
        }) : () -> ()
      } else {
      }
    } else {
    }
    %eq3A_35 = arith.constant 15 : i32
    %eq3A_36 = arith.cmpi eq, %arg1, %eq3A_35 : i32
    %convert_element_type3A_37 = arith.extui %eq3A_36 : i1 to i32
    %cond3A_38 = arith.constant 0 : i32
    %cond3A_39 = arith.cmpi ne, %convert_element_type3A_37, %cond3A_38 : i32
    scf.if %cond3A_39 {
      %eq3A_40 = arith.constant 0 : i32
      %eq3A_41 = arith.cmpi eq, %arg0, %eq3A_40 : i32
      %convert_element_type3A_42 = arith.extui %eq3A_41 : i1 to i32
      %cond3A_43 = arith.constant 0 : i32
      %cond3A_44 = arith.cmpi ne, %convert_element_type3A_42, %cond3A_43 : i32
      scf.if %cond3A_44 {
        "tpu.region"() ({
          %run_scoped3A = tpu.sem_alloc : memref<!tpu.dma_semaphore, #tpu.memory_space<semaphore_mem>>
          %dma_start3A = arith.constant 9360 : i32
          %dma_start3A_50 = arith.constant 0 : i32
          %dma_start3A_51 = tpu.memref_slice %arg9[%dma_start3A, %dma_start3A_50] : memref<10000x96xf32, #tpu.memory_space<hbm>> -> memref<640x96xf32, #tpu.memory_space<hbm>>
          %dma_start3A_52 = arith.constant 9360 : i32
          %dma_start3A_53 = arith.constant 0 : i32
          %dma_start3A_54 = tpu.memref_slice %arg19[%dma_start3A_52, %dma_start3A_53] : memref<10000x96xf32, #tpu.memory_space<vmem_shared>> -> memref<640x96xf32, #tpu.memory_space<vmem_shared>>
          tpu.enqueue_dma source(%dma_start3A_54 : memref<640x96xf32, #tpu.memory_space<vmem_shared>>) target(%dma_start3A_51 : memref<640x96xf32, #tpu.memory_space<hbm>>) target_semaphore(%run_scoped3A : memref<!tpu.dma_semaphore, #tpu.memory_space<semaphore_mem>>)
          %dma_wait3A = arith.constant 9360 : i32
          %dma_wait3A_55 = arith.constant 0 : i32
          %dma_wait3A_56 = tpu.memref_slice %arg9[%dma_wait3A, %dma_wait3A_55] : memref<10000x96xf32, #tpu.memory_space<hbm>> -> memref<640x96xf32, #tpu.memory_space<hbm>>
          %dma_wait3A_57 = arith.constant 9360 : i32
          %dma_wait3A_58 = arith.constant 0 : i32
          %dma_wait3A_59 = tpu.memref_slice %arg19[%dma_wait3A_57, %dma_wait3A_58] : memref<10000x96xf32, #tpu.memory_space<vmem_shared>> -> memref<640x96xf32, #tpu.memory_space<vmem_shared>>
          tpu.wait_dma2 semaphore(%run_scoped3A : memref<!tpu.dma_semaphore, #tpu.memory_space<semaphore_mem>>) src(%dma_wait3A_59 : memref<640x96xf32, #tpu.memory_space<vmem_shared>>) dst(%dma_wait3A_56 : memref<640x96xf32, #tpu.memory_space<hbm>>)
          tpu.yield
        }) : () -> ()
        "tpu.region"() ({
          %run_scoped3A = tpu.sem_alloc : memref<!tpu.dma_semaphore, #tpu.memory_space<semaphore_mem>>
          %dma_start3A = arith.constant 9360 : i32
          %dma_start3A_50 = arith.constant 0 : i32
          %dma_start3A_51 = tpu.memref_slice %arg11[%dma_start3A, %dma_start3A_50] : memref<10000x8xf32, #tpu.memory_space<hbm>> -> memref<640x8xf32, #tpu.memory_space<hbm>>
          %dma_start3A_52 = arith.constant 9360 : i32
          %dma_start3A_53 = arith.constant 0 : i32
          %dma_start3A_54 = tpu.memref_slice %arg20[%dma_start3A_52, %dma_start3A_53] : memref<10000x8xf32, #tpu.memory_space<vmem_shared>> -> memref<640x8xf32, #tpu.memory_space<vmem_shared>>
          tpu.enqueue_dma source(%dma_start3A_54 : memref<640x8xf32, #tpu.memory_space<vmem_shared>>) target(%dma_start3A_51 : memref<640x8xf32, #tpu.memory_space<hbm>>) target_semaphore(%run_scoped3A : memref<!tpu.dma_semaphore, #tpu.memory_space<semaphore_mem>>)
          %dma_wait3A = arith.constant 9360 : i32
          %dma_wait3A_55 = arith.constant 0 : i32
          %dma_wait3A_56 = tpu.memref_slice %arg11[%dma_wait3A, %dma_wait3A_55] : memref<10000x8xf32, #tpu.memory_space<hbm>> -> memref<640x8xf32, #tpu.memory_space<hbm>>
          %dma_wait3A_57 = arith.constant 9360 : i32
          %dma_wait3A_58 = arith.constant 0 : i32
          %dma_wait3A_59 = tpu.memref_slice %arg20[%dma_wait3A_57, %dma_wait3A_58] : memref<10000x8xf32, #tpu.memory_space<vmem_shared>> -> memref<640x8xf32, #tpu.memory_space<vmem_shared>>
          tpu.wait_dma2 semaphore(%run_scoped3A : memref<!tpu.dma_semaphore, #tpu.memory_space<semaphore_mem>>) src(%dma_wait3A_59 : memref<640x8xf32, #tpu.memory_space<vmem_shared>>) dst(%dma_wait3A_56 : memref<640x8xf32, #tpu.memory_space<hbm>>)
          tpu.yield
        }) : () -> ()
      } else {
      }
      %eq3A_45 = arith.constant 1 : i32
      %eq3A_46 = arith.cmpi eq, %arg0, %eq3A_45 : i32
      %convert_element_type3A_47 = arith.extui %eq3A_46 : i1 to i32
      %cond3A_48 = arith.constant 0 : i32
      %cond3A_49 = arith.cmpi ne, %convert_element_type3A_47, %cond3A_48 : i32
      scf.if %cond3A_49 {
        "tpu.region"() ({
          %run_scoped3A = tpu.sem_alloc : memref<!tpu.dma_semaphore, #tpu.memory_space<semaphore_mem>>
          %dma_start3A = arith.constant 9360 : i32
          %dma_start3A_50 = arith.constant 0 : i32
          %dma_start3A_51 = tpu.memref_slice %arg10[%dma_start3A, %dma_start3A_50] : memref<10000x96xf32, #tpu.memory_space<hbm>> -> memref<640x96xf32, #tpu.memory_space<hbm>>
          %dma_start3A_52 = arith.constant 9360 : i32
          %dma_start3A_53 = arith.constant 0 : i32
          %dma_start3A_54 = tpu.memref_slice %arg19[%dma_start3A_52, %dma_start3A_53] : memref<10000x96xf32, #tpu.memory_space<vmem_shared>> -> memref<640x96xf32, #tpu.memory_space<vmem_shared>>
          tpu.enqueue_dma source(%dma_start3A_54 : memref<640x96xf32, #tpu.memory_space<vmem_shared>>) target(%dma_start3A_51 : memref<640x96xf32, #tpu.memory_space<hbm>>) target_semaphore(%run_scoped3A : memref<!tpu.dma_semaphore, #tpu.memory_space<semaphore_mem>>)
          %dma_wait3A = arith.constant 9360 : i32
          %dma_wait3A_55 = arith.constant 0 : i32
          %dma_wait3A_56 = tpu.memref_slice %arg10[%dma_wait3A, %dma_wait3A_55] : memref<10000x96xf32, #tpu.memory_space<hbm>> -> memref<640x96xf32, #tpu.memory_space<hbm>>
          %dma_wait3A_57 = arith.constant 9360 : i32
          %dma_wait3A_58 = arith.constant 0 : i32
          %dma_wait3A_59 = tpu.memref_slice %arg19[%dma_wait3A_57, %dma_wait3A_58] : memref<10000x96xf32, #tpu.memory_space<vmem_shared>> -> memref<640x96xf32, #tpu.memory_space<vmem_shared>>
          tpu.wait_dma2 semaphore(%run_scoped3A : memref<!tpu.dma_semaphore, #tpu.memory_space<semaphore_mem>>) src(%dma_wait3A_59 : memref<640x96xf32, #tpu.memory_space<vmem_shared>>) dst(%dma_wait3A_56 : memref<640x96xf32, #tpu.memory_space<hbm>>)
          tpu.yield
        }) : () -> ()
      } else {
      }
    } else {
    }
    return
  }
}

#map = affine_map<(d0, d1) -> (0, 0)>
#map1 = affine_map<(d0, d1) -> (0)>
module attributes {stable_mosaic.version = 14 : i64} {
  func.func @body(%arg0: i32, %arg1: i32, %arg2: memref<10000x96xf32, #tpu.memory_space<hbm>>, %arg3: memref<10000x96xf32, #tpu.memory_space<hbm>>, %arg4: memref<160000xi32, #tpu.memory_space<hbm>>, %arg5: memref<160000xi32, #tpu.memory_space<hbm>>, %arg6: memref<10000x96xf32, #tpu.memory_space<hbm>>, %arg7: memref<10000x8xf32, #tpu.memory_space<hbm>>, %arg8: memref<128x8xf32, #tpu.memory_space<hbm>>, %arg9: memref<10000x96xf32, #tpu.memory_space<hbm>>, %arg10: memref<10000x96xf32, #tpu.memory_space<hbm>>, %arg11: memref<128xi32, #tpu.memory_space<vmem>>, %arg12: memref<128xi32, #tpu.memory_space<vmem>>, %arg13: memref<128x96xf32, #tpu.memory_space<vmem>>, %arg14: memref<16xi32, #tpu.memory_space<vmem>>, %arg15: memref<16xi32, #tpu.memory_space<vmem>>, %arg16: memref<16x96xf32, #tpu.memory_space<vmem>>, %arg17: memref<128x8xf32, #tpu.memory_space<vmem>>, %arg18: memref<10000x96xf32, #tpu.memory_space<vmem_shared>>, %arg19: memref<10000x8xf32, #tpu.memory_space<vmem_shared>>, %arg20: memref<!tpu.dma_semaphore, #tpu.memory_space<semaphore_mem>>) attributes {dimension_semantics = [#tpu.dimension_semantics<core_parallel>, #tpu.dimension_semantics<subcore_parallel>], iteration_bounds = array<i64: 2, 16>, scalar_prefetch = 0 : i64, scratch_operands = 10 : i64, tpu.core_type = #tpu.core_type<sc_vector_subcore>, window_params = [{transform_indices = #map}, {transform_indices = #map}, {transform_indices = #map1}, {transform_indices = #map1}, {transform_indices = #map}, {transform_indices = #map}, {transform_indices = #map}, {transform_indices = #map}, {transform_indices = #map}]} {
    %lt3A = arith.constant 15 : i32
    %lt3A_0 = arith.cmpi slt, %arg1, %lt3A : i32
    %convert_element_type3A = arith.extui %lt3A_0 : i1 to i32
    %cond3A = arith.constant 0 : i32
    %cond3A_1 = arith.cmpi ne, %convert_element_type3A, %cond3A : i32
    scf.if %cond3A_1 {
      %mul3A_35 = arith.constant 624 : i32
      %mul3A_36 = arith.muli %arg1, %mul3A_35 : i32
      %multiple_of3A = tpu.assume_multiple %mul3A_36, 8 : i32
      "tpu.region"() ({
        %run_scoped3A = tpu.sem_alloc : memref<!tpu.dma_semaphore, #tpu.memory_space<semaphore_mem>>
        %dma_start3A = arith.constant 0 : i32
        %dma_start3A_37 = tpu.memref_slice %arg18[%multiple_of3A, %dma_start3A] : memref<10000x96xf32, #tpu.memory_space<vmem_shared>> -> memref<624x96xf32, #tpu.memory_space<vmem_shared>>
        %dma_start3A_38 = arith.constant 0 : i32
        %dma_start3A_39 = tpu.memref_slice %arg6[%multiple_of3A, %dma_start3A_38] : memref<10000x96xf32, #tpu.memory_space<hbm>> -> memref<624x96xf32, #tpu.memory_space<hbm>>
        tpu.enqueue_dma source(%dma_start3A_39 : memref<624x96xf32, #tpu.memory_space<hbm>>) target(%dma_start3A_37 : memref<624x96xf32, #tpu.memory_space<vmem_shared>>) target_semaphore(%run_scoped3A : memref<!tpu.dma_semaphore, #tpu.memory_space<semaphore_mem>>)
        %dma_wait3A = arith.constant 0 : i32
        %dma_wait3A_40 = tpu.memref_slice %arg18[%multiple_of3A, %dma_wait3A] : memref<10000x96xf32, #tpu.memory_space<vmem_shared>> -> memref<624x96xf32, #tpu.memory_space<vmem_shared>>
        %dma_wait3A_41 = arith.constant 0 : i32
        %dma_wait3A_42 = tpu.memref_slice %arg6[%multiple_of3A, %dma_wait3A_41] : memref<10000x96xf32, #tpu.memory_space<hbm>> -> memref<624x96xf32, #tpu.memory_space<hbm>>
        tpu.wait_dma2 semaphore(%run_scoped3A : memref<!tpu.dma_semaphore, #tpu.memory_space<semaphore_mem>>) src(%dma_wait3A_42 : memref<624x96xf32, #tpu.memory_space<hbm>>) dst(%dma_wait3A_40 : memref<624x96xf32, #tpu.memory_space<vmem_shared>>)
        tpu.yield
      }) : () -> ()
    } else {
    }
    %eq3A = arith.constant 15 : i32
    %eq3A_2 = arith.cmpi eq, %arg1, %eq3A : i32
    %convert_element_type3A_3 = arith.extui %eq3A_2 : i1 to i32
    %cond3A_4 = arith.constant 0 : i32
    %cond3A_5 = arith.cmpi ne, %convert_element_type3A_3, %cond3A_4 : i32
    scf.if %cond3A_5 {
      "tpu.region"() ({
        %run_scoped3A = tpu.sem_alloc : memref<!tpu.dma_semaphore, #tpu.memory_space<semaphore_mem>>
        %dma_start3A = arith.constant 9360 : i32
        %dma_start3A_35 = arith.constant 0 : i32
        %dma_start3A_36 = tpu.memref_slice %arg18[%dma_start3A, %dma_start3A_35] : memref<10000x96xf32, #tpu.memory_space<vmem_shared>> -> memref<640x96xf32, #tpu.memory_space<vmem_shared>>
        %dma_start3A_37 = arith.constant 9360 : i32
        %dma_start3A_38 = arith.constant 0 : i32
        %dma_start3A_39 = tpu.memref_slice %arg6[%dma_start3A_37, %dma_start3A_38] : memref<10000x96xf32, #tpu.memory_space<hbm>> -> memref<640x96xf32, #tpu.memory_space<hbm>>
        tpu.enqueue_dma source(%dma_start3A_39 : memref<640x96xf32, #tpu.memory_space<hbm>>) target(%dma_start3A_36 : memref<640x96xf32, #tpu.memory_space<vmem_shared>>) target_semaphore(%run_scoped3A : memref<!tpu.dma_semaphore, #tpu.memory_space<semaphore_mem>>)
        %dma_wait3A = arith.constant 9360 : i32
        %dma_wait3A_40 = arith.constant 0 : i32
        %dma_wait3A_41 = tpu.memref_slice %arg18[%dma_wait3A, %dma_wait3A_40] : memref<10000x96xf32, #tpu.memory_space<vmem_shared>> -> memref<640x96xf32, #tpu.memory_space<vmem_shared>>
        %dma_wait3A_42 = arith.constant 9360 : i32
        %dma_wait3A_43 = arith.constant 0 : i32
        %dma_wait3A_44 = tpu.memref_slice %arg6[%dma_wait3A_42, %dma_wait3A_43] : memref<10000x96xf32, #tpu.memory_space<hbm>> -> memref<640x96xf32, #tpu.memory_space<hbm>>
        tpu.wait_dma2 semaphore(%run_scoped3A : memref<!tpu.dma_semaphore, #tpu.memory_space<semaphore_mem>>) src(%dma_wait3A_44 : memref<640x96xf32, #tpu.memory_space<hbm>>) dst(%dma_wait3A_41 : memref<640x96xf32, #tpu.memory_space<vmem_shared>>)
        tpu.yield
      }) : () -> ()
    } else {
    }
    %barrier3A = arith.constant 0 : index
    tpu.barrier barrier_id(%barrier3A)
    %mul3A = arith.constant 10000 : i32
    %mul3A_6 = arith.muli %arg1, %mul3A : i32
    %scan3A = arith.constant 0 : i32
    %scan3A_7 = arith.constant 0 : i32
    %scan3A_8 = arith.constant 78 : i32
    %scan3A_9 = arith.addi %scan3A_7, %scan3A_8 : i32
    %scan3A_10 = arith.constant 1 : i32
    %scan3A_11 = scf.for %scan3A_35 = %scan3A_7 to %scan3A_9 step %scan3A_10 iter_args(%scan3A_36 = %scan3A) -> (i32)  : i32 {
      %mul3A_37 = arith.constant 128 : i32
      %mul3A_38 = arith.muli %scan3A_35, %mul3A_37 : i32
      %add3A_39 = arith.addi %mul3A_6, %mul3A_38 : i32
      "tpu.region"() ({
        %run_scoped3A = tpu.sem_alloc : memref<!tpu.dma_semaphore, #tpu.memory_space<semaphore_mem>>
        %dma_start3A = tpu.memref_slice %arg4[%add3A_39] : memref<160000xi32, #tpu.memory_space<hbm>> -> memref<128xi32, #tpu.memory_space<hbm>>
        %dma_start3A_51 = tpu.memref_slice %arg4[%add3A_39] : memref<160000xi32, #tpu.memory_space<hbm>> -> memref<128xi32, #tpu.memory_space<hbm>>
        tpu.enqueue_dma source(%dma_start3A_51 : memref<128xi32, #tpu.memory_space<hbm>>) target(%arg11 : memref<128xi32, #tpu.memory_space<vmem>>) target_semaphore(%run_scoped3A : memref<!tpu.dma_semaphore, #tpu.memory_space<semaphore_mem>>)
        %dma_wait3A = tpu.memref_slice %arg4[%add3A_39] : memref<160000xi32, #tpu.memory_space<hbm>> -> memref<128xi32, #tpu.memory_space<hbm>>
        %dma_wait3A_52 = tpu.memref_slice %arg4[%add3A_39] : memref<160000xi32, #tpu.memory_space<hbm>> -> memref<128xi32, #tpu.memory_space<hbm>>
        tpu.wait_dma2 semaphore(%run_scoped3A : memref<!tpu.dma_semaphore, #tpu.memory_space<semaphore_mem>>) src(%dma_wait3A_52 : memref<128xi32, #tpu.memory_space<hbm>>) dst(%arg11 : memref<128xi32, #tpu.memory_space<vmem>>)
        tpu.yield
      }) : () -> ()
      "tpu.region"() ({
        %run_scoped3A = tpu.sem_alloc : memref<!tpu.dma_semaphore, #tpu.memory_space<semaphore_mem>>
        %dma_start3A = tpu.memref_slice %arg5[%add3A_39] : memref<160000xi32, #tpu.memory_space<hbm>> -> memref<128xi32, #tpu.memory_space<hbm>>
        %dma_start3A_51 = tpu.memref_slice %arg5[%add3A_39] : memref<160000xi32, #tpu.memory_space<hbm>> -> memref<128xi32, #tpu.memory_space<hbm>>
        tpu.enqueue_dma source(%dma_start3A_51 : memref<128xi32, #tpu.memory_space<hbm>>) target(%arg12 : memref<128xi32, #tpu.memory_space<vmem>>) target_semaphore(%run_scoped3A : memref<!tpu.dma_semaphore, #tpu.memory_space<semaphore_mem>>)
        %dma_wait3A = tpu.memref_slice %arg5[%add3A_39] : memref<160000xi32, #tpu.memory_space<hbm>> -> memref<128xi32, #tpu.memory_space<hbm>>
        %dma_wait3A_52 = tpu.memref_slice %arg5[%add3A_39] : memref<160000xi32, #tpu.memory_space<hbm>> -> memref<128xi32, #tpu.memory_space<hbm>>
        tpu.wait_dma2 semaphore(%run_scoped3A : memref<!tpu.dma_semaphore, #tpu.memory_space<semaphore_mem>>) src(%dma_wait3A_52 : memref<128xi32, #tpu.memory_space<hbm>>) dst(%arg12 : memref<128xi32, #tpu.memory_space<vmem>>)
        tpu.yield
      }) : () -> ()
      %eq3A_40 = arith.constant 0 : i32
      %eq3A_41 = arith.cmpi eq, %arg0, %eq3A_40 : i32
      %convert_element_type3A_42 = arith.extui %eq3A_41 : i1 to i32
      %cond3A_43 = arith.constant 0 : i32
      %cond3A_44 = arith.cmpi ne, %convert_element_type3A_42, %cond3A_43 : i32
      scf.if %cond3A_44 {
        %dma_start3A = arith.constant 0 : i32
        %dma_start3A_51 = arith.constant 0 : i32
        %dma_start3A_52 = tpu.memref_slice %arg2[%dma_start3A, %dma_start3A_51] : memref<10000x96xf32, #tpu.memory_space<hbm>> -> memref<10000x96xf32, #tpu.memory_space<hbm>>
        tpu.enqueue_indirect_dma source(%dma_start3A_52 : memref<10000x96xf32, #tpu.memory_space<hbm>>) target(%arg13 : memref<128x96xf32, #tpu.memory_space<vmem>>) offsets(%arg11 : memref<128xi32, #tpu.memory_space<vmem>>) semaphore(%arg20 : memref<!tpu.dma_semaphore, #tpu.memory_space<semaphore_mem>>)
        %dma_wait3A = arith.constant 0 : i32
        %dma_wait3A_53 = arith.constant 0 : i32
        %dma_wait3A_54 = tpu.memref_slice %arg2[%dma_wait3A, %dma_wait3A_53] : memref<10000x96xf32, #tpu.memory_space<hbm>> -> memref<10000x96xf32, #tpu.memory_space<hbm>>
        tpu.wait_indirect_dma semaphore(%arg20 : memref<!tpu.dma_semaphore, #tpu.memory_space<semaphore_mem>>) src(%dma_wait3A_54 : memref<10000x96xf32, #tpu.memory_space<hbm>>) dst(%arg13 : memref<128x96xf32, #tpu.memory_space<vmem>>)
      } else {
      }
      %eq3A_45 = arith.constant 1 : i32
      %eq3A_46 = arith.cmpi eq, %arg0, %eq3A_45 : i32
      %convert_element_type3A_47 = arith.extui %eq3A_46 : i1 to i32
      %cond3A_48 = arith.constant 0 : i32
      %cond3A_49 = arith.cmpi ne, %convert_element_type3A_47, %cond3A_48 : i32
      scf.if %cond3A_49 {
        %dma_start3A = arith.constant 0 : i32
        %dma_start3A_51 = arith.constant 0 : i32
        %dma_start3A_52 = tpu.memref_slice %arg3[%dma_start3A, %dma_start3A_51] : memref<10000x96xf32, #tpu.memory_space<hbm>> -> memref<10000x96xf32, #tpu.memory_space<hbm>>
        tpu.enqueue_indirect_dma source(%dma_start3A_52 : memref<10000x96xf32, #tpu.memory_space<hbm>>) target(%arg13 : memref<128x96xf32, #tpu.memory_space<vmem>>) offsets(%arg11 : memref<128xi32, #tpu.memory_space<vmem>>) semaphore(%arg20 : memref<!tpu.dma_semaphore, #tpu.memory_space<semaphore_mem>>)
        %dma_wait3A = arith.constant 0 : i32
        %dma_wait3A_53 = arith.constant 0 : i32
        %dma_wait3A_54 = tpu.memref_slice %arg3[%dma_wait3A, %dma_wait3A_53] : memref<10000x96xf32, #tpu.memory_space<hbm>> -> memref<10000x96xf32, #tpu.memory_space<hbm>>
        tpu.wait_indirect_dma semaphore(%arg20 : memref<!tpu.dma_semaphore, #tpu.memory_space<semaphore_mem>>) src(%dma_wait3A_54 : memref<10000x96xf32, #tpu.memory_space<hbm>>) dst(%arg13 : memref<128x96xf32, #tpu.memory_space<vmem>>)
      } else {
      }
      "tpu.region"() ({
        %run_scoped3A = tpu.sem_alloc : memref<!tpu.dma_semaphore, #tpu.memory_space<semaphore_mem>>
        %dma_start3A = arith.constant 0 : i32
        %dma_start3A_51 = arith.constant 0 : i32
        %dma_start3A_52 = tpu.memref_slice %arg18[%dma_start3A, %dma_start3A_51] : memref<10000x96xf32, #tpu.memory_space<vmem_shared>> -> memref<10000x96xf32, #tpu.memory_space<vmem_shared>>
        tpu.enqueue_indirect_dma source(%arg13 : memref<128x96xf32, #tpu.memory_space<vmem>>) target(%dma_start3A_52 : memref<10000x96xf32, #tpu.memory_space<vmem_shared>>) offsets(%arg12 : memref<128xi32, #tpu.memory_space<vmem>>) semaphore(%run_scoped3A : memref<!tpu.dma_semaphore, #tpu.memory_space<semaphore_mem>>) {add = true}
        %dma_wait3A = arith.constant 0 : i32
        %dma_wait3A_53 = arith.constant 0 : i32
        %dma_wait3A_54 = tpu.memref_slice %arg18[%dma_wait3A, %dma_wait3A_53] : memref<10000x96xf32, #tpu.memory_space<vmem_shared>> -> memref<10000x96xf32, #tpu.memory_space<vmem_shared>>
        tpu.wait_indirect_dma semaphore(%run_scoped3A : memref<!tpu.dma_semaphore, #tpu.memory_space<semaphore_mem>>) src(%arg13 : memref<128x96xf32, #tpu.memory_space<vmem>>) dst(%dma_wait3A_54 : memref<10000x96xf32, #tpu.memory_space<vmem_shared>>)
        tpu.yield
      }) : () -> ()
      %scan3A_50 = arith.constant 0 : i32
      scf.yield %scan3A_50 : i32
    }
    %scan3A_12 = arith.constant 78 : i32
    %add3A = arith.constant 9984 : i32
    %add3A_13 = arith.addi %mul3A_6, %add3A : i32
    "tpu.region"() ({
      %run_scoped3A = tpu.sem_alloc : memref<!tpu.dma_semaphore, #tpu.memory_space<semaphore_mem>>
      %dma_start3A = tpu.memref_slice %arg4[%add3A_13] : memref<160000xi32, #tpu.memory_space<hbm>> -> memref<16xi32, #tpu.memory_space<hbm>>
      %dma_start3A_35 = tpu.memref_slice %arg4[%add3A_13] : memref<160000xi32, #tpu.memory_space<hbm>> -> memref<16xi32, #tpu.memory_space<hbm>>
      tpu.enqueue_dma source(%dma_start3A_35 : memref<16xi32, #tpu.memory_space<hbm>>) target(%arg14 : memref<16xi32, #tpu.memory_space<vmem>>) target_semaphore(%run_scoped3A : memref<!tpu.dma_semaphore, #tpu.memory_space<semaphore_mem>>)
      %dma_wait3A = tpu.memref_slice %arg4[%add3A_13] : memref<160000xi32, #tpu.memory_space<hbm>> -> memref<16xi32, #tpu.memory_space<hbm>>
      %dma_wait3A_36 = tpu.memref_slice %arg4[%add3A_13] : memref<160000xi32, #tpu.memory_space<hbm>> -> memref<16xi32, #tpu.memory_space<hbm>>
      tpu.wait_dma2 semaphore(%run_scoped3A : memref<!tpu.dma_semaphore, #tpu.memory_space<semaphore_mem>>) src(%dma_wait3A_36 : memref<16xi32, #tpu.memory_space<hbm>>) dst(%arg14 : memref<16xi32, #tpu.memory_space<vmem>>)
      tpu.yield
    }) : () -> ()
    "tpu.region"() ({
      %run_scoped3A = tpu.sem_alloc : memref<!tpu.dma_semaphore, #tpu.memory_space<semaphore_mem>>
      %dma_start3A = tpu.memref_slice %arg5[%add3A_13] : memref<160000xi32, #tpu.memory_space<hbm>> -> memref<16xi32, #tpu.memory_space<hbm>>
      %dma_start3A_35 = tpu.memref_slice %arg5[%add3A_13] : memref<160000xi32, #tpu.memory_space<hbm>> -> memref<16xi32, #tpu.memory_space<hbm>>
      tpu.enqueue_dma source(%dma_start3A_35 : memref<16xi32, #tpu.memory_space<hbm>>) target(%arg15 : memref<16xi32, #tpu.memory_space<vmem>>) target_semaphore(%run_scoped3A : memref<!tpu.dma_semaphore, #tpu.memory_space<semaphore_mem>>)
      %dma_wait3A = tpu.memref_slice %arg5[%add3A_13] : memref<160000xi32, #tpu.memory_space<hbm>> -> memref<16xi32, #tpu.memory_space<hbm>>
      %dma_wait3A_36 = tpu.memref_slice %arg5[%add3A_13] : memref<160000xi32, #tpu.memory_space<hbm>> -> memref<16xi32, #tpu.memory_space<hbm>>
      tpu.wait_dma2 semaphore(%run_scoped3A : memref<!tpu.dma_semaphore, #tpu.memory_space<semaphore_mem>>) src(%dma_wait3A_36 : memref<16xi32, #tpu.memory_space<hbm>>) dst(%arg15 : memref<16xi32, #tpu.memory_space<vmem>>)
      tpu.yield
    }) : () -> ()
    %eq3A_14 = arith.constant 0 : i32
    %eq3A_15 = arith.cmpi eq, %arg0, %eq3A_14 : i32
    %convert_element_type3A_16 = arith.extui %eq3A_15 : i1 to i32
    %cond3A_17 = arith.constant 0 : i32
    %cond3A_18 = arith.cmpi ne, %convert_element_type3A_16, %cond3A_17 : i32
    scf.if %cond3A_18 {
      %dma_start3A = arith.constant 0 : i32
      %dma_start3A_35 = arith.constant 0 : i32
      %dma_start3A_36 = tpu.memref_slice %arg2[%dma_start3A, %dma_start3A_35] : memref<10000x96xf32, #tpu.memory_space<hbm>> -> memref<10000x96xf32, #tpu.memory_space<hbm>>
      tpu.enqueue_indirect_dma source(%dma_start3A_36 : memref<10000x96xf32, #tpu.memory_space<hbm>>) target(%arg16 : memref<16x96xf32, #tpu.memory_space<vmem>>) offsets(%arg14 : memref<16xi32, #tpu.memory_space<vmem>>) semaphore(%arg20 : memref<!tpu.dma_semaphore, #tpu.memory_space<semaphore_mem>>)
      %dma_wait3A = arith.constant 0 : i32
      %dma_wait3A_37 = arith.constant 0 : i32
      %dma_wait3A_38 = tpu.memref_slice %arg2[%dma_wait3A, %dma_wait3A_37] : memref<10000x96xf32, #tpu.memory_space<hbm>> -> memref<10000x96xf32, #tpu.memory_space<hbm>>
      tpu.wait_indirect_dma semaphore(%arg20 : memref<!tpu.dma_semaphore, #tpu.memory_space<semaphore_mem>>) src(%dma_wait3A_38 : memref<10000x96xf32, #tpu.memory_space<hbm>>) dst(%arg16 : memref<16x96xf32, #tpu.memory_space<vmem>>)
    } else {
    }
    %eq3A_19 = arith.constant 1 : i32
    %eq3A_20 = arith.cmpi eq, %arg0, %eq3A_19 : i32
    %convert_element_type3A_21 = arith.extui %eq3A_20 : i1 to i32
    %cond3A_22 = arith.constant 0 : i32
    %cond3A_23 = arith.cmpi ne, %convert_element_type3A_21, %cond3A_22 : i32
    scf.if %cond3A_23 {
      %dma_start3A = arith.constant 0 : i32
      %dma_start3A_35 = arith.constant 0 : i32
      %dma_start3A_36 = tpu.memref_slice %arg3[%dma_start3A, %dma_start3A_35] : memref<10000x96xf32, #tpu.memory_space<hbm>> -> memref<10000x96xf32, #tpu.memory_space<hbm>>
      tpu.enqueue_indirect_dma source(%dma_start3A_36 : memref<10000x96xf32, #tpu.memory_space<hbm>>) target(%arg16 : memref<16x96xf32, #tpu.memory_space<vmem>>) offsets(%arg14 : memref<16xi32, #tpu.memory_space<vmem>>) semaphore(%arg20 : memref<!tpu.dma_semaphore, #tpu.memory_space<semaphore_mem>>)
      %dma_wait3A = arith.constant 0 : i32
      %dma_wait3A_37 = arith.constant 0 : i32
      %dma_wait3A_38 = tpu.memref_slice %arg3[%dma_wait3A, %dma_wait3A_37] : memref<10000x96xf32, #tpu.memory_space<hbm>> -> memref<10000x96xf32, #tpu.memory_space<hbm>>
      tpu.wait_indirect_dma semaphore(%arg20 : memref<!tpu.dma_semaphore, #tpu.memory_space<semaphore_mem>>) src(%dma_wait3A_38 : memref<10000x96xf32, #tpu.memory_space<hbm>>) dst(%arg16 : memref<16x96xf32, #tpu.memory_space<vmem>>)
    } else {
    }
    "tpu.region"() ({
      %run_scoped3A = tpu.sem_alloc : memref<!tpu.dma_semaphore, #tpu.memory_space<semaphore_mem>>
      %dma_start3A = arith.constant 0 : i32
      %dma_start3A_35 = arith.constant 0 : i32
      %dma_start3A_36 = tpu.memref_slice %arg18[%dma_start3A, %dma_start3A_35] : memref<10000x96xf32, #tpu.memory_space<vmem_shared>> -> memref<10000x96xf32, #tpu.memory_space<vmem_shared>>
      tpu.enqueue_indirect_dma source(%arg16 : memref<16x96xf32, #tpu.memory_space<vmem>>) target(%dma_start3A_36 : memref<10000x96xf32, #tpu.memory_space<vmem_shared>>) offsets(%arg15 : memref<16xi32, #tpu.memory_space<vmem>>) semaphore(%run_scoped3A : memref<!tpu.dma_semaphore, #tpu.memory_space<semaphore_mem>>) {add = true}
      %dma_wait3A = arith.constant 0 : i32
      %dma_wait3A_37 = arith.constant 0 : i32
      %dma_wait3A_38 = tpu.memref_slice %arg18[%dma_wait3A, %dma_wait3A_37] : memref<10000x96xf32, #tpu.memory_space<vmem_shared>> -> memref<10000x96xf32, #tpu.memory_space<vmem_shared>>
      tpu.wait_indirect_dma semaphore(%run_scoped3A : memref<!tpu.dma_semaphore, #tpu.memory_space<semaphore_mem>>) src(%arg16 : memref<16x96xf32, #tpu.memory_space<vmem>>) dst(%dma_wait3A_38 : memref<10000x96xf32, #tpu.memory_space<vmem_shared>>)
      tpu.yield
    }) : () -> ()
    %barrier3A_24 = arith.constant 0 : index
    tpu.barrier barrier_id(%barrier3A_24)
    %lt3A_25 = arith.constant 15 : i32
    %lt3A_26 = arith.cmpi slt, %arg1, %lt3A_25 : i32
    %convert_element_type3A_27 = arith.extui %lt3A_26 : i1 to i32
    %cond3A_28 = arith.constant 0 : i32
    %cond3A_29 = arith.cmpi ne, %convert_element_type3A_27, %cond3A_28 : i32
    scf.if %cond3A_29 {
      %mul3A_35 = arith.constant 624 : i32
      %mul3A_36 = arith.muli %arg1, %mul3A_35 : i32
      %multiple_of3A = tpu.assume_multiple %mul3A_36, 8 : i32
      %eq3A_37 = arith.constant 0 : i32
      %eq3A_38 = arith.cmpi eq, %arg0, %eq3A_37 : i32
      %convert_element_type3A_39 = arith.extui %eq3A_38 : i1 to i32
      %cond3A_40 = arith.constant 0 : i32
      %cond3A_41 = arith.cmpi ne, %convert_element_type3A_39, %cond3A_40 : i32
      scf.if %cond3A_41 {
        "tpu.region"() ({
          %run_scoped3A = tpu.sem_alloc : memref<!tpu.dma_semaphore, #tpu.memory_space<semaphore_mem>>
          %dma_start3A = arith.constant 0 : i32
          %dma_start3A_47 = tpu.memref_slice %arg9[%multiple_of3A, %dma_start3A] : memref<10000x96xf32, #tpu.memory_space<hbm>> -> memref<624x96xf32, #tpu.memory_space<hbm>>
          %dma_start3A_48 = arith.constant 0 : i32
          %dma_start3A_49 = tpu.memref_slice %arg18[%multiple_of3A, %dma_start3A_48] : memref<10000x96xf32, #tpu.memory_space<vmem_shared>> -> memref<624x96xf32, #tpu.memory_space<vmem_shared>>
          tpu.enqueue_dma source(%dma_start3A_49 : memref<624x96xf32, #tpu.memory_space<vmem_shared>>) target(%dma_start3A_47 : memref<624x96xf32, #tpu.memory_space<hbm>>) target_semaphore(%run_scoped3A : memref<!tpu.dma_semaphore, #tpu.memory_space<semaphore_mem>>)
          %dma_wait3A = arith.constant 0 : i32
          %dma_wait3A_50 = tpu.memref_slice %arg9[%multiple_of3A, %dma_wait3A] : memref<10000x96xf32, #tpu.memory_space<hbm>> -> memref<624x96xf32, #tpu.memory_space<hbm>>
          %dma_wait3A_51 = arith.constant 0 : i32
          %dma_wait3A_52 = tpu.memref_slice %arg18[%multiple_of3A, %dma_wait3A_51] : memref<10000x96xf32, #tpu.memory_space<vmem_shared>> -> memref<624x96xf32, #tpu.memory_space<vmem_shared>>
          tpu.wait_dma2 semaphore(%run_scoped3A : memref<!tpu.dma_semaphore, #tpu.memory_space<semaphore_mem>>) src(%dma_wait3A_52 : memref<624x96xf32, #tpu.memory_space<vmem_shared>>) dst(%dma_wait3A_50 : memref<624x96xf32, #tpu.memory_space<hbm>>)
          tpu.yield
        }) : () -> ()
      } else {
      }
      %eq3A_42 = arith.constant 1 : i32
      %eq3A_43 = arith.cmpi eq, %arg0, %eq3A_42 : i32
      %convert_element_type3A_44 = arith.extui %eq3A_43 : i1 to i32
      %cond3A_45 = arith.constant 0 : i32
      %cond3A_46 = arith.cmpi ne, %convert_element_type3A_44, %cond3A_45 : i32
      scf.if %cond3A_46 {
        "tpu.region"() ({
          %run_scoped3A = tpu.sem_alloc : memref<!tpu.dma_semaphore, #tpu.memory_space<semaphore_mem>>
          %dma_start3A = arith.constant 0 : i32
          %dma_start3A_47 = tpu.memref_slice %arg10[%multiple_of3A, %dma_start3A] : memref<10000x96xf32, #tpu.memory_space<hbm>> -> memref<624x96xf32, #tpu.memory_space<hbm>>
          %dma_start3A_48 = arith.constant 0 : i32
          %dma_start3A_49 = tpu.memref_slice %arg18[%multiple_of3A, %dma_start3A_48] : memref<10000x96xf32, #tpu.memory_space<vmem_shared>> -> memref<624x96xf32, #tpu.memory_space<vmem_shared>>
          tpu.enqueue_dma source(%dma_start3A_49 : memref<624x96xf32, #tpu.memory_space<vmem_shared>>) target(%dma_start3A_47 : memref<624x96xf32, #tpu.memory_space<hbm>>) target_semaphore(%run_scoped3A : memref<!tpu.dma_semaphore, #tpu.memory_space<semaphore_mem>>)
          %dma_wait3A = arith.constant 0 : i32
          %dma_wait3A_50 = tpu.memref_slice %arg10[%multiple_of3A, %dma_wait3A] : memref<10000x96xf32, #tpu.memory_space<hbm>> -> memref<624x96xf32, #tpu.memory_space<hbm>>
          %dma_wait3A_51 = arith.constant 0 : i32
          %dma_wait3A_52 = tpu.memref_slice %arg18[%multiple_of3A, %dma_wait3A_51] : memref<10000x96xf32, #tpu.memory_space<vmem_shared>> -> memref<624x96xf32, #tpu.memory_space<vmem_shared>>
          tpu.wait_dma2 semaphore(%run_scoped3A : memref<!tpu.dma_semaphore, #tpu.memory_space<semaphore_mem>>) src(%dma_wait3A_52 : memref<624x96xf32, #tpu.memory_space<vmem_shared>>) dst(%dma_wait3A_50 : memref<624x96xf32, #tpu.memory_space<hbm>>)
          tpu.yield
        }) : () -> ()
      } else {
      }
    } else {
    }
    %eq3A_30 = arith.constant 15 : i32
    %eq3A_31 = arith.cmpi eq, %arg1, %eq3A_30 : i32
    %convert_element_type3A_32 = arith.extui %eq3A_31 : i1 to i32
    %cond3A_33 = arith.constant 0 : i32
    %cond3A_34 = arith.cmpi ne, %convert_element_type3A_32, %cond3A_33 : i32
    scf.if %cond3A_34 {
      %eq3A_35 = arith.constant 0 : i32
      %eq3A_36 = arith.cmpi eq, %arg0, %eq3A_35 : i32
      %convert_element_type3A_37 = arith.extui %eq3A_36 : i1 to i32
      %cond3A_38 = arith.constant 0 : i32
      %cond3A_39 = arith.cmpi ne, %convert_element_type3A_37, %cond3A_38 : i32
      scf.if %cond3A_39 {
        "tpu.region"() ({
          %run_scoped3A = tpu.sem_alloc : memref<!tpu.dma_semaphore, #tpu.memory_space<semaphore_mem>>
          %dma_start3A = arith.constant 9360 : i32
          %dma_start3A_45 = arith.constant 0 : i32
          %dma_start3A_46 = tpu.memref_slice %arg9[%dma_start3A, %dma_start3A_45] : memref<10000x96xf32, #tpu.memory_space<hbm>> -> memref<640x96xf32, #tpu.memory_space<hbm>>
          %dma_start3A_47 = arith.constant 9360 : i32
          %dma_start3A_48 = arith.constant 0 : i32
          %dma_start3A_49 = tpu.memref_slice %arg18[%dma_start3A_47, %dma_start3A_48] : memref<10000x96xf32, #tpu.memory_space<vmem_shared>> -> memref<640x96xf32, #tpu.memory_space<vmem_shared>>
          tpu.enqueue_dma source(%dma_start3A_49 : memref<640x96xf32, #tpu.memory_space<vmem_shared>>) target(%dma_start3A_46 : memref<640x96xf32, #tpu.memory_space<hbm>>) target_semaphore(%run_scoped3A : memref<!tpu.dma_semaphore, #tpu.memory_space<semaphore_mem>>)
          %dma_wait3A = arith.constant 9360 : i32
          %dma_wait3A_50 = arith.constant 0 : i32
          %dma_wait3A_51 = tpu.memref_slice %arg9[%dma_wait3A, %dma_wait3A_50] : memref<10000x96xf32, #tpu.memory_space<hbm>> -> memref<640x96xf32, #tpu.memory_space<hbm>>
          %dma_wait3A_52 = arith.constant 9360 : i32
          %dma_wait3A_53 = arith.constant 0 : i32
          %dma_wait3A_54 = tpu.memref_slice %arg18[%dma_wait3A_52, %dma_wait3A_53] : memref<10000x96xf32, #tpu.memory_space<vmem_shared>> -> memref<640x96xf32, #tpu.memory_space<vmem_shared>>
          tpu.wait_dma2 semaphore(%run_scoped3A : memref<!tpu.dma_semaphore, #tpu.memory_space<semaphore_mem>>) src(%dma_wait3A_54 : memref<640x96xf32, #tpu.memory_space<vmem_shared>>) dst(%dma_wait3A_51 : memref<640x96xf32, #tpu.memory_space<hbm>>)
          tpu.yield
        }) : () -> ()
      } else {
      }
      %eq3A_40 = arith.constant 1 : i32
      %eq3A_41 = arith.cmpi eq, %arg0, %eq3A_40 : i32
      %convert_element_type3A_42 = arith.extui %eq3A_41 : i1 to i32
      %cond3A_43 = arith.constant 0 : i32
      %cond3A_44 = arith.cmpi ne, %convert_element_type3A_42, %cond3A_43 : i32
      scf.if %cond3A_44 {
        "tpu.region"() ({
          %run_scoped3A = tpu.sem_alloc : memref<!tpu.dma_semaphore, #tpu.memory_space<semaphore_mem>>
          %dma_start3A = arith.constant 9360 : i32
          %dma_start3A_45 = arith.constant 0 : i32
          %dma_start3A_46 = tpu.memref_slice %arg10[%dma_start3A, %dma_start3A_45] : memref<10000x96xf32, #tpu.memory_space<hbm>> -> memref<640x96xf32, #tpu.memory_space<hbm>>
          %dma_start3A_47 = arith.constant 9360 : i32
          %dma_start3A_48 = arith.constant 0 : i32
          %dma_start3A_49 = tpu.memref_slice %arg18[%dma_start3A_47, %dma_start3A_48] : memref<10000x96xf32, #tpu.memory_space<vmem_shared>> -> memref<640x96xf32, #tpu.memory_space<vmem_shared>>
          tpu.enqueue_dma source(%dma_start3A_49 : memref<640x96xf32, #tpu.memory_space<vmem_shared>>) target(%dma_start3A_46 : memref<640x96xf32, #tpu.memory_space<hbm>>) target_semaphore(%run_scoped3A : memref<!tpu.dma_semaphore, #tpu.memory_space<semaphore_mem>>)
          %dma_wait3A = arith.constant 9360 : i32
          %dma_wait3A_50 = arith.constant 0 : i32
          %dma_wait3A_51 = tpu.memref_slice %arg10[%dma_wait3A, %dma_wait3A_50] : memref<10000x96xf32, #tpu.memory_space<hbm>> -> memref<640x96xf32, #tpu.memory_space<hbm>>
          %dma_wait3A_52 = arith.constant 9360 : i32
          %dma_wait3A_53 = arith.constant 0 : i32
          %dma_wait3A_54 = tpu.memref_slice %arg18[%dma_wait3A_52, %dma_wait3A_53] : memref<10000x96xf32, #tpu.memory_space<vmem_shared>> -> memref<640x96xf32, #tpu.memory_space<vmem_shared>>
          tpu.wait_dma2 semaphore(%run_scoped3A : memref<!tpu.dma_semaphore, #tpu.memory_space<semaphore_mem>>) src(%dma_wait3A_54 : memref<640x96xf32, #tpu.memory_space<vmem_shared>>) dst(%dma_wait3A_51 : memref<640x96xf32, #tpu.memory_space<hbm>>)
          tpu.yield
        }) : () -> ()
      } else {
      }
    } else {
    }
    return
  }
}

#map = affine_map<(d0, d1) -> (0, 0)>
#map1 = affine_map<(d0, d1) -> (0)>
module attributes {stable_mosaic.version = 14 : i64} {
  func.func @body(%arg0: i32, %arg1: i32, %arg2: memref<10000x96xf32, #tpu.memory_space<hbm>>, %arg3: memref<10000x96xf32, #tpu.memory_space<hbm>>, %arg4: memref<160000xi32, #tpu.memory_space<hbm>>, %arg5: memref<160000xi32, #tpu.memory_space<hbm>>, %arg6: memref<10000x96xf32, #tpu.memory_space<hbm>>, %arg7: memref<10000x8xf32, #tpu.memory_space<hbm>>, %arg8: memref<128x8xf32, #tpu.memory_space<hbm>>, %arg9: memref<10000x96xf32, #tpu.memory_space<hbm>>, %arg10: memref<10000x96xf32, #tpu.memory_space<hbm>>, %arg11: memref<128xi32, #tpu.memory_space<vmem>>, %arg12: memref<128xi32, #tpu.memory_space<vmem>>, %arg13: memref<128x96xf32, #tpu.memory_space<vmem>>, %arg14: memref<16xi32, #tpu.memory_space<vmem>>, %arg15: memref<16xi32, #tpu.memory_space<vmem>>, %arg16: memref<16x96xf32, #tpu.memory_space<vmem>>, %arg17: memref<128x8xf32, #tpu.memory_space<vmem>>, %arg18: memref<10000x96xf32, #tpu.memory_space<vmem_shared>>, %arg19: memref<10000x8xf32, #tpu.memory_space<vmem_shared>>, %arg20: memref<!tpu.dma_semaphore, #tpu.memory_space<semaphore_mem>>) attributes {dimension_semantics = [#tpu.dimension_semantics<core_parallel>, #tpu.dimension_semantics<subcore_parallel>], iteration_bounds = array<i64: 2, 16>, scalar_prefetch = 0 : i64, scratch_operands = 10 : i64, tpu.core_type = #tpu.core_type<sc_vector_subcore>, window_params = [{transform_indices = #map}, {transform_indices = #map}, {transform_indices = #map1}, {transform_indices = #map1}, {transform_indices = #map}, {transform_indices = #map}, {transform_indices = #map}, {transform_indices = #map}, {transform_indices = #map}]} {
    %lt3A = arith.constant 15 : i32
    %lt3A_0 = arith.cmpi slt, %arg1, %lt3A : i32
    %convert_element_type3A = arith.extui %lt3A_0 : i1 to i32
    %cond3A = arith.constant 0 : i32
    %cond3A_1 = arith.cmpi ne, %convert_element_type3A, %cond3A : i32
    scf.if %cond3A_1 {
      %mul3A_35 = arith.constant 624 : i32
      %mul3A_36 = arith.muli %arg1, %mul3A_35 : i32
      %multiple_of3A = tpu.assume_multiple %mul3A_36, 8 : i32
      "tpu.region"() ({
        %run_scoped3A = tpu.sem_alloc : memref<!tpu.dma_semaphore, #tpu.memory_space<semaphore_mem>>
        %dma_start3A = arith.constant 0 : i32
        %dma_start3A_37 = tpu.memref_slice %arg18[%multiple_of3A, %dma_start3A] : memref<10000x96xf32, #tpu.memory_space<vmem_shared>> -> memref<624x96xf32, #tpu.memory_space<vmem_shared>>
        %dma_start3A_38 = arith.constant 0 : i32
        %dma_start3A_39 = tpu.memref_slice %arg6[%multiple_of3A, %dma_start3A_38] : memref<10000x96xf32, #tpu.memory_space<hbm>> -> memref<624x96xf32, #tpu.memory_space<hbm>>
        tpu.enqueue_dma source(%dma_start3A_39 : memref<624x96xf32, #tpu.memory_space<hbm>>) target(%dma_start3A_37 : memref<624x96xf32, #tpu.memory_space<vmem_shared>>) target_semaphore(%run_scoped3A : memref<!tpu.dma_semaphore, #tpu.memory_space<semaphore_mem>>)
        %dma_wait3A = arith.constant 0 : i32
        %dma_wait3A_40 = tpu.memref_slice %arg18[%multiple_of3A, %dma_wait3A] : memref<10000x96xf32, #tpu.memory_space<vmem_shared>> -> memref<624x96xf32, #tpu.memory_space<vmem_shared>>
        %dma_wait3A_41 = arith.constant 0 : i32
        %dma_wait3A_42 = tpu.memref_slice %arg6[%multiple_of3A, %dma_wait3A_41] : memref<10000x96xf32, #tpu.memory_space<hbm>> -> memref<624x96xf32, #tpu.memory_space<hbm>>
        tpu.wait_dma2 semaphore(%run_scoped3A : memref<!tpu.dma_semaphore, #tpu.memory_space<semaphore_mem>>) src(%dma_wait3A_42 : memref<624x96xf32, #tpu.memory_space<hbm>>) dst(%dma_wait3A_40 : memref<624x96xf32, #tpu.memory_space<vmem_shared>>)
        tpu.yield
      }) : () -> ()
    } else {
    }
    %eq3A = arith.constant 15 : i32
    %eq3A_2 = arith.cmpi eq, %arg1, %eq3A : i32
    %convert_element_type3A_3 = arith.extui %eq3A_2 : i1 to i32
    %cond3A_4 = arith.constant 0 : i32
    %cond3A_5 = arith.cmpi ne, %convert_element_type3A_3, %cond3A_4 : i32
    scf.if %cond3A_5 {
      "tpu.region"() ({
        %run_scoped3A = tpu.sem_alloc : memref<!tpu.dma_semaphore, #tpu.memory_space<semaphore_mem>>
        %dma_start3A = arith.constant 9360 : i32
        %dma_start3A_35 = arith.constant 0 : i32
        %dma_start3A_36 = tpu.memref_slice %arg18[%dma_start3A, %dma_start3A_35] : memref<10000x96xf32, #tpu.memory_space<vmem_shared>> -> memref<640x96xf32, #tpu.memory_space<vmem_shared>>
        %dma_start3A_37 = arith.constant 9360 : i32
        %dma_start3A_38 = arith.constant 0 : i32
        %dma_start3A_39 = tpu.memref_slice %arg6[%dma_start3A_37, %dma_start3A_38] : memref<10000x96xf32, #tpu.memory_space<hbm>> -> memref<640x96xf32, #tpu.memory_space<hbm>>
        tpu.enqueue_dma source(%dma_start3A_39 : memref<640x96xf32, #tpu.memory_space<hbm>>) target(%dma_start3A_36 : memref<640x96xf32, #tpu.memory_space<vmem_shared>>) target_semaphore(%run_scoped3A : memref<!tpu.dma_semaphore, #tpu.memory_space<semaphore_mem>>)
        %dma_wait3A = arith.constant 9360 : i32
        %dma_wait3A_40 = arith.constant 0 : i32
        %dma_wait3A_41 = tpu.memref_slice %arg18[%dma_wait3A, %dma_wait3A_40] : memref<10000x96xf32, #tpu.memory_space<vmem_shared>> -> memref<640x96xf32, #tpu.memory_space<vmem_shared>>
        %dma_wait3A_42 = arith.constant 9360 : i32
        %dma_wait3A_43 = arith.constant 0 : i32
        %dma_wait3A_44 = tpu.memref_slice %arg6[%dma_wait3A_42, %dma_wait3A_43] : memref<10000x96xf32, #tpu.memory_space<hbm>> -> memref<640x96xf32, #tpu.memory_space<hbm>>
        tpu.wait_dma2 semaphore(%run_scoped3A : memref<!tpu.dma_semaphore, #tpu.memory_space<semaphore_mem>>) src(%dma_wait3A_44 : memref<640x96xf32, #tpu.memory_space<hbm>>) dst(%dma_wait3A_41 : memref<640x96xf32, #tpu.memory_space<vmem_shared>>)
        tpu.yield
      }) : () -> ()
    } else {
    }
    %barrier3A = arith.constant 0 : index
    tpu.barrier barrier_id(%barrier3A)
    %mul3A = arith.constant 10000 : i32
    %mul3A_6 = arith.muli %arg1, %mul3A : i32
    %scan3A = arith.constant 0 : i32
    %scan3A_7 = arith.constant 0 : i32
    %scan3A_8 = arith.constant 78 : i32
    %scan3A_9 = arith.addi %scan3A_7, %scan3A_8 : i32
    %scan3A_10 = arith.constant 1 : i32
    %scan3A_11 = scf.for %scan3A_35 = %scan3A_7 to %scan3A_9 step %scan3A_10 iter_args(%scan3A_36 = %scan3A) -> (i32)  : i32 {
      %mul3A_37 = arith.constant 128 : i32
      %mul3A_38 = arith.muli %scan3A_35, %mul3A_37 : i32
      %add3A_39 = arith.addi %mul3A_6, %mul3A_38 : i32
      "tpu.region"() ({
        %run_scoped3A = tpu.sem_alloc : memref<!tpu.dma_semaphore, #tpu.memory_space<semaphore_mem>>
        %dma_start3A = tpu.memref_slice %arg4[%add3A_39] : memref<160000xi32, #tpu.memory_space<hbm>> -> memref<128xi32, #tpu.memory_space<hbm>>
        %dma_start3A_51 = tpu.memref_slice %arg4[%add3A_39] : memref<160000xi32, #tpu.memory_space<hbm>> -> memref<128xi32, #tpu.memory_space<hbm>>
        tpu.enqueue_dma source(%dma_start3A_51 : memref<128xi32, #tpu.memory_space<hbm>>) target(%arg11 : memref<128xi32, #tpu.memory_space<vmem>>) target_semaphore(%run_scoped3A : memref<!tpu.dma_semaphore, #tpu.memory_space<semaphore_mem>>)
        %dma_wait3A = tpu.memref_slice %arg4[%add3A_39] : memref<160000xi32, #tpu.memory_space<hbm>> -> memref<128xi32, #tpu.memory_space<hbm>>
        %dma_wait3A_52 = tpu.memref_slice %arg4[%add3A_39] : memref<160000xi32, #tpu.memory_space<hbm>> -> memref<128xi32, #tpu.memory_space<hbm>>
        tpu.wait_dma2 semaphore(%run_scoped3A : memref<!tpu.dma_semaphore, #tpu.memory_space<semaphore_mem>>) src(%dma_wait3A_52 : memref<128xi32, #tpu.memory_space<hbm>>) dst(%arg11 : memref<128xi32, #tpu.memory_space<vmem>>)
        tpu.yield
      }) : () -> ()
      "tpu.region"() ({
        %run_scoped3A = tpu.sem_alloc : memref<!tpu.dma_semaphore, #tpu.memory_space<semaphore_mem>>
        %dma_start3A = tpu.memref_slice %arg5[%add3A_39] : memref<160000xi32, #tpu.memory_space<hbm>> -> memref<128xi32, #tpu.memory_space<hbm>>
        %dma_start3A_51 = tpu.memref_slice %arg5[%add3A_39] : memref<160000xi32, #tpu.memory_space<hbm>> -> memref<128xi32, #tpu.memory_space<hbm>>
        tpu.enqueue_dma source(%dma_start3A_51 : memref<128xi32, #tpu.memory_space<hbm>>) target(%arg12 : memref<128xi32, #tpu.memory_space<vmem>>) target_semaphore(%run_scoped3A : memref<!tpu.dma_semaphore, #tpu.memory_space<semaphore_mem>>)
        %dma_wait3A = tpu.memref_slice %arg5[%add3A_39] : memref<160000xi32, #tpu.memory_space<hbm>> -> memref<128xi32, #tpu.memory_space<hbm>>
        %dma_wait3A_52 = tpu.memref_slice %arg5[%add3A_39] : memref<160000xi32, #tpu.memory_space<hbm>> -> memref<128xi32, #tpu.memory_space<hbm>>
        tpu.wait_dma2 semaphore(%run_scoped3A : memref<!tpu.dma_semaphore, #tpu.memory_space<semaphore_mem>>) src(%dma_wait3A_52 : memref<128xi32, #tpu.memory_space<hbm>>) dst(%arg12 : memref<128xi32, #tpu.memory_space<vmem>>)
        tpu.yield
      }) : () -> ()
      %eq3A_40 = arith.constant 0 : i32
      %eq3A_41 = arith.cmpi eq, %arg0, %eq3A_40 : i32
      %convert_element_type3A_42 = arith.extui %eq3A_41 : i1 to i32
      %cond3A_43 = arith.constant 0 : i32
      %cond3A_44 = arith.cmpi ne, %convert_element_type3A_42, %cond3A_43 : i32
      scf.if %cond3A_44 {
        %dma_start3A = arith.constant 0 : i32
        %dma_start3A_51 = arith.constant 0 : i32
        %dma_start3A_52 = tpu.memref_slice %arg2[%dma_start3A, %dma_start3A_51] : memref<10000x96xf32, #tpu.memory_space<hbm>> -> memref<10000x96xf32, #tpu.memory_space<hbm>>
        tpu.enqueue_indirect_dma source(%dma_start3A_52 : memref<10000x96xf32, #tpu.memory_space<hbm>>) target(%arg13 : memref<128x96xf32, #tpu.memory_space<vmem>>) offsets(%arg11 : memref<128xi32, #tpu.memory_space<vmem>>) semaphore(%arg20 : memref<!tpu.dma_semaphore, #tpu.memory_space<semaphore_mem>>)
        %dma_wait3A = arith.constant 0 : i32
        %dma_wait3A_53 = arith.constant 0 : i32
        %dma_wait3A_54 = tpu.memref_slice %arg2[%dma_wait3A, %dma_wait3A_53] : memref<10000x96xf32, #tpu.memory_space<hbm>> -> memref<10000x96xf32, #tpu.memory_space<hbm>>
        tpu.wait_indirect_dma semaphore(%arg20 : memref<!tpu.dma_semaphore, #tpu.memory_space<semaphore_mem>>) src(%dma_wait3A_54 : memref<10000x96xf32, #tpu.memory_space<hbm>>) dst(%arg13 : memref<128x96xf32, #tpu.memory_space<vmem>>)
      } else {
      }
      %eq3A_45 = arith.constant 1 : i32
      %eq3A_46 = arith.cmpi eq, %arg0, %eq3A_45 : i32
      %convert_element_type3A_47 = arith.extui %eq3A_46 : i1 to i32
      %cond3A_48 = arith.constant 0 : i32
      %cond3A_49 = arith.cmpi ne, %convert_element_type3A_47, %cond3A_48 : i32
      scf.if %cond3A_49 {
        %dma_start3A = arith.constant 0 : i32
        %dma_start3A_51 = arith.constant 0 : i32
        %dma_start3A_52 = tpu.memref_slice %arg3[%dma_start3A, %dma_start3A_51] : memref<10000x96xf32, #tpu.memory_space<hbm>> -> memref<10000x96xf32, #tpu.memory_space<hbm>>
        tpu.enqueue_indirect_dma source(%dma_start3A_52 : memref<10000x96xf32, #tpu.memory_space<hbm>>) target(%arg13 : memref<128x96xf32, #tpu.memory_space<vmem>>) offsets(%arg11 : memref<128xi32, #tpu.memory_space<vmem>>) semaphore(%arg20 : memref<!tpu.dma_semaphore, #tpu.memory_space<semaphore_mem>>)
        %dma_wait3A = arith.constant 0 : i32
        %dma_wait3A_53 = arith.constant 0 : i32
        %dma_wait3A_54 = tpu.memref_slice %arg3[%dma_wait3A, %dma_wait3A_53] : memref<10000x96xf32, #tpu.memory_space<hbm>> -> memref<10000x96xf32, #tpu.memory_space<hbm>>
        tpu.wait_indirect_dma semaphore(%arg20 : memref<!tpu.dma_semaphore, #tpu.memory_space<semaphore_mem>>) src(%dma_wait3A_54 : memref<10000x96xf32, #tpu.memory_space<hbm>>) dst(%arg13 : memref<128x96xf32, #tpu.memory_space<vmem>>)
      } else {
      }
      "tpu.region"() ({
        %run_scoped3A = tpu.sem_alloc : memref<!tpu.dma_semaphore, #tpu.memory_space<semaphore_mem>>
        %dma_start3A = arith.constant 0 : i32
        %dma_start3A_51 = arith.constant 0 : i32
        %dma_start3A_52 = tpu.memref_slice %arg18[%dma_start3A, %dma_start3A_51] : memref<10000x96xf32, #tpu.memory_space<vmem_shared>> -> memref<10000x96xf32, #tpu.memory_space<vmem_shared>>
        tpu.enqueue_indirect_dma source(%arg13 : memref<128x96xf32, #tpu.memory_space<vmem>>) target(%dma_start3A_52 : memref<10000x96xf32, #tpu.memory_space<vmem_shared>>) offsets(%arg12 : memref<128xi32, #tpu.memory_space<vmem>>) semaphore(%run_scoped3A : memref<!tpu.dma_semaphore, #tpu.memory_space<semaphore_mem>>) {add = true}
        %dma_wait3A = arith.constant 0 : i32
        %dma_wait3A_53 = arith.constant 0 : i32
        %dma_wait3A_54 = tpu.memref_slice %arg18[%dma_wait3A, %dma_wait3A_53] : memref<10000x96xf32, #tpu.memory_space<vmem_shared>> -> memref<10000x96xf32, #tpu.memory_space<vmem_shared>>
        tpu.wait_indirect_dma semaphore(%run_scoped3A : memref<!tpu.dma_semaphore, #tpu.memory_space<semaphore_mem>>) src(%arg13 : memref<128x96xf32, #tpu.memory_space<vmem>>) dst(%dma_wait3A_54 : memref<10000x96xf32, #tpu.memory_space<vmem_shared>>)
        tpu.yield
      }) : () -> ()
      %scan3A_50 = arith.constant 0 : i32
      scf.yield %scan3A_50 : i32
    }
    %scan3A_12 = arith.constant 78 : i32
    %add3A = arith.constant 9984 : i32
    %add3A_13 = arith.addi %mul3A_6, %add3A : i32
    "tpu.region"() ({
      %run_scoped3A = tpu.sem_alloc : memref<!tpu.dma_semaphore, #tpu.memory_space<semaphore_mem>>
      %dma_start3A = tpu.memref_slice %arg4[%add3A_13] : memref<160000xi32, #tpu.memory_space<hbm>> -> memref<16xi32, #tpu.memory_space<hbm>>
      %dma_start3A_35 = tpu.memref_slice %arg4[%add3A_13] : memref<160000xi32, #tpu.memory_space<hbm>> -> memref<16xi32, #tpu.memory_space<hbm>>
      tpu.enqueue_dma source(%dma_start3A_35 : memref<16xi32, #tpu.memory_space<hbm>>) target(%arg14 : memref<16xi32, #tpu.memory_space<vmem>>) target_semaphore(%run_scoped3A : memref<!tpu.dma_semaphore, #tpu.memory_space<semaphore_mem>>)
      %dma_wait3A = tpu.memref_slice %arg4[%add3A_13] : memref<160000xi32, #tpu.memory_space<hbm>> -> memref<16xi32, #tpu.memory_space<hbm>>
      %dma_wait3A_36 = tpu.memref_slice %arg4[%add3A_13] : memref<160000xi32, #tpu.memory_space<hbm>> -> memref<16xi32, #tpu.memory_space<hbm>>
      tpu.wait_dma2 semaphore(%run_scoped3A : memref<!tpu.dma_semaphore, #tpu.memory_space<semaphore_mem>>) src(%dma_wait3A_36 : memref<16xi32, #tpu.memory_space<hbm>>) dst(%arg14 : memref<16xi32, #tpu.memory_space<vmem>>)
      tpu.yield
    }) : () -> ()
    "tpu.region"() ({
      %run_scoped3A = tpu.sem_alloc : memref<!tpu.dma_semaphore, #tpu.memory_space<semaphore_mem>>
      %dma_start3A = tpu.memref_slice %arg5[%add3A_13] : memref<160000xi32, #tpu.memory_space<hbm>> -> memref<16xi32, #tpu.memory_space<hbm>>
      %dma_start3A_35 = tpu.memref_slice %arg5[%add3A_13] : memref<160000xi32, #tpu.memory_space<hbm>> -> memref<16xi32, #tpu.memory_space<hbm>>
      tpu.enqueue_dma source(%dma_start3A_35 : memref<16xi32, #tpu.memory_space<hbm>>) target(%arg15 : memref<16xi32, #tpu.memory_space<vmem>>) target_semaphore(%run_scoped3A : memref<!tpu.dma_semaphore, #tpu.memory_space<semaphore_mem>>)
      %dma_wait3A = tpu.memref_slice %arg5[%add3A_13] : memref<160000xi32, #tpu.memory_space<hbm>> -> memref<16xi32, #tpu.memory_space<hbm>>
      %dma_wait3A_36 = tpu.memref_slice %arg5[%add3A_13] : memref<160000xi32, #tpu.memory_space<hbm>> -> memref<16xi32, #tpu.memory_space<hbm>>
      tpu.wait_dma2 semaphore(%run_scoped3A : memref<!tpu.dma_semaphore, #tpu.memory_space<semaphore_mem>>) src(%dma_wait3A_36 : memref<16xi32, #tpu.memory_space<hbm>>) dst(%arg15 : memref<16xi32, #tpu.memory_space<vmem>>)
      tpu.yield
    }) : () -> ()
    %eq3A_14 = arith.constant 0 : i32
    %eq3A_15 = arith.cmpi eq, %arg0, %eq3A_14 : i32
    %convert_element_type3A_16 = arith.extui %eq3A_15 : i1 to i32
    %cond3A_17 = arith.constant 0 : i32
    %cond3A_18 = arith.cmpi ne, %convert_element_type3A_16, %cond3A_17 : i32
    scf.if %cond3A_18 {
      %dma_start3A = arith.constant 0 : i32
      %dma_start3A_35 = arith.constant 0 : i32
      %dma_start3A_36 = tpu.memref_slice %arg2[%dma_start3A, %dma_start3A_35] : memref<10000x96xf32, #tpu.memory_space<hbm>> -> memref<10000x96xf32, #tpu.memory_space<hbm>>
      tpu.enqueue_indirect_dma source(%dma_start3A_36 : memref<10000x96xf32, #tpu.memory_space<hbm>>) target(%arg16 : memref<16x96xf32, #tpu.memory_space<vmem>>) offsets(%arg14 : memref<16xi32, #tpu.memory_space<vmem>>) semaphore(%arg20 : memref<!tpu.dma_semaphore, #tpu.memory_space<semaphore_mem>>)
      %dma_wait3A = arith.constant 0 : i32
      %dma_wait3A_37 = arith.constant 0 : i32
      %dma_wait3A_38 = tpu.memref_slice %arg2[%dma_wait3A, %dma_wait3A_37] : memref<10000x96xf32, #tpu.memory_space<hbm>> -> memref<10000x96xf32, #tpu.memory_space<hbm>>
      tpu.wait_indirect_dma semaphore(%arg20 : memref<!tpu.dma_semaphore, #tpu.memory_space<semaphore_mem>>) src(%dma_wait3A_38 : memref<10000x96xf32, #tpu.memory_space<hbm>>) dst(%arg16 : memref<16x96xf32, #tpu.memory_space<vmem>>)
    } else {
    }
    %eq3A_19 = arith.constant 1 : i32
    %eq3A_20 = arith.cmpi eq, %arg0, %eq3A_19 : i32
    %convert_element_type3A_21 = arith.extui %eq3A_20 : i1 to i32
    %cond3A_22 = arith.constant 0 : i32
    %cond3A_23 = arith.cmpi ne, %convert_element_type3A_21, %cond3A_22 : i32
    scf.if %cond3A_23 {
      %dma_start3A = arith.constant 0 : i32
      %dma_start3A_35 = arith.constant 0 : i32
      %dma_start3A_36 = tpu.memref_slice %arg3[%dma_start3A, %dma_start3A_35] : memref<10000x96xf32, #tpu.memory_space<hbm>> -> memref<10000x96xf32, #tpu.memory_space<hbm>>
      tpu.enqueue_indirect_dma source(%dma_start3A_36 : memref<10000x96xf32, #tpu.memory_space<hbm>>) target(%arg16 : memref<16x96xf32, #tpu.memory_space<vmem>>) offsets(%arg14 : memref<16xi32, #tpu.memory_space<vmem>>) semaphore(%arg20 : memref<!tpu.dma_semaphore, #tpu.memory_space<semaphore_mem>>)
      %dma_wait3A = arith.constant 0 : i32
      %dma_wait3A_37 = arith.constant 0 : i32
      %dma_wait3A_38 = tpu.memref_slice %arg3[%dma_wait3A, %dma_wait3A_37] : memref<10000x96xf32, #tpu.memory_space<hbm>> -> memref<10000x96xf32, #tpu.memory_space<hbm>>
      tpu.wait_indirect_dma semaphore(%arg20 : memref<!tpu.dma_semaphore, #tpu.memory_space<semaphore_mem>>) src(%dma_wait3A_38 : memref<10000x96xf32, #tpu.memory_space<hbm>>) dst(%arg16 : memref<16x96xf32, #tpu.memory_space<vmem>>)
    } else {
    }
    "tpu.region"() ({
      %run_scoped3A = tpu.sem_alloc : memref<!tpu.dma_semaphore, #tpu.memory_space<semaphore_mem>>
      %dma_start3A = arith.constant 0 : i32
      %dma_start3A_35 = arith.constant 0 : i32
      %dma_start3A_36 = tpu.memref_slice %arg18[%dma_start3A, %dma_start3A_35] : memref<10000x96xf32, #tpu.memory_space<vmem_shared>> -> memref<10000x96xf32, #tpu.memory_space<vmem_shared>>
      tpu.enqueue_indirect_dma source(%arg16 : memref<16x96xf32, #tpu.memory_space<vmem>>) target(%dma_start3A_36 : memref<10000x96xf32, #tpu.memory_space<vmem_shared>>) offsets(%arg15 : memref<16xi32, #tpu.memory_space<vmem>>) semaphore(%run_scoped3A : memref<!tpu.dma_semaphore, #tpu.memory_space<semaphore_mem>>) {add = true}
      %dma_wait3A = arith.constant 0 : i32
      %dma_wait3A_37 = arith.constant 0 : i32
      %dma_wait3A_38 = tpu.memref_slice %arg18[%dma_wait3A, %dma_wait3A_37] : memref<10000x96xf32, #tpu.memory_space<vmem_shared>> -> memref<10000x96xf32, #tpu.memory_space<vmem_shared>>
      tpu.wait_indirect_dma semaphore(%run_scoped3A : memref<!tpu.dma_semaphore, #tpu.memory_space<semaphore_mem>>) src(%arg16 : memref<16x96xf32, #tpu.memory_space<vmem>>) dst(%dma_wait3A_38 : memref<10000x96xf32, #tpu.memory_space<vmem_shared>>)
      tpu.yield
    }) : () -> ()
    %barrier3A_24 = arith.constant 0 : index
    tpu.barrier barrier_id(%barrier3A_24)
    %lt3A_25 = arith.constant 15 : i32
    %lt3A_26 = arith.cmpi slt, %arg1, %lt3A_25 : i32
    %convert_element_type3A_27 = arith.extui %lt3A_26 : i1 to i32
    %cond3A_28 = arith.constant 0 : i32
    %cond3A_29 = arith.cmpi ne, %convert_element_type3A_27, %cond3A_28 : i32
    scf.if %cond3A_29 {
      %mul3A_35 = arith.constant 624 : i32
      %mul3A_36 = arith.muli %arg1, %mul3A_35 : i32
      %multiple_of3A = tpu.assume_multiple %mul3A_36, 8 : i32
      %eq3A_37 = arith.constant 0 : i32
      %eq3A_38 = arith.cmpi eq, %arg0, %eq3A_37 : i32
      %convert_element_type3A_39 = arith.extui %eq3A_38 : i1 to i32
      %cond3A_40 = arith.constant 0 : i32
      %cond3A_41 = arith.cmpi ne, %convert_element_type3A_39, %cond3A_40 : i32
      scf.if %cond3A_41 {
        "tpu.region"() ({
          %run_scoped3A = tpu.sem_alloc : memref<!tpu.dma_semaphore, #tpu.memory_space<semaphore_mem>>
          %dma_start3A = arith.constant 0 : i32
          %dma_start3A_47 = tpu.memref_slice %arg9[%multiple_of3A, %dma_start3A] : memref<10000x96xf32, #tpu.memory_space<hbm>> -> memref<624x96xf32, #tpu.memory_space<hbm>>
          %dma_start3A_48 = arith.constant 0 : i32
          %dma_start3A_49 = tpu.memref_slice %arg18[%multiple_of3A, %dma_start3A_48] : memref<10000x96xf32, #tpu.memory_space<vmem_shared>> -> memref<624x96xf32, #tpu.memory_space<vmem_shared>>
          tpu.enqueue_dma source(%dma_start3A_49 : memref<624x96xf32, #tpu.memory_space<vmem_shared>>) target(%dma_start3A_47 : memref<624x96xf32, #tpu.memory_space<hbm>>) target_semaphore(%run_scoped3A : memref<!tpu.dma_semaphore, #tpu.memory_space<semaphore_mem>>)
          %dma_wait3A = arith.constant 0 : i32
          %dma_wait3A_50 = tpu.memref_slice %arg9[%multiple_of3A, %dma_wait3A] : memref<10000x96xf32, #tpu.memory_space<hbm>> -> memref<624x96xf32, #tpu.memory_space<hbm>>
          %dma_wait3A_51 = arith.constant 0 : i32
          %dma_wait3A_52 = tpu.memref_slice %arg18[%multiple_of3A, %dma_wait3A_51] : memref<10000x96xf32, #tpu.memory_space<vmem_shared>> -> memref<624x96xf32, #tpu.memory_space<vmem_shared>>
          tpu.wait_dma2 semaphore(%run_scoped3A : memref<!tpu.dma_semaphore, #tpu.memory_space<semaphore_mem>>) src(%dma_wait3A_52 : memref<624x96xf32, #tpu.memory_space<vmem_shared>>) dst(%dma_wait3A_50 : memref<624x96xf32, #tpu.memory_space<hbm>>)
          tpu.yield
        }) : () -> ()
      } else {
      }
      %eq3A_42 = arith.constant 1 : i32
      %eq3A_43 = arith.cmpi eq, %arg0, %eq3A_42 : i32
      %convert_element_type3A_44 = arith.extui %eq3A_43 : i1 to i32
      %cond3A_45 = arith.constant 0 : i32
      %cond3A_46 = arith.cmpi ne, %convert_element_type3A_44, %cond3A_45 : i32
      scf.if %cond3A_46 {
        "tpu.region"() ({
          %run_scoped3A = tpu.sem_alloc : memref<!tpu.dma_semaphore, #tpu.memory_space<semaphore_mem>>
          %dma_start3A = arith.constant 0 : i32
          %dma_start3A_47 = tpu.memref_slice %arg10[%multiple_of3A, %dma_start3A] : memref<10000x96xf32, #tpu.memory_space<hbm>> -> memref<624x96xf32, #tpu.memory_space<hbm>>
          %dma_start3A_48 = arith.constant 0 : i32
          %dma_start3A_49 = tpu.memref_slice %arg18[%multiple_of3A, %dma_start3A_48] : memref<10000x96xf32, #tpu.memory_space<vmem_shared>> -> memref<624x96xf32, #tpu.memory_space<vmem_shared>>
          tpu.enqueue_dma source(%dma_start3A_49 : memref<624x96xf32, #tpu.memory_space<vmem_shared>>) target(%dma_start3A_47 : memref<624x96xf32, #tpu.memory_space<hbm>>) target_semaphore(%run_scoped3A : memref<!tpu.dma_semaphore, #tpu.memory_space<semaphore_mem>>)
          %dma_wait3A = arith.constant 0 : i32
          %dma_wait3A_50 = tpu.memref_slice %arg10[%multiple_of3A, %dma_wait3A] : memref<10000x96xf32, #tpu.memory_space<hbm>> -> memref<624x96xf32, #tpu.memory_space<hbm>>
          %dma_wait3A_51 = arith.constant 0 : i32
          %dma_wait3A_52 = tpu.memref_slice %arg18[%multiple_of3A, %dma_wait3A_51] : memref<10000x96xf32, #tpu.memory_space<vmem_shared>> -> memref<624x96xf32, #tpu.memory_space<vmem_shared>>
          tpu.wait_dma2 semaphore(%run_scoped3A : memref<!tpu.dma_semaphore, #tpu.memory_space<semaphore_mem>>) src(%dma_wait3A_52 : memref<624x96xf32, #tpu.memory_space<vmem_shared>>) dst(%dma_wait3A_50 : memref<624x96xf32, #tpu.memory_space<hbm>>)
          tpu.yield
        }) : () -> ()
      } else {
      }
    } else {
    }
    %eq3A_30 = arith.constant 15 : i32
    %eq3A_31 = arith.cmpi eq, %arg1, %eq3A_30 : i32
    %convert_element_type3A_32 = arith.extui %eq3A_31 : i1 to i32
    %cond3A_33 = arith.constant 0 : i32
    %cond3A_34 = arith.cmpi ne, %convert_element_type3A_32, %cond3A_33 : i32
    scf.if %cond3A_34 {
      %eq3A_35 = arith.constant 0 : i32
      %eq3A_36 = arith.cmpi eq, %arg0, %eq3A_35 : i32
      %convert_element_type3A_37 = arith.extui %eq3A_36 : i1 to i32
      %cond3A_38 = arith.constant 0 : i32
      %cond3A_39 = arith.cmpi ne, %convert_element_type3A_37, %cond3A_38 : i32
      scf.if %cond3A_39 {
        "tpu.region"() ({
          %run_scoped3A = tpu.sem_alloc : memref<!tpu.dma_semaphore, #tpu.memory_space<semaphore_mem>>
          %dma_start3A = arith.constant 9360 : i32
          %dma_start3A_45 = arith.constant 0 : i32
          %dma_start3A_46 = tpu.memref_slice %arg9[%dma_start3A, %dma_start3A_45] : memref<10000x96xf32, #tpu.memory_space<hbm>> -> memref<640x96xf32, #tpu.memory_space<hbm>>
          %dma_start3A_47 = arith.constant 9360 : i32
          %dma_start3A_48 = arith.constant 0 : i32
          %dma_start3A_49 = tpu.memref_slice %arg18[%dma_start3A_47, %dma_start3A_48] : memref<10000x96xf32, #tpu.memory_space<vmem_shared>> -> memref<640x96xf32, #tpu.memory_space<vmem_shared>>
          tpu.enqueue_dma source(%dma_start3A_49 : memref<640x96xf32, #tpu.memory_space<vmem_shared>>) target(%dma_start3A_46 : memref<640x96xf32, #tpu.memory_space<hbm>>) target_semaphore(%run_scoped3A : memref<!tpu.dma_semaphore, #tpu.memory_space<semaphore_mem>>)
          %dma_wait3A = arith.constant 9360 : i32
          %dma_wait3A_50 = arith.constant 0 : i32
          %dma_wait3A_51 = tpu.memref_slice %arg9[%dma_wait3A, %dma_wait3A_50] : memref<10000x96xf32, #tpu.memory_space<hbm>> -> memref<640x96xf32, #tpu.memory_space<hbm>>
          %dma_wait3A_52 = arith.constant 9360 : i32
          %dma_wait3A_53 = arith.constant 0 : i32
          %dma_wait3A_54 = tpu.memref_slice %arg18[%dma_wait3A_52, %dma_wait3A_53] : memref<10000x96xf32, #tpu.memory_space<vmem_shared>> -> memref<640x96xf32, #tpu.memory_space<vmem_shared>>
          tpu.wait_dma2 semaphore(%run_scoped3A : memref<!tpu.dma_semaphore, #tpu.memory_space<semaphore_mem>>) src(%dma_wait3A_54 : memref<640x96xf32, #tpu.memory_space<vmem_shared>>) dst(%dma_wait3A_51 : memref<640x96xf32, #tpu.memory_space<hbm>>)
          tpu.yield
        }) : () -> ()
      } else {
      }
      %eq3A_40 = arith.constant 1 : i32
      %eq3A_41 = arith.cmpi eq, %arg0, %eq3A_40 : i32
      %convert_element_type3A_42 = arith.extui %eq3A_41 : i1 to i32
      %cond3A_43 = arith.constant 0 : i32
      %cond3A_44 = arith.cmpi ne, %convert_element_type3A_42, %cond3A_43 : i32
      scf.if %cond3A_44 {
        "tpu.region"() ({
          %run_scoped3A = tpu.sem_alloc : memref<!tpu.dma_semaphore, #tpu.memory_space<semaphore_mem>>
          %dma_start3A = arith.constant 9360 : i32
          %dma_start3A_45 = arith.constant 0 : i32
          %dma_start3A_46 = tpu.memref_slice %arg10[%dma_start3A, %dma_start3A_45] : memref<10000x96xf32, #tpu.memory_space<hbm>> -> memref<640x96xf32, #tpu.memory_space<hbm>>
          %dma_start3A_47 = arith.constant 9360 : i32
          %dma_start3A_48 = arith.constant 0 : i32
          %dma_start3A_49 = tpu.memref_slice %arg18[%dma_start3A_47, %dma_start3A_48] : memref<10000x96xf32, #tpu.memory_space<vmem_shared>> -> memref<640x96xf32, #tpu.memory_space<vmem_shared>>
          tpu.enqueue_dma source(%dma_start3A_49 : memref<640x96xf32, #tpu.memory_space<vmem_shared>>) target(%dma_start3A_46 : memref<640x96xf32, #tpu.memory_space<hbm>>) target_semaphore(%run_scoped3A : memref<!tpu.dma_semaphore, #tpu.memory_space<semaphore_mem>>)
          %dma_wait3A = arith.constant 9360 : i32
          %dma_wait3A_50 = arith.constant 0 : i32
          %dma_wait3A_51 = tpu.memref_slice %arg10[%dma_wait3A, %dma_wait3A_50] : memref<10000x96xf32, #tpu.memory_space<hbm>> -> memref<640x96xf32, #tpu.memory_space<hbm>>
          %dma_wait3A_52 = arith.constant 9360 : i32
          %dma_wait3A_53 = arith.constant 0 : i32
          %dma_wait3A_54 = tpu.memref_slice %arg18[%dma_wait3A_52, %dma_wait3A_53] : memref<10000x96xf32, #tpu.memory_space<vmem_shared>> -> memref<640x96xf32, #tpu.memory_space<vmem_shared>>
          tpu.wait_dma2 semaphore(%run_scoped3A : memref<!tpu.dma_semaphore, #tpu.memory_space<semaphore_mem>>) src(%dma_wait3A_54 : memref<640x96xf32, #tpu.memory_space<vmem_shared>>) dst(%dma_wait3A_51 : memref<640x96xf32, #tpu.memory_space<hbm>>)
          tpu.yield
        }) : () -> ()
      } else {
      }
    } else {
    }
    return
  }
}

#map = affine_map<(d0, d1) -> (0, 0)>
#map1 = affine_map<(d0, d1) -> (0)>
module attributes {stable_mosaic.version = 14 : i64} {
  func.func @body(%arg0: i32, %arg1: i32, %arg2: memref<10000x96xf32, #tpu.memory_space<hbm>>, %arg3: memref<10000x96xf32, #tpu.memory_space<hbm>>, %arg4: memref<160000xi32, #tpu.memory_space<hbm>>, %arg5: memref<160000xi32, #tpu.memory_space<hbm>>, %arg6: memref<10000x96xf32, #tpu.memory_space<hbm>>, %arg7: memref<10000x8xf32, #tpu.memory_space<hbm>>, %arg8: memref<128x8xf32, #tpu.memory_space<hbm>>, %arg9: memref<10000x96xf32, #tpu.memory_space<hbm>>, %arg10: memref<10000x96xf32, #tpu.memory_space<hbm>>, %arg11: memref<128xi32, #tpu.memory_space<vmem>>, %arg12: memref<128xi32, #tpu.memory_space<vmem>>, %arg13: memref<128x96xf32, #tpu.memory_space<vmem>>, %arg14: memref<16xi32, #tpu.memory_space<vmem>>, %arg15: memref<16xi32, #tpu.memory_space<vmem>>, %arg16: memref<16x96xf32, #tpu.memory_space<vmem>>, %arg17: memref<128x8xf32, #tpu.memory_space<vmem>>, %arg18: memref<10000x96xf32, #tpu.memory_space<vmem_shared>>, %arg19: memref<10000x8xf32, #tpu.memory_space<vmem_shared>>, %arg20: memref<!tpu.dma_semaphore, #tpu.memory_space<semaphore_mem>>) attributes {dimension_semantics = [#tpu.dimension_semantics<core_parallel>, #tpu.dimension_semantics<subcore_parallel>], iteration_bounds = array<i64: 2, 16>, scalar_prefetch = 0 : i64, scratch_operands = 10 : i64, tpu.core_type = #tpu.core_type<sc_vector_subcore>, window_params = [{transform_indices = #map}, {transform_indices = #map}, {transform_indices = #map1}, {transform_indices = #map1}, {transform_indices = #map}, {transform_indices = #map}, {transform_indices = #map}, {transform_indices = #map}, {transform_indices = #map}]} {
    %lt3A = arith.constant 15 : i32
    %lt3A_0 = arith.cmpi slt, %arg1, %lt3A : i32
    %convert_element_type3A = arith.extui %lt3A_0 : i1 to i32
    %cond3A = arith.constant 0 : i32
    %cond3A_1 = arith.cmpi ne, %convert_element_type3A, %cond3A : i32
    scf.if %cond3A_1 {
      %mul3A_35 = arith.constant 624 : i32
      %mul3A_36 = arith.muli %arg1, %mul3A_35 : i32
      %multiple_of3A = tpu.assume_multiple %mul3A_36, 8 : i32
      "tpu.region"() ({
        %run_scoped3A = tpu.sem_alloc : memref<!tpu.dma_semaphore, #tpu.memory_space<semaphore_mem>>
        %dma_start3A = arith.constant 0 : i32
        %dma_start3A_37 = tpu.memref_slice %arg18[%multiple_of3A, %dma_start3A] : memref<10000x96xf32, #tpu.memory_space<vmem_shared>> -> memref<624x96xf32, #tpu.memory_space<vmem_shared>>
        %dma_start3A_38 = arith.constant 0 : i32
        %dma_start3A_39 = tpu.memref_slice %arg6[%multiple_of3A, %dma_start3A_38] : memref<10000x96xf32, #tpu.memory_space<hbm>> -> memref<624x96xf32, #tpu.memory_space<hbm>>
        tpu.enqueue_dma source(%dma_start3A_39 : memref<624x96xf32, #tpu.memory_space<hbm>>) target(%dma_start3A_37 : memref<624x96xf32, #tpu.memory_space<vmem_shared>>) target_semaphore(%run_scoped3A : memref<!tpu.dma_semaphore, #tpu.memory_space<semaphore_mem>>)
        %dma_wait3A = arith.constant 0 : i32
        %dma_wait3A_40 = tpu.memref_slice %arg18[%multiple_of3A, %dma_wait3A] : memref<10000x96xf32, #tpu.memory_space<vmem_shared>> -> memref<624x96xf32, #tpu.memory_space<vmem_shared>>
        %dma_wait3A_41 = arith.constant 0 : i32
        %dma_wait3A_42 = tpu.memref_slice %arg6[%multiple_of3A, %dma_wait3A_41] : memref<10000x96xf32, #tpu.memory_space<hbm>> -> memref<624x96xf32, #tpu.memory_space<hbm>>
        tpu.wait_dma2 semaphore(%run_scoped3A : memref<!tpu.dma_semaphore, #tpu.memory_space<semaphore_mem>>) src(%dma_wait3A_42 : memref<624x96xf32, #tpu.memory_space<hbm>>) dst(%dma_wait3A_40 : memref<624x96xf32, #tpu.memory_space<vmem_shared>>)
        tpu.yield
      }) : () -> ()
    } else {
    }
    %eq3A = arith.constant 15 : i32
    %eq3A_2 = arith.cmpi eq, %arg1, %eq3A : i32
    %convert_element_type3A_3 = arith.extui %eq3A_2 : i1 to i32
    %cond3A_4 = arith.constant 0 : i32
    %cond3A_5 = arith.cmpi ne, %convert_element_type3A_3, %cond3A_4 : i32
    scf.if %cond3A_5 {
      "tpu.region"() ({
        %run_scoped3A = tpu.sem_alloc : memref<!tpu.dma_semaphore, #tpu.memory_space<semaphore_mem>>
        %dma_start3A = arith.constant 9360 : i32
        %dma_start3A_35 = arith.constant 0 : i32
        %dma_start3A_36 = tpu.memref_slice %arg18[%dma_start3A, %dma_start3A_35] : memref<10000x96xf32, #tpu.memory_space<vmem_shared>> -> memref<640x96xf32, #tpu.memory_space<vmem_shared>>
        %dma_start3A_37 = arith.constant 9360 : i32
        %dma_start3A_38 = arith.constant 0 : i32
        %dma_start3A_39 = tpu.memref_slice %arg6[%dma_start3A_37, %dma_start3A_38] : memref<10000x96xf32, #tpu.memory_space<hbm>> -> memref<640x96xf32, #tpu.memory_space<hbm>>
        tpu.enqueue_dma source(%dma_start3A_39 : memref<640x96xf32, #tpu.memory_space<hbm>>) target(%dma_start3A_36 : memref<640x96xf32, #tpu.memory_space<vmem_shared>>) target_semaphore(%run_scoped3A : memref<!tpu.dma_semaphore, #tpu.memory_space<semaphore_mem>>)
        %dma_wait3A = arith.constant 9360 : i32
        %dma_wait3A_40 = arith.constant 0 : i32
        %dma_wait3A_41 = tpu.memref_slice %arg18[%dma_wait3A, %dma_wait3A_40] : memref<10000x96xf32, #tpu.memory_space<vmem_shared>> -> memref<640x96xf32, #tpu.memory_space<vmem_shared>>
        %dma_wait3A_42 = arith.constant 9360 : i32
        %dma_wait3A_43 = arith.constant 0 : i32
        %dma_wait3A_44 = tpu.memref_slice %arg6[%dma_wait3A_42, %dma_wait3A_43] : memref<10000x96xf32, #tpu.memory_space<hbm>> -> memref<640x96xf32, #tpu.memory_space<hbm>>
        tpu.wait_dma2 semaphore(%run_scoped3A : memref<!tpu.dma_semaphore, #tpu.memory_space<semaphore_mem>>) src(%dma_wait3A_44 : memref<640x96xf32, #tpu.memory_space<hbm>>) dst(%dma_wait3A_41 : memref<640x96xf32, #tpu.memory_space<vmem_shared>>)
        tpu.yield
      }) : () -> ()
    } else {
    }
    %barrier3A = arith.constant 0 : index
    tpu.barrier barrier_id(%barrier3A)
    %mul3A = arith.constant 10000 : i32
    %mul3A_6 = arith.muli %arg1, %mul3A : i32
    %scan3A = arith.constant 0 : i32
    %scan3A_7 = arith.constant 0 : i32
    %scan3A_8 = arith.constant 78 : i32
    %scan3A_9 = arith.addi %scan3A_7, %scan3A_8 : i32
    %scan3A_10 = arith.constant 1 : i32
    %scan3A_11 = scf.for %scan3A_35 = %scan3A_7 to %scan3A_9 step %scan3A_10 iter_args(%scan3A_36 = %scan3A) -> (i32)  : i32 {
      %mul3A_37 = arith.constant 128 : i32
      %mul3A_38 = arith.muli %scan3A_35, %mul3A_37 : i32
      %add3A_39 = arith.addi %mul3A_6, %mul3A_38 : i32
      "tpu.region"() ({
        %run_scoped3A = tpu.sem_alloc : memref<!tpu.dma_semaphore, #tpu.memory_space<semaphore_mem>>
        %dma_start3A = tpu.memref_slice %arg4[%add3A_39] : memref<160000xi32, #tpu.memory_space<hbm>> -> memref<128xi32, #tpu.memory_space<hbm>>
        %dma_start3A_51 = tpu.memref_slice %arg4[%add3A_39] : memref<160000xi32, #tpu.memory_space<hbm>> -> memref<128xi32, #tpu.memory_space<hbm>>
        tpu.enqueue_dma source(%dma_start3A_51 : memref<128xi32, #tpu.memory_space<hbm>>) target(%arg11 : memref<128xi32, #tpu.memory_space<vmem>>) target_semaphore(%run_scoped3A : memref<!tpu.dma_semaphore, #tpu.memory_space<semaphore_mem>>)
        %dma_wait3A = tpu.memref_slice %arg4[%add3A_39] : memref<160000xi32, #tpu.memory_space<hbm>> -> memref<128xi32, #tpu.memory_space<hbm>>
        %dma_wait3A_52 = tpu.memref_slice %arg4[%add3A_39] : memref<160000xi32, #tpu.memory_space<hbm>> -> memref<128xi32, #tpu.memory_space<hbm>>
        tpu.wait_dma2 semaphore(%run_scoped3A : memref<!tpu.dma_semaphore, #tpu.memory_space<semaphore_mem>>) src(%dma_wait3A_52 : memref<128xi32, #tpu.memory_space<hbm>>) dst(%arg11 : memref<128xi32, #tpu.memory_space<vmem>>)
        tpu.yield
      }) : () -> ()
      "tpu.region"() ({
        %run_scoped3A = tpu.sem_alloc : memref<!tpu.dma_semaphore, #tpu.memory_space<semaphore_mem>>
        %dma_start3A = tpu.memref_slice %arg5[%add3A_39] : memref<160000xi32, #tpu.memory_space<hbm>> -> memref<128xi32, #tpu.memory_space<hbm>>
        %dma_start3A_51 = tpu.memref_slice %arg5[%add3A_39] : memref<160000xi32, #tpu.memory_space<hbm>> -> memref<128xi32, #tpu.memory_space<hbm>>
        tpu.enqueue_dma source(%dma_start3A_51 : memref<128xi32, #tpu.memory_space<hbm>>) target(%arg12 : memref<128xi32, #tpu.memory_space<vmem>>) target_semaphore(%run_scoped3A : memref<!tpu.dma_semaphore, #tpu.memory_space<semaphore_mem>>)
        %dma_wait3A = tpu.memref_slice %arg5[%add3A_39] : memref<160000xi32, #tpu.memory_space<hbm>> -> memref<128xi32, #tpu.memory_space<hbm>>
        %dma_wait3A_52 = tpu.memref_slice %arg5[%add3A_39] : memref<160000xi32, #tpu.memory_space<hbm>> -> memref<128xi32, #tpu.memory_space<hbm>>
        tpu.wait_dma2 semaphore(%run_scoped3A : memref<!tpu.dma_semaphore, #tpu.memory_space<semaphore_mem>>) src(%dma_wait3A_52 : memref<128xi32, #tpu.memory_space<hbm>>) dst(%arg12 : memref<128xi32, #tpu.memory_space<vmem>>)
        tpu.yield
      }) : () -> ()
      %eq3A_40 = arith.constant 0 : i32
      %eq3A_41 = arith.cmpi eq, %arg0, %eq3A_40 : i32
      %convert_element_type3A_42 = arith.extui %eq3A_41 : i1 to i32
      %cond3A_43 = arith.constant 0 : i32
      %cond3A_44 = arith.cmpi ne, %convert_element_type3A_42, %cond3A_43 : i32
      scf.if %cond3A_44 {
        %dma_start3A = arith.constant 0 : i32
        %dma_start3A_51 = arith.constant 0 : i32
        %dma_start3A_52 = tpu.memref_slice %arg2[%dma_start3A, %dma_start3A_51] : memref<10000x96xf32, #tpu.memory_space<hbm>> -> memref<10000x96xf32, #tpu.memory_space<hbm>>
        tpu.enqueue_indirect_dma source(%dma_start3A_52 : memref<10000x96xf32, #tpu.memory_space<hbm>>) target(%arg13 : memref<128x96xf32, #tpu.memory_space<vmem>>) offsets(%arg11 : memref<128xi32, #tpu.memory_space<vmem>>) semaphore(%arg20 : memref<!tpu.dma_semaphore, #tpu.memory_space<semaphore_mem>>)
        %dma_wait3A = arith.constant 0 : i32
        %dma_wait3A_53 = arith.constant 0 : i32
        %dma_wait3A_54 = tpu.memref_slice %arg2[%dma_wait3A, %dma_wait3A_53] : memref<10000x96xf32, #tpu.memory_space<hbm>> -> memref<10000x96xf32, #tpu.memory_space<hbm>>
        tpu.wait_indirect_dma semaphore(%arg20 : memref<!tpu.dma_semaphore, #tpu.memory_space<semaphore_mem>>) src(%dma_wait3A_54 : memref<10000x96xf32, #tpu.memory_space<hbm>>) dst(%arg13 : memref<128x96xf32, #tpu.memory_space<vmem>>)
      } else {
      }
      %eq3A_45 = arith.constant 1 : i32
      %eq3A_46 = arith.cmpi eq, %arg0, %eq3A_45 : i32
      %convert_element_type3A_47 = arith.extui %eq3A_46 : i1 to i32
      %cond3A_48 = arith.constant 0 : i32
      %cond3A_49 = arith.cmpi ne, %convert_element_type3A_47, %cond3A_48 : i32
      scf.if %cond3A_49 {
        %dma_start3A = arith.constant 0 : i32
        %dma_start3A_51 = arith.constant 0 : i32
        %dma_start3A_52 = tpu.memref_slice %arg3[%dma_start3A, %dma_start3A_51] : memref<10000x96xf32, #tpu.memory_space<hbm>> -> memref<10000x96xf32, #tpu.memory_space<hbm>>
        tpu.enqueue_indirect_dma source(%dma_start3A_52 : memref<10000x96xf32, #tpu.memory_space<hbm>>) target(%arg13 : memref<128x96xf32, #tpu.memory_space<vmem>>) offsets(%arg11 : memref<128xi32, #tpu.memory_space<vmem>>) semaphore(%arg20 : memref<!tpu.dma_semaphore, #tpu.memory_space<semaphore_mem>>)
        %dma_wait3A = arith.constant 0 : i32
        %dma_wait3A_53 = arith.constant 0 : i32
        %dma_wait3A_54 = tpu.memref_slice %arg3[%dma_wait3A, %dma_wait3A_53] : memref<10000x96xf32, #tpu.memory_space<hbm>> -> memref<10000x96xf32, #tpu.memory_space<hbm>>
        tpu.wait_indirect_dma semaphore(%arg20 : memref<!tpu.dma_semaphore, #tpu.memory_space<semaphore_mem>>) src(%dma_wait3A_54 : memref<10000x96xf32, #tpu.memory_space<hbm>>) dst(%arg13 : memref<128x96xf32, #tpu.memory_space<vmem>>)
      } else {
      }
      "tpu.region"() ({
        %run_scoped3A = tpu.sem_alloc : memref<!tpu.dma_semaphore, #tpu.memory_space<semaphore_mem>>
        %dma_start3A = arith.constant 0 : i32
        %dma_start3A_51 = arith.constant 0 : i32
        %dma_start3A_52 = tpu.memref_slice %arg18[%dma_start3A, %dma_start3A_51] : memref<10000x96xf32, #tpu.memory_space<vmem_shared>> -> memref<10000x96xf32, #tpu.memory_space<vmem_shared>>
        tpu.enqueue_indirect_dma source(%arg13 : memref<128x96xf32, #tpu.memory_space<vmem>>) target(%dma_start3A_52 : memref<10000x96xf32, #tpu.memory_space<vmem_shared>>) offsets(%arg12 : memref<128xi32, #tpu.memory_space<vmem>>) semaphore(%run_scoped3A : memref<!tpu.dma_semaphore, #tpu.memory_space<semaphore_mem>>) {add = true}
        %dma_wait3A = arith.constant 0 : i32
        %dma_wait3A_53 = arith.constant 0 : i32
        %dma_wait3A_54 = tpu.memref_slice %arg18[%dma_wait3A, %dma_wait3A_53] : memref<10000x96xf32, #tpu.memory_space<vmem_shared>> -> memref<10000x96xf32, #tpu.memory_space<vmem_shared>>
        tpu.wait_indirect_dma semaphore(%run_scoped3A : memref<!tpu.dma_semaphore, #tpu.memory_space<semaphore_mem>>) src(%arg13 : memref<128x96xf32, #tpu.memory_space<vmem>>) dst(%dma_wait3A_54 : memref<10000x96xf32, #tpu.memory_space<vmem_shared>>)
        tpu.yield
      }) : () -> ()
      %scan3A_50 = arith.constant 0 : i32
      scf.yield %scan3A_50 : i32
    }
    %scan3A_12 = arith.constant 78 : i32
    %add3A = arith.constant 9984 : i32
    %add3A_13 = arith.addi %mul3A_6, %add3A : i32
    "tpu.region"() ({
      %run_scoped3A = tpu.sem_alloc : memref<!tpu.dma_semaphore, #tpu.memory_space<semaphore_mem>>
      %dma_start3A = tpu.memref_slice %arg4[%add3A_13] : memref<160000xi32, #tpu.memory_space<hbm>> -> memref<16xi32, #tpu.memory_space<hbm>>
      %dma_start3A_35 = tpu.memref_slice %arg4[%add3A_13] : memref<160000xi32, #tpu.memory_space<hbm>> -> memref<16xi32, #tpu.memory_space<hbm>>
      tpu.enqueue_dma source(%dma_start3A_35 : memref<16xi32, #tpu.memory_space<hbm>>) target(%arg14 : memref<16xi32, #tpu.memory_space<vmem>>) target_semaphore(%run_scoped3A : memref<!tpu.dma_semaphore, #tpu.memory_space<semaphore_mem>>)
      %dma_wait3A = tpu.memref_slice %arg4[%add3A_13] : memref<160000xi32, #tpu.memory_space<hbm>> -> memref<16xi32, #tpu.memory_space<hbm>>
      %dma_wait3A_36 = tpu.memref_slice %arg4[%add3A_13] : memref<160000xi32, #tpu.memory_space<hbm>> -> memref<16xi32, #tpu.memory_space<hbm>>
      tpu.wait_dma2 semaphore(%run_scoped3A : memref<!tpu.dma_semaphore, #tpu.memory_space<semaphore_mem>>) src(%dma_wait3A_36 : memref<16xi32, #tpu.memory_space<hbm>>) dst(%arg14 : memref<16xi32, #tpu.memory_space<vmem>>)
      tpu.yield
    }) : () -> ()
    "tpu.region"() ({
      %run_scoped3A = tpu.sem_alloc : memref<!tpu.dma_semaphore, #tpu.memory_space<semaphore_mem>>
      %dma_start3A = tpu.memref_slice %arg5[%add3A_13] : memref<160000xi32, #tpu.memory_space<hbm>> -> memref<16xi32, #tpu.memory_space<hbm>>
      %dma_start3A_35 = tpu.memref_slice %arg5[%add3A_13] : memref<160000xi32, #tpu.memory_space<hbm>> -> memref<16xi32, #tpu.memory_space<hbm>>
      tpu.enqueue_dma source(%dma_start3A_35 : memref<16xi32, #tpu.memory_space<hbm>>) target(%arg15 : memref<16xi32, #tpu.memory_space<vmem>>) target_semaphore(%run_scoped3A : memref<!tpu.dma_semaphore, #tpu.memory_space<semaphore_mem>>)
      %dma_wait3A = tpu.memref_slice %arg5[%add3A_13] : memref<160000xi32, #tpu.memory_space<hbm>> -> memref<16xi32, #tpu.memory_space<hbm>>
      %dma_wait3A_36 = tpu.memref_slice %arg5[%add3A_13] : memref<160000xi32, #tpu.memory_space<hbm>> -> memref<16xi32, #tpu.memory_space<hbm>>
      tpu.wait_dma2 semaphore(%run_scoped3A : memref<!tpu.dma_semaphore, #tpu.memory_space<semaphore_mem>>) src(%dma_wait3A_36 : memref<16xi32, #tpu.memory_space<hbm>>) dst(%arg15 : memref<16xi32, #tpu.memory_space<vmem>>)
      tpu.yield
    }) : () -> ()
    %eq3A_14 = arith.constant 0 : i32
    %eq3A_15 = arith.cmpi eq, %arg0, %eq3A_14 : i32
    %convert_element_type3A_16 = arith.extui %eq3A_15 : i1 to i32
    %cond3A_17 = arith.constant 0 : i32
    %cond3A_18 = arith.cmpi ne, %convert_element_type3A_16, %cond3A_17 : i32
    scf.if %cond3A_18 {
      %dma_start3A = arith.constant 0 : i32
      %dma_start3A_35 = arith.constant 0 : i32
      %dma_start3A_36 = tpu.memref_slice %arg2[%dma_start3A, %dma_start3A_35] : memref<10000x96xf32, #tpu.memory_space<hbm>> -> memref<10000x96xf32, #tpu.memory_space<hbm>>
      tpu.enqueue_indirect_dma source(%dma_start3A_36 : memref<10000x96xf32, #tpu.memory_space<hbm>>) target(%arg16 : memref<16x96xf32, #tpu.memory_space<vmem>>) offsets(%arg14 : memref<16xi32, #tpu.memory_space<vmem>>) semaphore(%arg20 : memref<!tpu.dma_semaphore, #tpu.memory_space<semaphore_mem>>)
      %dma_wait3A = arith.constant 0 : i32
      %dma_wait3A_37 = arith.constant 0 : i32
      %dma_wait3A_38 = tpu.memref_slice %arg2[%dma_wait3A, %dma_wait3A_37] : memref<10000x96xf32, #tpu.memory_space<hbm>> -> memref<10000x96xf32, #tpu.memory_space<hbm>>
      tpu.wait_indirect_dma semaphore(%arg20 : memref<!tpu.dma_semaphore, #tpu.memory_space<semaphore_mem>>) src(%dma_wait3A_38 : memref<10000x96xf32, #tpu.memory_space<hbm>>) dst(%arg16 : memref<16x96xf32, #tpu.memory_space<vmem>>)
    } else {
    }
    %eq3A_19 = arith.constant 1 : i32
    %eq3A_20 = arith.cmpi eq, %arg0, %eq3A_19 : i32
    %convert_element_type3A_21 = arith.extui %eq3A_20 : i1 to i32
    %cond3A_22 = arith.constant 0 : i32
    %cond3A_23 = arith.cmpi ne, %convert_element_type3A_21, %cond3A_22 : i32
    scf.if %cond3A_23 {
      %dma_start3A = arith.constant 0 : i32
      %dma_start3A_35 = arith.constant 0 : i32
      %dma_start3A_36 = tpu.memref_slice %arg3[%dma_start3A, %dma_start3A_35] : memref<10000x96xf32, #tpu.memory_space<hbm>> -> memref<10000x96xf32, #tpu.memory_space<hbm>>
      tpu.enqueue_indirect_dma source(%dma_start3A_36 : memref<10000x96xf32, #tpu.memory_space<hbm>>) target(%arg16 : memref<16x96xf32, #tpu.memory_space<vmem>>) offsets(%arg14 : memref<16xi32, #tpu.memory_space<vmem>>) semaphore(%arg20 : memref<!tpu.dma_semaphore, #tpu.memory_space<semaphore_mem>>)
      %dma_wait3A = arith.constant 0 : i32
      %dma_wait3A_37 = arith.constant 0 : i32
      %dma_wait3A_38 = tpu.memref_slice %arg3[%dma_wait3A, %dma_wait3A_37] : memref<10000x96xf32, #tpu.memory_space<hbm>> -> memref<10000x96xf32, #tpu.memory_space<hbm>>
      tpu.wait_indirect_dma semaphore(%arg20 : memref<!tpu.dma_semaphore, #tpu.memory_space<semaphore_mem>>) src(%dma_wait3A_38 : memref<10000x96xf32, #tpu.memory_space<hbm>>) dst(%arg16 : memref<16x96xf32, #tpu.memory_space<vmem>>)
    } else {
    }
    "tpu.region"() ({
      %run_scoped3A = tpu.sem_alloc : memref<!tpu.dma_semaphore, #tpu.memory_space<semaphore_mem>>
      %dma_start3A = arith.constant 0 : i32
      %dma_start3A_35 = arith.constant 0 : i32
      %dma_start3A_36 = tpu.memref_slice %arg18[%dma_start3A, %dma_start3A_35] : memref<10000x96xf32, #tpu.memory_space<vmem_shared>> -> memref<10000x96xf32, #tpu.memory_space<vmem_shared>>
      tpu.enqueue_indirect_dma source(%arg16 : memref<16x96xf32, #tpu.memory_space<vmem>>) target(%dma_start3A_36 : memref<10000x96xf32, #tpu.memory_space<vmem_shared>>) offsets(%arg15 : memref<16xi32, #tpu.memory_space<vmem>>) semaphore(%run_scoped3A : memref<!tpu.dma_semaphore, #tpu.memory_space<semaphore_mem>>) {add = true}
      %dma_wait3A = arith.constant 0 : i32
      %dma_wait3A_37 = arith.constant 0 : i32
      %dma_wait3A_38 = tpu.memref_slice %arg18[%dma_wait3A, %dma_wait3A_37] : memref<10000x96xf32, #tpu.memory_space<vmem_shared>> -> memref<10000x96xf32, #tpu.memory_space<vmem_shared>>
      tpu.wait_indirect_dma semaphore(%run_scoped3A : memref<!tpu.dma_semaphore, #tpu.memory_space<semaphore_mem>>) src(%arg16 : memref<16x96xf32, #tpu.memory_space<vmem>>) dst(%dma_wait3A_38 : memref<10000x96xf32, #tpu.memory_space<vmem_shared>>)
      tpu.yield
    }) : () -> ()
    %barrier3A_24 = arith.constant 0 : index
    tpu.barrier barrier_id(%barrier3A_24)
    %lt3A_25 = arith.constant 15 : i32
    %lt3A_26 = arith.cmpi slt, %arg1, %lt3A_25 : i32
    %convert_element_type3A_27 = arith.extui %lt3A_26 : i1 to i32
    %cond3A_28 = arith.constant 0 : i32
    %cond3A_29 = arith.cmpi ne, %convert_element_type3A_27, %cond3A_28 : i32
    scf.if %cond3A_29 {
      %mul3A_35 = arith.constant 624 : i32
      %mul3A_36 = arith.muli %arg1, %mul3A_35 : i32
      %multiple_of3A = tpu.assume_multiple %mul3A_36, 8 : i32
      %eq3A_37 = arith.constant 0 : i32
      %eq3A_38 = arith.cmpi eq, %arg0, %eq3A_37 : i32
      %convert_element_type3A_39 = arith.extui %eq3A_38 : i1 to i32
      %cond3A_40 = arith.constant 0 : i32
      %cond3A_41 = arith.cmpi ne, %convert_element_type3A_39, %cond3A_40 : i32
      scf.if %cond3A_41 {
        "tpu.region"() ({
          %run_scoped3A = tpu.sem_alloc : memref<!tpu.dma_semaphore, #tpu.memory_space<semaphore_mem>>
          %dma_start3A = arith.constant 0 : i32
          %dma_start3A_47 = tpu.memref_slice %arg9[%multiple_of3A, %dma_start3A] : memref<10000x96xf32, #tpu.memory_space<hbm>> -> memref<624x96xf32, #tpu.memory_space<hbm>>
          %dma_start3A_48 = arith.constant 0 : i32
          %dma_start3A_49 = tpu.memref_slice %arg18[%multiple_of3A, %dma_start3A_48] : memref<10000x96xf32, #tpu.memory_space<vmem_shared>> -> memref<624x96xf32, #tpu.memory_space<vmem_shared>>
          tpu.enqueue_dma source(%dma_start3A_49 : memref<624x96xf32, #tpu.memory_space<vmem_shared>>) target(%dma_start3A_47 : memref<624x96xf32, #tpu.memory_space<hbm>>) target_semaphore(%run_scoped3A : memref<!tpu.dma_semaphore, #tpu.memory_space<semaphore_mem>>)
          %dma_wait3A = arith.constant 0 : i32
          %dma_wait3A_50 = tpu.memref_slice %arg9[%multiple_of3A, %dma_wait3A] : memref<10000x96xf32, #tpu.memory_space<hbm>> -> memref<624x96xf32, #tpu.memory_space<hbm>>
          %dma_wait3A_51 = arith.constant 0 : i32
          %dma_wait3A_52 = tpu.memref_slice %arg18[%multiple_of3A, %dma_wait3A_51] : memref<10000x96xf32, #tpu.memory_space<vmem_shared>> -> memref<624x96xf32, #tpu.memory_space<vmem_shared>>
          tpu.wait_dma2 semaphore(%run_scoped3A : memref<!tpu.dma_semaphore, #tpu.memory_space<semaphore_mem>>) src(%dma_wait3A_52 : memref<624x96xf32, #tpu.memory_space<vmem_shared>>) dst(%dma_wait3A_50 : memref<624x96xf32, #tpu.memory_space<hbm>>)
          tpu.yield
        }) : () -> ()
      } else {
      }
      %eq3A_42 = arith.constant 1 : i32
      %eq3A_43 = arith.cmpi eq, %arg0, %eq3A_42 : i32
      %convert_element_type3A_44 = arith.extui %eq3A_43 : i1 to i32
      %cond3A_45 = arith.constant 0 : i32
      %cond3A_46 = arith.cmpi ne, %convert_element_type3A_44, %cond3A_45 : i32
      scf.if %cond3A_46 {
        "tpu.region"() ({
          %run_scoped3A = tpu.sem_alloc : memref<!tpu.dma_semaphore, #tpu.memory_space<semaphore_mem>>
          %dma_start3A = arith.constant 0 : i32
          %dma_start3A_47 = tpu.memref_slice %arg10[%multiple_of3A, %dma_start3A] : memref<10000x96xf32, #tpu.memory_space<hbm>> -> memref<624x96xf32, #tpu.memory_space<hbm>>
          %dma_start3A_48 = arith.constant 0 : i32
          %dma_start3A_49 = tpu.memref_slice %arg18[%multiple_of3A, %dma_start3A_48] : memref<10000x96xf32, #tpu.memory_space<vmem_shared>> -> memref<624x96xf32, #tpu.memory_space<vmem_shared>>
          tpu.enqueue_dma source(%dma_start3A_49 : memref<624x96xf32, #tpu.memory_space<vmem_shared>>) target(%dma_start3A_47 : memref<624x96xf32, #tpu.memory_space<hbm>>) target_semaphore(%run_scoped3A : memref<!tpu.dma_semaphore, #tpu.memory_space<semaphore_mem>>)
          %dma_wait3A = arith.constant 0 : i32
          %dma_wait3A_50 = tpu.memref_slice %arg10[%multiple_of3A, %dma_wait3A] : memref<10000x96xf32, #tpu.memory_space<hbm>> -> memref<624x96xf32, #tpu.memory_space<hbm>>
          %dma_wait3A_51 = arith.constant 0 : i32
          %dma_wait3A_52 = tpu.memref_slice %arg18[%multiple_of3A, %dma_wait3A_51] : memref<10000x96xf32, #tpu.memory_space<vmem_shared>> -> memref<624x96xf32, #tpu.memory_space<vmem_shared>>
          tpu.wait_dma2 semaphore(%run_scoped3A : memref<!tpu.dma_semaphore, #tpu.memory_space<semaphore_mem>>) src(%dma_wait3A_52 : memref<624x96xf32, #tpu.memory_space<vmem_shared>>) dst(%dma_wait3A_50 : memref<624x96xf32, #tpu.memory_space<hbm>>)
          tpu.yield
        }) : () -> ()
      } else {
      }
    } else {
    }
    %eq3A_30 = arith.constant 15 : i32
    %eq3A_31 = arith.cmpi eq, %arg1, %eq3A_30 : i32
    %convert_element_type3A_32 = arith.extui %eq3A_31 : i1 to i32
    %cond3A_33 = arith.constant 0 : i32
    %cond3A_34 = arith.cmpi ne, %convert_element_type3A_32, %cond3A_33 : i32
    scf.if %cond3A_34 {
      %eq3A_35 = arith.constant 0 : i32
      %eq3A_36 = arith.cmpi eq, %arg0, %eq3A_35 : i32
      %convert_element_type3A_37 = arith.extui %eq3A_36 : i1 to i32
      %cond3A_38 = arith.constant 0 : i32
      %cond3A_39 = arith.cmpi ne, %convert_element_type3A_37, %cond3A_38 : i32
      scf.if %cond3A_39 {
        "tpu.region"() ({
          %run_scoped3A = tpu.sem_alloc : memref<!tpu.dma_semaphore, #tpu.memory_space<semaphore_mem>>
          %dma_start3A = arith.constant 9360 : i32
          %dma_start3A_45 = arith.constant 0 : i32
          %dma_start3A_46 = tpu.memref_slice %arg9[%dma_start3A, %dma_start3A_45] : memref<10000x96xf32, #tpu.memory_space<hbm>> -> memref<640x96xf32, #tpu.memory_space<hbm>>
          %dma_start3A_47 = arith.constant 9360 : i32
          %dma_start3A_48 = arith.constant 0 : i32
          %dma_start3A_49 = tpu.memref_slice %arg18[%dma_start3A_47, %dma_start3A_48] : memref<10000x96xf32, #tpu.memory_space<vmem_shared>> -> memref<640x96xf32, #tpu.memory_space<vmem_shared>>
          tpu.enqueue_dma source(%dma_start3A_49 : memref<640x96xf32, #tpu.memory_space<vmem_shared>>) target(%dma_start3A_46 : memref<640x96xf32, #tpu.memory_space<hbm>>) target_semaphore(%run_scoped3A : memref<!tpu.dma_semaphore, #tpu.memory_space<semaphore_mem>>)
          %dma_wait3A = arith.constant 9360 : i32
          %dma_wait3A_50 = arith.constant 0 : i32
          %dma_wait3A_51 = tpu.memref_slice %arg9[%dma_wait3A, %dma_wait3A_50] : memref<10000x96xf32, #tpu.memory_space<hbm>> -> memref<640x96xf32, #tpu.memory_space<hbm>>
          %dma_wait3A_52 = arith.constant 9360 : i32
          %dma_wait3A_53 = arith.constant 0 : i32
          %dma_wait3A_54 = tpu.memref_slice %arg18[%dma_wait3A_52, %dma_wait3A_53] : memref<10000x96xf32, #tpu.memory_space<vmem_shared>> -> memref<640x96xf32, #tpu.memory_space<vmem_shared>>
          tpu.wait_dma2 semaphore(%run_scoped3A : memref<!tpu.dma_semaphore, #tpu.memory_space<semaphore_mem>>) src(%dma_wait3A_54 : memref<640x96xf32, #tpu.memory_space<vmem_shared>>) dst(%dma_wait3A_51 : memref<640x96xf32, #tpu.memory_space<hbm>>)
          tpu.yield
        }) : () -> ()
      } else {
      }
      %eq3A_40 = arith.constant 1 : i32
      %eq3A_41 = arith.cmpi eq, %arg0, %eq3A_40 : i32
      %convert_element_type3A_42 = arith.extui %eq3A_41 : i1 to i32
      %cond3A_43 = arith.constant 0 : i32
      %cond3A_44 = arith.cmpi ne, %convert_element_type3A_42, %cond3A_43 : i32
      scf.if %cond3A_44 {
        "tpu.region"() ({
          %run_scoped3A = tpu.sem_alloc : memref<!tpu.dma_semaphore, #tpu.memory_space<semaphore_mem>>
          %dma_start3A = arith.constant 9360 : i32
          %dma_start3A_45 = arith.constant 0 : i32
          %dma_start3A_46 = tpu.memref_slice %arg10[%dma_start3A, %dma_start3A_45] : memref<10000x96xf32, #tpu.memory_space<hbm>> -> memref<640x96xf32, #tpu.memory_space<hbm>>
          %dma_start3A_47 = arith.constant 9360 : i32
          %dma_start3A_48 = arith.constant 0 : i32
          %dma_start3A_49 = tpu.memref_slice %arg18[%dma_start3A_47, %dma_start3A_48] : memref<10000x96xf32, #tpu.memory_space<vmem_shared>> -> memref<640x96xf32, #tpu.memory_space<vmem_shared>>
          tpu.enqueue_dma source(%dma_start3A_49 : memref<640x96xf32, #tpu.memory_space<vmem_shared>>) target(%dma_start3A_46 : memref<640x96xf32, #tpu.memory_space<hbm>>) target_semaphore(%run_scoped3A : memref<!tpu.dma_semaphore, #tpu.memory_space<semaphore_mem>>)
          %dma_wait3A = arith.constant 9360 : i32
          %dma_wait3A_50 = arith.constant 0 : i32
          %dma_wait3A_51 = tpu.memref_slice %arg10[%dma_wait3A, %dma_wait3A_50] : memref<10000x96xf32, #tpu.memory_space<hbm>> -> memref<640x96xf32, #tpu.memory_space<hbm>>
          %dma_wait3A_52 = arith.constant 9360 : i32
          %dma_wait3A_53 = arith.constant 0 : i32
          %dma_wait3A_54 = tpu.memref_slice %arg18[%dma_wait3A_52, %dma_wait3A_53] : memref<10000x96xf32, #tpu.memory_space<vmem_shared>> -> memref<640x96xf32, #tpu.memory_space<vmem_shared>>
          tpu.wait_dma2 semaphore(%run_scoped3A : memref<!tpu.dma_semaphore, #tpu.memory_space<semaphore_mem>>) src(%dma_wait3A_54 : memref<640x96xf32, #tpu.memory_space<vmem_shared>>) dst(%dma_wait3A_51 : memref<640x96xf32, #tpu.memory_space<hbm>>)
          tpu.yield
        }) : () -> ()
      } else {
      }
    } else {
    }
    return
  }
}

module attributes {stable_mosaic.version = 14 : i64} {
  func.func @_encode_body(%arg0: i32, %arg1: memref<1000x8xf32, #tpu.memory_space<vmem>>, %arg2: memref<1000x128xf32, #tpu.memory_space<vmem>>, %arg3: memref<1x128xf32, #tpu.memory_space<vmem>>, %arg4: memref<1x128xf32, #tpu.memory_space<vmem>>, %arg5: memref<1x128xf32, #tpu.memory_space<vmem>>, %arg6: memref<1x128xf32, #tpu.memory_space<vmem>>, %arg7: memref<1x512xf32, #tpu.memory_space<vmem>>, %arg8: memref<1x512xf32, #tpu.memory_space<vmem>>, %arg9: memref<128x128xf32, #tpu.memory_space<vmem>>, %arg10: memref<1x128xf32, #tpu.memory_space<vmem>>, %arg11: memref<128x128xf32, #tpu.memory_space<vmem>>, %arg12: memref<1x128xf32, #tpu.memory_space<vmem>>, %arg13: memref<128x128xf32, #tpu.memory_space<vmem>>, %arg14: memref<1x128xf32, #tpu.memory_space<vmem>>, %arg15: memref<128x128xf32, #tpu.memory_space<vmem>>, %arg16: memref<1x128xf32, #tpu.memory_space<vmem>>, %arg17: memref<3x128x128xf32, #tpu.memory_space<vmem>>, %arg18: memref<1x128xf32, #tpu.memory_space<vmem>>, %arg19: memref<128x128xf32, #tpu.memory_space<vmem>>, %arg20: memref<1x128xf32, #tpu.memory_space<vmem>>, %arg21: memref<128x128xf32, #tpu.memory_space<vmem>>, %arg22: memref<1x128xf32, #tpu.memory_space<vmem>>, %arg23: memref<128x128xf32, #tpu.memory_space<vmem>>, %arg24: memref<1x128xf32, #tpu.memory_space<vmem>>, %arg25: memref<128x128xf32, #tpu.memory_space<vmem>>, %arg26: memref<1x128xf32, #tpu.memory_space<vmem>>, %arg27: memref<1x128xf32, #tpu.memory_space<vmem>>, %arg28: memref<1x128xf32, #tpu.memory_space<vmem>>, %arg29: memref<128x4xf32, #tpu.memory_space<vmem>>, %arg30: memref<4x128xf32, #tpu.memory_space<vmem>>, %arg31: memref<1000x384xf32, #tpu.memory_space<vmem>>) attributes {dimension_semantics = [#tpu.dimension_semantics<arbitrary>], iteration_bounds = array<i64: 10>, scalar_prefetch = 0 : i64, scratch_operands = 0 : i64, tpu.core_type = #tpu.core_type<tc>, window_params = [{transform_indices = @transform_0, window_bounds = array<i64: 1000, 8>}, {pipeline_mode = #tpu.pipeline_mode<synchronous>, transform_indices = @transform_1, window_bounds = array<i64: 1000, 128>}, {pipeline_mode = #tpu.pipeline_mode<synchronous>, transform_indices = @transform_2, window_bounds = array<i64: 1, 128>}, {pipeline_mode = #tpu.pipeline_mode<synchronous>, transform_indices = @transform_3, window_bounds = array<i64: 1, 128>}, {pipeline_mode = #tpu.pipeline_mode<synchronous>, transform_indices = @transform_4, window_bounds = array<i64: 1, 128>}, {pipeline_mode = #tpu.pipeline_mode<synchronous>, transform_indices = @transform_5, window_bounds = array<i64: 1, 128>}, {pipeline_mode = #tpu.pipeline_mode<synchronous>, transform_indices = @transform_6, window_bounds = array<i64: 1, 512>}, {pipeline_mode = #tpu.pipeline_mode<synchronous>, transform_indices = @transform_7, window_bounds = array<i64: 1, 512>}, {pipeline_mode = #tpu.pipeline_mode<synchronous>, transform_indices = @transform_8, window_bounds = array<i64: 128, 128>}, {pipeline_mode = #tpu.pipeline_mode<synchronous>, transform_indices = @transform_9, window_bounds = array<i64: 1, 128>}, {pipeline_mode = #tpu.pipeline_mode<synchronous>, transform_indices = @transform_10, window_bounds = array<i64: 128, 128>}, {pipeline_mode = #tpu.pipeline_mode<synchronous>, transform_indices = @transform_11, window_bounds = array<i64: 1, 128>}, {pipeline_mode = #tpu.pipeline_mode<synchronous>, transform_indices = @transform_12, window_bounds = array<i64: 128, 128>}, {pipeline_mode = #tpu.pipeline_mode<synchronous>, transform_indices = @transform_13, window_bounds = array<i64: 1, 128>}, {pipeline_mode = #tpu.pipeline_mode<synchronous>, transform_indices = @transform_14, window_bounds = array<i64: 128, 128>}, {pipeline_mode = #tpu.pipeline_mode<synchronous>, transform_indices = @transform_15, window_bounds = array<i64: 1, 128>}, {pipeline_mode = #tpu.pipeline_mode<synchronous>, transform_indices = @transform_16, window_bounds = array<i64: 3, 128, 128>}, {pipeline_mode = #tpu.pipeline_mode<synchronous>, transform_indices = @transform_17, window_bounds = array<i64: 1, 128>}, {pipeline_mode = #tpu.pipeline_mode<synchronous>, transform_indices = @transform_18, window_bounds = array<i64: 128, 128>}, {pipeline_mode = #tpu.pipeline_mode<synchronous>, transform_indices = @transform_19, window_bounds = array<i64: 1, 128>}, {pipeline_mode = #tpu.pipeline_mode<synchronous>, transform_indices = @transform_20, window_bounds = array<i64: 128, 128>}, {pipeline_mode = #tpu.pipeline_mode<synchronous>, transform_indices = @transform_21, window_bounds = array<i64: 1, 128>}, {pipeline_mode = #tpu.pipeline_mode<synchronous>, transform_indices = @transform_22, window_bounds = array<i64: 128, 128>}, {pipeline_mode = #tpu.pipeline_mode<synchronous>, transform_indices = @transform_23, window_bounds = array<i64: 1, 128>}, {pipeline_mode = #tpu.pipeline_mode<synchronous>, transform_indices = @transform_24, window_bounds = array<i64: 128, 128>}, {pipeline_mode = #tpu.pipeline_mode<synchronous>, transform_indices = @transform_25, window_bounds = array<i64: 1, 128>}, {pipeline_mode = #tpu.pipeline_mode<synchronous>, transform_indices = @transform_26, window_bounds = array<i64: 1, 128>}, {pipeline_mode = #tpu.pipeline_mode<synchronous>, transform_indices = @transform_27, window_bounds = array<i64: 1, 128>}, {pipeline_mode = #tpu.pipeline_mode<synchronous>, transform_indices = @transform_28, window_bounds = array<i64: 128, 4>}, {pipeline_mode = #tpu.pipeline_mode<synchronous>, transform_indices = @transform_29, window_bounds = array<i64: 4, 128>}, {transform_indices = @transform_30, window_bounds = array<i64: 1000, 384>}]} {
    %get3A = arith.constant 0 : index
    %get3A_0 = arith.constant 0 : index
    %get3A_1 = vector.load %arg1[%get3A, %get3A_0] : memref<1000x8xf32, #tpu.memory_space<vmem>>, vector<1000x8xf32>
    %slice3A = vector.extract_strided_slice %get3A_1 {offsets = [0, 0], sizes = [1000, 1], strides = [1, 1]} : vector<1000x8xf32> to vector<1000x1xf32>
    %slice3A_2 = vector.extract_strided_slice %get3A_1 {offsets = [0, 1], sizes = [1000, 1], strides = [1, 1]} : vector<1000x8xf32> to vector<1000x1xf32>
    %slice3A_3 = vector.extract_strided_slice %get3A_1 {offsets = [0, 2], sizes = [1000, 1], strides = [1, 1]} : vector<1000x8xf32> to vector<1000x1xf32>
    %slice3A_4 = vector.extract_strided_slice %get3A_1 {offsets = [0, 3], sizes = [1000, 1], strides = [1, 1]} : vector<1000x8xf32> to vector<1000x1xf32>
    %slice3A_5 = vector.extract_strided_slice %get3A_1 {offsets = [0, 4], sizes = [1000, 1], strides = [1, 1]} : vector<1000x8xf32> to vector<1000x1xf32>
    %slice3A_6 = vector.extract_strided_slice %get3A_1 {offsets = [0, 5], sizes = [1000, 1], strides = [1, 1]} : vector<1000x8xf32> to vector<1000x1xf32>
    %get3A_7 = arith.constant 0 : index
    %get3A_8 = arith.constant 0 : index
    %get3A_9 = vector.load %arg3[%get3A_7, %get3A_8] : memref<1x128xf32, #tpu.memory_space<vmem>>, vector<1x128xf32>
    %mul3A = vector.broadcast %slice3A : vector<1000x1xf32> to vector<1000x128xf32>
    %mul3A_10 = vector.broadcast %get3A_9 : vector<1x128xf32> to vector<1000x128xf32>
    %mul3A_11 = arith.mulf %mul3A, %mul3A_10 : vector<1000x128xf32>
    %get3A_12 = arith.constant 0 : index
    %get3A_13 = arith.constant 0 : index
    %get3A_14 = vector.load %arg4[%get3A_12, %get3A_13] : memref<1x128xf32, #tpu.memory_space<vmem>>, vector<1x128xf32>
    %add3A = vector.broadcast %get3A_14 : vector<1x128xf32> to vector<1000x128xf32>
    %add3A_15 = arith.addf %mul3A_11, %add3A : vector<1000x128xf32>
    %get3A_16 = arith.constant 0 : index
    %get3A_17 = arith.constant 0 : index
    %get3A_18 = vector.load %arg5[%get3A_16, %get3A_17] : memref<1x128xf32, #tpu.memory_space<vmem>>, vector<1x128xf32>
    %get3A_19 = arith.constant 0 : index
    %get3A_20 = arith.constant 0 : index
    %get3A_21 = vector.load %arg6[%get3A_19, %get3A_20] : memref<1x128xf32, #tpu.memory_space<vmem>>, vector<1x128xf32>
    %reduce_sum3A = arith.constant dense<0.000000e+00> : vector<1000xf32>
    %reduce_sum3A_22 = vector.multi_reduction <add>, %add3A_15, %reduce_sum3A [1] : vector<1000x128xf32> to vector<1000xf32>
    %broadcast_in_dim3A = vector.shape_cast %reduce_sum3A_22 : vector<1000xf32> to vector<1000x1xf32>
    %div3A = arith.constant 1.280000e+02 : f32
    %div3A_23 = vector.broadcast %div3A : f32 to vector<1000x1xf32>
    %div3A_24 = arith.divf %broadcast_in_dim3A, %div3A_23 : vector<1000x1xf32>
    %sub3A = vector.broadcast %div3A_24 : vector<1000x1xf32> to vector<1000x128xf32>
    %sub3A_25 = arith.subf %add3A_15, %sub3A : vector<1000x128xf32>
    %integer_pow3A = arith.mulf %sub3A_25, %sub3A_25 : vector<1000x128xf32>
    %reduce_sum3A_26 = arith.constant dense<0.000000e+00> : vector<1000xf32>
    %reduce_sum3A_27 = vector.multi_reduction <add>, %integer_pow3A, %reduce_sum3A_26 [1] : vector<1000x128xf32> to vector<1000xf32>
    %broadcast_in_dim3A_28 = vector.shape_cast %reduce_sum3A_27 : vector<1000xf32> to vector<1000x1xf32>
    %div3A_29 = arith.constant 1.280000e+02 : f32
    %div3A_30 = vector.broadcast %div3A_29 : f32 to vector<1000x1xf32>
    %div3A_31 = arith.divf %broadcast_in_dim3A_28, %div3A_30 : vector<1000x1xf32>
    %sub3A_32 = vector.broadcast %div3A_24 : vector<1000x1xf32> to vector<1000x128xf32>
    %sub3A_33 = arith.subf %add3A_15, %sub3A_32 : vector<1000x128xf32>
    %add3A_34 = arith.constant 9.99999974E-6 : f32
    %add3A_35 = vector.broadcast %add3A_34 : f32 to vector<1000x1xf32>
    %add3A_36 = arith.addf %div3A_31, %add3A_35 : vector<1000x1xf32>
    %rsqrt3A = math.rsqrt %add3A_36 : vector<1000x1xf32>
    %mul3A_37 = vector.broadcast %rsqrt3A : vector<1000x1xf32> to vector<1000x128xf32>
    %mul3A_38 = arith.mulf %sub3A_33, %mul3A_37 : vector<1000x128xf32>
    %mul3A_39 = vector.broadcast %get3A_18 : vector<1x128xf32> to vector<1000x128xf32>
    %mul3A_40 = arith.mulf %mul3A_38, %mul3A_39 : vector<1000x128xf32>
    %add3A_41 = vector.broadcast %get3A_21 : vector<1x128xf32> to vector<1000x128xf32>
    %add3A_42 = arith.addf %mul3A_40, %add3A_41 : vector<1000x128xf32>
    %max3A = arith.constant 0.000000e+00 : f32
    %max3A_43 = vector.broadcast %max3A : f32 to vector<1000x128xf32>
    %max3A_44 = arith.maximumf %add3A_42, %max3A_43 : vector<1000x128xf32>
    %get3A_45 = arith.constant 0 : index
    %get3A_46 = arith.constant 0 : index
    %get3A_47 = vector.load %arg7[%get3A_45, %get3A_46] : memref<1x512xf32, #tpu.memory_space<vmem>>, vector<1x512xf32>
    %mul3A_48 = vector.broadcast %slice3A_2 : vector<1000x1xf32> to vector<1000x512xf32>
    %mul3A_49 = vector.broadcast %get3A_47 : vector<1x512xf32> to vector<1000x512xf32>
    %mul3A_50 = arith.mulf %mul3A_48, %mul3A_49 : vector<1000x512xf32>
    %get3A_51 = arith.constant 0 : index
    %get3A_52 = arith.constant 0 : index
    %get3A_53 = vector.load %arg8[%get3A_51, %get3A_52] : memref<1x512xf32, #tpu.memory_space<vmem>>, vector<1x512xf32>
    %add3A_54 = vector.broadcast %get3A_53 : vector<1x512xf32> to vector<1000x512xf32>
    %add3A_55 = arith.addf %mul3A_50, %add3A_54 : vector<1000x512xf32>
    %slice3A_56 = vector.extract_strided_slice %add3A_55 {offsets = [0, 0], sizes = [1000, 128], strides = [1, 1]} : vector<1000x512xf32> to vector<1000x128xf32>
    %slice3A_57 = vector.extract_strided_slice %add3A_55 {offsets = [0, 256], sizes = [1000, 128], strides = [1, 1]} : vector<1000x512xf32> to vector<1000x128xf32>
    %slice3A_58 = vector.extract_strided_slice %add3A_55 {offsets = [0, 384], sizes = [1000, 128], strides = [1, 1]} : vector<1000x512xf32> to vector<1000x128xf32>
    %logistic3A = arith.negf %slice3A_56 : vector<1000x128xf32>
    %logistic3A_59 = math.exp %logistic3A : vector<1000x128xf32>
    %logistic3A_60 = arith.constant 1.000000e+00 : f32
    %logistic3A_61 = vector.broadcast %logistic3A_60 : f32 to vector<1000x128xf32>
    %logistic3A_62 = arith.addf %logistic3A_61, %logistic3A_59 : vector<1000x128xf32>
    %logistic3A_63 = arith.divf %logistic3A_61, %logistic3A_62 : vector<1000x128xf32>
    %tanh3A = math.tanh %slice3A_57 : vector<1000x128xf32>
    %mul3A_64 = arith.mulf %logistic3A_63, %tanh3A : vector<1000x128xf32>
    %logistic3A_65 = arith.negf %slice3A_58 : vector<1000x128xf32>
    %logistic3A_66 = math.exp %logistic3A_65 : vector<1000x128xf32>
    %logistic3A_67 = arith.constant 1.000000e+00 : f32
    %logistic3A_68 = vector.broadcast %logistic3A_67 : f32 to vector<1000x128xf32>
    %logistic3A_69 = arith.addf %logistic3A_68, %logistic3A_66 : vector<1000x128xf32>
    %logistic3A_70 = arith.divf %logistic3A_68, %logistic3A_69 : vector<1000x128xf32>
    %tanh3A_71 = math.tanh %mul3A_64 : vector<1000x128xf32>
    %mul3A_72 = arith.mulf %logistic3A_70, %tanh3A_71 : vector<1000x128xf32>
    %iota3A = tpu.iota {dimensions = array<i32: 1>} : vector<1000x1000xi32>
    %convert_element_type3A = arith.sitofp %iota3A : vector<1000x1000xi32> to vector<1000x1000xf32>
    %eq3A = vector.broadcast %slice3A_6 : vector<1000x1xf32> to vector<1000x1000xf32>
    %eq3A_73 = arith.cmpf oeq, %eq3A, %convert_element_type3A : vector<1000x1000xf32>
    %convert_element_type3A_74 = arith.extui %eq3A_73 : vector<1000x1000xi1> to vector<1000x1000xi32>
    %convert_element_type3A_75 = arith.sitofp %convert_element_type3A_74 : vector<1000x1000xi32> to vector<1000x1000xf32>
    %get3A_76 = arith.constant 0 : index
    %get3A_77 = arith.constant 0 : index
    %get3A_78 = vector.load %arg2[%get3A_76, %get3A_77] : memref<1000x128xf32, #tpu.memory_space<vmem>>, vector<1000x128xf32>
    %dot_general3A = arith.constant dense<0.000000e+00> : vector<1000x128xf32>
    %dot_general3A_79 = tpu.matmul %convert_element_type3A_75, %get3A_78, %dot_general3A {dimension_numbers = #tpu.dot_dimension_numbers<[1], [0], [0], [1], [0, 0, 1, 1], [], []>, precision = #tpu.contract_precision<fp32>, transpose_lhs_hint = false} : vector<1000x1000xf32>, vector<1000x128xf32>, vector<1000x128xf32> -> vector<1000x128xf32>
    %get3A_80 = arith.constant 0 : index
    %get3A_81 = arith.constant 0 : index
    %get3A_82 = vector.load %arg9[%get3A_80, %get3A_81] : memref<128x128xf32, #tpu.memory_space<vmem>>, vector<128x128xf32>
    %get3A_83 = arith.constant 0 : index
    %get3A_84 = arith.constant 0 : index
    %get3A_85 = vector.load %arg10[%get3A_83, %get3A_84] : memref<1x128xf32, #tpu.memory_space<vmem>>, vector<1x128xf32>
    %get3A_86 = arith.constant 0 : index
    %get3A_87 = arith.constant 0 : index
    %get3A_88 = vector.load %arg11[%get3A_86, %get3A_87] : memref<128x128xf32, #tpu.memory_space<vmem>>, vector<128x128xf32>
    %get3A_89 = arith.constant 0 : index
    %get3A_90 = arith.constant 0 : index
    %get3A_91 = vector.load %arg12[%get3A_89, %get3A_90] : memref<1x128xf32, #tpu.memory_space<vmem>>, vector<1x128xf32>
    %get3A_92 = arith.constant 0 : index
    %get3A_93 = arith.constant 0 : index
    %get3A_94 = vector.load %arg13[%get3A_92, %get3A_93] : memref<128x128xf32, #tpu.memory_space<vmem>>, vector<128x128xf32>
    %get3A_95 = arith.constant 0 : index
    %get3A_96 = arith.constant 0 : index
    %get3A_97 = vector.load %arg14[%get3A_95, %get3A_96] : memref<1x128xf32, #tpu.memory_space<vmem>>, vector<1x128xf32>
    %get3A_98 = arith.constant 0 : index
    %get3A_99 = arith.constant 0 : index
    %get3A_100 = vector.load %arg15[%get3A_98, %get3A_99] : memref<128x128xf32, #tpu.memory_space<vmem>>, vector<128x128xf32>
    %get3A_101 = arith.constant 0 : index
    %get3A_102 = arith.constant 0 : index
    %get3A_103 = vector.load %arg16[%get3A_101, %get3A_102] : memref<1x128xf32, #tpu.memory_space<vmem>>, vector<1x128xf32>
    %get3A_104 = arith.constant 0 : index
    %get3A_105 = arith.constant 0 : index
    %get3A_106 = vector.load %arg29[%get3A_104, %get3A_105] : memref<128x4xf32, #tpu.memory_space<vmem>>, vector<128x4xf32>
    %get3A_107 = arith.constant 0 : index
    %get3A_108 = arith.constant 0 : index
    %get3A_109 = vector.load %arg30[%get3A_107, %get3A_108] : memref<4x128xf32, #tpu.memory_space<vmem>>, vector<4x128xf32>
    %dot_general3A_110 = arith.constant dense<0.000000e+00> : vector<1000x128xf32>
    %dot_general3A_111 = tpu.matmul %max3A_44, %get3A_82, %dot_general3A_110 {dimension_numbers = #tpu.dot_dimension_numbers<[1], [0], [0], [1], [0, 0, 1, 1], [], []>, precision = #tpu.contract_precision<fp32>, transpose_lhs_hint = false} : vector<1000x128xf32>, vector<128x128xf32>, vector<1000x128xf32> -> vector<1000x128xf32>
    %add3A_112 = vector.broadcast %get3A_85 : vector<1x128xf32> to vector<1000x128xf32>
    %add3A_113 = arith.addf %dot_general3A_111, %add3A_112 : vector<1000x128xf32>
    %dot_general3A_114 = arith.constant dense<0.000000e+00> : vector<1000x128xf32>
    %dot_general3A_115 = tpu.matmul %mul3A_72, %get3A_82, %dot_general3A_114 {dimension_numbers = #tpu.dot_dimension_numbers<[1], [0], [0], [1], [0, 0, 1, 1], [], []>, precision = #tpu.contract_precision<fp32>, transpose_lhs_hint = false} : vector<1000x128xf32>, vector<128x128xf32>, vector<1000x128xf32> -> vector<1000x128xf32>
    %add3A_116 = vector.broadcast %get3A_85 : vector<1x128xf32> to vector<1000x128xf32>
    %add3A_117 = arith.addf %dot_general3A_115, %add3A_116 : vector<1000x128xf32>
    %dot_general3A_118 = arith.constant dense<0.000000e+00> : vector<1000x128xf32>
    %dot_general3A_119 = tpu.matmul %dot_general3A_79, %get3A_82, %dot_general3A_118 {dimension_numbers = #tpu.dot_dimension_numbers<[1], [0], [0], [1], [0, 0, 1, 1], [], []>, precision = #tpu.contract_precision<fp32>, transpose_lhs_hint = false} : vector<1000x128xf32>, vector<128x128xf32>, vector<1000x128xf32> -> vector<1000x128xf32>
    %add3A_120 = vector.broadcast %get3A_85 : vector<1x128xf32> to vector<1000x128xf32>
    %add3A_121 = arith.addf %dot_general3A_119, %add3A_120 : vector<1000x128xf32>
    %dot_general3A_122 = arith.constant dense<0.000000e+00> : vector<1000x128xf32>
    %dot_general3A_123 = tpu.matmul %max3A_44, %get3A_88, %dot_general3A_122 {dimension_numbers = #tpu.dot_dimension_numbers<[1], [0], [0], [1], [0, 0, 1, 1], [], []>, precision = #tpu.contract_precision<fp32>, transpose_lhs_hint = false} : vector<1000x128xf32>, vector<128x128xf32>, vector<1000x128xf32> -> vector<1000x128xf32>
    %add3A_124 = vector.broadcast %get3A_91 : vector<1x128xf32> to vector<1000x128xf32>
    %add3A_125 = arith.addf %dot_general3A_123, %add3A_124 : vector<1000x128xf32>
    %dot_general3A_126 = arith.constant dense<0.000000e+00> : vector<1000x128xf32>
    %dot_general3A_127 = tpu.matmul %mul3A_72, %get3A_88, %dot_general3A_126 {dimension_numbers = #tpu.dot_dimension_numbers<[1], [0], [0], [1], [0, 0, 1, 1], [], []>, precision = #tpu.contract_precision<fp32>, transpose_lhs_hint = false} : vector<1000x128xf32>, vector<128x128xf32>, vector<1000x128xf32> -> vector<1000x128xf32>
    %add3A_128 = vector.broadcast %get3A_91 : vector<1x128xf32> to vector<1000x128xf32>
    %add3A_129 = arith.addf %dot_general3A_127, %add3A_128 : vector<1000x128xf32>
    %dot_general3A_130 = arith.constant dense<0.000000e+00> : vector<1000x128xf32>
    %dot_general3A_131 = tpu.matmul %dot_general3A_79, %get3A_88, %dot_general3A_130 {dimension_numbers = #tpu.dot_dimension_numbers<[1], [0], [0], [1], [0, 0, 1, 1], [], []>, precision = #tpu.contract_precision<fp32>, transpose_lhs_hint = false} : vector<1000x128xf32>, vector<128x128xf32>, vector<1000x128xf32> -> vector<1000x128xf32>
    %add3A_132 = vector.broadcast %get3A_91 : vector<1x128xf32> to vector<1000x128xf32>
    %add3A_133 = arith.addf %dot_general3A_131, %add3A_132 : vector<1000x128xf32>
    %dot_general3A_134 = arith.constant dense<0.000000e+00> : vector<1000x128xf32>
    %dot_general3A_135 = tpu.matmul %max3A_44, %get3A_94, %dot_general3A_134 {dimension_numbers = #tpu.dot_dimension_numbers<[1], [0], [0], [1], [0, 0, 1, 1], [], []>, precision = #tpu.contract_precision<fp32>, transpose_lhs_hint = false} : vector<1000x128xf32>, vector<128x128xf32>, vector<1000x128xf32> -> vector<1000x128xf32>
    %add3A_136 = vector.broadcast %get3A_97 : vector<1x128xf32> to vector<1000x128xf32>
    %add3A_137 = arith.addf %dot_general3A_135, %add3A_136 : vector<1000x128xf32>
    %dot_general3A_138 = arith.constant dense<0.000000e+00> : vector<1000x128xf32>
    %dot_general3A_139 = tpu.matmul %mul3A_72, %get3A_94, %dot_general3A_138 {dimension_numbers = #tpu.dot_dimension_numbers<[1], [0], [0], [1], [0, 0, 1, 1], [], []>, precision = #tpu.contract_precision<fp32>, transpose_lhs_hint = false} : vector<1000x128xf32>, vector<128x128xf32>, vector<1000x128xf32> -> vector<1000x128xf32>
    %add3A_140 = vector.broadcast %get3A_97 : vector<1x128xf32> to vector<1000x128xf32>
    %add3A_141 = arith.addf %dot_general3A_139, %add3A_140 : vector<1000x128xf32>
    %dot_general3A_142 = arith.constant dense<0.000000e+00> : vector<1000x128xf32>
    %dot_general3A_143 = tpu.matmul %dot_general3A_79, %get3A_94, %dot_general3A_142 {dimension_numbers = #tpu.dot_dimension_numbers<[1], [0], [0], [1], [0, 0, 1, 1], [], []>, precision = #tpu.contract_precision<fp32>, transpose_lhs_hint = false} : vector<1000x128xf32>, vector<128x128xf32>, vector<1000x128xf32> -> vector<1000x128xf32>
    %add3A_144 = vector.broadcast %get3A_97 : vector<1x128xf32> to vector<1000x128xf32>
    %add3A_145 = arith.addf %dot_general3A_143, %add3A_144 : vector<1000x128xf32>
    %mul3A_146 = arith.mulf %add3A_113, %add3A_125 : vector<1000x128xf32>
    %dot_general3A_147 = arith.constant dense<0.000000e+00> : vector<1000x4xf32>
    %dot_general3A_148 = tpu.matmul %mul3A_146, %get3A_106, %dot_general3A_147 {dimension_numbers = #tpu.dot_dimension_numbers<[1], [0], [0], [1], [0, 0, 1, 1], [], []>, precision = #tpu.contract_precision<fp32>, transpose_lhs_hint = false} : vector<1000x128xf32>, vector<128x4xf32>, vector<1000x4xf32> -> vector<1000x4xf32>
    %mul3A_149 = arith.constant 0.176776692 : f32
    %mul3A_150 = vector.broadcast %mul3A_149 : f32 to vector<1000x4xf32>
    %mul3A_151 = arith.mulf %dot_general3A_148, %mul3A_150 : vector<1000x4xf32>
    %mul3A_152 = arith.mulf %add3A_113, %add3A_129 : vector<1000x128xf32>
    %dot_general3A_153 = arith.constant dense<0.000000e+00> : vector<1000x4xf32>
    %dot_general3A_154 = tpu.matmul %mul3A_152, %get3A_106, %dot_general3A_153 {dimension_numbers = #tpu.dot_dimension_numbers<[1], [0], [0], [1], [0, 0, 1, 1], [], []>, precision = #tpu.contract_precision<fp32>, transpose_lhs_hint = false} : vector<1000x128xf32>, vector<128x4xf32>, vector<1000x4xf32> -> vector<1000x4xf32>
    %mul3A_155 = arith.constant 0.176776692 : f32
    %mul3A_156 = vector.broadcast %mul3A_155 : f32 to vector<1000x4xf32>
    %mul3A_157 = arith.mulf %dot_general3A_154, %mul3A_156 : vector<1000x4xf32>
    %mul3A_158 = arith.mulf %add3A_113, %add3A_133 : vector<1000x128xf32>
    %dot_general3A_159 = arith.constant dense<0.000000e+00> : vector<1000x4xf32>
    %dot_general3A_160 = tpu.matmul %mul3A_158, %get3A_106, %dot_general3A_159 {dimension_numbers = #tpu.dot_dimension_numbers<[1], [0], [0], [1], [0, 0, 1, 1], [], []>, precision = #tpu.contract_precision<fp32>, transpose_lhs_hint = false} : vector<1000x128xf32>, vector<128x4xf32>, vector<1000x4xf32> -> vector<1000x4xf32>
    %mul3A_161 = arith.constant 0.176776692 : f32
    %mul3A_162 = vector.broadcast %mul3A_161 : f32 to vector<1000x4xf32>
    %mul3A_163 = arith.mulf %dot_general3A_160, %mul3A_162 : vector<1000x4xf32>
    %max3A_164 = arith.maximumf %mul3A_151, %mul3A_157 : vector<1000x4xf32>
    %max3A_165 = arith.maximumf %max3A_164, %mul3A_163 : vector<1000x4xf32>
    %sub3A_166 = arith.subf %mul3A_151, %max3A_165 : vector<1000x4xf32>
    %exp3A = math.exp %sub3A_166 : vector<1000x4xf32>
    %sub3A_167 = arith.subf %mul3A_157, %max3A_165 : vector<1000x4xf32>
    %exp3A_168 = math.exp %sub3A_167 : vector<1000x4xf32>
    %sub3A_169 = arith.subf %mul3A_163, %max3A_165 : vector<1000x4xf32>
    %exp3A_170 = math.exp %sub3A_169 : vector<1000x4xf32>
    %add3A_171 = arith.addf %exp3A, %exp3A_168 : vector<1000x4xf32>
    %add3A_172 = arith.addf %add3A_171, %exp3A_170 : vector<1000x4xf32>
    %div3A_173 = arith.divf %exp3A, %add3A_172 : vector<1000x4xf32>
    %dot_general3A_174 = arith.constant dense<0.000000e+00> : vector<1000x128xf32>
    %dot_general3A_175 = tpu.matmul %div3A_173, %get3A_109, %dot_general3A_174 {dimension_numbers = #tpu.dot_dimension_numbers<[1], [0], [0], [1], [0, 0, 1, 1], [], []>, precision = #tpu.contract_precision<fp32>, transpose_lhs_hint = false} : vector<1000x4xf32>, vector<4x128xf32>, vector<1000x128xf32> -> vector<1000x128xf32>
    %mul3A_176 = arith.mulf %dot_general3A_175, %add3A_137 : vector<1000x128xf32>
    %add3A_177 = arith.constant 0.000000e+00 : f32
    %add3A_178 = vector.broadcast %add3A_177 : f32 to vector<1000x128xf32>
    %add3A_179 = arith.addf %add3A_178, %mul3A_176 : vector<1000x128xf32>
    %div3A_180 = arith.divf %exp3A_168, %add3A_172 : vector<1000x4xf32>
    %dot_general3A_181 = arith.constant dense<0.000000e+00> : vector<1000x128xf32>
    %dot_general3A_182 = tpu.matmul %div3A_180, %get3A_109, %dot_general3A_181 {dimension_numbers = #tpu.dot_dimension_numbers<[1], [0], [0], [1], [0, 0, 1, 1], [], []>, precision = #tpu.contract_precision<fp32>, transpose_lhs_hint = false} : vector<1000x4xf32>, vector<4x128xf32>, vector<1000x128xf32> -> vector<1000x128xf32>
    %mul3A_183 = arith.mulf %dot_general3A_182, %add3A_141 : vector<1000x128xf32>
    %add3A_184 = arith.addf %add3A_179, %mul3A_183 : vector<1000x128xf32>
    %div3A_185 = arith.divf %exp3A_170, %add3A_172 : vector<1000x4xf32>
    %dot_general3A_186 = arith.constant dense<0.000000e+00> : vector<1000x128xf32>
    %dot_general3A_187 = tpu.matmul %div3A_185, %get3A_109, %dot_general3A_186 {dimension_numbers = #tpu.dot_dimension_numbers<[1], [0], [0], [1], [0, 0, 1, 1], [], []>, precision = #tpu.contract_precision<fp32>, transpose_lhs_hint = false} : vector<1000x4xf32>, vector<4x128xf32>, vector<1000x128xf32> -> vector<1000x128xf32>
    %mul3A_188 = arith.mulf %dot_general3A_187, %add3A_145 : vector<1000x128xf32>
    %add3A_189 = arith.addf %add3A_184, %mul3A_188 : vector<1000x128xf32>
    %dot_general3A_190 = arith.constant dense<0.000000e+00> : vector<1000x128xf32>
    %dot_general3A_191 = tpu.matmul %add3A_189, %get3A_100, %dot_general3A_190 {dimension_numbers = #tpu.dot_dimension_numbers<[1], [0], [0], [1], [0, 0, 1, 1], [], []>, precision = #tpu.contract_precision<fp32>, transpose_lhs_hint = false} : vector<1000x128xf32>, vector<128x128xf32>, vector<1000x128xf32> -> vector<1000x128xf32>
    %add3A_192 = vector.broadcast %get3A_103 : vector<1x128xf32> to vector<1000x128xf32>
    %add3A_193 = arith.addf %dot_general3A_191, %add3A_192 : vector<1000x128xf32>
    %mul3A_194 = arith.mulf %add3A_117, %add3A_125 : vector<1000x128xf32>
    %dot_general3A_195 = arith.constant dense<0.000000e+00> : vector<1000x4xf32>
    %dot_general3A_196 = tpu.matmul %mul3A_194, %get3A_106, %dot_general3A_195 {dimension_numbers = #tpu.dot_dimension_numbers<[1], [0], [0], [1], [0, 0, 1, 1], [], []>, precision = #tpu.contract_precision<fp32>, transpose_lhs_hint = false} : vector<1000x128xf32>, vector<128x4xf32>, vector<1000x4xf32> -> vector<1000x4xf32>
    %mul3A_197 = arith.constant 0.176776692 : f32
    %mul3A_198 = vector.broadcast %mul3A_197 : f32 to vector<1000x4xf32>
    %mul3A_199 = arith.mulf %dot_general3A_196, %mul3A_198 : vector<1000x4xf32>
    %mul3A_200 = arith.mulf %add3A_117, %add3A_129 : vector<1000x128xf32>
    %dot_general3A_201 = arith.constant dense<0.000000e+00> : vector<1000x4xf32>
    %dot_general3A_202 = tpu.matmul %mul3A_200, %get3A_106, %dot_general3A_201 {dimension_numbers = #tpu.dot_dimension_numbers<[1], [0], [0], [1], [0, 0, 1, 1], [], []>, precision = #tpu.contract_precision<fp32>, transpose_lhs_hint = false} : vector<1000x128xf32>, vector<128x4xf32>, vector<1000x4xf32> -> vector<1000x4xf32>
    %mul3A_203 = arith.constant 0.176776692 : f32
    %mul3A_204 = vector.broadcast %mul3A_203 : f32 to vector<1000x4xf32>
    %mul3A_205 = arith.mulf %dot_general3A_202, %mul3A_204 : vector<1000x4xf32>
    %mul3A_206 = arith.mulf %add3A_117, %add3A_133 : vector<1000x128xf32>
    %dot_general3A_207 = arith.constant dense<0.000000e+00> : vector<1000x4xf32>
    %dot_general3A_208 = tpu.matmul %mul3A_206, %get3A_106, %dot_general3A_207 {dimension_numbers = #tpu.dot_dimension_numbers<[1], [0], [0], [1], [0, 0, 1, 1], [], []>, precision = #tpu.contract_precision<fp32>, transpose_lhs_hint = false} : vector<1000x128xf32>, vector<128x4xf32>, vector<1000x4xf32> -> vector<1000x4xf32>
    %mul3A_209 = arith.constant 0.176776692 : f32
    %mul3A_210 = vector.broadcast %mul3A_209 : f32 to vector<1000x4xf32>
    %mul3A_211 = arith.mulf %dot_general3A_208, %mul3A_210 : vector<1000x4xf32>
    %max3A_212 = arith.maximumf %mul3A_199, %mul3A_205 : vector<1000x4xf32>
    %max3A_213 = arith.maximumf %max3A_212, %mul3A_211 : vector<1000x4xf32>
    %sub3A_214 = arith.subf %mul3A_199, %max3A_213 : vector<1000x4xf32>
    %exp3A_215 = math.exp %sub3A_214 : vector<1000x4xf32>
    %sub3A_216 = arith.subf %mul3A_205, %max3A_213 : vector<1000x4xf32>
    %exp3A_217 = math.exp %sub3A_216 : vector<1000x4xf32>
    %sub3A_218 = arith.subf %mul3A_211, %max3A_213 : vector<1000x4xf32>
    %exp3A_219 = math.exp %sub3A_218 : vector<1000x4xf32>
    %add3A_220 = arith.addf %exp3A_215, %exp3A_217 : vector<1000x4xf32>
    %add3A_221 = arith.addf %add3A_220, %exp3A_219 : vector<1000x4xf32>
    %div3A_222 = arith.divf %exp3A_215, %add3A_221 : vector<1000x4xf32>
    %dot_general3A_223 = arith.constant dense<0.000000e+00> : vector<1000x128xf32>
    %dot_general3A_224 = tpu.matmul %div3A_222, %get3A_109, %dot_general3A_223 {dimension_numbers = #tpu.dot_dimension_numbers<[1], [0], [0], [1], [0, 0, 1, 1], [], []>, precision = #tpu.contract_precision<fp32>, transpose_lhs_hint = false} : vector<1000x4xf32>, vector<4x128xf32>, vector<1000x128xf32> -> vector<1000x128xf32>
    %mul3A_225 = arith.mulf %dot_general3A_224, %add3A_137 : vector<1000x128xf32>
    %add3A_226 = arith.constant 0.000000e+00 : f32
    %add3A_227 = vector.broadcast %add3A_226 : f32 to vector<1000x128xf32>
    %add3A_228 = arith.addf %add3A_227, %mul3A_225 : vector<1000x128xf32>
    %div3A_229 = arith.divf %exp3A_217, %add3A_221 : vector<1000x4xf32>
    %dot_general3A_230 = arith.constant dense<0.000000e+00> : vector<1000x128xf32>
    %dot_general3A_231 = tpu.matmul %div3A_229, %get3A_109, %dot_general3A_230 {dimension_numbers = #tpu.dot_dimension_numbers<[1], [0], [0], [1], [0, 0, 1, 1], [], []>, precision = #tpu.contract_precision<fp32>, transpose_lhs_hint = false} : vector<1000x4xf32>, vector<4x128xf32>, vector<1000x128xf32> -> vector<1000x128xf32>
    %mul3A_232 = arith.mulf %dot_general3A_231, %add3A_141 : vector<1000x128xf32>
    %add3A_233 = arith.addf %add3A_228, %mul3A_232 : vector<1000x128xf32>
    %div3A_234 = arith.divf %exp3A_219, %add3A_221 : vector<1000x4xf32>
    %dot_general3A_235 = arith.constant dense<0.000000e+00> : vector<1000x128xf32>
    %dot_general3A_236 = tpu.matmul %div3A_234, %get3A_109, %dot_general3A_235 {dimension_numbers = #tpu.dot_dimension_numbers<[1], [0], [0], [1], [0, 0, 1, 1], [], []>, precision = #tpu.contract_precision<fp32>, transpose_lhs_hint = false} : vector<1000x4xf32>, vector<4x128xf32>, vector<1000x128xf32> -> vector<1000x128xf32>
    %mul3A_237 = arith.mulf %dot_general3A_236, %add3A_145 : vector<1000x128xf32>
    %add3A_238 = arith.addf %add3A_233, %mul3A_237 : vector<1000x128xf32>
    %dot_general3A_239 = arith.constant dense<0.000000e+00> : vector<1000x128xf32>
    %dot_general3A_240 = tpu.matmul %add3A_238, %get3A_100, %dot_general3A_239 {dimension_numbers = #tpu.dot_dimension_numbers<[1], [0], [0], [1], [0, 0, 1, 1], [], []>, precision = #tpu.contract_precision<fp32>, transpose_lhs_hint = false} : vector<1000x128xf32>, vector<128x128xf32>, vector<1000x128xf32> -> vector<1000x128xf32>
    %add3A_241 = vector.broadcast %get3A_103 : vector<1x128xf32> to vector<1000x128xf32>
    %add3A_242 = arith.addf %dot_general3A_240, %add3A_241 : vector<1000x128xf32>
    %mul3A_243 = arith.mulf %add3A_121, %add3A_125 : vector<1000x128xf32>
    %dot_general3A_244 = arith.constant dense<0.000000e+00> : vector<1000x4xf32>
    %dot_general3A_245 = tpu.matmul %mul3A_243, %get3A_106, %dot_general3A_244 {dimension_numbers = #tpu.dot_dimension_numbers<[1], [0], [0], [1], [0, 0, 1, 1], [], []>, precision = #tpu.contract_precision<fp32>, transpose_lhs_hint = false} : vector<1000x128xf32>, vector<128x4xf32>, vector<1000x4xf32> -> vector<1000x4xf32>
    %mul3A_246 = arith.constant 0.176776692 : f32
    %mul3A_247 = vector.broadcast %mul3A_246 : f32 to vector<1000x4xf32>
    %mul3A_248 = arith.mulf %dot_general3A_245, %mul3A_247 : vector<1000x4xf32>
    %mul3A_249 = arith.mulf %add3A_121, %add3A_129 : vector<1000x128xf32>
    %dot_general3A_250 = arith.constant dense<0.000000e+00> : vector<1000x4xf32>
    %dot_general3A_251 = tpu.matmul %mul3A_249, %get3A_106, %dot_general3A_250 {dimension_numbers = #tpu.dot_dimension_numbers<[1], [0], [0], [1], [0, 0, 1, 1], [], []>, precision = #tpu.contract_precision<fp32>, transpose_lhs_hint = false} : vector<1000x128xf32>, vector<128x4xf32>, vector<1000x4xf32> -> vector<1000x4xf32>
    %mul3A_252 = arith.constant 0.176776692 : f32
    %mul3A_253 = vector.broadcast %mul3A_252 : f32 to vector<1000x4xf32>
    %mul3A_254 = arith.mulf %dot_general3A_251, %mul3A_253 : vector<1000x4xf32>
    %mul3A_255 = arith.mulf %add3A_121, %add3A_133 : vector<1000x128xf32>
    %dot_general3A_256 = arith.constant dense<0.000000e+00> : vector<1000x4xf32>
    %dot_general3A_257 = tpu.matmul %mul3A_255, %get3A_106, %dot_general3A_256 {dimension_numbers = #tpu.dot_dimension_numbers<[1], [0], [0], [1], [0, 0, 1, 1], [], []>, precision = #tpu.contract_precision<fp32>, transpose_lhs_hint = false} : vector<1000x128xf32>, vector<128x4xf32>, vector<1000x4xf32> -> vector<1000x4xf32>
    %mul3A_258 = arith.constant 0.176776692 : f32
    %mul3A_259 = vector.broadcast %mul3A_258 : f32 to vector<1000x4xf32>
    %mul3A_260 = arith.mulf %dot_general3A_257, %mul3A_259 : vector<1000x4xf32>
    %max3A_261 = arith.maximumf %mul3A_248, %mul3A_254 : vector<1000x4xf32>
    %max3A_262 = arith.maximumf %max3A_261, %mul3A_260 : vector<1000x4xf32>
    %sub3A_263 = arith.subf %mul3A_248, %max3A_262 : vector<1000x4xf32>
    %exp3A_264 = math.exp %sub3A_263 : vector<1000x4xf32>
    %sub3A_265 = arith.subf %mul3A_254, %max3A_262 : vector<1000x4xf32>
    %exp3A_266 = math.exp %sub3A_265 : vector<1000x4xf32>
    %sub3A_267 = arith.subf %mul3A_260, %max3A_262 : vector<1000x4xf32>
    %exp3A_268 = math.exp %sub3A_267 : vector<1000x4xf32>
    %add3A_269 = arith.addf %exp3A_264, %exp3A_266 : vector<1000x4xf32>
    %add3A_270 = arith.addf %add3A_269, %exp3A_268 : vector<1000x4xf32>
    %div3A_271 = arith.divf %exp3A_264, %add3A_270 : vector<1000x4xf32>
    %dot_general3A_272 = arith.constant dense<0.000000e+00> : vector<1000x128xf32>
    %dot_general3A_273 = tpu.matmul %div3A_271, %get3A_109, %dot_general3A_272 {dimension_numbers = #tpu.dot_dimension_numbers<[1], [0], [0], [1], [0, 0, 1, 1], [], []>, precision = #tpu.contract_precision<fp32>, transpose_lhs_hint = false} : vector<1000x4xf32>, vector<4x128xf32>, vector<1000x128xf32> -> vector<1000x128xf32>
    %mul3A_274 = arith.mulf %dot_general3A_273, %add3A_137 : vector<1000x128xf32>
    %add3A_275 = arith.constant 0.000000e+00 : f32
    %add3A_276 = vector.broadcast %add3A_275 : f32 to vector<1000x128xf32>
    %add3A_277 = arith.addf %add3A_276, %mul3A_274 : vector<1000x128xf32>
    %div3A_278 = arith.divf %exp3A_266, %add3A_270 : vector<1000x4xf32>
    %dot_general3A_279 = arith.constant dense<0.000000e+00> : vector<1000x128xf32>
    %dot_general3A_280 = tpu.matmul %div3A_278, %get3A_109, %dot_general3A_279 {dimension_numbers = #tpu.dot_dimension_numbers<[1], [0], [0], [1], [0, 0, 1, 1], [], []>, precision = #tpu.contract_precision<fp32>, transpose_lhs_hint = false} : vector<1000x4xf32>, vector<4x128xf32>, vector<1000x128xf32> -> vector<1000x128xf32>
    %mul3A_281 = arith.mulf %dot_general3A_280, %add3A_141 : vector<1000x128xf32>
    %add3A_282 = arith.addf %add3A_277, %mul3A_281 : vector<1000x128xf32>
    %div3A_283 = arith.divf %exp3A_268, %add3A_270 : vector<1000x4xf32>
    %dot_general3A_284 = arith.constant dense<0.000000e+00> : vector<1000x128xf32>
    %dot_general3A_285 = tpu.matmul %div3A_283, %get3A_109, %dot_general3A_284 {dimension_numbers = #tpu.dot_dimension_numbers<[1], [0], [0], [1], [0, 0, 1, 1], [], []>, precision = #tpu.contract_precision<fp32>, transpose_lhs_hint = false} : vector<1000x4xf32>, vector<4x128xf32>, vector<1000x128xf32> -> vector<1000x128xf32>
    %mul3A_286 = arith.mulf %dot_general3A_285, %add3A_145 : vector<1000x128xf32>
    %add3A_287 = arith.addf %add3A_282, %mul3A_286 : vector<1000x128xf32>
    %dot_general3A_288 = arith.constant dense<0.000000e+00> : vector<1000x128xf32>
    %dot_general3A_289 = tpu.matmul %add3A_287, %get3A_100, %dot_general3A_288 {dimension_numbers = #tpu.dot_dimension_numbers<[1], [0], [0], [1], [0, 0, 1, 1], [], []>, precision = #tpu.contract_precision<fp32>, transpose_lhs_hint = false} : vector<1000x128xf32>, vector<128x128xf32>, vector<1000x128xf32> -> vector<1000x128xf32>
    %add3A_290 = vector.broadcast %get3A_103 : vector<1x128xf32> to vector<1000x128xf32>
    %add3A_291 = arith.addf %dot_general3A_289, %add3A_290 : vector<1000x128xf32>
    %get3A_292 = arith.constant 0 : index
    %get3A_293 = arith.constant 0 : index
    %get3A_294 = arith.constant 0 : index
    %get3A_295 = vector.load %arg17[%get3A_292, %get3A_293, %get3A_294] : memref<3x128x128xf32, #tpu.memory_space<vmem>>, vector<1x128x128xf32>
    %get3A_296 = vector.shape_cast %get3A_295 : vector<1x128x128xf32> to vector<128x128xf32>
    %get3A_297 = arith.constant 1 : index
    %get3A_298 = arith.constant 0 : index
    %get3A_299 = arith.constant 0 : index
    %get3A_300 = vector.load %arg17[%get3A_297, %get3A_298, %get3A_299] : memref<3x128x128xf32, #tpu.memory_space<vmem>>, vector<1x128x128xf32>
    %get3A_301 = vector.shape_cast %get3A_300 : vector<1x128x128xf32> to vector<128x128xf32>
    %get3A_302 = arith.constant 2 : index
    %get3A_303 = arith.constant 0 : index
    %get3A_304 = arith.constant 0 : index
    %get3A_305 = vector.load %arg17[%get3A_302, %get3A_303, %get3A_304] : memref<3x128x128xf32, #tpu.memory_space<vmem>>, vector<1x128x128xf32>
    %get3A_306 = vector.shape_cast %get3A_305 : vector<1x128x128xf32> to vector<128x128xf32>
    %dot_general3A_307 = arith.constant dense<0.000000e+00> : vector<1000x128xf32>
    %dot_general3A_308 = tpu.matmul %add3A_193, %get3A_301, %dot_general3A_307 {dimension_numbers = #tpu.dot_dimension_numbers<[1], [0], [0], [1], [0, 0, 1, 1], [], []>, precision = #tpu.contract_precision<fp32>, transpose_lhs_hint = false} : vector<1000x128xf32>, vector<128x128xf32>, vector<1000x128xf32> -> vector<1000x128xf32>
    %dot_general3A_309 = arith.constant dense<0.000000e+00> : vector<1000x128xf32>
    %dot_general3A_310 = tpu.matmul %add3A_242, %get3A_306, %dot_general3A_309 {dimension_numbers = #tpu.dot_dimension_numbers<[1], [0], [0], [1], [0, 0, 1, 1], [], []>, precision = #tpu.contract_precision<fp32>, transpose_lhs_hint = false} : vector<1000x128xf32>, vector<128x128xf32>, vector<1000x128xf32> -> vector<1000x128xf32>
    %add3A_311 = arith.addf %dot_general3A_308, %dot_general3A_310 : vector<1000x128xf32>
    %get3A_312 = arith.constant 0 : index
    %get3A_313 = arith.constant 0 : index
    %get3A_314 = vector.load %arg18[%get3A_312, %get3A_313] : memref<1x128xf32, #tpu.memory_space<vmem>>, vector<1x128xf32>
    %add3A_315 = vector.broadcast %get3A_314 : vector<1x128xf32> to vector<1000x128xf32>
    %add3A_316 = arith.addf %add3A_311, %add3A_315 : vector<1000x128xf32>
    %dot_general3A_317 = arith.constant dense<0.000000e+00> : vector<1000x128xf32>
    %dot_general3A_318 = tpu.matmul %add3A_193, %get3A_296, %dot_general3A_317 {dimension_numbers = #tpu.dot_dimension_numbers<[1], [0], [0], [1], [0, 0, 1, 1], [], []>, precision = #tpu.contract_precision<fp32>, transpose_lhs_hint = false} : vector<1000x128xf32>, vector<128x128xf32>, vector<1000x128xf32> -> vector<1000x128xf32>
    %dot_general3A_319 = arith.constant dense<0.000000e+00> : vector<1000x128xf32>
    %dot_general3A_320 = tpu.matmul %add3A_242, %get3A_301, %dot_general3A_319 {dimension_numbers = #tpu.dot_dimension_numbers<[1], [0], [0], [1], [0, 0, 1, 1], [], []>, precision = #tpu.contract_precision<fp32>, transpose_lhs_hint = false} : vector<1000x128xf32>, vector<128x128xf32>, vector<1000x128xf32> -> vector<1000x128xf32>
    %add3A_321 = arith.addf %dot_general3A_318, %dot_general3A_320 : vector<1000x128xf32>
    %dot_general3A_322 = arith.constant dense<0.000000e+00> : vector<1000x128xf32>
    %dot_general3A_323 = tpu.matmul %add3A_291, %get3A_306, %dot_general3A_322 {dimension_numbers = #tpu.dot_dimension_numbers<[1], [0], [0], [1], [0, 0, 1, 1], [], []>, precision = #tpu.contract_precision<fp32>, transpose_lhs_hint = false} : vector<1000x128xf32>, vector<128x128xf32>, vector<1000x128xf32> -> vector<1000x128xf32>
    %add3A_324 = arith.addf %add3A_321, %dot_general3A_323 : vector<1000x128xf32>
    %get3A_325 = arith.constant 0 : index
    %get3A_326 = arith.constant 0 : index
    %get3A_327 = vector.load %arg18[%get3A_325, %get3A_326] : memref<1x128xf32, #tpu.memory_space<vmem>>, vector<1x128xf32>
    %add3A_328 = vector.broadcast %get3A_327 : vector<1x128xf32> to vector<1000x128xf32>
    %add3A_329 = arith.addf %add3A_324, %add3A_328 : vector<1000x128xf32>
    %dot_general3A_330 = arith.constant dense<0.000000e+00> : vector<1000x128xf32>
    %dot_general3A_331 = tpu.matmul %add3A_242, %get3A_296, %dot_general3A_330 {dimension_numbers = #tpu.dot_dimension_numbers<[1], [0], [0], [1], [0, 0, 1, 1], [], []>, precision = #tpu.contract_precision<fp32>, transpose_lhs_hint = false} : vector<1000x128xf32>, vector<128x128xf32>, vector<1000x128xf32> -> vector<1000x128xf32>
    %dot_general3A_332 = arith.constant dense<0.000000e+00> : vector<1000x128xf32>
    %dot_general3A_333 = tpu.matmul %add3A_291, %get3A_301, %dot_general3A_332 {dimension_numbers = #tpu.dot_dimension_numbers<[1], [0], [0], [1], [0, 0, 1, 1], [], []>, precision = #tpu.contract_precision<fp32>, transpose_lhs_hint = false} : vector<1000x128xf32>, vector<128x128xf32>, vector<1000x128xf32> -> vector<1000x128xf32>
    %add3A_334 = arith.addf %dot_general3A_331, %dot_general3A_333 : vector<1000x128xf32>
    %get3A_335 = arith.constant 0 : index
    %get3A_336 = arith.constant 0 : index
    %get3A_337 = vector.load %arg18[%get3A_335, %get3A_336] : memref<1x128xf32, #tpu.memory_space<vmem>>, vector<1x128xf32>
    %add3A_338 = vector.broadcast %get3A_337 : vector<1x128xf32> to vector<1000x128xf32>
    %add3A_339 = arith.addf %add3A_334, %add3A_338 : vector<1000x128xf32>
    %get3A_340 = arith.constant 0 : index
    %get3A_341 = arith.constant 0 : index
    %get3A_342 = vector.load %arg27[%get3A_340, %get3A_341] : memref<1x128xf32, #tpu.memory_space<vmem>>, vector<1x128xf32>
    %mul3A_343 = vector.broadcast %slice3A_3 : vector<1000x1xf32> to vector<1000x128xf32>
    %mul3A_344 = vector.broadcast %get3A_342 : vector<1x128xf32> to vector<1000x128xf32>
    %mul3A_345 = arith.mulf %mul3A_343, %mul3A_344 : vector<1000x128xf32>
    %add3A_346 = arith.addf %add3A_316, %mul3A_345 : vector<1000x128xf32>
    %get3A_347 = arith.constant 0 : index
    %get3A_348 = arith.constant 0 : index
    %get3A_349 = vector.load %arg28[%get3A_347, %get3A_348] : memref<1x128xf32, #tpu.memory_space<vmem>>, vector<1x128xf32>
    %add3A_350 = vector.broadcast %get3A_349 : vector<1x128xf32> to vector<1000x128xf32>
    %add3A_351 = arith.addf %add3A_346, %add3A_350 : vector<1000x128xf32>
    %get3A_352 = arith.constant 0 : index
    %get3A_353 = arith.constant 0 : index
    %get3A_354 = vector.load %arg27[%get3A_352, %get3A_353] : memref<1x128xf32, #tpu.memory_space<vmem>>, vector<1x128xf32>
    %mul3A_355 = vector.broadcast %slice3A_4 : vector<1000x1xf32> to vector<1000x128xf32>
    %mul3A_356 = vector.broadcast %get3A_354 : vector<1x128xf32> to vector<1000x128xf32>
    %mul3A_357 = arith.mulf %mul3A_355, %mul3A_356 : vector<1000x128xf32>
    %add3A_358 = arith.addf %add3A_329, %mul3A_357 : vector<1000x128xf32>
    %get3A_359 = arith.constant 0 : index
    %get3A_360 = arith.constant 0 : index
    %get3A_361 = vector.load %arg28[%get3A_359, %get3A_360] : memref<1x128xf32, #tpu.memory_space<vmem>>, vector<1x128xf32>
    %add3A_362 = vector.broadcast %get3A_361 : vector<1x128xf32> to vector<1000x128xf32>
    %add3A_363 = arith.addf %add3A_358, %add3A_362 : vector<1000x128xf32>
    %get3A_364 = arith.constant 0 : index
    %get3A_365 = arith.constant 0 : index
    %get3A_366 = vector.load %arg27[%get3A_364, %get3A_365] : memref<1x128xf32, #tpu.memory_space<vmem>>, vector<1x128xf32>
    %mul3A_367 = vector.broadcast %slice3A_5 : vector<1000x1xf32> to vector<1000x128xf32>
    %mul3A_368 = vector.broadcast %get3A_366 : vector<1x128xf32> to vector<1000x128xf32>
    %mul3A_369 = arith.mulf %mul3A_367, %mul3A_368 : vector<1000x128xf32>
    %add3A_370 = arith.addf %add3A_339, %mul3A_369 : vector<1000x128xf32>
    %get3A_371 = arith.constant 0 : index
    %get3A_372 = arith.constant 0 : index
    %get3A_373 = vector.load %arg28[%get3A_371, %get3A_372] : memref<1x128xf32, #tpu.memory_space<vmem>>, vector<1x128xf32>
    %add3A_374 = vector.broadcast %get3A_373 : vector<1x128xf32> to vector<1000x128xf32>
    %add3A_375 = arith.addf %add3A_370, %add3A_374 : vector<1000x128xf32>
    %get3A_376 = arith.constant 0 : index
    %get3A_377 = arith.constant 0 : index
    %get3A_378 = vector.load %arg19[%get3A_376, %get3A_377] : memref<128x128xf32, #tpu.memory_space<vmem>>, vector<128x128xf32>
    %get3A_379 = arith.constant 0 : index
    %get3A_380 = arith.constant 0 : index
    %get3A_381 = vector.load %arg20[%get3A_379, %get3A_380] : memref<1x128xf32, #tpu.memory_space<vmem>>, vector<1x128xf32>
    %get3A_382 = arith.constant 0 : index
    %get3A_383 = arith.constant 0 : index
    %get3A_384 = vector.load %arg21[%get3A_382, %get3A_383] : memref<128x128xf32, #tpu.memory_space<vmem>>, vector<128x128xf32>
    %get3A_385 = arith.constant 0 : index
    %get3A_386 = arith.constant 0 : index
    %get3A_387 = vector.load %arg22[%get3A_385, %get3A_386] : memref<1x128xf32, #tpu.memory_space<vmem>>, vector<1x128xf32>
    %get3A_388 = arith.constant 0 : index
    %get3A_389 = arith.constant 0 : index
    %get3A_390 = vector.load %arg23[%get3A_388, %get3A_389] : memref<128x128xf32, #tpu.memory_space<vmem>>, vector<128x128xf32>
    %get3A_391 = arith.constant 0 : index
    %get3A_392 = arith.constant 0 : index
    %get3A_393 = vector.load %arg24[%get3A_391, %get3A_392] : memref<1x128xf32, #tpu.memory_space<vmem>>, vector<1x128xf32>
    %get3A_394 = arith.constant 0 : index
    %get3A_395 = arith.constant 0 : index
    %get3A_396 = vector.load %arg25[%get3A_394, %get3A_395] : memref<128x128xf32, #tpu.memory_space<vmem>>, vector<128x128xf32>
    %get3A_397 = arith.constant 0 : index
    %get3A_398 = arith.constant 0 : index
    %get3A_399 = vector.load %arg26[%get3A_397, %get3A_398] : memref<1x128xf32, #tpu.memory_space<vmem>>, vector<1x128xf32>
    %get3A_400 = arith.constant 0 : index
    %get3A_401 = arith.constant 0 : index
    %get3A_402 = vector.load %arg29[%get3A_400, %get3A_401] : memref<128x4xf32, #tpu.memory_space<vmem>>, vector<128x4xf32>
    %get3A_403 = arith.constant 0 : index
    %get3A_404 = arith.constant 0 : index
    %get3A_405 = vector.load %arg30[%get3A_403, %get3A_404] : memref<4x128xf32, #tpu.memory_space<vmem>>, vector<4x128xf32>
    %dot_general3A_406 = arith.constant dense<0.000000e+00> : vector<1000x128xf32>
    %dot_general3A_407 = tpu.matmul %add3A_351, %get3A_378, %dot_general3A_406 {dimension_numbers = #tpu.dot_dimension_numbers<[1], [0], [0], [1], [0, 0, 1, 1], [], []>, precision = #tpu.contract_precision<fp32>, transpose_lhs_hint = false} : vector<1000x128xf32>, vector<128x128xf32>, vector<1000x128xf32> -> vector<1000x128xf32>
    %add3A_408 = vector.broadcast %get3A_381 : vector<1x128xf32> to vector<1000x128xf32>
    %add3A_409 = arith.addf %dot_general3A_407, %add3A_408 : vector<1000x128xf32>
    %dot_general3A_410 = arith.constant dense<0.000000e+00> : vector<1000x128xf32>
    %dot_general3A_411 = tpu.matmul %add3A_363, %get3A_378, %dot_general3A_410 {dimension_numbers = #tpu.dot_dimension_numbers<[1], [0], [0], [1], [0, 0, 1, 1], [], []>, precision = #tpu.contract_precision<fp32>, transpose_lhs_hint = false} : vector<1000x128xf32>, vector<128x128xf32>, vector<1000x128xf32> -> vector<1000x128xf32>
    %add3A_412 = vector.broadcast %get3A_381 : vector<1x128xf32> to vector<1000x128xf32>
    %add3A_413 = arith.addf %dot_general3A_411, %add3A_412 : vector<1000x128xf32>
    %dot_general3A_414 = arith.constant dense<0.000000e+00> : vector<1000x128xf32>
    %dot_general3A_415 = tpu.matmul %add3A_375, %get3A_378, %dot_general3A_414 {dimension_numbers = #tpu.dot_dimension_numbers<[1], [0], [0], [1], [0, 0, 1, 1], [], []>, precision = #tpu.contract_precision<fp32>, transpose_lhs_hint = false} : vector<1000x128xf32>, vector<128x128xf32>, vector<1000x128xf32> -> vector<1000x128xf32>
    %add3A_416 = vector.broadcast %get3A_381 : vector<1x128xf32> to vector<1000x128xf32>
    %add3A_417 = arith.addf %dot_general3A_415, %add3A_416 : vector<1000x128xf32>
    %dot_general3A_418 = arith.constant dense<0.000000e+00> : vector<1000x128xf32>
    %dot_general3A_419 = tpu.matmul %add3A_351, %get3A_384, %dot_general3A_418 {dimension_numbers = #tpu.dot_dimension_numbers<[1], [0], [0], [1], [0, 0, 1, 1], [], []>, precision = #tpu.contract_precision<fp32>, transpose_lhs_hint = false} : vector<1000x128xf32>, vector<128x128xf32>, vector<1000x128xf32> -> vector<1000x128xf32>
    %add3A_420 = vector.broadcast %get3A_387 : vector<1x128xf32> to vector<1000x128xf32>
    %add3A_421 = arith.addf %dot_general3A_419, %add3A_420 : vector<1000x128xf32>
    %dot_general3A_422 = arith.constant dense<0.000000e+00> : vector<1000x128xf32>
    %dot_general3A_423 = tpu.matmul %add3A_363, %get3A_384, %dot_general3A_422 {dimension_numbers = #tpu.dot_dimension_numbers<[1], [0], [0], [1], [0, 0, 1, 1], [], []>, precision = #tpu.contract_precision<fp32>, transpose_lhs_hint = false} : vector<1000x128xf32>, vector<128x128xf32>, vector<1000x128xf32> -> vector<1000x128xf32>
    %add3A_424 = vector.broadcast %get3A_387 : vector<1x128xf32> to vector<1000x128xf32>
    %add3A_425 = arith.addf %dot_general3A_423, %add3A_424 : vector<1000x128xf32>
    %dot_general3A_426 = arith.constant dense<0.000000e+00> : vector<1000x128xf32>
    %dot_general3A_427 = tpu.matmul %add3A_375, %get3A_384, %dot_general3A_426 {dimension_numbers = #tpu.dot_dimension_numbers<[1], [0], [0], [1], [0, 0, 1, 1], [], []>, precision = #tpu.contract_precision<fp32>, transpose_lhs_hint = false} : vector<1000x128xf32>, vector<128x128xf32>, vector<1000x128xf32> -> vector<1000x128xf32>
    %add3A_428 = vector.broadcast %get3A_387 : vector<1x128xf32> to vector<1000x128xf32>
    %add3A_429 = arith.addf %dot_general3A_427, %add3A_428 : vector<1000x128xf32>
    %dot_general3A_430 = arith.constant dense<0.000000e+00> : vector<1000x128xf32>
    %dot_general3A_431 = tpu.matmul %add3A_316, %get3A_390, %dot_general3A_430 {dimension_numbers = #tpu.dot_dimension_numbers<[1], [0], [0], [1], [0, 0, 1, 1], [], []>, precision = #tpu.contract_precision<fp32>, transpose_lhs_hint = false} : vector<1000x128xf32>, vector<128x128xf32>, vector<1000x128xf32> -> vector<1000x128xf32>
    %add3A_432 = vector.broadcast %get3A_393 : vector<1x128xf32> to vector<1000x128xf32>
    %add3A_433 = arith.addf %dot_general3A_431, %add3A_432 : vector<1000x128xf32>
    %dot_general3A_434 = arith.constant dense<0.000000e+00> : vector<1000x128xf32>
    %dot_general3A_435 = tpu.matmul %add3A_329, %get3A_390, %dot_general3A_434 {dimension_numbers = #tpu.dot_dimension_numbers<[1], [0], [0], [1], [0, 0, 1, 1], [], []>, precision = #tpu.contract_precision<fp32>, transpose_lhs_hint = false} : vector<1000x128xf32>, vector<128x128xf32>, vector<1000x128xf32> -> vector<1000x128xf32>
    %add3A_436 = vector.broadcast %get3A_393 : vector<1x128xf32> to vector<1000x128xf32>
    %add3A_437 = arith.addf %dot_general3A_435, %add3A_436 : vector<1000x128xf32>
    %dot_general3A_438 = arith.constant dense<0.000000e+00> : vector<1000x128xf32>
    %dot_general3A_439 = tpu.matmul %add3A_339, %get3A_390, %dot_general3A_438 {dimension_numbers = #tpu.dot_dimension_numbers<[1], [0], [0], [1], [0, 0, 1, 1], [], []>, precision = #tpu.contract_precision<fp32>, transpose_lhs_hint = false} : vector<1000x128xf32>, vector<128x128xf32>, vector<1000x128xf32> -> vector<1000x128xf32>
    %add3A_440 = vector.broadcast %get3A_393 : vector<1x128xf32> to vector<1000x128xf32>
    %add3A_441 = arith.addf %dot_general3A_439, %add3A_440 : vector<1000x128xf32>
    %mul3A_442 = arith.mulf %add3A_409, %add3A_421 : vector<1000x128xf32>
    %dot_general3A_443 = arith.constant dense<0.000000e+00> : vector<1000x4xf32>
    %dot_general3A_444 = tpu.matmul %mul3A_442, %get3A_402, %dot_general3A_443 {dimension_numbers = #tpu.dot_dimension_numbers<[1], [0], [0], [1], [0, 0, 1, 1], [], []>, precision = #tpu.contract_precision<fp32>, transpose_lhs_hint = false} : vector<1000x128xf32>, vector<128x4xf32>, vector<1000x4xf32> -> vector<1000x4xf32>
    %mul3A_445 = arith.constant 0.176776692 : f32
    %mul3A_446 = vector.broadcast %mul3A_445 : f32 to vector<1000x4xf32>
    %mul3A_447 = arith.mulf %dot_general3A_444, %mul3A_446 : vector<1000x4xf32>
    %mul3A_448 = arith.mulf %add3A_409, %add3A_425 : vector<1000x128xf32>
    %dot_general3A_449 = arith.constant dense<0.000000e+00> : vector<1000x4xf32>
    %dot_general3A_450 = tpu.matmul %mul3A_448, %get3A_402, %dot_general3A_449 {dimension_numbers = #tpu.dot_dimension_numbers<[1], [0], [0], [1], [0, 0, 1, 1], [], []>, precision = #tpu.contract_precision<fp32>, transpose_lhs_hint = false} : vector<1000x128xf32>, vector<128x4xf32>, vector<1000x4xf32> -> vector<1000x4xf32>
    %mul3A_451 = arith.constant 0.176776692 : f32
    %mul3A_452 = vector.broadcast %mul3A_451 : f32 to vector<1000x4xf32>
    %mul3A_453 = arith.mulf %dot_general3A_450, %mul3A_452 : vector<1000x4xf32>
    %mul3A_454 = arith.mulf %add3A_409, %add3A_429 : vector<1000x128xf32>
    %dot_general3A_455 = arith.constant dense<0.000000e+00> : vector<1000x4xf32>
    %dot_general3A_456 = tpu.matmul %mul3A_454, %get3A_402, %dot_general3A_455 {dimension_numbers = #tpu.dot_dimension_numbers<[1], [0], [0], [1], [0, 0, 1, 1], [], []>, precision = #tpu.contract_precision<fp32>, transpose_lhs_hint = false} : vector<1000x128xf32>, vector<128x4xf32>, vector<1000x4xf32> -> vector<1000x4xf32>
    %mul3A_457 = arith.constant 0.176776692 : f32
    %mul3A_458 = vector.broadcast %mul3A_457 : f32 to vector<1000x4xf32>
    %mul3A_459 = arith.mulf %dot_general3A_456, %mul3A_458 : vector<1000x4xf32>
    %max3A_460 = arith.maximumf %mul3A_447, %mul3A_453 : vector<1000x4xf32>
    %max3A_461 = arith.maximumf %max3A_460, %mul3A_459 : vector<1000x4xf32>
    %sub3A_462 = arith.subf %mul3A_447, %max3A_461 : vector<1000x4xf32>
    %exp3A_463 = math.exp %sub3A_462 : vector<1000x4xf32>
    %sub3A_464 = arith.subf %mul3A_453, %max3A_461 : vector<1000x4xf32>
    %exp3A_465 = math.exp %sub3A_464 : vector<1000x4xf32>
    %sub3A_466 = arith.subf %mul3A_459, %max3A_461 : vector<1000x4xf32>
    %exp3A_467 = math.exp %sub3A_466 : vector<1000x4xf32>
    %add3A_468 = arith.addf %exp3A_463, %exp3A_465 : vector<1000x4xf32>
    %add3A_469 = arith.addf %add3A_468, %exp3A_467 : vector<1000x4xf32>
    %div3A_470 = arith.divf %exp3A_463, %add3A_469 : vector<1000x4xf32>
    %dot_general3A_471 = arith.constant dense<0.000000e+00> : vector<1000x128xf32>
    %dot_general3A_472 = tpu.matmul %div3A_470, %get3A_405, %dot_general3A_471 {dimension_numbers = #tpu.dot_dimension_numbers<[1], [0], [0], [1], [0, 0, 1, 1], [], []>, precision = #tpu.contract_precision<fp32>, transpose_lhs_hint = false} : vector<1000x4xf32>, vector<4x128xf32>, vector<1000x128xf32> -> vector<1000x128xf32>
    %mul3A_473 = arith.mulf %dot_general3A_472, %add3A_433 : vector<1000x128xf32>
    %add3A_474 = arith.constant 0.000000e+00 : f32
    %add3A_475 = vector.broadcast %add3A_474 : f32 to vector<1000x128xf32>
    %add3A_476 = arith.addf %add3A_475, %mul3A_473 : vector<1000x128xf32>
    %div3A_477 = arith.divf %exp3A_465, %add3A_469 : vector<1000x4xf32>
    %dot_general3A_478 = arith.constant dense<0.000000e+00> : vector<1000x128xf32>
    %dot_general3A_479 = tpu.matmul %div3A_477, %get3A_405, %dot_general3A_478 {dimension_numbers = #tpu.dot_dimension_numbers<[1], [0], [0], [1], [0, 0, 1, 1], [], []>, precision = #tpu.contract_precision<fp32>, transpose_lhs_hint = false} : vector<1000x4xf32>, vector<4x128xf32>, vector<1000x128xf32> -> vector<1000x128xf32>
    %mul3A_480 = arith.mulf %dot_general3A_479, %add3A_437 : vector<1000x128xf32>
    %add3A_481 = arith.addf %add3A_476, %mul3A_480 : vector<1000x128xf32>
    %div3A_482 = arith.divf %exp3A_467, %add3A_469 : vector<1000x4xf32>
    %dot_general3A_483 = arith.constant dense<0.000000e+00> : vector<1000x128xf32>
    %dot_general3A_484 = tpu.matmul %div3A_482, %get3A_405, %dot_general3A_483 {dimension_numbers = #tpu.dot_dimension_numbers<[1], [0], [0], [1], [0, 0, 1, 1], [], []>, precision = #tpu.contract_precision<fp32>, transpose_lhs_hint = false} : vector<1000x4xf32>, vector<4x128xf32>, vector<1000x128xf32> -> vector<1000x128xf32>
    %mul3A_485 = arith.mulf %dot_general3A_484, %add3A_441 : vector<1000x128xf32>
    %add3A_486 = arith.addf %add3A_481, %mul3A_485 : vector<1000x128xf32>
    %dot_general3A_487 = arith.constant dense<0.000000e+00> : vector<1000x128xf32>
    %dot_general3A_488 = tpu.matmul %add3A_486, %get3A_396, %dot_general3A_487 {dimension_numbers = #tpu.dot_dimension_numbers<[1], [0], [0], [1], [0, 0, 1, 1], [], []>, precision = #tpu.contract_precision<fp32>, transpose_lhs_hint = false} : vector<1000x128xf32>, vector<128x128xf32>, vector<1000x128xf32> -> vector<1000x128xf32>
    %add3A_489 = vector.broadcast %get3A_399 : vector<1x128xf32> to vector<1000x128xf32>
    %add3A_490 = arith.addf %dot_general3A_488, %add3A_489 : vector<1000x128xf32>
    %mul3A_491 = arith.mulf %add3A_413, %add3A_421 : vector<1000x128xf32>
    %dot_general3A_492 = arith.constant dense<0.000000e+00> : vector<1000x4xf32>
    %dot_general3A_493 = tpu.matmul %mul3A_491, %get3A_402, %dot_general3A_492 {dimension_numbers = #tpu.dot_dimension_numbers<[1], [0], [0], [1], [0, 0, 1, 1], [], []>, precision = #tpu.contract_precision<fp32>, transpose_lhs_hint = false} : vector<1000x128xf32>, vector<128x4xf32>, vector<1000x4xf32> -> vector<1000x4xf32>
    %mul3A_494 = arith.constant 0.176776692 : f32
    %mul3A_495 = vector.broadcast %mul3A_494 : f32 to vector<1000x4xf32>
    %mul3A_496 = arith.mulf %dot_general3A_493, %mul3A_495 : vector<1000x4xf32>
    %mul3A_497 = arith.mulf %add3A_413, %add3A_425 : vector<1000x128xf32>
    %dot_general3A_498 = arith.constant dense<0.000000e+00> : vector<1000x4xf32>
    %dot_general3A_499 = tpu.matmul %mul3A_497, %get3A_402, %dot_general3A_498 {dimension_numbers = #tpu.dot_dimension_numbers<[1], [0], [0], [1], [0, 0, 1, 1], [], []>, precision = #tpu.contract_precision<fp32>, transpose_lhs_hint = false} : vector<1000x128xf32>, vector<128x4xf32>, vector<1000x4xf32> -> vector<1000x4xf32>
    %mul3A_500 = arith.constant 0.176776692 : f32
    %mul3A_501 = vector.broadcast %mul3A_500 : f32 to vector<1000x4xf32>
    %mul3A_502 = arith.mulf %dot_general3A_499, %mul3A_501 : vector<1000x4xf32>
    %mul3A_503 = arith.mulf %add3A_413, %add3A_429 : vector<1000x128xf32>
    %dot_general3A_504 = arith.constant dense<0.000000e+00> : vector<1000x4xf32>
    %dot_general3A_505 = tpu.matmul %mul3A_503, %get3A_402, %dot_general3A_504 {dimension_numbers = #tpu.dot_dimension_numbers<[1], [0], [0], [1], [0, 0, 1, 1], [], []>, precision = #tpu.contract_precision<fp32>, transpose_lhs_hint = false} : vector<1000x128xf32>, vector<128x4xf32>, vector<1000x4xf32> -> vector<1000x4xf32>
    %mul3A_506 = arith.constant 0.176776692 : f32
    %mul3A_507 = vector.broadcast %mul3A_506 : f32 to vector<1000x4xf32>
    %mul3A_508 = arith.mulf %dot_general3A_505, %mul3A_507 : vector<1000x4xf32>
    %max3A_509 = arith.maximumf %mul3A_496, %mul3A_502 : vector<1000x4xf32>
    %max3A_510 = arith.maximumf %max3A_509, %mul3A_508 : vector<1000x4xf32>
    %sub3A_511 = arith.subf %mul3A_496, %max3A_510 : vector<1000x4xf32>
    %exp3A_512 = math.exp %sub3A_511 : vector<1000x4xf32>
    %sub3A_513 = arith.subf %mul3A_502, %max3A_510 : vector<1000x4xf32>
    %exp3A_514 = math.exp %sub3A_513 : vector<1000x4xf32>
    %sub3A_515 = arith.subf %mul3A_508, %max3A_510 : vector<1000x4xf32>
    %exp3A_516 = math.exp %sub3A_515 : vector<1000x4xf32>
    %add3A_517 = arith.addf %exp3A_512, %exp3A_514 : vector<1000x4xf32>
    %add3A_518 = arith.addf %add3A_517, %exp3A_516 : vector<1000x4xf32>
    %div3A_519 = arith.divf %exp3A_512, %add3A_518 : vector<1000x4xf32>
    %dot_general3A_520 = arith.constant dense<0.000000e+00> : vector<1000x128xf32>
    %dot_general3A_521 = tpu.matmul %div3A_519, %get3A_405, %dot_general3A_520 {dimension_numbers = #tpu.dot_dimension_numbers<[1], [0], [0], [1], [0, 0, 1, 1], [], []>, precision = #tpu.contract_precision<fp32>, transpose_lhs_hint = false} : vector<1000x4xf32>, vector<4x128xf32>, vector<1000x128xf32> -> vector<1000x128xf32>
    %mul3A_522 = arith.mulf %dot_general3A_521, %add3A_433 : vector<1000x128xf32>
    %add3A_523 = arith.constant 0.000000e+00 : f32
    %add3A_524 = vector.broadcast %add3A_523 : f32 to vector<1000x128xf32>
    %add3A_525 = arith.addf %add3A_524, %mul3A_522 : vector<1000x128xf32>
    %div3A_526 = arith.divf %exp3A_514, %add3A_518 : vector<1000x4xf32>
    %dot_general3A_527 = arith.constant dense<0.000000e+00> : vector<1000x128xf32>
    %dot_general3A_528 = tpu.matmul %div3A_526, %get3A_405, %dot_general3A_527 {dimension_numbers = #tpu.dot_dimension_numbers<[1], [0], [0], [1], [0, 0, 1, 1], [], []>, precision = #tpu.contract_precision<fp32>, transpose_lhs_hint = false} : vector<1000x4xf32>, vector<4x128xf32>, vector<1000x128xf32> -> vector<1000x128xf32>
    %mul3A_529 = arith.mulf %dot_general3A_528, %add3A_437 : vector<1000x128xf32>
    %add3A_530 = arith.addf %add3A_525, %mul3A_529 : vector<1000x128xf32>
    %div3A_531 = arith.divf %exp3A_516, %add3A_518 : vector<1000x4xf32>
    %dot_general3A_532 = arith.constant dense<0.000000e+00> : vector<1000x128xf32>
    %dot_general3A_533 = tpu.matmul %div3A_531, %get3A_405, %dot_general3A_532 {dimension_numbers = #tpu.dot_dimension_numbers<[1], [0], [0], [1], [0, 0, 1, 1], [], []>, precision = #tpu.contract_precision<fp32>, transpose_lhs_hint = false} : vector<1000x4xf32>, vector<4x128xf32>, vector<1000x128xf32> -> vector<1000x128xf32>
    %mul3A_534 = arith.mulf %dot_general3A_533, %add3A_441 : vector<1000x128xf32>
    %add3A_535 = arith.addf %add3A_530, %mul3A_534 : vector<1000x128xf32>
    %dot_general3A_536 = arith.constant dense<0.000000e+00> : vector<1000x128xf32>
    %dot_general3A_537 = tpu.matmul %add3A_535, %get3A_396, %dot_general3A_536 {dimension_numbers = #tpu.dot_dimension_numbers<[1], [0], [0], [1], [0, 0, 1, 1], [], []>, precision = #tpu.contract_precision<fp32>, transpose_lhs_hint = false} : vector<1000x128xf32>, vector<128x128xf32>, vector<1000x128xf32> -> vector<1000x128xf32>
    %add3A_538 = vector.broadcast %get3A_399 : vector<1x128xf32> to vector<1000x128xf32>
    %add3A_539 = arith.addf %dot_general3A_537, %add3A_538 : vector<1000x128xf32>
    %mul3A_540 = arith.mulf %add3A_417, %add3A_421 : vector<1000x128xf32>
    %dot_general3A_541 = arith.constant dense<0.000000e+00> : vector<1000x4xf32>
    %dot_general3A_542 = tpu.matmul %mul3A_540, %get3A_402, %dot_general3A_541 {dimension_numbers = #tpu.dot_dimension_numbers<[1], [0], [0], [1], [0, 0, 1, 1], [], []>, precision = #tpu.contract_precision<fp32>, transpose_lhs_hint = false} : vector<1000x128xf32>, vector<128x4xf32>, vector<1000x4xf32> -> vector<1000x4xf32>
    %mul3A_543 = arith.constant 0.176776692 : f32
    %mul3A_544 = vector.broadcast %mul3A_543 : f32 to vector<1000x4xf32>
    %mul3A_545 = arith.mulf %dot_general3A_542, %mul3A_544 : vector<1000x4xf32>
    %mul3A_546 = arith.mulf %add3A_417, %add3A_425 : vector<1000x128xf32>
    %dot_general3A_547 = arith.constant dense<0.000000e+00> : vector<1000x4xf32>
    %dot_general3A_548 = tpu.matmul %mul3A_546, %get3A_402, %dot_general3A_547 {dimension_numbers = #tpu.dot_dimension_numbers<[1], [0], [0], [1], [0, 0, 1, 1], [], []>, precision = #tpu.contract_precision<fp32>, transpose_lhs_hint = false} : vector<1000x128xf32>, vector<128x4xf32>, vector<1000x4xf32> -> vector<1000x4xf32>
    %mul3A_549 = arith.constant 0.176776692 : f32
    %mul3A_550 = vector.broadcast %mul3A_549 : f32 to vector<1000x4xf32>
    %mul3A_551 = arith.mulf %dot_general3A_548, %mul3A_550 : vector<1000x4xf32>
    %mul3A_552 = arith.mulf %add3A_417, %add3A_429 : vector<1000x128xf32>
    %dot_general3A_553 = arith.constant dense<0.000000e+00> : vector<1000x4xf32>
    %dot_general3A_554 = tpu.matmul %mul3A_552, %get3A_402, %dot_general3A_553 {dimension_numbers = #tpu.dot_dimension_numbers<[1], [0], [0], [1], [0, 0, 1, 1], [], []>, precision = #tpu.contract_precision<fp32>, transpose_lhs_hint = false} : vector<1000x128xf32>, vector<128x4xf32>, vector<1000x4xf32> -> vector<1000x4xf32>
    %mul3A_555 = arith.constant 0.176776692 : f32
    %mul3A_556 = vector.broadcast %mul3A_555 : f32 to vector<1000x4xf32>
    %mul3A_557 = arith.mulf %dot_general3A_554, %mul3A_556 : vector<1000x4xf32>
    %max3A_558 = arith.maximumf %mul3A_545, %mul3A_551 : vector<1000x4xf32>
    %max3A_559 = arith.maximumf %max3A_558, %mul3A_557 : vector<1000x4xf32>
    %sub3A_560 = arith.subf %mul3A_545, %max3A_559 : vector<1000x4xf32>
    %exp3A_561 = math.exp %sub3A_560 : vector<1000x4xf32>
    %sub3A_562 = arith.subf %mul3A_551, %max3A_559 : vector<1000x4xf32>
    %exp3A_563 = math.exp %sub3A_562 : vector<1000x4xf32>
    %sub3A_564 = arith.subf %mul3A_557, %max3A_559 : vector<1000x4xf32>
    %exp3A_565 = math.exp %sub3A_564 : vector<1000x4xf32>
    %add3A_566 = arith.addf %exp3A_561, %exp3A_563 : vector<1000x4xf32>
    %add3A_567 = arith.addf %add3A_566, %exp3A_565 : vector<1000x4xf32>
    %div3A_568 = arith.divf %exp3A_561, %add3A_567 : vector<1000x4xf32>
    %dot_general3A_569 = arith.constant dense<0.000000e+00> : vector<1000x128xf32>
    %dot_general3A_570 = tpu.matmul %div3A_568, %get3A_405, %dot_general3A_569 {dimension_numbers = #tpu.dot_dimension_numbers<[1], [0], [0], [1], [0, 0, 1, 1], [], []>, precision = #tpu.contract_precision<fp32>, transpose_lhs_hint = false} : vector<1000x4xf32>, vector<4x128xf32>, vector<1000x128xf32> -> vector<1000x128xf32>
    %mul3A_571 = arith.mulf %dot_general3A_570, %add3A_433 : vector<1000x128xf32>
    %add3A_572 = arith.constant 0.000000e+00 : f32
    %add3A_573 = vector.broadcast %add3A_572 : f32 to vector<1000x128xf32>
    %add3A_574 = arith.addf %add3A_573, %mul3A_571 : vector<1000x128xf32>
    %div3A_575 = arith.divf %exp3A_563, %add3A_567 : vector<1000x4xf32>
    %dot_general3A_576 = arith.constant dense<0.000000e+00> : vector<1000x128xf32>
    %dot_general3A_577 = tpu.matmul %div3A_575, %get3A_405, %dot_general3A_576 {dimension_numbers = #tpu.dot_dimension_numbers<[1], [0], [0], [1], [0, 0, 1, 1], [], []>, precision = #tpu.contract_precision<fp32>, transpose_lhs_hint = false} : vector<1000x4xf32>, vector<4x128xf32>, vector<1000x128xf32> -> vector<1000x128xf32>
    %mul3A_578 = arith.mulf %dot_general3A_577, %add3A_437 : vector<1000x128xf32>
    %add3A_579 = arith.addf %add3A_574, %mul3A_578 : vector<1000x128xf32>
    %div3A_580 = arith.divf %exp3A_565, %add3A_567 : vector<1000x4xf32>
    %dot_general3A_581 = arith.constant dense<0.000000e+00> : vector<1000x128xf32>
    %dot_general3A_582 = tpu.matmul %div3A_580, %get3A_405, %dot_general3A_581 {dimension_numbers = #tpu.dot_dimension_numbers<[1], [0], [0], [1], [0, 0, 1, 1], [], []>, precision = #tpu.contract_precision<fp32>, transpose_lhs_hint = false} : vector<1000x4xf32>, vector<4x128xf32>, vector<1000x128xf32> -> vector<1000x128xf32>
    %mul3A_583 = arith.mulf %dot_general3A_582, %add3A_441 : vector<1000x128xf32>
    %add3A_584 = arith.addf %add3A_579, %mul3A_583 : vector<1000x128xf32>
    %dot_general3A_585 = arith.constant dense<0.000000e+00> : vector<1000x128xf32>
    %dot_general3A_586 = tpu.matmul %add3A_584, %get3A_396, %dot_general3A_585 {dimension_numbers = #tpu.dot_dimension_numbers<[1], [0], [0], [1], [0, 0, 1, 1], [], []>, precision = #tpu.contract_precision<fp32>, transpose_lhs_hint = false} : vector<1000x128xf32>, vector<128x128xf32>, vector<1000x128xf32> -> vector<1000x128xf32>
    %add3A_587 = vector.broadcast %get3A_399 : vector<1x128xf32> to vector<1000x128xf32>
    %add3A_588 = arith.addf %dot_general3A_586, %add3A_587 : vector<1000x128xf32>
    %swap3A = arith.constant 0 : index
    %swap3A_589 = arith.constant 0 : index
    %swap3A_590 = vector.load %arg31[%swap3A, %swap3A_589] : memref<1000x384xf32, #tpu.memory_space<vmem>>, vector<1000x128xf32>
    tpu.vector_store %arg31[%swap3A, %swap3A_589], %add3A_490 {strides = array<i32>} : memref<1000x384xf32, #tpu.memory_space<vmem>>, vector<1000x128xf32>,
    %swap3A_591 = arith.constant 0 : index
    %swap3A_592 = arith.constant 128 : index
    %swap3A_593 = vector.load %arg31[%swap3A_591, %swap3A_592] : memref<1000x384xf32, #tpu.memory_space<vmem>>, vector<1000x128xf32>
    tpu.vector_store %arg31[%swap3A_591, %swap3A_592], %add3A_539 {strides = array<i32>} : memref<1000x384xf32, #tpu.memory_space<vmem>>, vector<1000x128xf32>,
    %swap3A_594 = arith.constant 0 : index
    %swap3A_595 = arith.constant 256 : index
    %swap3A_596 = vector.load %arg31[%swap3A_594, %swap3A_595] : memref<1000x384xf32, #tpu.memory_space<vmem>>, vector<1000x128xf32>
    tpu.vector_store %arg31[%swap3A_594, %swap3A_595], %add3A_588 {strides = array<i32>} : memref<1000x384xf32, #tpu.memory_space<vmem>>, vector<1000x128xf32>,
    return
  }
  func.func @transform_0(%arg0: i32) -> (i32, i32) {
    %c0_i32 = arith.constant 0 : i32
    %c0_i32_0 = arith.constant 0 : i32
    return %arg0, %c0_i32 : i32, i32
  }
  func.func @transform_1(%arg0: i32) -> (i32, i32) {
    %c0_i32 = arith.constant 0 : i32
    %c0_i32_0 = arith.constant 0 : i32
    %c0_i32_1 = arith.constant 0 : i32
    return %c0_i32, %c0_i32_0 : i32, i32
  }
  func.func @transform_2(%arg0: i32) -> (i32, i32) {
    %c0_i32 = arith.constant 0 : i32
    %c0_i32_0 = arith.constant 0 : i32
    %c0_i32_1 = arith.constant 0 : i32
    return %c0_i32, %c0_i32_0 : i32, i32
  }
  func.func @transform_3(%arg0: i32) -> (i32, i32) {
    %c0_i32 = arith.constant 0 : i32
    %c0_i32_0 = arith.constant 0 : i32
    %c0_i32_1 = arith.constant 0 : i32
    return %c0_i32, %c0_i32_0 : i32, i32
  }
  func.func @transform_4(%arg0: i32) -> (i32, i32) {
    %c0_i32 = arith.constant 0 : i32
    %c0_i32_0 = arith.constant 0 : i32
    %c0_i32_1 = arith.constant 0 : i32
    return %c0_i32, %c0_i32_0 : i32, i32
  }
  func.func @transform_5(%arg0: i32) -> (i32, i32) {
    %c0_i32 = arith.constant 0 : i32
    %c0_i32_0 = arith.constant 0 : i32
    %c0_i32_1 = arith.constant 0 : i32
    return %c0_i32, %c0_i32_0 : i32, i32
  }
  func.func @transform_6(%arg0: i32) -> (i32, i32) {
    %c0_i32 = arith.constant 0 : i32
    %c0_i32_0 = arith.constant 0 : i32
    %c0_i32_1 = arith.constant 0 : i32
    return %c0_i32, %c0_i32_0 : i32, i32
  }
  func.func @transform_7(%arg0: i32) -> (i32, i32) {
    %c0_i32 = arith.constant 0 : i32
    %c0_i32_0 = arith.constant 0 : i32
    %c0_i32_1 = arith.constant 0 : i32
    return %c0_i32, %c0_i32_0 : i32, i32
  }
  func.func @transform_8(%arg0: i32) -> (i32, i32) {
    %c0_i32 = arith.constant 0 : i32
    %c0_i32_0 = arith.constant 0 : i32
    %c0_i32_1 = arith.constant 0 : i32
    return %c0_i32, %c0_i32_0 : i32, i32
  }
  func.func @transform_9(%arg0: i32) -> (i32, i32) {
    %c0_i32 = arith.constant 0 : i32
    %c0_i32_0 = arith.constant 0 : i32
    %c0_i32_1 = arith.constant 0 : i32
    return %c0_i32, %c0_i32_0 : i32, i32
  }
  func.func @transform_10(%arg0: i32) -> (i32, i32) {
    %c0_i32 = arith.constant 0 : i32
    %c0_i32_0 = arith.constant 0 : i32
    %c0_i32_1 = arith.constant 0 : i32
    return %c0_i32, %c0_i32_0 : i32, i32
  }
  func.func @transform_11(%arg0: i32) -> (i32, i32) {
    %c0_i32 = arith.constant 0 : i32
    %c0_i32_0 = arith.constant 0 : i32
    %c0_i32_1 = arith.constant 0 : i32
    return %c0_i32, %c0_i32_0 : i32, i32
  }
  func.func @transform_12(%arg0: i32) -> (i32, i32) {
    %c0_i32 = arith.constant 0 : i32
    %c0_i32_0 = arith.constant 0 : i32
    %c0_i32_1 = arith.constant 0 : i32
    return %c0_i32, %c0_i32_0 : i32, i32
  }
  func.func @transform_13(%arg0: i32) -> (i32, i32) {
    %c0_i32 = arith.constant 0 : i32
    %c0_i32_0 = arith.constant 0 : i32
    %c0_i32_1 = arith.constant 0 : i32
    return %c0_i32, %c0_i32_0 : i32, i32
  }
  func.func @transform_14(%arg0: i32) -> (i32, i32) {
    %c0_i32 = arith.constant 0 : i32
    %c0_i32_0 = arith.constant 0 : i32
    %c0_i32_1 = arith.constant 0 : i32
    return %c0_i32, %c0_i32_0 : i32, i32
  }
  func.func @transform_15(%arg0: i32) -> (i32, i32) {
    %c0_i32 = arith.constant 0 : i32
    %c0_i32_0 = arith.constant 0 : i32
    %c0_i32_1 = arith.constant 0 : i32
    return %c0_i32, %c0_i32_0 : i32, i32
  }
  func.func @transform_16(%arg0: i32) -> (i32, i32, i32) {
    %c0_i32 = arith.constant 0 : i32
    %c0_i32_0 = arith.constant 0 : i32
    %c0_i32_1 = arith.constant 0 : i32
    %c0_i32_2 = arith.constant 0 : i32
    return %c0_i32, %c0_i32_0, %c0_i32_1 : i32, i32, i32
  }
  func.func @transform_17(%arg0: i32) -> (i32, i32) {
    %c0_i32 = arith.constant 0 : i32
    %c0_i32_0 = arith.constant 0 : i32
    %c0_i32_1 = arith.constant 0 : i32
    return %c0_i32, %c0_i32_0 : i32, i32
  }
  func.func @transform_18(%arg0: i32) -> (i32, i32) {
    %c0_i32 = arith.constant 0 : i32
    %c0_i32_0 = arith.constant 0 : i32
    %c0_i32_1 = arith.constant 0 : i32
    return %c0_i32, %c0_i32_0 : i32, i32
  }
  func.func @transform_19(%arg0: i32) -> (i32, i32) {
    %c0_i32 = arith.constant 0 : i32
    %c0_i32_0 = arith.constant 0 : i32
    %c0_i32_1 = arith.constant 0 : i32
    return %c0_i32, %c0_i32_0 : i32, i32
  }
  func.func @transform_20(%arg0: i32) -> (i32, i32) {
    %c0_i32 = arith.constant 0 : i32
    %c0_i32_0 = arith.constant 0 : i32
    %c0_i32_1 = arith.constant 0 : i32
    return %c0_i32, %c0_i32_0 : i32, i32
  }
  func.func @transform_21(%arg0: i32) -> (i32, i32) {
    %c0_i32 = arith.constant 0 : i32
    %c0_i32_0 = arith.constant 0 : i32
    %c0_i32_1 = arith.constant 0 : i32
    return %c0_i32, %c0_i32_0 : i32, i32
  }
  func.func @transform_22(%arg0: i32) -> (i32, i32) {
    %c0_i32 = arith.constant 0 : i32
    %c0_i32_0 = arith.constant 0 : i32
    %c0_i32_1 = arith.constant 0 : i32
    return %c0_i32, %c0_i32_0 : i32, i32
  }
  func.func @transform_23(%arg0: i32) -> (i32, i32) {
    %c0_i32 = arith.constant 0 : i32
    %c0_i32_0 = arith.constant 0 : i32
    %c0_i32_1 = arith.constant 0 : i32
    return %c0_i32, %c0_i32_0 : i32, i32
  }
  func.func @transform_24(%arg0: i32) -> (i32, i32) {
    %c0_i32 = arith.constant 0 : i32
    %c0_i32_0 = arith.constant 0 : i32
    %c0_i32_1 = arith.constant 0 : i32
    return %c0_i32, %c0_i32_0 : i32, i32
  }
  func.func @transform_25(%arg0: i32) -> (i32, i32) {
    %c0_i32 = arith.constant 0 : i32
    %c0_i32_0 = arith.constant 0 : i32
    %c0_i32_1 = arith.constant 0 : i32
    return %c0_i32, %c0_i32_0 : i32, i32
  }
  func.func @transform_26(%arg0: i32) -> (i32, i32) {
    %c0_i32 = arith.constant 0 : i32
    %c0_i32_0 = arith.constant 0 : i32
    %c0_i32_1 = arith.constant 0 : i32
    return %c0_i32, %c0_i32_0 : i32, i32
  }
  func.func @transform_27(%arg0: i32) -> (i32, i32) {
    %c0_i32 = arith.constant 0 : i32
    %c0_i32_0 = arith.constant 0 : i32
    %c0_i32_1 = arith.constant 0 : i32
    return %c0_i32, %c0_i32_0 : i32, i32
  }
  func.func @transform_28(%arg0: i32) -> (i32, i32) {
    %c0_i32 = arith.constant 0 : i32
    %c0_i32_0 = arith.constant 0 : i32
    %c0_i32_1 = arith.constant 0 : i32
    return %c0_i32, %c0_i32_0 : i32, i32
  }
  func.func @transform_29(%arg0: i32) -> (i32, i32) {
    %c0_i32 = arith.constant 0 : i32
    %c0_i32_0 = arith.constant 0 : i32
    %c0_i32_1 = arith.constant 0 : i32
    return %c0_i32, %c0_i32_0 : i32, i32
  }
  func.func @transform_30(%arg0: i32) -> (i32, i32) {
    %c0_i32 = arith.constant 0 : i32
    %c0_i32_0 = arith.constant 0 : i32
    return %arg0, %c0_i32 : i32, i32
  }
}

module attributes {stable_mosaic.version = 14 : i64} {
  func.func @_sage_body(%arg0: i32, %arg1: memref<1000x384xf32, #tpu.memory_space<vmem>>, %arg2: memref<1000x384xf32, #tpu.memory_space<vmem>>, %arg3: memref<1000x8xf32, #tpu.memory_space<vmem>>, %arg4: memref<128x128xf32, #tpu.memory_space<vmem>>, %arg5: memref<1x128xf32, #tpu.memory_space<vmem>>, %arg6: memref<128x128xf32, #tpu.memory_space<vmem>>, %arg7: memref<1x128xf32, #tpu.memory_space<vmem>>, %arg8: memref<1x128xf32, #tpu.memory_space<vmem>>, %arg9: memref<128x128xf32, #tpu.memory_space<vmem>>, %arg10: memref<1x128xf32, #tpu.memory_space<vmem>>, %arg11: memref<1000x384xf32, #tpu.memory_space<vmem>>) attributes {dimension_semantics = [#tpu.dimension_semantics<arbitrary>], iteration_bounds = array<i64: 10>, scalar_prefetch = 0 : i64, scratch_operands = 0 : i64, tpu.core_type = #tpu.core_type<tc>, window_params = [{transform_indices = @transform_0, window_bounds = array<i64: 1000, 384>}, {transform_indices = @transform_1, window_bounds = array<i64: 1000, 384>}, {transform_indices = @transform_2, window_bounds = array<i64: 1000, 8>}, {pipeline_mode = #tpu.pipeline_mode<synchronous>, transform_indices = @transform_3, window_bounds = array<i64: 128, 128>}, {pipeline_mode = #tpu.pipeline_mode<synchronous>, transform_indices = @transform_4, window_bounds = array<i64: 1, 128>}, {pipeline_mode = #tpu.pipeline_mode<synchronous>, transform_indices = @transform_5, window_bounds = array<i64: 128, 128>}, {pipeline_mode = #tpu.pipeline_mode<synchronous>, transform_indices = @transform_6, window_bounds = array<i64: 1, 128>}, {pipeline_mode = #tpu.pipeline_mode<synchronous>, transform_indices = @transform_7, window_bounds = array<i64: 1, 128>}, {pipeline_mode = #tpu.pipeline_mode<synchronous>, transform_indices = @transform_8, window_bounds = array<i64: 128, 128>}, {pipeline_mode = #tpu.pipeline_mode<synchronous>, transform_indices = @transform_9, window_bounds = array<i64: 1, 128>}, {transform_indices = @transform_10, window_bounds = array<i64: 1000, 384>}]} {
    %get3A = arith.constant 0 : index
    %get3A_0 = arith.constant 0 : index
    %get3A_1 = vector.load %arg3[%get3A, %get3A_0] : memref<1000x8xf32, #tpu.memory_space<vmem>>, vector<1000x1xf32>
    %max3A = arith.constant 1.000000e+00 : f32
    %max3A_2 = vector.broadcast %max3A : f32 to vector<1000x1xf32>
    %max3A_3 = arith.maximumf %get3A_1, %max3A_2 : vector<1000x1xf32>
    %div3A = arith.constant 1.000000e+00 : f32
    %div3A_4 = vector.broadcast %div3A : f32 to vector<1000x1xf32>
    %div3A_5 = arith.divf %div3A_4, %max3A_3 : vector<1000x1xf32>
    %get3A_6 = arith.constant 0 : index
    %get3A_7 = arith.constant 0 : index
    %get3A_8 = vector.load %arg1[%get3A_6, %get3A_7] : memref<1000x384xf32, #tpu.memory_space<vmem>>, vector<1000x128xf32>
    %get3A_9 = arith.constant 0 : index
    %get3A_10 = arith.constant 0 : index
    %get3A_11 = vector.load %arg2[%get3A_9, %get3A_10] : memref<1000x384xf32, #tpu.memory_space<vmem>>, vector<1000x128xf32>
    %mul3A = vector.broadcast %div3A_5 : vector<1000x1xf32> to vector<1000x128xf32>
    %mul3A_12 = arith.mulf %get3A_11, %mul3A : vector<1000x128xf32>
    %get3A_13 = arith.constant 0 : index
    %get3A_14 = arith.constant 0 : index
    %get3A_15 = vector.load %arg4[%get3A_13, %get3A_14] : memref<128x128xf32, #tpu.memory_space<vmem>>, vector<128x128xf32>
    %dot_general3A = arith.constant dense<0.000000e+00> : vector<1000x128xf32>
    %dot_general3A_16 = tpu.matmul %mul3A_12, %get3A_15, %dot_general3A {dimension_numbers = #tpu.dot_dimension_numbers<[1], [0], [0], [1], [0, 0, 1, 1], [], []>, precision = #tpu.contract_precision<fp32>, transpose_lhs_hint = false} : vector<1000x128xf32>, vector<128x128xf32>, vector<1000x128xf32> -> vector<1000x128xf32>
    %get3A_17 = arith.constant 0 : index
    %get3A_18 = arith.constant 0 : index
    %get3A_19 = vector.load %arg5[%get3A_17, %get3A_18] : memref<1x128xf32, #tpu.memory_space<vmem>>, vector<1x128xf32>
    %add3A = vector.broadcast %get3A_19 : vector<1x128xf32> to vector<1000x128xf32>
    %add3A_20 = arith.addf %dot_general3A_16, %add3A : vector<1000x128xf32>
    %get3A_21 = arith.constant 0 : index
    %get3A_22 = arith.constant 0 : index
    %get3A_23 = vector.load %arg6[%get3A_21, %get3A_22] : memref<128x128xf32, #tpu.memory_space<vmem>>, vector<128x128xf32>
    %dot_general3A_24 = arith.constant dense<0.000000e+00> : vector<1000x128xf32>
    %dot_general3A_25 = tpu.matmul %get3A_8, %get3A_23, %dot_general3A_24 {dimension_numbers = #tpu.dot_dimension_numbers<[1], [0], [0], [1], [0, 0, 1, 1], [], []>, precision = #tpu.contract_precision<fp32>, transpose_lhs_hint = false} : vector<1000x128xf32>, vector<128x128xf32>, vector<1000x128xf32> -> vector<1000x128xf32>
    %add3A_26 = arith.addf %add3A_20, %dot_general3A_25 : vector<1000x128xf32>
    %get3A_27 = arith.constant 0 : index
    %get3A_28 = arith.constant 0 : index
    %get3A_29 = vector.load %arg7[%get3A_27, %get3A_28] : memref<1x128xf32, #tpu.memory_space<vmem>>, vector<1x128xf32>
    %get3A_30 = arith.constant 0 : index
    %get3A_31 = arith.constant 0 : index
    %get3A_32 = vector.load %arg8[%get3A_30, %get3A_31] : memref<1x128xf32, #tpu.memory_space<vmem>>, vector<1x128xf32>
    %reduce_sum3A = arith.constant dense<0.000000e+00> : vector<1000xf32>
    %reduce_sum3A_33 = vector.multi_reduction <add>, %add3A_26, %reduce_sum3A [1] : vector<1000x128xf32> to vector<1000xf32>
    %broadcast_in_dim3A = vector.shape_cast %reduce_sum3A_33 : vector<1000xf32> to vector<1000x1xf32>
    %div3A_34 = arith.constant 1.280000e+02 : f32
    %div3A_35 = vector.broadcast %div3A_34 : f32 to vector<1000x1xf32>
    %div3A_36 = arith.divf %broadcast_in_dim3A, %div3A_35 : vector<1000x1xf32>
    %sub3A = vector.broadcast %div3A_36 : vector<1000x1xf32> to vector<1000x128xf32>
    %sub3A_37 = arith.subf %add3A_26, %sub3A : vector<1000x128xf32>
    %integer_pow3A = arith.mulf %sub3A_37, %sub3A_37 : vector<1000x128xf32>
    %reduce_sum3A_38 = arith.constant dense<0.000000e+00> : vector<1000xf32>
    %reduce_sum3A_39 = vector.multi_reduction <add>, %integer_pow3A, %reduce_sum3A_38 [1] : vector<1000x128xf32> to vector<1000xf32>
    %broadcast_in_dim3A_40 = vector.shape_cast %reduce_sum3A_39 : vector<1000xf32> to vector<1000x1xf32>
    %div3A_41 = arith.constant 1.280000e+02 : f32
    %div3A_42 = vector.broadcast %div3A_41 : f32 to vector<1000x1xf32>
    %div3A_43 = arith.divf %broadcast_in_dim3A_40, %div3A_42 : vector<1000x1xf32>
    %sub3A_44 = vector.broadcast %div3A_36 : vector<1000x1xf32> to vector<1000x128xf32>
    %sub3A_45 = arith.subf %add3A_26, %sub3A_44 : vector<1000x128xf32>
    %add3A_46 = arith.constant 9.99999974E-6 : f32
    %add3A_47 = vector.broadcast %add3A_46 : f32 to vector<1000x1xf32>
    %add3A_48 = arith.addf %div3A_43, %add3A_47 : vector<1000x1xf32>
    %rsqrt3A = math.rsqrt %add3A_48 : vector<1000x1xf32>
    %mul3A_49 = vector.broadcast %rsqrt3A : vector<1000x1xf32> to vector<1000x128xf32>
    %mul3A_50 = arith.mulf %sub3A_45, %mul3A_49 : vector<1000x128xf32>
    %mul3A_51 = vector.broadcast %get3A_29 : vector<1x128xf32> to vector<1000x128xf32>
    %mul3A_52 = arith.mulf %mul3A_50, %mul3A_51 : vector<1000x128xf32>
    %add3A_53 = vector.broadcast %get3A_32 : vector<1x128xf32> to vector<1000x128xf32>
    %add3A_54 = arith.addf %mul3A_52, %add3A_53 : vector<1000x128xf32>
    %max3A_55 = arith.constant 0.000000e+00 : f32
    %max3A_56 = vector.broadcast %max3A_55 : f32 to vector<1000x128xf32>
    %max3A_57 = arith.maximumf %add3A_54, %max3A_56 : vector<1000x128xf32>
    %add3A_58 = arith.addf %max3A_57, %get3A_8 : vector<1000x128xf32>
    %swap3A = arith.constant 0 : index
    %swap3A_59 = arith.constant 0 : index
    %swap3A_60 = vector.load %arg11[%swap3A, %swap3A_59] : memref<1000x384xf32, #tpu.memory_space<vmem>>, vector<1000x128xf32>
    tpu.vector_store %arg11[%swap3A, %swap3A_59], %add3A_58 {strides = array<i32>} : memref<1000x384xf32, #tpu.memory_space<vmem>>, vector<1000x128xf32>,
    %get3A_61 = arith.constant 0 : index
    %get3A_62 = arith.constant 128 : index
    %get3A_63 = vector.load %arg1[%get3A_61, %get3A_62] : memref<1000x384xf32, #tpu.memory_space<vmem>>, vector<1000x128xf32>
    %get3A_64 = arith.constant 0 : index
    %get3A_65 = arith.constant 128 : index
    %get3A_66 = vector.load %arg2[%get3A_64, %get3A_65] : memref<1000x384xf32, #tpu.memory_space<vmem>>, vector<1000x128xf32>
    %mul3A_67 = vector.broadcast %div3A_5 : vector<1000x1xf32> to vector<1000x128xf32>
    %mul3A_68 = arith.mulf %get3A_66, %mul3A_67 : vector<1000x128xf32>
    %get3A_69 = arith.constant 0 : index
    %get3A_70 = arith.constant 0 : index
    %get3A_71 = vector.load %arg4[%get3A_69, %get3A_70] : memref<128x128xf32, #tpu.memory_space<vmem>>, vector<128x128xf32>
    %dot_general3A_72 = arith.constant dense<0.000000e+00> : vector<1000x128xf32>
    %dot_general3A_73 = tpu.matmul %mul3A_68, %get3A_71, %dot_general3A_72 {dimension_numbers = #tpu.dot_dimension_numbers<[1], [0], [0], [1], [0, 0, 1, 1], [], []>, precision = #tpu.contract_precision<fp32>, transpose_lhs_hint = false} : vector<1000x128xf32>, vector<128x128xf32>, vector<1000x128xf32> -> vector<1000x128xf32>
    %get3A_74 = arith.constant 0 : index
    %get3A_75 = arith.constant 0 : index
    %get3A_76 = vector.load %arg5[%get3A_74, %get3A_75] : memref<1x128xf32, #tpu.memory_space<vmem>>, vector<1x128xf32>
    %add3A_77 = vector.broadcast %get3A_76 : vector<1x128xf32> to vector<1000x128xf32>
    %add3A_78 = arith.addf %dot_general3A_73, %add3A_77 : vector<1000x128xf32>
    %get3A_79 = arith.constant 0 : index
    %get3A_80 = arith.constant 0 : index
    %get3A_81 = vector.load %arg6[%get3A_79, %get3A_80] : memref<128x128xf32, #tpu.memory_space<vmem>>, vector<128x128xf32>
    %dot_general3A_82 = arith.constant dense<0.000000e+00> : vector<1000x128xf32>
    %dot_general3A_83 = tpu.matmul %get3A_63, %get3A_81, %dot_general3A_82 {dimension_numbers = #tpu.dot_dimension_numbers<[1], [0], [0], [1], [0, 0, 1, 1], [], []>, precision = #tpu.contract_precision<fp32>, transpose_lhs_hint = false} : vector<1000x128xf32>, vector<128x128xf32>, vector<1000x128xf32> -> vector<1000x128xf32>
    %add3A_84 = arith.addf %add3A_78, %dot_general3A_83 : vector<1000x128xf32>
    %get3A_85 = arith.constant 0 : index
    %get3A_86 = arith.constant 0 : index
    %get3A_87 = vector.load %arg7[%get3A_85, %get3A_86] : memref<1x128xf32, #tpu.memory_space<vmem>>, vector<1x128xf32>
    %get3A_88 = arith.constant 0 : index
    %get3A_89 = arith.constant 0 : index
    %get3A_90 = vector.load %arg8[%get3A_88, %get3A_89] : memref<1x128xf32, #tpu.memory_space<vmem>>, vector<1x128xf32>
    %reduce_sum3A_91 = arith.constant dense<0.000000e+00> : vector<1000xf32>
    %reduce_sum3A_92 = vector.multi_reduction <add>, %add3A_84, %reduce_sum3A_91 [1] : vector<1000x128xf32> to vector<1000xf32>
    %broadcast_in_dim3A_93 = vector.shape_cast %reduce_sum3A_92 : vector<1000xf32> to vector<1000x1xf32>
    %div3A_94 = arith.constant 1.280000e+02 : f32
    %div3A_95 = vector.broadcast %div3A_94 : f32 to vector<1000x1xf32>
    %div3A_96 = arith.divf %broadcast_in_dim3A_93, %div3A_95 : vector<1000x1xf32>
    %sub3A_97 = vector.broadcast %div3A_96 : vector<1000x1xf32> to vector<1000x128xf32>
    %sub3A_98 = arith.subf %add3A_84, %sub3A_97 : vector<1000x128xf32>
    %integer_pow3A_99 = arith.mulf %sub3A_98, %sub3A_98 : vector<1000x128xf32>
    %reduce_sum3A_100 = arith.constant dense<0.000000e+00> : vector<1000xf32>
    %reduce_sum3A_101 = vector.multi_reduction <add>, %integer_pow3A_99, %reduce_sum3A_100 [1] : vector<1000x128xf32> to vector<1000xf32>
    %broadcast_in_dim3A_102 = vector.shape_cast %reduce_sum3A_101 : vector<1000xf32> to vector<1000x1xf32>
    %div3A_103 = arith.constant 1.280000e+02 : f32
    %div3A_104 = vector.broadcast %div3A_103 : f32 to vector<1000x1xf32>
    %div3A_105 = arith.divf %broadcast_in_dim3A_102, %div3A_104 : vector<1000x1xf32>
    %sub3A_106 = vector.broadcast %div3A_96 : vector<1000x1xf32> to vector<1000x128xf32>
    %sub3A_107 = arith.subf %add3A_84, %sub3A_106 : vector<1000x128xf32>
    %add3A_108 = arith.constant 9.99999974E-6 : f32
    %add3A_109 = vector.broadcast %add3A_108 : f32 to vector<1000x1xf32>
    %add3A_110 = arith.addf %div3A_105, %add3A_109 : vector<1000x1xf32>
    %rsqrt3A_111 = math.rsqrt %add3A_110 : vector<1000x1xf32>
    %mul3A_112 = vector.broadcast %rsqrt3A_111 : vector<1000x1xf32> to vector<1000x128xf32>
    %mul3A_113 = arith.mulf %sub3A_107, %mul3A_112 : vector<1000x128xf32>
    %mul3A_114 = vector.broadcast %get3A_87 : vector<1x128xf32> to vector<1000x128xf32>
    %mul3A_115 = arith.mulf %mul3A_113, %mul3A_114 : vector<1000x128xf32>
    %add3A_116 = vector.broadcast %get3A_90 : vector<1x128xf32> to vector<1000x128xf32>
    %add3A_117 = arith.addf %mul3A_115, %add3A_116 : vector<1000x128xf32>
    %max3A_118 = arith.constant 0.000000e+00 : f32
    %max3A_119 = vector.broadcast %max3A_118 : f32 to vector<1000x128xf32>
    %max3A_120 = arith.maximumf %add3A_117, %max3A_119 : vector<1000x128xf32>
    %add3A_121 = arith.addf %max3A_120, %get3A_63 : vector<1000x128xf32>
    %swap3A_122 = arith.constant 0 : index
    %swap3A_123 = arith.constant 128 : index
    %swap3A_124 = vector.load %arg11[%swap3A_122, %swap3A_123] : memref<1000x384xf32, #tpu.memory_space<vmem>>, vector<1000x128xf32>
    tpu.vector_store %arg11[%swap3A_122, %swap3A_123], %add3A_121 {strides = array<i32>} : memref<1000x384xf32, #tpu.memory_space<vmem>>, vector<1000x128xf32>,
    %get3A_125 = arith.constant 0 : index
    %get3A_126 = arith.constant 256 : index
    %get3A_127 = vector.load %arg1[%get3A_125, %get3A_126] : memref<1000x384xf32, #tpu.memory_space<vmem>>, vector<1000x128xf32>
    %get3A_128 = arith.constant 0 : index
    %get3A_129 = arith.constant 256 : index
    %get3A_130 = vector.load %arg2[%get3A_128, %get3A_129] : memref<1000x384xf32, #tpu.memory_space<vmem>>, vector<1000x128xf32>
    %mul3A_131 = vector.broadcast %div3A_5 : vector<1000x1xf32> to vector<1000x128xf32>
    %mul3A_132 = arith.mulf %get3A_130, %mul3A_131 : vector<1000x128xf32>
    %get3A_133 = arith.constant 0 : index
    %get3A_134 = arith.constant 0 : index
    %get3A_135 = vector.load %arg4[%get3A_133, %get3A_134] : memref<128x128xf32, #tpu.memory_space<vmem>>, vector<128x128xf32>
    %dot_general3A_136 = arith.constant dense<0.000000e+00> : vector<1000x128xf32>
    %dot_general3A_137 = tpu.matmul %mul3A_132, %get3A_135, %dot_general3A_136 {dimension_numbers = #tpu.dot_dimension_numbers<[1], [0], [0], [1], [0, 0, 1, 1], [], []>, precision = #tpu.contract_precision<fp32>, transpose_lhs_hint = false} : vector<1000x128xf32>, vector<128x128xf32>, vector<1000x128xf32> -> vector<1000x128xf32>
    %get3A_138 = arith.constant 0 : index
    %get3A_139 = arith.constant 0 : index
    %get3A_140 = vector.load %arg5[%get3A_138, %get3A_139] : memref<1x128xf32, #tpu.memory_space<vmem>>, vector<1x128xf32>
    %add3A_141 = vector.broadcast %get3A_140 : vector<1x128xf32> to vector<1000x128xf32>
    %add3A_142 = arith.addf %dot_general3A_137, %add3A_141 : vector<1000x128xf32>
    %get3A_143 = arith.constant 0 : index
    %get3A_144 = arith.constant 0 : index
    %get3A_145 = vector.load %arg6[%get3A_143, %get3A_144] : memref<128x128xf32, #tpu.memory_space<vmem>>, vector<128x128xf32>
    %dot_general3A_146 = arith.constant dense<0.000000e+00> : vector<1000x128xf32>
    %dot_general3A_147 = tpu.matmul %get3A_127, %get3A_145, %dot_general3A_146 {dimension_numbers = #tpu.dot_dimension_numbers<[1], [0], [0], [1], [0, 0, 1, 1], [], []>, precision = #tpu.contract_precision<fp32>, transpose_lhs_hint = false} : vector<1000x128xf32>, vector<128x128xf32>, vector<1000x128xf32> -> vector<1000x128xf32>
    %add3A_148 = arith.addf %add3A_142, %dot_general3A_147 : vector<1000x128xf32>
    %get3A_149 = arith.constant 0 : index
    %get3A_150 = arith.constant 0 : index
    %get3A_151 = vector.load %arg7[%get3A_149, %get3A_150] : memref<1x128xf32, #tpu.memory_space<vmem>>, vector<1x128xf32>
    %get3A_152 = arith.constant 0 : index
    %get3A_153 = arith.constant 0 : index
    %get3A_154 = vector.load %arg8[%get3A_152, %get3A_153] : memref<1x128xf32, #tpu.memory_space<vmem>>, vector<1x128xf32>
    %reduce_sum3A_155 = arith.constant dense<0.000000e+00> : vector<1000xf32>
    %reduce_sum3A_156 = vector.multi_reduction <add>, %add3A_148, %reduce_sum3A_155 [1] : vector<1000x128xf32> to vector<1000xf32>
    %broadcast_in_dim3A_157 = vector.shape_cast %reduce_sum3A_156 : vector<1000xf32> to vector<1000x1xf32>
    %div3A_158 = arith.constant 1.280000e+02 : f32
    %div3A_159 = vector.broadcast %div3A_158 : f32 to vector<1000x1xf32>
    %div3A_160 = arith.divf %broadcast_in_dim3A_157, %div3A_159 : vector<1000x1xf32>
    %sub3A_161 = vector.broadcast %div3A_160 : vector<1000x1xf32> to vector<1000x128xf32>
    %sub3A_162 = arith.subf %add3A_148, %sub3A_161 : vector<1000x128xf32>
    %integer_pow3A_163 = arith.mulf %sub3A_162, %sub3A_162 : vector<1000x128xf32>
    %reduce_sum3A_164 = arith.constant dense<0.000000e+00> : vector<1000xf32>
    %reduce_sum3A_165 = vector.multi_reduction <add>, %integer_pow3A_163, %reduce_sum3A_164 [1] : vector<1000x128xf32> to vector<1000xf32>
    %broadcast_in_dim3A_166 = vector.shape_cast %reduce_sum3A_165 : vector<1000xf32> to vector<1000x1xf32>
    %div3A_167 = arith.constant 1.280000e+02 : f32
    %div3A_168 = vector.broadcast %div3A_167 : f32 to vector<1000x1xf32>
    %div3A_169 = arith.divf %broadcast_in_dim3A_166, %div3A_168 : vector<1000x1xf32>
    %sub3A_170 = vector.broadcast %div3A_160 : vector<1000x1xf32> to vector<1000x128xf32>
    %sub3A_171 = arith.subf %add3A_148, %sub3A_170 : vector<1000x128xf32>
    %add3A_172 = arith.constant 9.99999974E-6 : f32
    %add3A_173 = vector.broadcast %add3A_172 : f32 to vector<1000x1xf32>
    %add3A_174 = arith.addf %div3A_169, %add3A_173 : vector<1000x1xf32>
    %rsqrt3A_175 = math.rsqrt %add3A_174 : vector<1000x1xf32>
    %mul3A_176 = vector.broadcast %rsqrt3A_175 : vector<1000x1xf32> to vector<1000x128xf32>
    %mul3A_177 = arith.mulf %sub3A_171, %mul3A_176 : vector<1000x128xf32>
    %mul3A_178 = vector.broadcast %get3A_151 : vector<1x128xf32> to vector<1000x128xf32>
    %mul3A_179 = arith.mulf %mul3A_177, %mul3A_178 : vector<1000x128xf32>
    %add3A_180 = vector.broadcast %get3A_154 : vector<1x128xf32> to vector<1000x128xf32>
    %add3A_181 = arith.addf %mul3A_179, %add3A_180 : vector<1000x128xf32>
    %max3A_182 = arith.constant 0.000000e+00 : f32
    %max3A_183 = vector.broadcast %max3A_182 : f32 to vector<1000x128xf32>
    %max3A_184 = arith.maximumf %add3A_181, %max3A_183 : vector<1000x128xf32>
    %add3A_185 = arith.addf %max3A_184, %get3A_127 : vector<1000x128xf32>
    %swap3A_186 = arith.constant 0 : index
    %swap3A_187 = arith.constant 256 : index
    %swap3A_188 = vector.load %arg11[%swap3A_186, %swap3A_187] : memref<1000x384xf32, #tpu.memory_space<vmem>>, vector<1000x128xf32>
    tpu.vector_store %arg11[%swap3A_186, %swap3A_187], %add3A_185 {strides = array<i32>} : memref<1000x384xf32, #tpu.memory_space<vmem>>, vector<1000x128xf32>,
    return
  }
  func.func @transform_0(%arg0: i32) -> (i32, i32) {
    %c0_i32 = arith.constant 0 : i32
    %c0_i32_0 = arith.constant 0 : i32
    return %arg0, %c0_i32 : i32, i32
  }
  func.func @transform_1(%arg0: i32) -> (i32, i32) {
    %c0_i32 = arith.constant 0 : i32
    %c0_i32_0 = arith.constant 0 : i32
    return %arg0, %c0_i32 : i32, i32
  }
  func.func @transform_2(%arg0: i32) -> (i32, i32) {
    %c0_i32 = arith.constant 0 : i32
    %c0_i32_0 = arith.constant 0 : i32
    return %arg0, %c0_i32 : i32, i32
  }
  func.func @transform_3(%arg0: i32) -> (i32, i32) {
    %c0_i32 = arith.constant 0 : i32
    %c0_i32_0 = arith.constant 0 : i32
    %c0_i32_1 = arith.constant 0 : i32
    return %c0_i32, %c0_i32_0 : i32, i32
  }
  func.func @transform_4(%arg0: i32) -> (i32, i32) {
    %c0_i32 = arith.constant 0 : i32
    %c0_i32_0 = arith.constant 0 : i32
    %c0_i32_1 = arith.constant 0 : i32
    return %c0_i32, %c0_i32_0 : i32, i32
  }
  func.func @transform_5(%arg0: i32) -> (i32, i32) {
    %c0_i32 = arith.constant 0 : i32
    %c0_i32_0 = arith.constant 0 : i32
    %c0_i32_1 = arith.constant 0 : i32
    return %c0_i32, %c0_i32_0 : i32, i32
  }
  func.func @transform_6(%arg0: i32) -> (i32, i32) {
    %c0_i32 = arith.constant 0 : i32
    %c0_i32_0 = arith.constant 0 : i32
    %c0_i32_1 = arith.constant 0 : i32
    return %c0_i32, %c0_i32_0 : i32, i32
  }
  func.func @transform_7(%arg0: i32) -> (i32, i32) {
    %c0_i32 = arith.constant 0 : i32
    %c0_i32_0 = arith.constant 0 : i32
    %c0_i32_1 = arith.constant 0 : i32
    return %c0_i32, %c0_i32_0 : i32, i32
  }
  func.func @transform_8(%arg0: i32) -> (i32, i32) {
    %c0_i32 = arith.constant 0 : i32
    %c0_i32_0 = arith.constant 0 : i32
    %c0_i32_1 = arith.constant 0 : i32
    return %c0_i32, %c0_i32_0 : i32, i32
  }
  func.func @transform_9(%arg0: i32) -> (i32, i32) {
    %c0_i32 = arith.constant 0 : i32
    %c0_i32_0 = arith.constant 0 : i32
    %c0_i32_1 = arith.constant 0 : i32
    return %c0_i32, %c0_i32_0 : i32, i32
  }
  func.func @transform_10(%arg0: i32) -> (i32, i32) {
    %c0_i32 = arith.constant 0 : i32
    %c0_i32_0 = arith.constant 0 : i32
    return %arg0, %c0_i32 : i32, i32
  }
}

module attributes {stable_mosaic.version = 14 : i64} {
  func.func @_sage_body(%arg0: i32, %arg1: memref<1000x384xf32, #tpu.memory_space<vmem>>, %arg2: memref<1000x384xf32, #tpu.memory_space<vmem>>, %arg3: memref<1000x8xf32, #tpu.memory_space<vmem>>, %arg4: memref<128x128xf32, #tpu.memory_space<vmem>>, %arg5: memref<1x128xf32, #tpu.memory_space<vmem>>, %arg6: memref<128x128xf32, #tpu.memory_space<vmem>>, %arg7: memref<1x128xf32, #tpu.memory_space<vmem>>, %arg8: memref<1x128xf32, #tpu.memory_space<vmem>>, %arg9: memref<128x128xf32, #tpu.memory_space<vmem>>, %arg10: memref<1x128xf32, #tpu.memory_space<vmem>>, %arg11: memref<1000x3x128xf32, #tpu.memory_space<vmem>>) attributes {dimension_semantics = [#tpu.dimension_semantics<arbitrary>], iteration_bounds = array<i64: 10>, scalar_prefetch = 0 : i64, scratch_operands = 0 : i64, tpu.core_type = #tpu.core_type<tc>, window_params = [{transform_indices = @transform_0, window_bounds = array<i64: 1000, 384>}, {transform_indices = @transform_1, window_bounds = array<i64: 1000, 384>}, {transform_indices = @transform_2, window_bounds = array<i64: 1000, 8>}, {pipeline_mode = #tpu.pipeline_mode<synchronous>, transform_indices = @transform_3, window_bounds = array<i64: 128, 128>}, {pipeline_mode = #tpu.pipeline_mode<synchronous>, transform_indices = @transform_4, window_bounds = array<i64: 1, 128>}, {pipeline_mode = #tpu.pipeline_mode<synchronous>, transform_indices = @transform_5, window_bounds = array<i64: 128, 128>}, {pipeline_mode = #tpu.pipeline_mode<synchronous>, transform_indices = @transform_6, window_bounds = array<i64: 1, 128>}, {pipeline_mode = #tpu.pipeline_mode<synchronous>, transform_indices = @transform_7, window_bounds = array<i64: 1, 128>}, {pipeline_mode = #tpu.pipeline_mode<synchronous>, transform_indices = @transform_8, window_bounds = array<i64: 128, 128>}, {pipeline_mode = #tpu.pipeline_mode<synchronous>, transform_indices = @transform_9, window_bounds = array<i64: 1, 128>}, {transform_indices = @transform_10, window_bounds = array<i64: 1000, 3, 128>}]} {
    %get3A = arith.constant 0 : index
    %get3A_0 = arith.constant 0 : index
    %get3A_1 = vector.load %arg3[%get3A, %get3A_0] : memref<1000x8xf32, #tpu.memory_space<vmem>>, vector<1000x1xf32>
    %max3A = arith.constant 1.000000e+00 : f32
    %max3A_2 = vector.broadcast %max3A : f32 to vector<1000x1xf32>
    %max3A_3 = arith.maximumf %get3A_1, %max3A_2 : vector<1000x1xf32>
    %div3A = arith.constant 1.000000e+00 : f32
    %div3A_4 = vector.broadcast %div3A : f32 to vector<1000x1xf32>
    %div3A_5 = arith.divf %div3A_4, %max3A_3 : vector<1000x1xf32>
    %get3A_6 = arith.constant 0 : index
    %get3A_7 = arith.constant 0 : index
    %get3A_8 = vector.load %arg1[%get3A_6, %get3A_7] : memref<1000x384xf32, #tpu.memory_space<vmem>>, vector<1000x128xf32>
    %get3A_9 = arith.constant 0 : index
    %get3A_10 = arith.constant 0 : index
    %get3A_11 = vector.load %arg2[%get3A_9, %get3A_10] : memref<1000x384xf32, #tpu.memory_space<vmem>>, vector<1000x128xf32>
    %mul3A = vector.broadcast %div3A_5 : vector<1000x1xf32> to vector<1000x128xf32>
    %mul3A_12 = arith.mulf %get3A_11, %mul3A : vector<1000x128xf32>
    %get3A_13 = arith.constant 0 : index
    %get3A_14 = arith.constant 0 : index
    %get3A_15 = vector.load %arg4[%get3A_13, %get3A_14] : memref<128x128xf32, #tpu.memory_space<vmem>>, vector<128x128xf32>
    %dot_general3A = arith.constant dense<0.000000e+00> : vector<1000x128xf32>
    %dot_general3A_16 = tpu.matmul %mul3A_12, %get3A_15, %dot_general3A {dimension_numbers = #tpu.dot_dimension_numbers<[1], [0], [0], [1], [0, 0, 1, 1], [], []>, precision = #tpu.contract_precision<fp32>, transpose_lhs_hint = false} : vector<1000x128xf32>, vector<128x128xf32>, vector<1000x128xf32> -> vector<1000x128xf32>
    %get3A_17 = arith.constant 0 : index
    %get3A_18 = arith.constant 0 : index
    %get3A_19 = vector.load %arg5[%get3A_17, %get3A_18] : memref<1x128xf32, #tpu.memory_space<vmem>>, vector<1x128xf32>
    %add3A = vector.broadcast %get3A_19 : vector<1x128xf32> to vector<1000x128xf32>
    %add3A_20 = arith.addf %dot_general3A_16, %add3A : vector<1000x128xf32>
    %get3A_21 = arith.constant 0 : index
    %get3A_22 = arith.constant 0 : index
    %get3A_23 = vector.load %arg6[%get3A_21, %get3A_22] : memref<128x128xf32, #tpu.memory_space<vmem>>, vector<128x128xf32>
    %dot_general3A_24 = arith.constant dense<0.000000e+00> : vector<1000x128xf32>
    %dot_general3A_25 = tpu.matmul %get3A_8, %get3A_23, %dot_general3A_24 {dimension_numbers = #tpu.dot_dimension_numbers<[1], [0], [0], [1], [0, 0, 1, 1], [], []>, precision = #tpu.contract_precision<fp32>, transpose_lhs_hint = false} : vector<1000x128xf32>, vector<128x128xf32>, vector<1000x128xf32> -> vector<1000x128xf32>
    %add3A_26 = arith.addf %add3A_20, %dot_general3A_25 : vector<1000x128xf32>
    %get3A_27 = arith.constant 0 : index
    %get3A_28 = arith.constant 0 : index
    %get3A_29 = vector.load %arg7[%get3A_27, %get3A_28] : memref<1x128xf32, #tpu.memory_space<vmem>>, vector<1x128xf32>
    %get3A_30 = arith.constant 0 : index
    %get3A_31 = arith.constant 0 : index
    %get3A_32 = vector.load %arg8[%get3A_30, %get3A_31] : memref<1x128xf32, #tpu.memory_space<vmem>>, vector<1x128xf32>
    %reduce_sum3A = arith.constant dense<0.000000e+00> : vector<1000xf32>
    %reduce_sum3A_33 = vector.multi_reduction <add>, %add3A_26, %reduce_sum3A [1] : vector<1000x128xf32> to vector<1000xf32>
    %broadcast_in_dim3A = vector.shape_cast %reduce_sum3A_33 : vector<1000xf32> to vector<1000x1xf32>
    %div3A_34 = arith.constant 1.280000e+02 : f32
    %div3A_35 = vector.broadcast %div3A_34 : f32 to vector<1000x1xf32>
    %div3A_36 = arith.divf %broadcast_in_dim3A, %div3A_35 : vector<1000x1xf32>
    %sub3A = vector.broadcast %div3A_36 : vector<1000x1xf32> to vector<1000x128xf32>
    %sub3A_37 = arith.subf %add3A_26, %sub3A : vector<1000x128xf32>
    %integer_pow3A = arith.mulf %sub3A_37, %sub3A_37 : vector<1000x128xf32>
    %reduce_sum3A_38 = arith.constant dense<0.000000e+00> : vector<1000xf32>
    %reduce_sum3A_39 = vector.multi_reduction <add>, %integer_pow3A, %reduce_sum3A_38 [1] : vector<1000x128xf32> to vector<1000xf32>
    %broadcast_in_dim3A_40 = vector.shape_cast %reduce_sum3A_39 : vector<1000xf32> to vector<1000x1xf32>
    %div3A_41 = arith.constant 1.280000e+02 : f32
    %div3A_42 = vector.broadcast %div3A_41 : f32 to vector<1000x1xf32>
    %div3A_43 = arith.divf %broadcast_in_dim3A_40, %div3A_42 : vector<1000x1xf32>
    %sub3A_44 = vector.broadcast %div3A_36 : vector<1000x1xf32> to vector<1000x128xf32>
    %sub3A_45 = arith.subf %add3A_26, %sub3A_44 : vector<1000x128xf32>
    %add3A_46 = arith.constant 9.99999974E-6 : f32
    %add3A_47 = vector.broadcast %add3A_46 : f32 to vector<1000x1xf32>
    %add3A_48 = arith.addf %div3A_43, %add3A_47 : vector<1000x1xf32>
    %rsqrt3A = math.rsqrt %add3A_48 : vector<1000x1xf32>
    %mul3A_49 = vector.broadcast %rsqrt3A : vector<1000x1xf32> to vector<1000x128xf32>
    %mul3A_50 = arith.mulf %sub3A_45, %mul3A_49 : vector<1000x128xf32>
    %mul3A_51 = vector.broadcast %get3A_29 : vector<1x128xf32> to vector<1000x128xf32>
    %mul3A_52 = arith.mulf %mul3A_50, %mul3A_51 : vector<1000x128xf32>
    %add3A_53 = vector.broadcast %get3A_32 : vector<1x128xf32> to vector<1000x128xf32>
    %add3A_54 = arith.addf %mul3A_52, %add3A_53 : vector<1000x128xf32>
    %max3A_55 = arith.constant 0.000000e+00 : f32
    %max3A_56 = vector.broadcast %max3A_55 : f32 to vector<1000x128xf32>
    %max3A_57 = arith.maximumf %add3A_54, %max3A_56 : vector<1000x128xf32>
    %add3A_58 = arith.addf %max3A_57, %get3A_8 : vector<1000x128xf32>
    %get3A_59 = arith.constant 0 : index
    %get3A_60 = arith.constant 0 : index
    %get3A_61 = vector.load %arg9[%get3A_59, %get3A_60] : memref<128x128xf32, #tpu.memory_space<vmem>>, vector<128x128xf32>
    %dot_general3A_62 = arith.constant dense<0.000000e+00> : vector<1000x128xf32>
    %dot_general3A_63 = tpu.matmul %add3A_58, %get3A_61, %dot_general3A_62 {dimension_numbers = #tpu.dot_dimension_numbers<[1], [0], [0], [1], [0, 0, 1, 1], [], []>, precision = #tpu.contract_precision<fp32>, transpose_lhs_hint = false} : vector<1000x128xf32>, vector<128x128xf32>, vector<1000x128xf32> -> vector<1000x128xf32>
    %get3A_64 = arith.constant 0 : index
    %get3A_65 = arith.constant 0 : index
    %get3A_66 = vector.load %arg10[%get3A_64, %get3A_65] : memref<1x128xf32, #tpu.memory_space<vmem>>, vector<1x128xf32>
    %add3A_67 = vector.broadcast %get3A_66 : vector<1x128xf32> to vector<1000x128xf32>
    %add3A_68 = arith.addf %dot_general3A_63, %add3A_67 : vector<1000x128xf32>
    %swap3A = arith.constant 0 : index
    %swap3A_69 = arith.constant 0 : index
    %swap3A_70 = arith.constant 0 : index
    %swap3A_71 = vector.load %arg11[%swap3A, %swap3A_69, %swap3A_70] : memref<1000x3x128xf32, #tpu.memory_space<vmem>>, vector<1000x1x128xf32>
    %swap3A_72 = vector.shape_cast %swap3A_71 : vector<1000x1x128xf32> to vector<1000x128xf32>
    %swap3A_73 = vector.shape_cast %add3A_68 : vector<1000x128xf32> to vector<1000x1x128xf32>
    tpu.vector_store %arg11[%swap3A, %swap3A_69, %swap3A_70], %swap3A_73 {strides = array<i32>} : memref<1000x3x128xf32, #tpu.memory_space<vmem>>, vector<1000x1x128xf32>,
    %get3A_74 = arith.constant 0 : index
    %get3A_75 = arith.constant 128 : index
    %get3A_76 = vector.load %arg1[%get3A_74, %get3A_75] : memref<1000x384xf32, #tpu.memory_space<vmem>>, vector<1000x128xf32>
    %get3A_77 = arith.constant 0 : index
    %get3A_78 = arith.constant 128 : index
    %get3A_79 = vector.load %arg2[%get3A_77, %get3A_78] : memref<1000x384xf32, #tpu.memory_space<vmem>>, vector<1000x128xf32>
    %mul3A_80 = vector.broadcast %div3A_5 : vector<1000x1xf32> to vector<1000x128xf32>
    %mul3A_81 = arith.mulf %get3A_79, %mul3A_80 : vector<1000x128xf32>
    %get3A_82 = arith.constant 0 : index
    %get3A_83 = arith.constant 0 : index
    %get3A_84 = vector.load %arg4[%get3A_82, %get3A_83] : memref<128x128xf32, #tpu.memory_space<vmem>>, vector<128x128xf32>
    %dot_general3A_85 = arith.constant dense<0.000000e+00> : vector<1000x128xf32>
    %dot_general3A_86 = tpu.matmul %mul3A_81, %get3A_84, %dot_general3A_85 {dimension_numbers = #tpu.dot_dimension_numbers<[1], [0], [0], [1], [0, 0, 1, 1], [], []>, precision = #tpu.contract_precision<fp32>, transpose_lhs_hint = false} : vector<1000x128xf32>, vector<128x128xf32>, vector<1000x128xf32> -> vector<1000x128xf32>
    %get3A_87 = arith.constant 0 : index
    %get3A_88 = arith.constant 0 : index
    %get3A_89 = vector.load %arg5[%get3A_87, %get3A_88] : memref<1x128xf32, #tpu.memory_space<vmem>>, vector<1x128xf32>
    %add3A_90 = vector.broadcast %get3A_89 : vector<1x128xf32> to vector<1000x128xf32>
    %add3A_91 = arith.addf %dot_general3A_86, %add3A_90 : vector<1000x128xf32>
    %get3A_92 = arith.constant 0 : index
    %get3A_93 = arith.constant 0 : index
    %get3A_94 = vector.load %arg6[%get3A_92, %get3A_93] : memref<128x128xf32, #tpu.memory_space<vmem>>, vector<128x128xf32>
    %dot_general3A_95 = arith.constant dense<0.000000e+00> : vector<1000x128xf32>
    %dot_general3A_96 = tpu.matmul %get3A_76, %get3A_94, %dot_general3A_95 {dimension_numbers = #tpu.dot_dimension_numbers<[1], [0], [0], [1], [0, 0, 1, 1], [], []>, precision = #tpu.contract_precision<fp32>, transpose_lhs_hint = false} : vector<1000x128xf32>, vector<128x128xf32>, vector<1000x128xf32> -> vector<1000x128xf32>
    %add3A_97 = arith.addf %add3A_91, %dot_general3A_96 : vector<1000x128xf32>
    %get3A_98 = arith.constant 0 : index
    %get3A_99 = arith.constant 0 : index
    %get3A_100 = vector.load %arg7[%get3A_98, %get3A_99] : memref<1x128xf32, #tpu.memory_space<vmem>>, vector<1x128xf32>
    %get3A_101 = arith.constant 0 : index
    %get3A_102 = arith.constant 0 : index
    %get3A_103 = vector.load %arg8[%get3A_101, %get3A_102] : memref<1x128xf32, #tpu.memory_space<vmem>>, vector<1x128xf32>
    %reduce_sum3A_104 = arith.constant dense<0.000000e+00> : vector<1000xf32>
    %reduce_sum3A_105 = vector.multi_reduction <add>, %add3A_97, %reduce_sum3A_104 [1] : vector<1000x128xf32> to vector<1000xf32>
    %broadcast_in_dim3A_106 = vector.shape_cast %reduce_sum3A_105 : vector<1000xf32> to vector<1000x1xf32>
    %div3A_107 = arith.constant 1.280000e+02 : f32
    %div3A_108 = vector.broadcast %div3A_107 : f32 to vector<1000x1xf32>
    %div3A_109 = arith.divf %broadcast_in_dim3A_106, %div3A_108 : vector<1000x1xf32>
    %sub3A_110 = vector.broadcast %div3A_109 : vector<1000x1xf32> to vector<1000x128xf32>
    %sub3A_111 = arith.subf %add3A_97, %sub3A_110 : vector<1000x128xf32>
    %integer_pow3A_112 = arith.mulf %sub3A_111, %sub3A_111 : vector<1000x128xf32>
    %reduce_sum3A_113 = arith.constant dense<0.000000e+00> : vector<1000xf32>
    %reduce_sum3A_114 = vector.multi_reduction <add>, %integer_pow3A_112, %reduce_sum3A_113 [1] : vector<1000x128xf32> to vector<1000xf32>
    %broadcast_in_dim3A_115 = vector.shape_cast %reduce_sum3A_114 : vector<1000xf32> to vector<1000x1xf32>
    %div3A_116 = arith.constant 1.280000e+02 : f32
    %div3A_117 = vector.broadcast %div3A_116 : f32 to vector<1000x1xf32>
    %div3A_118 = arith.divf %broadcast_in_dim3A_115, %div3A_117 : vector<1000x1xf32>
    %sub3A_119 = vector.broadcast %div3A_109 : vector<1000x1xf32> to vector<1000x128xf32>
    %sub3A_120 = arith.subf %add3A_97, %sub3A_119 : vector<1000x128xf32>
    %add3A_121 = arith.constant 9.99999974E-6 : f32
    %add3A_122 = vector.broadcast %add3A_121 : f32 to vector<1000x1xf32>
    %add3A_123 = arith.addf %div3A_118, %add3A_122 : vector<1000x1xf32>
    %rsqrt3A_124 = math.rsqrt %add3A_123 : vector<1000x1xf32>
    %mul3A_125 = vector.broadcast %rsqrt3A_124 : vector<1000x1xf32> to vector<1000x128xf32>
    %mul3A_126 = arith.mulf %sub3A_120, %mul3A_125 : vector<1000x128xf32>
    %mul3A_127 = vector.broadcast %get3A_100 : vector<1x128xf32> to vector<1000x128xf32>
    %mul3A_128 = arith.mulf %mul3A_126, %mul3A_127 : vector<1000x128xf32>
    %add3A_129 = vector.broadcast %get3A_103 : vector<1x128xf32> to vector<1000x128xf32>
    %add3A_130 = arith.addf %mul3A_128, %add3A_129 : vector<1000x128xf32>
    %max3A_131 = arith.constant 0.000000e+00 : f32
    %max3A_132 = vector.broadcast %max3A_131 : f32 to vector<1000x128xf32>
    %max3A_133 = arith.maximumf %add3A_130, %max3A_132 : vector<1000x128xf32>
    %add3A_134 = arith.addf %max3A_133, %get3A_76 : vector<1000x128xf32>
    %get3A_135 = arith.constant 0 : index
    %get3A_136 = arith.constant 0 : index
    %get3A_137 = vector.load %arg9[%get3A_135, %get3A_136] : memref<128x128xf32, #tpu.memory_space<vmem>>, vector<128x128xf32>
    %dot_general3A_138 = arith.constant dense<0.000000e+00> : vector<1000x128xf32>
    %dot_general3A_139 = tpu.matmul %add3A_134, %get3A_137, %dot_general3A_138 {dimension_numbers = #tpu.dot_dimension_numbers<[1], [0], [0], [1], [0, 0, 1, 1], [], []>, precision = #tpu.contract_precision<fp32>, transpose_lhs_hint = false} : vector<1000x128xf32>, vector<128x128xf32>, vector<1000x128xf32> -> vector<1000x128xf32>
    %get3A_140 = arith.constant 0 : index
    %get3A_141 = arith.constant 0 : index
    %get3A_142 = vector.load %arg10[%get3A_140, %get3A_141] : memref<1x128xf32, #tpu.memory_space<vmem>>, vector<1x128xf32>
    %add3A_143 = vector.broadcast %get3A_142 : vector<1x128xf32> to vector<1000x128xf32>
    %add3A_144 = arith.addf %dot_general3A_139, %add3A_143 : vector<1000x128xf32>
    %swap3A_145 = arith.constant 0 : index
    %swap3A_146 = arith.constant 1 : index
    %swap3A_147 = arith.constant 0 : index
    %swap3A_148 = vector.load %arg11[%swap3A_145, %swap3A_146, %swap3A_147] : memref<1000x3x128xf32, #tpu.memory_space<vmem>>, vector<1000x1x128xf32>
    %swap3A_149 = vector.shape_cast %swap3A_148 : vector<1000x1x128xf32> to vector<1000x128xf32>
    %swap3A_150 = vector.shape_cast %add3A_144 : vector<1000x128xf32> to vector<1000x1x128xf32>
    tpu.vector_store %arg11[%swap3A_145, %swap3A_146, %swap3A_147], %swap3A_150 {strides = array<i32>} : memref<1000x3x128xf32, #tpu.memory_space<vmem>>, vector<1000x1x128xf32>,
    %get3A_151 = arith.constant 0 : index
    %get3A_152 = arith.constant 256 : index
    %get3A_153 = vector.load %arg1[%get3A_151, %get3A_152] : memref<1000x384xf32, #tpu.memory_space<vmem>>, vector<1000x128xf32>
    %get3A_154 = arith.constant 0 : index
    %get3A_155 = arith.constant 256 : index
    %get3A_156 = vector.load %arg2[%get3A_154, %get3A_155] : memref<1000x384xf32, #tpu.memory_space<vmem>>, vector<1000x128xf32>
    %mul3A_157 = vector.broadcast %div3A_5 : vector<1000x1xf32> to vector<1000x128xf32>
    %mul3A_158 = arith.mulf %get3A_156, %mul3A_157 : vector<1000x128xf32>
    %get3A_159 = arith.constant 0 : index
    %get3A_160 = arith.constant 0 : index
    %get3A_161 = vector.load %arg4[%get3A_159, %get3A_160] : memref<128x128xf32, #tpu.memory_space<vmem>>, vector<128x128xf32>
    %dot_general3A_162 = arith.constant dense<0.000000e+00> : vector<1000x128xf32>
    %dot_general3A_163 = tpu.matmul %mul3A_158, %get3A_161, %dot_general3A_162 {dimension_numbers = #tpu.dot_dimension_numbers<[1], [0], [0], [1], [0, 0, 1, 1], [], []>, precision = #tpu.contract_precision<fp32>, transpose_lhs_hint = false} : vector<1000x128xf32>, vector<128x128xf32>, vector<1000x128xf32> -> vector<1000x128xf32>
    %get3A_164 = arith.constant 0 : index
    %get3A_165 = arith.constant 0 : index
    %get3A_166 = vector.load %arg5[%get3A_164, %get3A_165] : memref<1x128xf32, #tpu.memory_space<vmem>>, vector<1x128xf32>
    %add3A_167 = vector.broadcast %get3A_166 : vector<1x128xf32> to vector<1000x128xf32>
    %add3A_168 = arith.addf %dot_general3A_163, %add3A_167 : vector<1000x128xf32>
    %get3A_169 = arith.constant 0 : index
    %get3A_170 = arith.constant 0 : index
    %get3A_171 = vector.load %arg6[%get3A_169, %get3A_170] : memref<128x128xf32, #tpu.memory_space<vmem>>, vector<128x128xf32>
    %dot_general3A_172 = arith.constant dense<0.000000e+00> : vector<1000x128xf32>
    %dot_general3A_173 = tpu.matmul %get3A_153, %get3A_171, %dot_general3A_172 {dimension_numbers = #tpu.dot_dimension_numbers<[1], [0], [0], [1], [0, 0, 1, 1], [], []>, precision = #tpu.contract_precision<fp32>, transpose_lhs_hint = false} : vector<1000x128xf32>, vector<128x128xf32>, vector<1000x128xf32> -> vector<1000x128xf32>
    %add3A_174 = arith.addf %add3A_168, %dot_general3A_173 : vector<1000x128xf32>
    %get3A_175 = arith.constant 0 : index
    %get3A_176 = arith.constant 0 : index
    %get3A_177 = vector.load %arg7[%get3A_175, %get3A_176] : memref<1x128xf32, #tpu.memory_space<vmem>>, vector<1x128xf32>
    %get3A_178 = arith.constant 0 : index
    %get3A_179 = arith.constant 0 : index
    %get3A_180 = vector.load %arg8[%get3A_178, %get3A_179] : memref<1x128xf32, #tpu.memory_space<vmem>>, vector<1x128xf32>
    %reduce_sum3A_181 = arith.constant dense<0.000000e+00> : vector<1000xf32>
    %reduce_sum3A_182 = vector.multi_reduction <add>, %add3A_174, %reduce_sum3A_181 [1] : vector<1000x128xf32> to vector<1000xf32>
    %broadcast_in_dim3A_183 = vector.shape_cast %reduce_sum3A_182 : vector<1000xf32> to vector<1000x1xf32>
    %div3A_184 = arith.constant 1.280000e+02 : f32
    %div3A_185 = vector.broadcast %div3A_184 : f32 to vector<1000x1xf32>
    %div3A_186 = arith.divf %broadcast_in_dim3A_183, %div3A_185 : vector<1000x1xf32>
    %sub3A_187 = vector.broadcast %div3A_186 : vector<1000x1xf32> to vector<1000x128xf32>
    %sub3A_188 = arith.subf %add3A_174, %sub3A_187 : vector<1000x128xf32>
    %integer_pow3A_189 = arith.mulf %sub3A_188, %sub3A_188 : vector<1000x128xf32>
    %reduce_sum3A_190 = arith.constant dense<0.000000e+00> : vector<1000xf32>
    %reduce_sum3A_191 = vector.multi_reduction <add>, %integer_pow3A_189, %reduce_sum3A_190 [1] : vector<1000x128xf32> to vector<1000xf32>
    %broadcast_in_dim3A_192 = vector.shape_cast %reduce_sum3A_191 : vector<1000xf32> to vector<1000x1xf32>
    %div3A_193 = arith.constant 1.280000e+02 : f32
    %div3A_194 = vector.broadcast %div3A_193 : f32 to vector<1000x1xf32>
    %div3A_195 = arith.divf %broadcast_in_dim3A_192, %div3A_194 : vector<1000x1xf32>
    %sub3A_196 = vector.broadcast %div3A_186 : vector<1000x1xf32> to vector<1000x128xf32>
    %sub3A_197 = arith.subf %add3A_174, %sub3A_196 : vector<1000x128xf32>
    %add3A_198 = arith.constant 9.99999974E-6 : f32
    %add3A_199 = vector.broadcast %add3A_198 : f32 to vector<1000x1xf32>
    %add3A_200 = arith.addf %div3A_195, %add3A_199 : vector<1000x1xf32>
    %rsqrt3A_201 = math.rsqrt %add3A_200 : vector<1000x1xf32>
    %mul3A_202 = vector.broadcast %rsqrt3A_201 : vector<1000x1xf32> to vector<1000x128xf32>
    %mul3A_203 = arith.mulf %sub3A_197, %mul3A_202 : vector<1000x128xf32>
    %mul3A_204 = vector.broadcast %get3A_177 : vector<1x128xf32> to vector<1000x128xf32>
    %mul3A_205 = arith.mulf %mul3A_203, %mul3A_204 : vector<1000x128xf32>
    %add3A_206 = vector.broadcast %get3A_180 : vector<1x128xf32> to vector<1000x128xf32>
    %add3A_207 = arith.addf %mul3A_205, %add3A_206 : vector<1000x128xf32>
    %max3A_208 = arith.constant 0.000000e+00 : f32
    %max3A_209 = vector.broadcast %max3A_208 : f32 to vector<1000x128xf32>
    %max3A_210 = arith.maximumf %add3A_207, %max3A_209 : vector<1000x128xf32>
    %add3A_211 = arith.addf %max3A_210, %get3A_153 : vector<1000x128xf32>
    %get3A_212 = arith.constant 0 : index
    %get3A_213 = arith.constant 0 : index
    %get3A_214 = vector.load %arg9[%get3A_212, %get3A_213] : memref<128x128xf32, #tpu.memory_space<vmem>>, vector<128x128xf32>
    %dot_general3A_215 = arith.constant dense<0.000000e+00> : vector<1000x128xf32>
    %dot_general3A_216 = tpu.matmul %add3A_211, %get3A_214, %dot_general3A_215 {dimension_numbers = #tpu.dot_dimension_numbers<[1], [0], [0], [1], [0, 0, 1, 1], [], []>, precision = #tpu.contract_precision<fp32>, transpose_lhs_hint = false} : vector<1000x128xf32>, vector<128x128xf32>, vector<1000x128xf32> -> vector<1000x128xf32>
    %get3A_217 = arith.constant 0 : index
    %get3A_218 = arith.constant 0 : index
    %get3A_219 = vector.load %arg10[%get3A_217, %get3A_218] : memref<1x128xf32, #tpu.memory_space<vmem>>, vector<1x128xf32>
    %add3A_220 = vector.broadcast %get3A_219 : vector<1x128xf32> to vector<1000x128xf32>
    %add3A_221 = arith.addf %dot_general3A_216, %add3A_220 : vector<1000x128xf32>
    %swap3A_222 = arith.constant 0 : index
    %swap3A_223 = arith.constant 2 : index
    %swap3A_224 = arith.constant 0 : index
    %swap3A_225 = vector.load %arg11[%swap3A_222, %swap3A_223, %swap3A_224] : memref<1000x3x128xf32, #tpu.memory_space<vmem>>, vector<1000x1x128xf32>
    %swap3A_226 = vector.shape_cast %swap3A_225 : vector<1000x1x128xf32> to vector<1000x128xf32>
    %swap3A_227 = vector.shape_cast %add3A_221 : vector<1000x128xf32> to vector<1000x1x128xf32>
    tpu.vector_store %arg11[%swap3A_222, %swap3A_223, %swap3A_224], %swap3A_227 {strides = array<i32>} : memref<1000x3x128xf32, #tpu.memory_space<vmem>>, vector<1000x1x128xf32>,
    return
  }
  func.func @transform_0(%arg0: i32) -> (i32, i32) {
    %c0_i32 = arith.constant 0 : i32
    %c0_i32_0 = arith.constant 0 : i32
    return %arg0, %c0_i32 : i32, i32
  }
  func.func @transform_1(%arg0: i32) -> (i32, i32) {
    %c0_i32 = arith.constant 0 : i32
    %c0_i32_0 = arith.constant 0 : i32
    return %arg0, %c0_i32 : i32, i32
  }
  func.func @transform_2(%arg0: i32) -> (i32, i32) {
    %c0_i32 = arith.constant 0 : i32
    %c0_i32_0 = arith.constant 0 : i32
    return %arg0, %c0_i32 : i32, i32
  }
  func.func @transform_3(%arg0: i32) -> (i32, i32) {
    %c0_i32 = arith.constant 0 : i32
    %c0_i32_0 = arith.constant 0 : i32
    %c0_i32_1 = arith.constant 0 : i32
    return %c0_i32, %c0_i32_0 : i32, i32
  }
  func.func @transform_4(%arg0: i32) -> (i32, i32) {
    %c0_i32 = arith.constant 0 : i32
    %c0_i32_0 = arith.constant 0 : i32
    %c0_i32_1 = arith.constant 0 : i32
    return %c0_i32, %c0_i32_0 : i32, i32
  }
  func.func @transform_5(%arg0: i32) -> (i32, i32) {
    %c0_i32 = arith.constant 0 : i32
    %c0_i32_0 = arith.constant 0 : i32
    %c0_i32_1 = arith.constant 0 : i32
    return %c0_i32, %c0_i32_0 : i32, i32
  }
  func.func @transform_6(%arg0: i32) -> (i32, i32) {
    %c0_i32 = arith.constant 0 : i32
    %c0_i32_0 = arith.constant 0 : i32
    %c0_i32_1 = arith.constant 0 : i32
    return %c0_i32, %c0_i32_0 : i32, i32
  }
  func.func @transform_7(%arg0: i32) -> (i32, i32) {
    %c0_i32 = arith.constant 0 : i32
    %c0_i32_0 = arith.constant 0 : i32
    %c0_i32_1 = arith.constant 0 : i32
    return %c0_i32, %c0_i32_0 : i32, i32
  }
  func.func @transform_8(%arg0: i32) -> (i32, i32) {
    %c0_i32 = arith.constant 0 : i32
    %c0_i32_0 = arith.constant 0 : i32
    %c0_i32_1 = arith.constant 0 : i32
    return %c0_i32, %c0_i32_0 : i32, i32
  }
  func.func @transform_9(%arg0: i32) -> (i32, i32) {
    %c0_i32 = arith.constant 0 : i32
    %c0_i32_0 = arith.constant 0 : i32
    %c0_i32_1 = arith.constant 0 : i32
    return %c0_i32, %c0_i32_0 : i32, i32
  }
  func.func @transform_10(%arg0: i32) -> (i32, i32, i32) {
    %c0_i32 = arith.constant 0 : i32
    %c0_i32_0 = arith.constant 0 : i32
    %c0_i32_1 = arith.constant 0 : i32
    return %arg0, %c0_i32, %c0_i32_0 : i32, i32, i32
  }
}

</mosaic_0001>

<sc_bundles>
// kernel: kernel.12.cloned.1.call-start
scs
__scs_entry_jumppad:
0x0: {  	(pc) =	sbr.rel $0x88, $3  }
0x1: {  	(tag) =	ssettag $0x0;
	lr =	simm.s32 $0x1  }
0x2: {  	[smem:$0x3F7C] =	sst lr;
	_ =	strace $0xD0000000  }
0x3: {  	_ = 	snop  }
0x4: {  	_ = 	snop  }
0x5: {  	_ = 	snop  }
0x6: {  	_ = 	snop  }
0x7: {  	_ = 	snop  }
__scs_overlays_trampoline_lowered:
0x8: {  	[smem:$0x3F8B] =	sst s0  }
0x9: {  	[smem:$0x3F8C] =	sst s1  }
0xa: {  	[smem:$0x3F8D] =	sst s2  }
0xb: {  	[smem:$0x3F8E] =	sst s3  }
0xc: {  	[smem:$0x3F8F] =	sst s4  }
0xd: {  	[smem:$0x3F90] =	sst s5  }
0xe: {  	[smem:$0x3F91] =	sst s6  }
0xf: {  	[smem:$0x3F92] =	sst s7  }
0x10: {  	[smem:$0x3F93] =	sst s8  }
0x11: {  	[smem:$0x3F94] =	sst s9;
	s0 =	simm.s32 @!p0 $0x0  }
0x12: {  	s1 =	sld [smem:$0x3F7A];
	s0 =	simm.s32 @p0 $0x1  }
0x13: {  	[smem:$0x3F95] =	sst s0;
	s0 =	simm.s32 @!p1 $0x0  }
0x14: {  	s2 =	sld [smem:$0x3F79];
	s0 =	simm.s32 @p1 $0x1  }
0x15: {  	[smem:$0x3F96] =	sst s0;
	s0 =	simm.s32 @!p2 $0x0  }
0x16: {  	s3 =	sld [smem:$0x3FDB];
	s0 =	simm.s32 @p2 $0x1  }
0x17: {  	s4 =	simm.s32 $0x1BF5;
	[smem:$0x3F98] =	sst s0  }
0x18: {  	s0 =	sld [smem:$0x3F7B];
	_ =	swait.ge [sflag:s4], $0x0  }
0x19: {  	s7 =	sld [smem:$0x3F7C]  }
0x1a: {  	s8 =	sadd.s32 $0xFFFFE003, lr  }
0x1b: {  	s9 =	sadd.s32 $0xFFFFFEF7, lr;
	s5 =	simm.s32 $0xFFFFFFFF;
	p2 =	slt.u32 s8, $0xFFFFF086  }
0x1c: {  	p1 =	slt.u32 s9, $0xF7A;
	s5 =	simm.s32 @!p2 $0x0  }
0x1d: {  	s5 =	simm.s32 @p1 $0x1;
	p0 =	seq.s32 s7, s2  }
0x1e: {  	s7 =	smul.u32 @!p0 $0xF7A, s2;
	p2 =	seq.s32 @!p0 s5, $0x0  }
0x1f: {  	s9 =	smul.u32 $0xF7A, s1;
	s8 =	simm.s32 @!p0 $0x1BF5;
	p2 =	por !p2, p0  }
0x20: {  	[sflag:s8] =	ssyncset.s32 @!p0 $0xFFFFF086;
	s6 =	sadd.s32 @!p0 s3, s7;
	s7 =	simm.s32 @!p0 $0x108  }
0x21: {  	s3 =	sadd.s32 s3, s9;
	s6 =	sadd.s32 @!p0 $0x88, s6;
	s7 =	simm.s32 @p2 $0x1082  }
0x22: {  	[simem:s7], [sflag:s8] =	dma.local @!p0 [hbm:s6], $0xF7A  }
0x23: {  	s9 =	sor.u32 $0xD0000000, s2;
	s6 =	simm.s32 $0x108;
	_ =	swait.ge @!p0 [sflag:s8], $0x0  }
0x24: {  	s3 =	sadd.s32 $0x88, s3;
	s6 =	simm.s32 @!p1 $0x1082;
	[sflag:s4] =	ssyncset.s32 $0xFFFFF086  }
0x25: {  	[simem:s6], [sflag:s4] =	dma.local [hbm:s3], $0xF7A  }
0x26: {  	[smem:$0x3F7C] =	sst s1;
	(tag) =	ssettag s2;
	_ =	strace s9  }
0x27: {  	s1 =	sld [smem:$0x3F8C]  }
0x28: {  	s2 =	sld [smem:$0x3F8D]  }
0x29: {  	s4 =	sld [smem:$0x3F8F]  }
0x2a: {  	p0 =	seq.s32 s5, $0x0;
	s5 =	sld [smem:$0x3F90]  }
0x2b: {  	s6 =	sld [smem:$0x3F91]  }
0x2c: {  	s7 =	sld [smem:$0x3F92]  }
0x2d: {  	s3 =	simm.s32 $0x108;
	s8 =	sld [smem:$0x3F93]  }
0x2e: {  	s3 =	simm.s32 @!p0 $0x1082;
	s9 =	sld [smem:$0x3F94]  }
0x2f: {  	lr =	sadd.s32 s0, s3;
	s0 =	sld [smem:$0x3F8B]  }
0x30: {  	s3 =	sld [smem:$0x3F8E]  }
0x31: {  	[smem:$0x3F97] =	sst s10  }
0x32: {  	s10 =	sld [smem:$0x3F95];
	_ =	sdelay $0x3  }
0x33: {  	p0 =	seq.s32 s10, $0x1;
	s10 =	sld [smem:$0x3F97];
	_ =	sdelay $0x3  }
0x34: {  	[smem:$0x3F97] =	sst s10  }
0x35: {  	s10 =	sld [smem:$0x3F96];
	_ =	sdelay $0x3  }
0x36: {  	p1 =	seq.s32 s10, $0x1;
	s10 =	sld [smem:$0x3F97];
	_ =	sdelay $0x3  }
0x37: {  	[smem:$0x3F97] =	sst s10  }
0x38: {  	s10 =	sld [smem:$0x3F98]  }
0x39: {  	_ = 	snop;
	(pc) =	sbr.ind lr, $3  }
0x3a: {  	_ = 	snop  }
0x3b: {  	_ = 	snop  }
0x3c: {  	p2 =	seq.s32 s10, $0x1;
	s10 =	sld [smem:$0x3F97]  }
0x3d: {  	_ =	shalt  }
0x3e: {  	_ =	shalt  }
0x3f: {  	_ =	shalt  }
0x40: {  	_ =	shalt  }
0x41: {  	_ =	shalt  }
0x42: {  	_ =	shalt  }
0x43: {  	_ =	shalt  }
0x44: {  	_ =	shalt  }
0x45: {  	_ =	shalt  }
0x46: {  	_ =	shalt  }
0x47: {  	_ =	shalt  }
0x48: {  	_ =	shalt  }
0x49: {  	_ =	shalt  }
0x4a: {  	_ =	shalt  }
0x4b: {  	_ =	shalt  }
0x4c: {  	_ =	shalt  }
0x4d: {  	_ =	shalt  }
0x4e: {  	_ =	shalt  }
0x4f: {  	_ =	shalt  }
0x50: {  	_ =	shalt  }
0x51: {  	_ =	shalt  }
0x52: {  	_ =	shalt  }
0x53: {  	_ =	shalt  }
0x54: {  	_ =	shalt  }
0x55: {  	_ =	shalt  }
0x56: {  	_ =	shalt  }
0x57: {  	_ =	shalt  }
0x58: {  	_ =	shalt  }
0x59: {  	_ =	shalt  }
0x5a: {  	_ =	shalt  }
0x5b: {  	_ =	shalt  }
0x5c: {  	_ =	shalt  }
0x5d: {  	_ =	shalt  }
0x5e: {  	_ =	shalt  }
0x5f: {  	_ =	shalt  }
0x60: {  	_ =	shalt  }
0x61: {  	_ =	shalt  }
0x62: {  	_ =	shalt  }
0x63: {  	_ =	shalt  }
0x64: {  	_ =	shalt  }
0x65: {  	_ =	shalt  }
0x66: {  	_ =	shalt  }
0x67: {  	_ =	shalt  }
0x68: {  	_ =	shalt  }
0x69: {  	_ =	shalt  }
0x6a: {  	_ =	shalt  }
0x6b: {  	_ =	shalt  }
0x6c: {  	_ =	shalt  }
0x6d: {  	_ =	shalt  }
0x6e: {  	_ =	shalt  }
0x6f: {  	_ =	shalt  }
0x70: {  	_ =	shalt  }
0x71: {  	_ =	shalt  }
0x72: {  	_ =	shalt  }
0x73: {  	_ =	shalt  }
0x74: {  	_ =	shalt  }
0x75: {  	_ =	shalt  }
0x76: {  	_ =	shalt  }
0x77: {  	_ =	shalt  }
0x78: {  	_ =	shalt  }
0x79: {  	_ =	shalt  }
0x7a: {  	_ =	shalt  }
0x7b: {  	_ =	shalt  }
0x7c: {  	_ =	shalt  }
0x7d: {  	_ =	shalt  }
0x7e: {  	_ =	shalt  }
0x7f: {  	_ =	shalt  }
0x80: {  	_ =	shalt  }
0x81: {  	_ =	shalt  }
0x82: {  	_ =	shalt  }
0x83: {  	_ =	shalt  }
0x84: {  	_ =	shalt  }
0x85: {  	_ =	shalt  }
0x86: {  	_ =	shalt  }
0x87: {  	_ =	shalt  }
.Lfunc_end0:
.L_simem_size_0:
called_computation.1_lowered:
.L_overlay_start_0:
0x88: {  	s2 =	sld [smem:$0x3FD9]  }
0x89: {  	s3 =	sld [smem:$0x3FFE];
	_ =	sdelay $0x1  }
0x8a: {  	s1 =	srdreg.scid  }
0x8b: {  	s0 =	sand.u32 $0x1, s1  }
0x8c: {  	s17 =	sshll.u32 s0, $0xA;
	s2 =	sadd.s32 s3, s2  }
0x8d: {  	s2 =	sadd.s32 s2, s17  }
0x8e: {  	[smem:$0x3FA3] =	sst s2  }
0x8f: {  	_ = 	snop  }
0x90: {  	(tm) =	ssettm $0x1  }
0x91: {  	s18 =	sld [smem:$0x3FFB];
	_ =	sdelay $0x3  }
0x92: {  	_ =	strace s18  }
0x93: {  	s2 =	sld [smem:$0x3FFC];
	_ =	sdelay $0x3  }
0x94: {  	_ =	strace s2  }
0x95: {  	s2 =	sld [smem:$0x3FFD];
	_ =	sdelay $0x3  }
0x96: {  	_ =	strace s2  }
0x97: {  	_ =	strace $0x8FFFFFFF  }
0x98: {  	s19 =	sld [smem:$0x3FDB];
	_ =	sdelay $0x1  }
0x99: {  	s20 =	simm.s32 $_scs_section_size  }
0x9a: {  	s4 =	simm.s32 $_size__tile_overlayer_lowered;
	s5 =	simm.s32 $_tile_overlayer_lowered  }
0x9b: {  	s6 =	simm.s32 $0x1BFF;
	s21 =	sshll.u32 s5, $0x1;
	s3 =	sadd.s32 s20, s19  }
0x9c: {  	s22 =	simm.s32 $0x0;
	s4 =	sshll.u32 s4, $0x1;
	s5 =	sadd.s32 s21, s3  }
0x9d: {  	[timem:s22], [sflag:s6] =	dma.local [hbm:s5], s4  }
0x9e: {  	_ =	swait.ge [sflag:s6], s4  }
0x9f: {  	s4 =	ssub.s32 $0x0, s4;
	[sflag:s6] =	ssyncset.done $0x0  }
0xa0: {  	[sflag:s6] =	ssyncadd.s32 s4;
	_ =	sdelay $0x1  }
0xa1: {  	s23 =	simm.s32 $0x1B8B  }
0xa2: {  	_ =	swait.ge [sflag:s23], $0x1  }
0xa3: {  	[sflag:s23] =	ssyncset.done $0x0  }
0xa4: {  	[sflag:s23] =	ssyncadd.s32 $0xFFFFFFFF  }
0xa5: {  	s4 =	sld [smem:$0x0]  }
0xa6: {  	s5 =	sand.u32 $0xFFFFFFFE, s1  }
0xa7: {  	p0 =	sne.s32 s1, s5  }
0xa8: {  	s5 =	sshll.u32 @p0 s5, $0xE  }
0xa9: {  	s5 =	sadd.s32 @p0 $0x11B8D, s5;
	s6 =	sshll.u32 @p0 s4, $0x11  }
0xaa: {  	s5 =	sor.u32 @p0 s6, s5  }
0xab: {  	[sflag:s5] =	ssyncadd.remote.s32 @p0 $0x1;
	_ =	sdelay $0x1  }
0xac: {  	s5 =	simm.s32 @p0 $0x1B8D  }
0xad: {  	_ =	swait.eq @p0 [sflag:s5], $0x1  }
0xae: {  	[sflag:s5] =	ssyncadd.s32 @p0 $0xFFFFFFFF  }
0xaf: {  	s6 =	sshll.u32 @!p0 s1, $0xE  }
0xb0: {  	s6 =	sor.u32 @!p0 $0x4000, s6;
	s5 =	simm.s32 @!p0 $0x1B8D  }
0xb1: {  	s4 =	sshll.u32 @!p0 s4, $0x11;
	s6 =	sadd.s32 @!p0 $0x11B8D, s6;
	_ =	swait.eq @!p0 [sflag:s5], $0x1  }
0xb2: {  	s4 =	sor.u32 @!p0 s4, s6;
	[sflag:s5] =	ssyncadd.s32 @!p0 $0xFFFFFFFF  }
0xb3: {  	s25 =	simm.s32 $0x1B8E;
	s24 =	sld [smem:$0x3FFE];
	[sflag:s4] =	ssyncadd.remote.s32 @!p0 $0x1  }
0xb4: {  	s26 =	simm.s32 $execute0_lowered;
	[smem:$0x3FD2] =	sst s25  }
0xb5: {  	s5 =	sshll.u32 s26, $0x1;
	_ =	strace $0x80000049;
	[dreg:$0x1] =	wrdreg $0xFFFFFFFF  }
0xb6: {  	s28 =	simm.s32 $_size_execute0_lowered;
	s3 =	sadd.s32 s3, s5;
	[dreg:$0x0] =	wrdreg $0x0  }
0xb7: {  	s5 =	sshll.u32 s28, $0x1;
	[dreg:$0x2] =	wrdreg s3  }
0xb8: {  	[dreg:$0x3] =	wrdreg s5  }
0xb9: {  	[dreg:$0x4] =	wrdreg $0xC0  }
0xba: {  	_ =	task [dreg:s22], $0x5FFFF  }
0xbb: {  	[dreg:$0x1] =	wrdreg $0xFFFFFFFF  }
0xbc: {  	[dreg:$0x0] =	wrdreg $0x60  }
0xbd: {  	[dreg:$0x2] =	wrdreg s24  }
0xbe: {  	[dreg:$0x3] =	wrdreg $0x37200  }
0xbf: {  	[dreg:$0x4] =	wrdreg $0xA  }
0xc0: {  	_ =	task.clear_ibuf [dreg:s22], $0x5FFFF;
	_ =	strace $0x90000049  }
0xc1: {  	s29 =	simm.s32 $0xA;
	_ =	strace $0x8000004B  }
0xc2: {  	_ =	swait.ge [sflag:s29], $0x1  }
0xc3: {  	[sflag:s29] =	ssyncadd.s32 $0xFFFFFFFF  }
0xc4: {  	_ =	strace $0x9000004B  }
0xc5: {  	_ =	sfence  }
0xc6: {  	s30 =	sld [smem:$0x0];
	_ =	sdelay $0x2  }
0xc7: {  	s31 =	sshll.u32 s1, $0xD;
	s1 =	sshrl.u32 s1, $0x2  }
0xc8: {  	s4 =	sand.u32 $0x4000, s31;
	s1 =	sadd.s32 s1, s30  }
0xc9: {  	s0 =	sor.u32 s4, s0;
	s1 =	sshll.u32 s1, $0x11  }
0xca: {  	s0 =	sor.u32 s1, s0  }
0xcb: {  	s0 =	sadd.s32 $0x8F2B, s0  }
0xcc: {  	[sflag:s0] =	ssyncadd.remote.s32 $0x1  }
0xcd: {  	_ =	sfence.sel $0xFFFF  }
0xce: {  	[dreg:$0x0] =	wrdreg $0xFFFFFFFF;
	(pc) =	sbr.abs _section_cstart, $3  }
0xcf: {  	[dreg:$0x1] =	wrdreg $0xFFFFFFFF  }
0xd0: {  	_ =	task.clear_ibuf [dreg:s22], $0x2FFFF;
	_ =	strace $0x9FFFFFFF  }
0xd1: {  	(tm) =	ssettm $0x7FFFFFFF  }
tec
execute0_lowered:
.L_overlay_start_1:
0x0: {  	(tag) =	ssettag $0x1  }
0x1: {  	s15 =	rddreg [dreg:$0x0]  }
0x2: {  	s1 =	rddreg [dreg:$0x1];
	s3 =	simm.s32 $0x0  }
0x3: {  	s2 =	stileid.u32;
	s4 =	srdreg.scid;
	s21 =	simm.s32 $0x100  }
0x4: {  	s22 =	simm.s32 $0x1;
	s23 =	simm.s32 $0x3100;
	s24 =	simm.s32 $0x3110  }
0x5: {  	s26 =	simm.s32 $0x3120;
	s28 =	simm.s32 $0x0;
	[smem:$0x7FF] =	sst s3  }
0x6: {  	s17 =	sadd.s32 $0xC9800, s15;
	s5 =	smul.u32 $0xEA00, s2;
	s25 =	sand.u32 $0x1, s4  }
0x7: {  	s4 =	sadd.s32 $0xAC200, s15;
	s18 =	sadd.s32 $0x4C800, s15;
	s9 =	smul.u32 $0x2710, s2  }
0x8: {  	s19 =	sadd.s32 $0x25600, s15;
	s14 =	sadd.s32 $0x1024C0, s15;
	s20 =	smul.u32 $0x4E2, s2  }
0x9: {  	_ =	strace $0x8000004A;
	s6 =	ssub.s32 $0x2, s25;
	p0 =	seq.s32 s25, $0x1  }
0xa: {  	p1 =	seq.s32 s25, $0x0;
	s13 =	smov.u32 s17;
	s7 =	sshrl.u32 s5, $0x3  }
0xb: {  	s8 =	sshrl.u32 s6, $0x1;
	s5 =	sadd.s32 s5, s1;
	s9 =	sshrl.u32 s9, $0x3  }
0xc: {  	s13 =	smov.u32 @p0 s4;
	s4 =	smov.u32 @p1 s17;
	s17 =	sadd.s32 s20, s19  }
0xd: {  	p0 =	seq.s32 s2, $0xF;
	s12 =	sadd.s32 s7, s15;
	s16 =	ssub.s32 s6, s8  }
0xe: {  	s7 =	sadd.s32 $0xDB600, s1;
	s8 =	sadd.s32 $0x6CEC0, s15;
	s10 =	sadd.s32 $0x4E0, s9  }
0xf: {  	s15 =	sadd.s32 $0x11FAC0, s15;
	p2 =	sne.s32 @p0 s25, $0x0;
	p4 =	sne.s32 @!p0 s25, $0x0  }
0x10: {  	s25 =	simm.s32 $0x10;
	s0 =	sadd.s32 $0x51800, s12;
	s9 =	sadd.s32 s18, s10  }
0x11: {  	s10 =	sadd.s32 s19, s10;
	s11 =	sadd.s32 $0xE6E00, s12;
	s12 =	sadd.s32 $0x104400, s12  }
0x12: {  	s16 =	smax.u32 s16, $0x1;
	s18 =	sadd.s32 s20, s18;
	s19 =	simm.s32 $0x2  }
0x13: {  	s20 =	simm.s32 $0x80;
	p1 =	por !p2, !p0;
	p2 =	por p2, !p0  }
0x14: {  	p3 =	por !p4, p0;
	p4 =	por p4, p0;
	[dreg:$0x3] =	wrdreg s0  }
.LBB2_1:
0x15: {  	s29 =	sshrl.u32 @p0 s7, $0x3;
	s30 =	simm.s32 @p0 $0x1FC2  }
0x16: {  	[spmem:s29], [sflag:s30] =	dma.local @p0 [hbm:s8], $0x1E00  }
0x17: {  	s29 =	simm.s32 @p0 $0x2  }
0x18: {  	_ =	swait.ge @p0 [sflag:s29], $0x1E00  }
0x19: {  	s30 =	sshll.u32 @!p0 s2, $0x6;
	[sflag:s29] =	ssyncset.done @p0 $0x0;
	s0 =	rddreg [dreg:$0x3]  }
0x1a: {  	[sflag:s29] =	ssyncadd.s32 @p0 $0xFFFFE200;
	s29 =	sor.u32 @!p0 $0x1C02, s30;
	s30 =	sshrl.u32 @!p0 s5, $0x3  }
0x1b: {  	[spmem:s30], [sflag:s29] =	dma.local @!p0 [hbm:s0], $0x1D40  }
0x1c: {  	s29 =	simm.s32 @!p0 $0x2  }
0x1d: {  	_ =	swait.ge @!p0 [sflag:s29], $0x1D40  }
0x1e: {  	[sflag:s29] =	ssyncset.done @!p0 $0x0  }
0x1f: {  	[sflag:s29] =	ssyncadd.s32 @!p0 $0xFFFFE2C0  }
0x20: {  	s29 =	sadd.s32 $0x0, s18;
	[bflag:$0x0] =	sbarrier.arrive $0xFFFF  }
0x21: {  	[tilespmem:s3], [sflag:$0x2] =	stream.linear.gather [hbm4b:s29+s3], $0x80, $0x38;
	[tilespmem:$0x12180] =	vst v63  }
0x22: {  	_ =	swait.ge [sflag:s19], $0x80  }
0x23: {  	[sflag:s19] =	ssyncset.done $0x0  }
0x24: {  	s29 =	sadd.s32 $0x0, s17;
	[sflag:s19] =	ssyncadd.s32 $0xFFFFFF80  }
0x25: {  	[tilespmem:s20], [sflag:$0x2] =	stream.linear.gather [hbm4b:s29+s3], $0x80, $0x38;
	[tilespmem:$0x12180] =	vst v63  }
0x26: {  	_ =	swait.ge [sflag:s19], $0x80  }
0x27: {  	[sflag:s19] =	ssyncset.done $0x0  }
0x28: {  	[sflag:s19] =	ssyncadd.s32 $0xFFFFFF80  }
0x29: {  	[tilespmem:s21], [sflag:$0x1] =	stream.indirect.gather [hbm4b:s13+s20], $0x60, s3, s20, $0xb8;
	[tilespmem:$0x12180] =	vst v63  }
0x2a: {  	_ =	swait.ge [sflag:s22], $0x3000  }
0x2b: {  	[sflag:s22] =	ssyncset.done $0x0  }
0x2c: {  	[sflag:s22] =	ssyncadd.s32 $0xFFFFD000  }
0x2d: {  	[spmem:s1] =	stream.indirect.scatter.add.f32 [tilespmem:s21], [sflag:$0x2], $0x60, s20, s20, $0xb8;
	[tilespmem:$0x12180] =	vst v63  }
0x2e: {  	_ =	swait.ge [sflag:s19], $0x3000  }
0x2f: {  	s30 =	simm.s32 $0x20;
	s29 =	simm.s32 $0x10;
	[sflag:s19] =	ssyncset.done $0x0  }
.LBB2_2:
0x30: {  	s31 =	sadd.s32 s29, s18  }
0x31: {  	[sflag:s19] =	ssyncadd.s32 $0xFFFFD000;
	s0 =	smov.u32 s30;
	s6 =	sadd.s32 $0x10, s30  }
0x32: {  	[tilespmem:s3], [sflag:$0x2] =	stream.linear.gather [hbm4b:s31+s3], $0x80, $0x38;
	[tilespmem:$0x12180] =	vst v63  }
0x33: {  	p5 =	sne.s32 s30, $0x4D0;
	_ =	swait.ge [sflag:s19], $0x80  }
0x34: {  	[sflag:s19] =	ssyncset.done $0x0  }
0x35: {  	s30 =	sadd.s32 s29, s17;
	s29 =	smov.u32 s0;
	[sflag:s19] =	ssyncadd.s32 $0xFFFFFF80  }
0x36: {  	[tilespmem:s20], [sflag:$0x2] =	stream.linear.gather [hbm4b:s30+s3], $0x80, $0x38;
	[tilespmem:$0x12180] =	vst v63  }
0x37: {  	_ =	swait.ge [sflag:s19], $0x80  }
0x38: {  	[sflag:s19] =	ssyncset.done $0x0  }
0x39: {  	[sflag:s19] =	ssyncadd.s32 $0xFFFFFF80  }
0x3a: {  	[tilespmem:s21], [sflag:$0x1] =	stream.indirect.gather [hbm4b:s13+s20], $0x60, s3, s20, $0xb8;
	[tilespmem:$0x12180] =	vst v63  }
0x3b: {  	_ =	swait.ge [sflag:s22], $0x3000  }
.Ltmp0:
0x3c: {  	[sflag:s22] =	ssyncset.done $0x0;
	(pc) =	sbr.rel @p5 .LBB2_2-.Ltmp0, $4  }
0x3d: {  	[sflag:s22] =	ssyncadd.s32 $0xFFFFD000  }
0x3e: {  	[spmem:s1] =	stream.indirect.scatter.add.f32 [tilespmem:s21], [sflag:$0x2], $0x60, s20, s20, $0xb8;
	[tilespmem:$0x12180] =	vst v63  }
0x3f: {  	_ =	swait.ge [sflag:s19], $0x3000  }
0x40: {  	s30 =	smov.u32 s6;
	[sflag:s19] =	ssyncset.done $0x0  }
0x41: {  	s0 =	sadd.s32 s29, s18;
	[sflag:s19] =	ssyncadd.s32 $0xFFFFD000  }
0x42: {  	[tilespmem:s3], [sflag:$0x2] =	stream.linear.gather [hbm4b:s0+s3], $0x80, $0x38;
	[tilespmem:$0x12180] =	vst v63  }
0x43: {  	_ =	swait.ge [sflag:s19], $0x80  }
0x44: {  	[sflag:s19] =	ssyncset.done $0x0  }
0x45: {  	s31 =	sadd.s32 s29, s17;
	[sflag:s19] =	ssyncadd.s32 $0xFFFFFF80  }
0x46: {  	[tilespmem:s20], [sflag:$0x2] =	stream.linear.gather [hbm4b:s31+s3], $0x80, $0x38;
	[tilespmem:$0x12180] =	vst v63  }
0x47: {  	_ =	swait.ge [sflag:s19], $0x80  }
0x48: {  	[sflag:s19] =	ssyncset.done $0x0  }
0x49: {  	[sflag:s19] =	ssyncadd.s32 $0xFFFFFF80  }
0x4a: {  	[tilespmem:s21], [sflag:$0x1] =	stream.indirect.gather [hbm4b:s13+s20], $0x60, s3, s20, $0xb8;
	[tilespmem:$0x12180] =	vst v63  }
0x4b: {  	_ =	swait.ge [sflag:s22], $0x3000  }
0x4c: {  	[sflag:s22] =	ssyncset.done $0x0  }
0x4d: {  	[sflag:s22] =	ssyncadd.s32 $0xFFFFD000  }
0x4e: {  	[spmem:s1] =	stream.indirect.scatter.add.f32 [tilespmem:s21], [sflag:$0x2], $0x60, s20, s20, $0xb8;
	[tilespmem:$0x12180] =	vst v63  }
0x4f: {  	_ =	swait.ge [sflag:s19], $0x3000  }
0x50: {  	[sflag:s19] =	ssyncset.done $0x0  }
0x51: {  	[sflag:s19] =	ssyncadd.s32 $0xFFFFD000  }
0x52: {  	[tilespmem:s23], [sflag:$0x2] =	stream.linear.gather [hbm4b:s9+s3], $0x10, $0x38;
	[tilespmem:$0x12180] =	vst v63  }
0x53: {  	_ =	swait.ge [sflag:s19], $0x10  }
0x54: {  	[sflag:s19] =	ssyncset.done $0x0  }
0x55: {  	[sflag:s19] =	ssyncadd.s32 $0xFFFFFFF0  }
0x56: {  	[tilespmem:s24], [sflag:$0x2] =	stream.linear.gather [hbm4b:s10+s3], $0x10, $0x38;
	[tilespmem:$0x12180] =	vst v63  }
0x57: {  	_ =	swait.ge [sflag:s19], $0x10  }
0x58: {  	[sflag:s19] =	ssyncset.done $0x0  }
0x59: {  	[sflag:s19] =	ssyncadd.s32 $0xFFFFFFF0  }
0x5a: {  	[tilespmem:s26], [sflag:$0x1] =	stream.indirect.gather [hbm4b:s4+s25], $0x60, s23, s25, $0xb8;
	[tilespmem:$0x12180] =	vst v63  }
0x5b: {  	_ =	swait.ge [sflag:s22], $0x600  }
0x5c: {  	[sflag:s22] =	ssyncset.done $0x0  }
0x5d: {  	[sflag:s22] =	ssyncadd.s32 $0xFFFFFA00  }
0x5e: {  	[spmem:s1] =	stream.indirect.scatter.add.f32 [tilespmem:s26], [sflag:$0x2], $0x60, s24, s25, $0xb8;
	[tilespmem:$0x12180] =	vst v63  }
0x5f: {  	_ =	swait.ge [sflag:s19], $0x600  }
0x60: {  	[sflag:s19] =	ssyncset.done $0x0  }
0x61: {  	[sflag:s19] =	ssyncadd.s32 $0xFFFFFA00  }
0x62: {  	s6 =	simm.s32 @!p1 $0x1FC2;
	s0 =	sshrl.u32 @!p1 s7, $0x3;
	[bflag:$0x0] =	sbarrier.arrive $0xFFFF  }
0x63: {  	[hbm:s14], [sflag:s6] =	dma.local @!p1 [spmem:s0], $0x1E00  }
0x64: {  	s0 =	simm.s32 @!p1 $0x2  }
0x65: {  	_ =	swait.ge @!p1 [sflag:s0], $0x1E00  }
0x66: {  	[sflag:s0] =	ssyncset.done @!p1 $0x0  }
0x67: {  	s6 =	simm.s32 @!p2 $0x1FC2;
	[sflag:s0] =	ssyncadd.s32 @!p1 $0xFFFFE200;
	s0 =	sshrl.u32 @!p2 s7, $0x3  }
0x68: {  	[hbm:s15], [sflag:s6] =	dma.local @!p2 [spmem:s0], $0x1E00  }
0x69: {  	s0 =	simm.s32 @!p2 $0x2  }
0x6a: {  	_ =	swait.ge @!p2 [sflag:s0], $0x1E00  }
0x6b: {  	s6 =	sshll.u32 @!p3 s2, $0x6;
	[sflag:s0] =	ssyncset.done @!p2 $0x0  }
0x6c: {  	[sflag:s0] =	ssyncadd.s32 @!p2 $0xFFFFE200;
	s0 =	sor.u32 @!p3 $0x1C02, s6;
	s6 =	sshrl.u32 @!p3 s5, $0x3  }
0x6d: {  	[hbm:s11], [sflag:s0] =	dma.local @!p3 [spmem:s6], $0x1D40  }
0x6e: {  	s0 =	simm.s32 @!p3 $0x2  }
0x6f: {  	s28 =	sadd.s32 $0x1, s28;
	_ =	swait.ge @!p3 [sflag:s0], $0x1D40  }
0x70: {  	p5 =	sne.s32 s28, s16;
	s6 =	sshll.u32 @!p4 s2, $0x6;
	[sflag:s0] =	ssyncset.done @!p3 $0x0  }
0x71: {  	[sflag:s0] =	ssyncadd.s32 @!p3 $0xFFFFE2C0;
	s0 =	sor.u32 @!p4 $0x1C02, s6;
	s6 =	sshrl.u32 @!p4 s5, $0x3  }
0x72: {  	[hbm:s12], [sflag:s0] =	dma.local @!p4 [spmem:s6], $0x1D40  }
.Ltmp1:
0x73: {  	_ = 	snop;
	(pc) =	sbr.rel @p5 .LBB2_1-.Ltmp1, $4  }
0x74: {  	s0 =	simm.s32 @!p4 $0x2  }
0x75: {  	_ =	swait.ge @!p4 [sflag:s0], $0x1D40  }
0x76: {  	[sflag:s0] =	ssyncset.done @!p4 $0x0  }
0x77: {  	[sflag:s0] =	ssyncadd.s32 @!p4 $0xFFFFE2C0  }
0x78: {  	_ =	sfence.sel $0x180000  }
0x79: {  	[bflag:$0x0] =	sbarrier.arrive $0xFFFF  }
0x7a: {  	_ =	strace $0x9000004A  }
0x7b: {  	[bflag:$0x2] =	sbarrier.arrive $0xFFFF  }
0x7c: {  	p0 =	sne.s32 s2, $0x0;
	s0 =	rddreg [dreg:$0x2]  }
0x7d: {  	s0 =	sadd.s32 @!p0 $0x100000, s0  }
0x7e: {  	[sflag:s0] =	ssyncadd.tile.s32 @!p0 $0x1;
	_ =	shalt  }
.Lfunc_end2:
_tile_overlayer_lowered:
.L_overlay_start_2:
0x7f: {  	(tag) =	ssettag $0x2  }
0x80: {  	s0 =	rddreg [dreg:$0x0];
	s2 =	stileid.u32  }
0x81: {  	s1 =	rddreg [dreg:$0x1];
	p0 =	sne.s32 s2, $0x0  }
0x82: {  	s3 =	rddreg [dreg:$0x2];
	[bflag:$0x3] =	sbarrier.arrive $0xFFFF;
	s2 =	simm.s32 @!p0 $0x1C02  }
0x83: {  	[timem:s3], [sflag:s2] =	dma.local @!p0 [hbm:s0], s1  }
0x84: {  	s0 =	simm.s32 @!p0 $0x2  }
0x85: {  	_ =	swait.ge @!p0 [sflag:s0], s1  }
0x86: {  	s1 =	ssub.s32 @!p0 $0x0, s1;
	[sflag:s0] =	ssyncset.done @!p0 $0x0  }
0x87: {  	[sflag:s0] =	ssyncadd.s32 @!p0 s1  }
0x88: {  	[bflag:$0x3] =	sbarrier.arrive $0xFFFF  }
0x89: {  	_ =	shalt  }

// kernel: kernel.15.cloned.1.call-start
scs
__scs_entry_jumppad:
0x0: {  	(pc) =	sbr.rel $0x88, $3  }
0x1: {  	(tag) =	ssettag $0x0;
	lr =	simm.s32 $0x1  }
0x2: {  	[smem:$0x3F7C] =	sst lr;
	_ =	strace $0xD0000000  }
0x3: {  	_ = 	snop  }
0x4: {  	_ = 	snop  }
0x5: {  	_ = 	snop  }
0x6: {  	_ = 	snop  }
0x7: {  	_ = 	snop  }
__scs_overlays_trampoline_lowered:
0x8: {  	[smem:$0x3F8B] =	sst s0  }
0x9: {  	[smem:$0x3F8C] =	sst s1  }
0xa: {  	[smem:$0x3F8D] =	sst s2  }
0xb: {  	[smem:$0x3F8E] =	sst s3  }
0xc: {  	[smem:$0x3F8F] =	sst s4  }
0xd: {  	[smem:$0x3F90] =	sst s5  }
0xe: {  	[smem:$0x3F91] =	sst s6  }
0xf: {  	[smem:$0x3F92] =	sst s7  }
0x10: {  	[smem:$0x3F93] =	sst s8  }
0x11: {  	[smem:$0x3F94] =	sst s9;
	s0 =	simm.s32 @!p0 $0x0  }
0x12: {  	s1 =	sld [smem:$0x3F7A];
	s0 =	simm.s32 @p0 $0x1  }
0x13: {  	[smem:$0x3F95] =	sst s0;
	s0 =	simm.s32 @!p1 $0x0  }
0x14: {  	s2 =	sld [smem:$0x3F79];
	s0 =	simm.s32 @p1 $0x1  }
0x15: {  	[smem:$0x3F96] =	sst s0;
	s0 =	simm.s32 @!p2 $0x0  }
0x16: {  	s3 =	sld [smem:$0x3FDB];
	s0 =	simm.s32 @p2 $0x1  }
0x17: {  	s4 =	simm.s32 $0x1BF5;
	[smem:$0x3F98] =	sst s0  }
0x18: {  	s0 =	sld [smem:$0x3F7B];
	_ =	swait.ge [sflag:s4], $0x0  }
0x19: {  	s7 =	sld [smem:$0x3F7C]  }
0x1a: {  	s8 =	sadd.s32 $0xFFFFE003, lr  }
0x1b: {  	s9 =	sadd.s32 $0xFFFFFEF7, lr;
	s5 =	simm.s32 $0xFFFFFFFF;
	p2 =	slt.u32 s8, $0xFFFFF086  }
0x1c: {  	p1 =	slt.u32 s9, $0xF7A;
	s5 =	simm.s32 @!p2 $0x0  }
0x1d: {  	s5 =	simm.s32 @p1 $0x1;
	p0 =	seq.s32 s7, s2  }
0x1e: {  	s7 =	smul.u32 @!p0 $0xF7A, s2;
	p2 =	seq.s32 @!p0 s5, $0x0  }
0x1f: {  	s9 =	smul.u32 $0xF7A, s1;
	s8 =	simm.s32 @!p0 $0x1BF5;
	p2 =	por !p2, p0  }
0x20: {  	[sflag:s8] =	ssyncset.s32 @!p0 $0xFFFFF086;
	s6 =	sadd.s32 @!p0 s3, s7;
	s7 =	simm.s32 @!p0 $0x108  }
0x21: {  	s3 =	sadd.s32 s3, s9;
	s6 =	sadd.s32 @!p0 $0x88, s6;
	s7 =	simm.s32 @p2 $0x1082  }
0x22: {  	[simem:s7], [sflag:s8] =	dma.local @!p0 [hbm:s6], $0xF7A  }
0x23: {  	s9 =	sor.u32 $0xD0000000, s2;
	s6 =	simm.s32 $0x108;
	_ =	swait.ge @!p0 [sflag:s8], $0x0  }
0x24: {  	s3 =	sadd.s32 $0x88, s3;
	s6 =	simm.s32 @!p1 $0x1082;
	[sflag:s4] =	ssyncset.s32 $0xFFFFF086  }
0x25: {  	[simem:s6], [sflag:s4] =	dma.local [hbm:s3], $0xF7A  }
0x26: {  	[smem:$0x3F7C] =	sst s1;
	(tag) =	ssettag s2;
	_ =	strace s9  }
0x27: {  	s1 =	sld [smem:$0x3F8C]  }
0x28: {  	s2 =	sld [smem:$0x3F8D]  }
0x29: {  	s4 =	sld [smem:$0x3F8F]  }
0x2a: {  	p0 =	seq.s32 s5, $0x0;
	s5 =	sld [smem:$0x3F90]  }
0x2b: {  	s6 =	sld [smem:$0x3F91]  }
0x2c: {  	s7 =	sld [smem:$0x3F92]  }
0x2d: {  	s3 =	simm.s32 $0x108;
	s8 =	sld [smem:$0x3F93]  }
0x2e: {  	s3 =	simm.s32 @!p0 $0x1082;
	s9 =	sld [smem:$0x3F94]  }
0x2f: {  	lr =	sadd.s32 s0, s3;
	s0 =	sld [smem:$0x3F8B]  }
0x30: {  	s3 =	sld [smem:$0x3F8E]  }
0x31: {  	[smem:$0x3F97] =	sst s10  }
0x32: {  	s10 =	sld [smem:$0x3F95];
	_ =	sdelay $0x3  }
0x33: {  	p0 =	seq.s32 s10, $0x1;
	s10 =	sld [smem:$0x3F97];
	_ =	sdelay $0x3  }
0x34: {  	[smem:$0x3F97] =	sst s10  }
0x35: {  	s10 =	sld [smem:$0x3F96];
	_ =	sdelay $0x3  }
0x36: {  	p1 =	seq.s32 s10, $0x1;
	s10 =	sld [smem:$0x3F97];
	_ =	sdelay $0x3  }
0x37: {  	[smem:$0x3F97] =	sst s10  }
0x38: {  	s10 =	sld [smem:$0x3F98]  }
0x39: {  	_ = 	snop;
	(pc) =	sbr.ind lr, $3  }
0x3a: {  	_ = 	snop  }
0x3b: {  	_ = 	snop  }
0x3c: {  	p2 =	seq.s32 s10, $0x1;
	s10 =	sld [smem:$0x3F97]  }
0x3d: {  	_ =	shalt  }
0x3e: {  	_ =	shalt  }
0x3f: {  	_ =	shalt  }
0x40: {  	_ =	shalt  }
0x41: {  	_ =	shalt  }
0x42: {  	_ =	shalt  }
0x43: {  	_ =	shalt  }
0x44: {  	_ =	shalt  }
0x45: {  	_ =	shalt  }
0x46: {  	_ =	shalt  }
0x47: {  	_ =	shalt  }
0x48: {  	_ =	shalt  }
0x49: {  	_ =	shalt  }
0x4a: {  	_ =	shalt  }
0x4b: {  	_ =	shalt  }
0x4c: {  	_ =	shalt  }
0x4d: {  	_ =	shalt  }
0x4e: {  	_ =	shalt  }
0x4f: {  	_ =	shalt  }
0x50: {  	_ =	shalt  }
0x51: {  	_ =	shalt  }
0x52: {  	_ =	shalt  }
0x53: {  	_ =	shalt  }
0x54: {  	_ =	shalt  }
0x55: {  	_ =	shalt  }
0x56: {  	_ =	shalt  }
0x57: {  	_ =	shalt  }
0x58: {  	_ =	shalt  }
0x59: {  	_ =	shalt  }
0x5a: {  	_ =	shalt  }
0x5b: {  	_ =	shalt  }
0x5c: {  	_ =	shalt  }
0x5d: {  	_ =	shalt  }
0x5e: {  	_ =	shalt  }
0x5f: {  	_ =	shalt  }
0x60: {  	_ =	shalt  }
0x61: {  	_ =	shalt  }
0x62: {  	_ =	shalt  }
0x63: {  	_ =	shalt  }
0x64: {  	_ =	shalt  }
0x65: {  	_ =	shalt  }
0x66: {  	_ =	shalt  }
0x67: {  	_ =	shalt  }
0x68: {  	_ =	shalt  }
0x69: {  	_ =	shalt  }
0x6a: {  	_ =	shalt  }
0x6b: {  	_ =	shalt  }
0x6c: {  	_ =	shalt  }
0x6d: {  	_ =	shalt  }
0x6e: {  	_ =	shalt  }
0x6f: {  	_ =	shalt  }
0x70: {  	_ =	shalt  }
0x71: {  	_ =	shalt  }
0x72: {  	_ =	shalt  }
0x73: {  	_ =	shalt  }
0x74: {  	_ =	shalt  }
0x75: {  	_ =	shalt  }
0x76: {  	_ =	shalt  }
0x77: {  	_ =	shalt  }
0x78: {  	_ =	shalt  }
0x79: {  	_ =	shalt  }
0x7a: {  	_ =	shalt  }
0x7b: {  	_ =	shalt  }
0x7c: {  	_ =	shalt  }
0x7d: {  	_ =	shalt  }
0x7e: {  	_ =	shalt  }
0x7f: {  	_ =	shalt  }
0x80: {  	_ =	shalt  }
0x81: {  	_ =	shalt  }
0x82: {  	_ =	shalt  }
0x83: {  	_ =	shalt  }
0x84: {  	_ =	shalt  }
0x85: {  	_ =	shalt  }
0x86: {  	_ =	shalt  }
0x87: {  	_ =	shalt  }
.Lfunc_end0:
.L_simem_size_0:
called_computation.2_lowered:
.L_overlay_start_0:
0x88: {  	s2 =	sld [smem:$0x3FD9]  }
0x89: {  	s3 =	sld [smem:$0x3FFE];
	_ =	sdelay $0x1  }
0x8a: {  	s1 =	srdreg.scid  }
0x8b: {  	s0 =	sand.u32 $0x1, s1  }
0x8c: {  	s16 =	sshll.u32 s0, $0xA;
	s2 =	sadd.s32 s3, s2  }
0x8d: {  	s2 =	sadd.s32 s2, s16  }
0x8e: {  	[smem:$0x3FA3] =	sst s2  }
0x8f: {  	_ = 	snop  }
0x90: {  	(tm) =	ssettm $0x1  }
0x91: {  	s17 =	sld [smem:$0x3FFB];
	_ =	sdelay $0x3  }
0x92: {  	_ =	strace s17  }
0x93: {  	s2 =	sld [smem:$0x3FFC];
	_ =	sdelay $0x3  }
0x94: {  	_ =	strace s2  }
0x95: {  	s2 =	sld [smem:$0x3FFD];
	_ =	sdelay $0x3  }
0x96: {  	_ =	strace s2  }
0x97: {  	_ =	strace $0x8FFFFFFF  }
0x98: {  	s18 =	sld [smem:$0x3FDB];
	_ =	sdelay $0x1  }
0x99: {  	s19 =	simm.s32 $_scs_section_size  }
0x9a: {  	s4 =	simm.s32 $_size__tile_overlayer_lowered;
	s5 =	simm.s32 $_tile_overlayer_lowered  }
0x9b: {  	s22 =	simm.s32 $0x1BFF;
	s21 =	sshll.u32 s5, $0x1;
	s2 =	sadd.s32 s19, s18  }
0x9c: {  	s6 =	simm.s32 $0x0;
	s20 =	sshll.u32 s4, $0x1;
	s4 =	sadd.s32 s21, s2  }
0x9d: {  	[timem:s6], [sflag:s22] =	dma.local [hbm:s4], s20  }
0x9e: {  	_ =	swait.ge [sflag:s22], s20  }
0x9f: {  	s3 =	ssub.s32 $0x0, s20;
	[sflag:s22] =	ssyncset.done $0x0  }
0xa0: {  	[sflag:s22] =	ssyncadd.s32 s3;
	_ =	sdelay $0x1  }
0xa1: {  	s23 =	simm.s32 $0x1B8B  }
0xa2: {  	_ =	swait.ge [sflag:s23], $0x1  }
0xa3: {  	[sflag:s23] =	ssyncset.done $0x0  }
0xa4: {  	s25 =	simm.s32 $0x1B8E;
	s24 =	sld [smem:$0x3FFE];
	[sflag:s23] =	ssyncadd.s32 $0xFFFFFFFF  }
0xa5: {  	s26 =	simm.s32 $execute0_lowered;
	[smem:$0x3FD2] =	sst s25  }
0xa6: {  	s4 =	sshll.u32 s26, $0x1;
	_ =	strace $0x8000004C;
	[dreg:$0x1] =	wrdreg $0xFFFFFFFF  }
0xa7: {  	s28 =	simm.s32 $_size_execute0_lowered;
	s2 =	sadd.s32 s2, s4;
	[dreg:$0x0] =	wrdreg $0x0  }
0xa8: {  	s4 =	sshll.u32 s28, $0x1;
	[dreg:$0x2] =	wrdreg s2  }
0xa9: {  	[dreg:$0x3] =	wrdreg s4  }
0xaa: {  	[dreg:$0x4] =	wrdreg $0xC0  }
0xab: {  	_ =	task [dreg:s6], $0x5FFFF  }
0xac: {  	[dreg:$0x1] =	wrdreg $0xFFFFFFFF  }
0xad: {  	[dreg:$0x0] =	wrdreg $0x60  }
0xae: {  	[dreg:$0x2] =	wrdreg s24  }
0xaf: {  	[dreg:$0x3] =	wrdreg $0x37200  }
0xb0: {  	[dreg:$0x4] =	wrdreg $0x9  }
0xb1: {  	_ =	task.clear_ibuf [dreg:s6], $0x5FFFF;
	_ =	strace $0x9000004C  }
0xb2: {  	s29 =	simm.s32 $0x9;
	_ =	strace $0x8000004E  }
0xb3: {  	_ =	swait.ge [sflag:s29], $0x1  }
0xb4: {  	[sflag:s29] =	ssyncadd.s32 $0xFFFFFFFF  }
0xb5: {  	_ =	strace $0x9000004E  }
0xb6: {  	_ =	sfence  }
0xb7: {  	s30 =	sld [smem:$0x0];
	_ =	sdelay $0x2  }
0xb8: {  	s31 =	sshll.u32 s1, $0xD;
	s1 =	sshrl.u32 s1, $0x2  }
0xb9: {  	s3 =	sand.u32 $0x4000, s31;
	s1 =	sadd.s32 s1, s30  }
0xba: {  	s0 =	sor.u32 s3, s0;
	s1 =	sshll.u32 s1, $0x11  }
0xbb: {  	s0 =	sor.u32 s1, s0  }
0xbc: {  	s0 =	sadd.s32 $0x8F2B, s0  }
0xbd: {  	[sflag:s0] =	ssyncadd.remote.s32 $0x1  }
0xbe: {  	_ =	sfence.sel $0xFFFF  }
0xbf: {  	[dreg:$0x0] =	wrdreg $0xFFFFFFFF;
	(pc) =	sbr.abs _section_cstart, $3  }
0xc0: {  	[dreg:$0x1] =	wrdreg $0xFFFFFFFF  }
0xc1: {  	_ =	task.clear_ibuf [dreg:s6], $0x2FFFF;
	_ =	strace $0x9FFFFFFF  }
0xc2: {  	(tm) =	ssettm $0x7FFFFFFF  }
0xc3: {  	_ =	shalt  }
tec
execute0_lowered:
.L_overlay_start_1:
0x0: {  	(tag) =	ssettag $0x1  }
0x1: {  	s15 =	rddreg [dreg:$0x0]  }
0x2: {  	s1 =	rddreg [dreg:$0x1];
	s3 =	simm.s32 $0x0  }
0x3: {  	s2 =	stileid.u32;
	s4 =	srdreg.scid;
	s21 =	simm.s32 $0x100  }
0x4: {  	s22 =	simm.s32 $0x1;
	s23 =	simm.s32 $0x3100;
	s24 =	simm.s32 $0x3110  }
0x5: {  	s26 =	simm.s32 $0x3120;
	s28 =	simm.s32 $0x0;
	[smem:$0x7FF] =	sst s3  }
0x6: {  	s17 =	sadd.s32 $0x2D000, s15;
	s5 =	smul.u32 $0xEA00, s2;
	s25 =	sand.u32 $0x1, s4  }
0x7: {  	s4 =	sadd.s32 $0x8000, s15;
	s18 =	sadd.s32 $0x4C800, s15;
	s9 =	smul.u32 $0x2710, s2  }
0x8: {  	s19 =	sadd.s32 $0x25600, s15;
	s14 =	sadd.s32 $0x8A4C0, s15;
	s20 =	smul.u32 $0x4E2, s2  }
0x9: {  	_ =	strace $0x8000004D;
	s6 =	ssub.s32 $0x2, s25;
	p0 =	seq.s32 s25, $0x1  }
0xa: {  	p1 =	seq.s32 s25, $0x0;
	s13 =	smov.u32 s17;
	s7 =	sshrl.u32 s5, $0x3  }
0xb: {  	s8 =	sshrl.u32 s6, $0x1;
	s5 =	sadd.s32 s5, s1;
	s9 =	sshrl.u32 s9, $0x3  }
0xc: {  	s13 =	smov.u32 @p0 s4;
	s4 =	smov.u32 @p1 s17;
	s17 =	sadd.s32 s20, s19  }
0xd: {  	p0 =	seq.s32 s2, $0xF;
	s12 =	sadd.s32 s7, s15;
	s16 =	ssub.s32 s6, s8  }
0xe: {  	s7 =	sadd.s32 $0xDB600, s1;
	s8 =	sadd.s32 $0x6CEC0, s15;
	s10 =	sadd.s32 $0x4E0, s9  }
0xf: {  	s15 =	sadd.s32 $0xA7AC0, s15;
	p2 =	sne.s32 @p0 s25, $0x0;
	p4 =	sne.s32 @!p0 s25, $0x0  }
0x10: {  	s25 =	simm.s32 $0x10;
	s0 =	sadd.s32 $0x51800, s12;
	s9 =	sadd.s32 s18, s10  }
0x11: {  	s10 =	sadd.s32 s19, s10;
	s11 =	sadd.s32 $0x6EE00, s12;
	s12 =	sadd.s32 $0x8C400, s12  }
0x12: {  	s16 =	smax.u32 s16, $0x1;
	s18 =	sadd.s32 s20, s18;
	s19 =	simm.s32 $0x2  }
0x13: {  	s20 =	simm.s32 $0x80;
	p1 =	por !p2, !p0;
	p2 =	por p2, !p0  }
0x14: {  	p3 =	por !p4, p0;
	p4 =	por p4, p0;
	[dreg:$0x3] =	wrdreg s0  }
.LBB2_1:
0x15: {  	s29 =	sshrl.u32 @p0 s7, $0x3;
	s30 =	simm.s32 @p0 $0x1FC2  }
0x16: {  	[spmem:s29], [sflag:s30] =	dma.local @p0 [hbm:s8], $0x1E00  }
0x17: {  	s29 =	simm.s32 @p0 $0x2  }
0x18: {  	_ =	swait.ge @p0 [sflag:s29], $0x1E00  }
0x19: {  	s30 =	sshll.u32 @!p0 s2, $0x6;
	[sflag:s29] =	ssyncset.done @p0 $0x0;
	s0 =	rddreg [dreg:$0x3]  }
0x1a: {  	[sflag:s29] =	ssyncadd.s32 @p0 $0xFFFFE200;
	s29 =	sor.u32 @!p0 $0x1C02, s30;
	s30 =	sshrl.u32 @!p0 s5, $0x3  }
0x1b: {  	[spmem:s30], [sflag:s29] =	dma.local @!p0 [hbm:s0], $0x1D40  }
0x1c: {  	s29 =	simm.s32 @!p0 $0x2  }
0x1d: {  	_ =	swait.ge @!p0 [sflag:s29], $0x1D40  }
0x1e: {  	[sflag:s29] =	ssyncset.done @!p0 $0x0  }
0x1f: {  	[sflag:s29] =	ssyncadd.s32 @!p0 $0xFFFFE2C0  }
0x20: {  	s29 =	sadd.s32 $0x0, s18;
	[bflag:$0x0] =	sbarrier.arrive $0xFFFF  }
0x21: {  	[tilespmem:s3], [sflag:$0x2] =	stream.linear.gather [hbm4b:s29+s3], $0x80, $0x38;
	[tilespmem:$0x12180] =	vst v63  }
0x22: {  	_ =	swait.ge [sflag:s19], $0x80  }
0x23: {  	[sflag:s19] =	ssyncset.done $0x0  }
0x24: {  	s29 =	sadd.s32 $0x0, s17;
	[sflag:s19] =	ssyncadd.s32 $0xFFFFFF80  }
0x25: {  	[tilespmem:s20], [sflag:$0x2] =	stream.linear.gather [hbm4b:s29+s3], $0x80, $0x38;
	[tilespmem:$0x12180] =	vst v63  }
0x26: {  	_ =	swait.ge [sflag:s19], $0x80  }
0x27: {  	[sflag:s19] =	ssyncset.done $0x0  }
0x28: {  	[sflag:s19] =	ssyncadd.s32 $0xFFFFFF80  }
0x29: {  	[tilespmem:s21], [sflag:$0x1] =	stream.indirect.gather [hbm4b:s13+s20], $0x60, s3, s20, $0xb8;
	[tilespmem:$0x12180] =	vst v63  }
0x2a: {  	_ =	swait.ge [sflag:s22], $0x3000  }
0x2b: {  	[sflag:s22] =	ssyncset.done $0x0  }
0x2c: {  	[sflag:s22] =	ssyncadd.s32 $0xFFFFD000  }
0x2d: {  	[spmem:s1] =	stream.indirect.scatter.add.f32 [tilespmem:s21], [sflag:$0x2], $0x60, s20, s20, $0xb8;
	[tilespmem:$0x12180] =	vst v63  }
0x2e: {  	_ =	swait.ge [sflag:s19], $0x3000  }
0x2f: {  	s30 =	simm.s32 $0x20;
	s29 =	simm.s32 $0x10;
	[sflag:s19] =	ssyncset.done $0x0  }
.LBB2_2:
0x30: {  	s31 =	sadd.s32 s29, s18  }
0x31: {  	[sflag:s19] =	ssyncadd.s32 $0xFFFFD000;
	s0 =	smov.u32 s30;
	s6 =	sadd.s32 $0x10, s30  }
0x32: {  	[tilespmem:s3], [sflag:$0x2] =	stream.linear.gather [hbm4b:s31+s3], $0x80, $0x38;
	[tilespmem:$0x12180] =	vst v63  }
0x33: {  	p5 =	sne.s32 s30, $0x4D0;
	_ =	swait.ge [sflag:s19], $0x80  }
0x34: {  	[sflag:s19] =	ssyncset.done $0x0  }
0x35: {  	s30 =	sadd.s32 s29, s17;
	s29 =	smov.u32 s0;
	[sflag:s19] =	ssyncadd.s32 $0xFFFFFF80  }
0x36: {  	[tilespmem:s20], [sflag:$0x2] =	stream.linear.gather [hbm4b:s30+s3], $0x80, $0x38;
	[tilespmem:$0x12180] =	vst v63  }
0x37: {  	_ =	swait.ge [sflag:s19], $0x80  }
0x38: {  	[sflag:s19] =	ssyncset.done $0x0  }
0x39: {  	[sflag:s19] =	ssyncadd.s32 $0xFFFFFF80  }
0x3a: {  	[tilespmem:s21], [sflag:$0x1] =	stream.indirect.gather [hbm4b:s13+s20], $0x60, s3, s20, $0xb8;
	[tilespmem:$0x12180] =	vst v63  }
0x3b: {  	_ =	swait.ge [sflag:s22], $0x3000  }
.Ltmp0:
0x3c: {  	[sflag:s22] =	ssyncset.done $0x0;
	(pc) =	sbr.rel @p5 .LBB2_2-.Ltmp0, $4  }
0x3d: {  	[sflag:s22] =	ssyncadd.s32 $0xFFFFD000  }
0x3e: {  	[spmem:s1] =	stream.indirect.scatter.add.f32 [tilespmem:s21], [sflag:$0x2], $0x60, s20, s20, $0xb8;
	[tilespmem:$0x12180] =	vst v63  }
0x3f: {  	_ =	swait.ge [sflag:s19], $0x3000  }
0x40: {  	s30 =	smov.u32 s6;
	[sflag:s19] =	ssyncset.done $0x0  }
0x41: {  	s0 =	sadd.s32 s29, s18;
	[sflag:s19] =	ssyncadd.s32 $0xFFFFD000  }
0x42: {  	[tilespmem:s3], [sflag:$0x2] =	stream.linear.gather [hbm4b:s0+s3], $0x80, $0x38;
	[tilespmem:$0x12180] =	vst v63  }
0x43: {  	_ =	swait.ge [sflag:s19], $0x80  }
0x44: {  	[sflag:s19] =	ssyncset.done $0x0  }
0x45: {  	s31 =	sadd.s32 s29, s17;
	[sflag:s19] =	ssyncadd.s32 $0xFFFFFF80  }
0x46: {  	[tilespmem:s20], [sflag:$0x2] =	stream.linear.gather [hbm4b:s31+s3], $0x80, $0x38;
	[tilespmem:$0x12180] =	vst v63  }
0x47: {  	_ =	swait.ge [sflag:s19], $0x80  }
0x48: {  	[sflag:s19] =	ssyncset.done $0x0  }
0x49: {  	[sflag:s19] =	ssyncadd.s32 $0xFFFFFF80  }
0x4a: {  	[tilespmem:s21], [sflag:$0x1] =	stream.indirect.gather [hbm4b:s13+s20], $0x60, s3, s20, $0xb8;
	[tilespmem:$0x12180] =	vst v63  }
0x4b: {  	_ =	swait.ge [sflag:s22], $0x3000  }
0x4c: {  	[sflag:s22] =	ssyncset.done $0x0  }
0x4d: {  	[sflag:s22] =	ssyncadd.s32 $0xFFFFD000  }
0x4e: {  	[spmem:s1] =	stream.indirect.scatter.add.f32 [tilespmem:s21], [sflag:$0x2], $0x60, s20, s20, $0xb8;
	[tilespmem:$0x12180] =	vst v63  }
0x4f: {  	_ =	swait.ge [sflag:s19], $0x3000  }
0x50: {  	[sflag:s19] =	ssyncset.done $0x0  }
0x51: {  	[sflag:s19] =	ssyncadd.s32 $0xFFFFD000  }
0x52: {  	[tilespmem:s23], [sflag:$0x2] =	stream.linear.gather [hbm4b:s9+s3], $0x10, $0x38;
	[tilespmem:$0x12180] =	vst v63  }
0x53: {  	_ =	swait.ge [sflag:s19], $0x10  }
0x54: {  	[sflag:s19] =	ssyncset.done $0x0  }
0x55: {  	[sflag:s19] =	ssyncadd.s32 $0xFFFFFFF0  }
0x56: {  	[tilespmem:s24], [sflag:$0x2] =	stream.linear.gather [hbm4b:s10+s3], $0x10, $0x38;
	[tilespmem:$0x12180] =	vst v63  }
0x57: {  	_ =	swait.ge [sflag:s19], $0x10  }
0x58: {  	[sflag:s19] =	ssyncset.done $0x0  }
0x59: {  	[sflag:s19] =	ssyncadd.s32 $0xFFFFFFF0  }
0x5a: {  	[tilespmem:s26], [sflag:$0x1] =	stream.indirect.gather [hbm4b:s4+s25], $0x60, s23, s25, $0xb8;
	[tilespmem:$0x12180] =	vst v63  }
0x5b: {  	_ =	swait.ge [sflag:s22], $0x600  }
0x5c: {  	[sflag:s22] =	ssyncset.done $0x0  }
0x5d: {  	[sflag:s22] =	ssyncadd.s32 $0xFFFFFA00  }
0x5e: {  	[spmem:s1] =	stream.indirect.scatter.add.f32 [tilespmem:s26], [sflag:$0x2], $0x60, s24, s25, $0xb8;
	[tilespmem:$0x12180] =	vst v63  }
0x5f: {  	_ =	swait.ge [sflag:s19], $0x600  }
0x60: {  	[sflag:s19] =	ssyncset.done $0x0  }
0x61: {  	[sflag:s19] =	ssyncadd.s32 $0xFFFFFA00  }
0x62: {  	s6 =	simm.s32 @!p1 $0x1FC2;
	s0 =	sshrl.u32 @!p1 s7, $0x3;
	[bflag:$0x0] =	sbarrier.arrive $0xFFFF  }
0x63: {  	[hbm:s14], [sflag:s6] =	dma.local @!p1 [spmem:s0], $0x1E00  }
0x64: {  	s0 =	simm.s32 @!p1 $0x2  }
0x65: {  	_ =	swait.ge @!p1 [sflag:s0], $0x1E00  }
0x66: {  	[sflag:s0] =	ssyncset.done @!p1 $0x0  }
0x67: {  	s6 =	simm.s32 @!p2 $0x1FC2;
	[sflag:s0] =	ssyncadd.s32 @!p1 $0xFFFFE200;
	s0 =	sshrl.u32 @!p2 s7, $0x3  }
0x68: {  	[hbm:s15], [sflag:s6] =	dma.local @!p2 [spmem:s0], $0x1E00  }
0x69: {  	s0 =	simm.s32 @!p2 $0x2  }
0x6a: {  	_ =	swait.ge @!p2 [sflag:s0], $0x1E00  }
0x6b: {  	s6 =	sshll.u32 @!p3 s2, $0x6;
	[sflag:s0] =	ssyncset.done @!p2 $0x0  }
0x6c: {  	[sflag:s0] =	ssyncadd.s32 @!p2 $0xFFFFE200;
	s0 =	sor.u32 @!p3 $0x1C02, s6;
	s6 =	sshrl.u32 @!p3 s5, $0x3  }
0x6d: {  	[hbm:s11], [sflag:s0] =	dma.local @!p3 [spmem:s6], $0x1D40  }
0x6e: {  	s0 =	simm.s32 @!p3 $0x2  }
0x6f: {  	s28 =	sadd.s32 $0x1, s28;
	_ =	swait.ge @!p3 [sflag:s0], $0x1D40  }
0x70: {  	p5 =	sne.s32 s28, s16;
	s6 =	sshll.u32 @!p4 s2, $0x6;
	[sflag:s0] =	ssyncset.done @!p3 $0x0  }
0x71: {  	[sflag:s0] =	ssyncadd.s32 @!p3 $0xFFFFE2C0;
	s0 =	sor.u32 @!p4 $0x1C02, s6;
	s6 =	sshrl.u32 @!p4 s5, $0x3  }
0x72: {  	[hbm:s12], [sflag:s0] =	dma.local @!p4 [spmem:s6], $0x1D40  }
.Ltmp1:
0x73: {  	_ = 	snop;
	(pc) =	sbr.rel @p5 .LBB2_1-.Ltmp1, $4  }
0x74: {  	s0 =	simm.s32 @!p4 $0x2  }
0x75: {  	_ =	swait.ge @!p4 [sflag:s0], $0x1D40  }
0x76: {  	[sflag:s0] =	ssyncset.done @!p4 $0x0  }
0x77: {  	[sflag:s0] =	ssyncadd.s32 @!p4 $0xFFFFE2C0  }
0x78: {  	_ =	sfence.sel $0x180000  }
0x79: {  	[bflag:$0x0] =	sbarrier.arrive $0xFFFF  }
0x7a: {  	_ =	strace $0x9000004D  }
0x7b: {  	[bflag:$0x2] =	sbarrier.arrive $0xFFFF  }
0x7c: {  	p0 =	sne.s32 s2, $0x0;
	s0 =	rddreg [dreg:$0x2]  }
0x7d: {  	s0 =	sadd.s32 @!p0 $0x100000, s0  }
0x7e: {  	[sflag:s0] =	ssyncadd.tile.s32 @!p0 $0x1;
	_ =	shalt  }
.Lfunc_end2:
_tile_overlayer_lowered:
.L_overlay_start_2:
0x7f: {  	(tag) =	ssettag $0x2  }
0x80: {  	s0 =	rddreg [dreg:$0x0];
	s2 =	stileid.u32  }
0x81: {  	s1 =	rddreg [dreg:$0x1];
	p0 =	sne.s32 s2, $0x0  }
0x82: {  	s3 =	rddreg [dreg:$0x2];
	[bflag:$0x3] =	sbarrier.arrive $0xFFFF;
	s2 =	simm.s32 @!p0 $0x1C02  }
0x83: {  	[timem:s3], [sflag:s2] =	dma.local @!p0 [hbm:s0], s1  }
0x84: {  	s0 =	simm.s32 @!p0 $0x2  }
0x85: {  	_ =	swait.ge @!p0 [sflag:s0], s1  }
0x86: {  	s1 =	ssub.s32 @!p0 $0x0, s1;
	[sflag:s0] =	ssyncset.done @!p0 $0x0  }
0x87: {  	[sflag:s0] =	ssyncadd.s32 @!p0 s1  }
0x88: {  	[bflag:$0x3] =	sbarrier.arrive $0xFFFF  }
0x89: {  	_ =	shalt  }

// kernel: kernel.18.cloned.1.call-start
scs
__scs_entry_jumppad:
0x0: {  	(pc) =	sbr.rel $0x88, $3  }
0x1: {  	(tag) =	ssettag $0x0;
	lr =	simm.s32 $0x1  }
0x2: {  	[smem:$0x3F7C] =	sst lr;
	_ =	strace $0xD0000000  }
0x3: {  	_ = 	snop  }
0x4: {  	_ = 	snop  }
0x5: {  	_ = 	snop  }
0x6: {  	_ = 	snop  }
0x7: {  	_ = 	snop  }
__scs_overlays_trampoline_lowered:
0x8: {  	[smem:$0x3F8B] =	sst s0  }
0x9: {  	[smem:$0x3F8C] =	sst s1  }
0xa: {  	[smem:$0x3F8D] =	sst s2  }
0xb: {  	[smem:$0x3F8E] =	sst s3  }
0xc: {  	[smem:$0x3F8F] =	sst s4  }
0xd: {  	[smem:$0x3F90] =	sst s5  }
0xe: {  	[smem:$0x3F91] =	sst s6  }
0xf: {  	[smem:$0x3F92] =	sst s7  }
0x10: {  	[smem:$0x3F93] =	sst s8  }
0x11: {  	[smem:$0x3F94] =	sst s9;
	s0 =	simm.s32 @!p0 $0x0  }
0x12: {  	s1 =	sld [smem:$0x3F7A];
	s0 =	simm.s32 @p0 $0x1  }
0x13: {  	[smem:$0x3F95] =	sst s0;
	s0 =	simm.s32 @!p1 $0x0  }
0x14: {  	s2 =	sld [smem:$0x3F79];
	s0 =	simm.s32 @p1 $0x1  }
0x15: {  	[smem:$0x3F96] =	sst s0;
	s0 =	simm.s32 @!p2 $0x0  }
0x16: {  	s3 =	sld [smem:$0x3FDB];
	s0 =	simm.s32 @p2 $0x1  }
0x17: {  	s4 =	simm.s32 $0x1BF5;
	[smem:$0x3F98] =	sst s0  }
0x18: {  	s0 =	sld [smem:$0x3F7B];
	_ =	swait.ge [sflag:s4], $0x0  }
0x19: {  	s7 =	sld [smem:$0x3F7C]  }
0x1a: {  	s8 =	sadd.s32 $0xFFFFE003, lr  }
0x1b: {  	s9 =	sadd.s32 $0xFFFFFEF7, lr;
	s5 =	simm.s32 $0xFFFFFFFF;
	p2 =	slt.u32 s8, $0xFFFFF086  }
0x1c: {  	p1 =	slt.u32 s9, $0xF7A;
	s5 =	simm.s32 @!p2 $0x0  }
0x1d: {  	s5 =	simm.s32 @p1 $0x1;
	p0 =	seq.s32 s7, s2  }
0x1e: {  	s7 =	smul.u32 @!p0 $0xF7A, s2;
	p2 =	seq.s32 @!p0 s5, $0x0  }
0x1f: {  	s9 =	smul.u32 $0xF7A, s1;
	s8 =	simm.s32 @!p0 $0x1BF5;
	p2 =	por !p2, p0  }
0x20: {  	[sflag:s8] =	ssyncset.s32 @!p0 $0xFFFFF086;
	s6 =	sadd.s32 @!p0 s3, s7;
	s7 =	simm.s32 @!p0 $0x108  }
0x21: {  	s3 =	sadd.s32 s3, s9;
	s6 =	sadd.s32 @!p0 $0x88, s6;
	s7 =	simm.s32 @p2 $0x1082  }
0x22: {  	[simem:s7], [sflag:s8] =	dma.local @!p0 [hbm:s6], $0xF7A  }
0x23: {  	s9 =	sor.u32 $0xD0000000, s2;
	s6 =	simm.s32 $0x108;
	_ =	swait.ge @!p0 [sflag:s8], $0x0  }
0x24: {  	s3 =	sadd.s32 $0x88, s3;
	s6 =	simm.s32 @!p1 $0x1082;
	[sflag:s4] =	ssyncset.s32 $0xFFFFF086  }
0x25: {  	[simem:s6], [sflag:s4] =	dma.local [hbm:s3], $0xF7A  }
0x26: {  	[smem:$0x3F7C] =	sst s1;
	(tag) =	ssettag s2;
	_ =	strace s9  }
0x27: {  	s1 =	sld [smem:$0x3F8C]  }
0x28: {  	s2 =	sld [smem:$0x3F8D]  }
0x29: {  	s4 =	sld [smem:$0x3F8F]  }
0x2a: {  	p0 =	seq.s32 s5, $0x0;
	s5 =	sld [smem:$0x3F90]  }
0x2b: {  	s6 =	sld [smem:$0x3F91]  }
0x2c: {  	s7 =	sld [smem:$0x3F92]  }
0x2d: {  	s3 =	simm.s32 $0x108;
	s8 =	sld [smem:$0x3F93]  }
0x2e: {  	s3 =	simm.s32 @!p0 $0x1082;
	s9 =	sld [smem:$0x3F94]  }
0x2f: {  	lr =	sadd.s32 s0, s3;
	s0 =	sld [smem:$0x3F8B]  }
0x30: {  	s3 =	sld [smem:$0x3F8E]  }
0x31: {  	[smem:$0x3F97] =	sst s10  }
0x32: {  	s10 =	sld [smem:$0x3F95];
	_ =	sdelay $0x3  }
0x33: {  	p0 =	seq.s32 s10, $0x1;
	s10 =	sld [smem:$0x3F97];
	_ =	sdelay $0x3  }
0x34: {  	[smem:$0x3F97] =	sst s10  }
0x35: {  	s10 =	sld [smem:$0x3F96];
	_ =	sdelay $0x3  }
0x36: {  	p1 =	seq.s32 s10, $0x1;
	s10 =	sld [smem:$0x3F97];
	_ =	sdelay $0x3  }
0x37: {  	[smem:$0x3F97] =	sst s10  }
0x38: {  	s10 =	sld [smem:$0x3F98]  }
0x39: {  	_ = 	snop;
	(pc) =	sbr.ind lr, $3  }
0x3a: {  	_ = 	snop  }
0x3b: {  	_ = 	snop  }
0x3c: {  	p2 =	seq.s32 s10, $0x1;
	s10 =	sld [smem:$0x3F97]  }
0x3d: {  	_ =	shalt  }
0x3e: {  	_ =	shalt  }
0x3f: {  	_ =	shalt  }
0x40: {  	_ =	shalt  }
0x41: {  	_ =	shalt  }
0x42: {  	_ =	shalt  }
0x43: {  	_ =	shalt  }
0x44: {  	_ =	shalt  }
0x45: {  	_ =	shalt  }
0x46: {  	_ =	shalt  }
0x47: {  	_ =	shalt  }
0x48: {  	_ =	shalt  }
0x49: {  	_ =	shalt  }
0x4a: {  	_ =	shalt  }
0x4b: {  	_ =	shalt  }
0x4c: {  	_ =	shalt  }
0x4d: {  	_ =	shalt  }
0x4e: {  	_ =	shalt  }
0x4f: {  	_ =	shalt  }
0x50: {  	_ =	shalt  }
0x51: {  	_ =	shalt  }
0x52: {  	_ =	shalt  }
0x53: {  	_ =	shalt  }
0x54: {  	_ =	shalt  }
0x55: {  	_ =	shalt  }
0x56: {  	_ =	shalt  }
0x57: {  	_ =	shalt  }
0x58: {  	_ =	shalt  }
0x59: {  	_ =	shalt  }
0x5a: {  	_ =	shalt  }
0x5b: {  	_ =	shalt  }
0x5c: {  	_ =	shalt  }
0x5d: {  	_ =	shalt  }
0x5e: {  	_ =	shalt  }
0x5f: {  	_ =	shalt  }
0x60: {  	_ =	shalt  }
0x61: {  	_ =	shalt  }
0x62: {  	_ =	shalt  }
0x63: {  	_ =	shalt  }
0x64: {  	_ =	shalt  }
0x65: {  	_ =	shalt  }
0x66: {  	_ =	shalt  }
0x67: {  	_ =	shalt  }
0x68: {  	_ =	shalt  }
0x69: {  	_ =	shalt  }
0x6a: {  	_ =	shalt  }
0x6b: {  	_ =	shalt  }
0x6c: {  	_ =	shalt  }
0x6d: {  	_ =	shalt  }
0x6e: {  	_ =	shalt  }
0x6f: {  	_ =	shalt  }
0x70: {  	_ =	shalt  }
0x71: {  	_ =	shalt  }
0x72: {  	_ =	shalt  }
0x73: {  	_ =	shalt  }
0x74: {  	_ =	shalt  }
0x75: {  	_ =	shalt  }
0x76: {  	_ =	shalt  }
0x77: {  	_ =	shalt  }
0x78: {  	_ =	shalt  }
0x79: {  	_ =	shalt  }
0x7a: {  	_ =	shalt  }
0x7b: {  	_ =	shalt  }
0x7c: {  	_ =	shalt  }
0x7d: {  	_ =	shalt  }
0x7e: {  	_ =	shalt  }
0x7f: {  	_ =	shalt  }
0x80: {  	_ =	shalt  }
0x81: {  	_ =	shalt  }
0x82: {  	_ =	shalt  }
0x83: {  	_ =	shalt  }
0x84: {  	_ =	shalt  }
0x85: {  	_ =	shalt  }
0x86: {  	_ =	shalt  }
0x87: {  	_ =	shalt  }
.Lfunc_end0:
.L_simem_size_0:
called_computation.3_lowered:
.L_overlay_start_0:
0x88: {  	s2 =	sld [smem:$0x3FD9]  }
0x89: {  	s3 =	sld [smem:$0x3FFE];
	_ =	sdelay $0x1  }
0x8a: {  	s1 =	srdreg.scid  }
0x8b: {  	s0 =	sand.u32 $0x1, s1  }
0x8c: {  	s17 =	sshll.u32 s0, $0xA;
	s2 =	sadd.s32 s3, s2  }
0x8d: {  	s2 =	sadd.s32 s2, s17  }
0x8e: {  	[smem:$0x3FA3] =	sst s2  }
0x8f: {  	_ = 	snop  }
0x90: {  	(tm) =	ssettm $0x1  }
0x91: {  	s18 =	sld [smem:$0x3FFB];
	_ =	sdelay $0x3  }
0x92: {  	_ =	strace s18  }
0x93: {  	s2 =	sld [smem:$0x3FFC];
	_ =	sdelay $0x3  }
0x94: {  	_ =	strace s2  }
0x95: {  	s2 =	sld [smem:$0x3FFD];
	_ =	sdelay $0x3  }
0x96: {  	_ =	strace s2  }
0x97: {  	_ =	strace $0x8FFFFFFF  }
0x98: {  	s19 =	sld [smem:$0x3FDB];
	_ =	sdelay $0x1  }
0x99: {  	s20 =	simm.s32 $_scs_section_size  }
0x9a: {  	s4 =	simm.s32 $_size__tile_overlayer_lowered;
	s5 =	simm.s32 $_tile_overlayer_lowered  }
0x9b: {  	s6 =	simm.s32 $0x1BFF;
	s21 =	sshll.u32 s5, $0x1;
	s3 =	sadd.s32 s20, s19  }
0x9c: {  	s22 =	simm.s32 $0x0;
	s4 =	sshll.u32 s4, $0x1;
	s5 =	sadd.s32 s21, s3  }
0x9d: {  	[timem:s22], [sflag:s6] =	dma.local [hbm:s5], s4  }
0x9e: {  	_ =	swait.ge [sflag:s6], s4  }
0x9f: {  	s4 =	ssub.s32 $0x0, s4;
	[sflag:s6] =	ssyncset.done $0x0  }
0xa0: {  	[sflag:s6] =	ssyncadd.s32 s4;
	_ =	sdelay $0x1  }
0xa1: {  	s23 =	simm.s32 $0x1B8B  }
0xa2: {  	_ =	swait.ge [sflag:s23], $0x1  }
0xa3: {  	[sflag:s23] =	ssyncset.done $0x0  }
0xa4: {  	[sflag:s23] =	ssyncadd.s32 $0xFFFFFFFF  }
0xa5: {  	s4 =	sld [smem:$0x0]  }
0xa6: {  	s5 =	sand.u32 $0xFFFFFFFE, s1  }
0xa7: {  	p0 =	sne.s32 s1, s5  }
0xa8: {  	s5 =	sshll.u32 @p0 s5, $0xE  }
0xa9: {  	s5 =	sadd.s32 @p0 $0x11B8D, s5;
	s6 =	sshll.u32 @p0 s4, $0x11  }
0xaa: {  	s5 =	sor.u32 @p0 s6, s5  }
0xab: {  	[sflag:s5] =	ssyncadd.remote.s32 @p0 $0x1;
	_ =	sdelay $0x1  }
0xac: {  	s5 =	simm.s32 @p0 $0x1B8D  }
0xad: {  	_ =	swait.eq @p0 [sflag:s5], $0x1  }
0xae: {  	[sflag:s5] =	ssyncadd.s32 @p0 $0xFFFFFFFF  }
0xaf: {  	s6 =	sshll.u32 @!p0 s1, $0xE  }
0xb0: {  	s6 =	sor.u32 @!p0 $0x4000, s6;
	s5 =	simm.s32 @!p0 $0x1B8D  }
0xb1: {  	s4 =	sshll.u32 @!p0 s4, $0x11;
	s6 =	sadd.s32 @!p0 $0x11B8D, s6;
	_ =	swait.eq @!p0 [sflag:s5], $0x1  }
0xb2: {  	s4 =	sor.u32 @!p0 s4, s6;
	[sflag:s5] =	ssyncadd.s32 @!p0 $0xFFFFFFFF  }
0xb3: {  	s25 =	simm.s32 $0x1B8E;
	s24 =	sld [smem:$0x3FFE];
	[sflag:s4] =	ssyncadd.remote.s32 @!p0 $0x1  }
0xb4: {  	s26 =	simm.s32 $execute0_lowered;
	[smem:$0x3FD2] =	sst s25  }
0xb5: {  	s5 =	sshll.u32 s26, $0x1;
	_ =	strace $0x8000004F;
	[dreg:$0x1] =	wrdreg $0xFFFFFFFF  }
0xb6: {  	s28 =	simm.s32 $_size_execute0_lowered;
	s3 =	sadd.s32 s3, s5;
	[dreg:$0x0] =	wrdreg $0x0  }
0xb7: {  	s5 =	sshll.u32 s28, $0x1;
	[dreg:$0x2] =	wrdreg s3  }
0xb8: {  	[dreg:$0x3] =	wrdreg s5  }
0xb9: {  	[dreg:$0x4] =	wrdreg $0xC0  }
0xba: {  	_ =	task [dreg:s22], $0x5FFFF  }
0xbb: {  	[dreg:$0x1] =	wrdreg $0xFFFFFFFF  }
0xbc: {  	[dreg:$0x0] =	wrdreg $0x60  }
0xbd: {  	[dreg:$0x2] =	wrdreg s24  }
0xbe: {  	[dreg:$0x3] =	wrdreg $0x37200  }
0xbf: {  	[dreg:$0x4] =	wrdreg $0xA  }
0xc0: {  	_ =	task.clear_ibuf [dreg:s22], $0x5FFFF;
	_ =	strace $0x9000004F  }
0xc1: {  	s29 =	simm.s32 $0xA;
	_ =	strace $0x80000051  }
0xc2: {  	_ =	swait.ge [sflag:s29], $0x1  }
0xc3: {  	[sflag:s29] =	ssyncadd.s32 $0xFFFFFFFF  }
0xc4: {  	_ =	strace $0x90000051  }
0xc5: {  	_ =	sfence  }
0xc6: {  	s30 =	sld [smem:$0x0];
	_ =	sdelay $0x2  }
0xc7: {  	s31 =	sshll.u32 s1, $0xD;
	s1 =	sshrl.u32 s1, $0x2  }
0xc8: {  	s4 =	sand.u32 $0x4000, s31;
	s1 =	sadd.s32 s1, s30  }
0xc9: {  	s0 =	sor.u32 s4, s0;
	s1 =	sshll.u32 s1, $0x11  }
0xca: {  	s0 =	sor.u32 s1, s0  }
0xcb: {  	s0 =	sadd.s32 $0x8F2B, s0  }
0xcc: {  	[sflag:s0] =	ssyncadd.remote.s32 $0x1  }
0xcd: {  	_ =	sfence.sel $0xFFFF  }
0xce: {  	[dreg:$0x0] =	wrdreg $0xFFFFFFFF;
	(pc) =	sbr.abs _section_cstart, $3  }
0xcf: {  	[dreg:$0x1] =	wrdreg $0xFFFFFFFF  }
0xd0: {  	_ =	task.clear_ibuf [dreg:s22], $0x2FFFF;
	_ =	strace $0x9FFFFFFF  }
0xd1: {  	(tm) =	ssettm $0x7FFFFFFF  }
tec
execute0_lowered:
.L_overlay_start_1:
0x0: {  	(tag) =	ssettag $0x1  }
0x1: {  	s15 =	rddreg [dreg:$0x0]  }
0x2: {  	s1 =	rddreg [dreg:$0x1];
	s3 =	simm.s32 $0x0  }
0x3: {  	s2 =	stileid.u32;
	s4 =	srdreg.scid;
	s21 =	simm.s32 $0x100  }
0x4: {  	s22 =	simm.s32 $0x1;
	s23 =	simm.s32 $0x3100;
	s24 =	simm.s32 $0x3110  }
0x5: {  	s26 =	simm.s32 $0x3120;
	s28 =	simm.s32 $0x0;
	[smem:$0x7FF] =	sst s3  }
0x6: {  	s17 =	sadd.s32 $0xC7000, s15;
	s5 =	smul.u32 $0xEA00, s2;
	s25 =	sand.u32 $0x1, s4  }
0x7: {  	s4 =	sadd.s32 $0xA9A00, s15;
	s18 =	sadd.s32 $0x4C800, s15;
	s9 =	smul.u32 $0x2710, s2  }
0x8: {  	s19 =	sadd.s32 $0x25600, s15;
	s14 =	sadd.s32 $0xFFCC0, s15;
	s20 =	smul.u32 $0x4E2, s2  }
0x9: {  	_ =	strace $0x80000050;
	s6 =	ssub.s32 $0x2, s25;
	p0 =	seq.s32 s25, $0x1  }
0xa: {  	p1 =	seq.s32 s25, $0x0;
	s13 =	smov.u32 s17;
	s7 =	sshrl.u32 s5, $0x3  }
0xb: {  	s8 =	sshrl.u32 s6, $0x1;
	s5 =	sadd.s32 s5, s1;
	s9 =	sshrl.u32 s9, $0x3  }
0xc: {  	s13 =	smov.u32 @p0 s4;
	s4 =	smov.u32 @p1 s17;
	s17 =	sadd.s32 s20, s19  }
0xd: {  	p0 =	seq.s32 s2, $0xF;
	s12 =	sadd.s32 s7, s15;
	s16 =	ssub.s32 s6, s8  }
0xe: {  	s7 =	sadd.s32 $0xDB600, s1;
	s8 =	sadd.s32 $0x6CEC0, s15;
	s10 =	sadd.s32 $0x4E0, s9  }
0xf: {  	s15 =	sadd.s32 $0x11D2C0, s15;
	p2 =	sne.s32 @p0 s25, $0x0;
	p4 =	sne.s32 @!p0 s25, $0x0  }
0x10: {  	s25 =	simm.s32 $0x10;
	s0 =	sadd.s32 $0x51800, s12;
	s9 =	sadd.s32 s18, s10  }
0x11: {  	s10 =	sadd.s32 s19, s10;
	s11 =	sadd.s32 $0xE4600, s12;
	s12 =	sadd.s32 $0x101C00, s12  }
0x12: {  	s16 =	smax.u32 s16, $0x1;
	s18 =	sadd.s32 s20, s18;
	s19 =	simm.s32 $0x2  }
0x13: {  	s20 =	simm.s32 $0x80;
	p1 =	por !p2, !p0;
	p2 =	por p2, !p0  }
0x14: {  	p3 =	por !p4, p0;
	p4 =	por p4, p0;
	[dreg:$0x3] =	wrdreg s0  }
.LBB2_1:
0x15: {  	s29 =	sshrl.u32 @p0 s7, $0x3;
	s30 =	simm.s32 @p0 $0x1FC2  }
0x16: {  	[spmem:s29], [sflag:s30] =	dma.local @p0 [hbm:s8], $0x1E00  }
0x17: {  	s29 =	simm.s32 @p0 $0x2  }
0x18: {  	_ =	swait.ge @p0 [sflag:s29], $0x1E00  }
0x19: {  	s30 =	sshll.u32 @!p0 s2, $0x6;
	[sflag:s29] =	ssyncset.done @p0 $0x0;
	s0 =	rddreg [dreg:$0x3]  }
0x1a: {  	[sflag:s29] =	ssyncadd.s32 @p0 $0xFFFFE200;
	s29 =	sor.u32 @!p0 $0x1C02, s30;
	s30 =	sshrl.u32 @!p0 s5, $0x3  }
0x1b: {  	[spmem:s30], [sflag:s29] =	dma.local @!p0 [hbm:s0], $0x1D40  }
0x1c: {  	s29 =	simm.s32 @!p0 $0x2  }
0x1d: {  	_ =	swait.ge @!p0 [sflag:s29], $0x1D40  }
0x1e: {  	[sflag:s29] =	ssyncset.done @!p0 $0x0  }
0x1f: {  	[sflag:s29] =	ssyncadd.s32 @!p0 $0xFFFFE2C0  }
0x20: {  	s29 =	sadd.s32 $0x0, s18;
	[bflag:$0x0] =	sbarrier.arrive $0xFFFF  }
0x21: {  	[tilespmem:s3], [sflag:$0x2] =	stream.linear.gather [hbm4b:s29+s3], $0x80, $0x38;
	[tilespmem:$0x12180] =	vst v63  }
0x22: {  	_ =	swait.ge [sflag:s19], $0x80  }
0x23: {  	[sflag:s19] =	ssyncset.done $0x0  }
0x24: {  	s29 =	sadd.s32 $0x0, s17;
	[sflag:s19] =	ssyncadd.s32 $0xFFFFFF80  }
0x25: {  	[tilespmem:s20], [sflag:$0x2] =	stream.linear.gather [hbm4b:s29+s3], $0x80, $0x38;
	[tilespmem:$0x12180] =	vst v63  }
0x26: {  	_ =	swait.ge [sflag:s19], $0x80  }
0x27: {  	[sflag:s19] =	ssyncset.done $0x0  }
0x28: {  	[sflag:s19] =	ssyncadd.s32 $0xFFFFFF80  }
0x29: {  	[tilespmem:s21], [sflag:$0x1] =	stream.indirect.gather [hbm4b:s13+s20], $0x60, s3, s20, $0xb8;
	[tilespmem:$0x12180] =	vst v63  }
0x2a: {  	_ =	swait.ge [sflag:s22], $0x3000  }
0x2b: {  	[sflag:s22] =	ssyncset.done $0x0  }
0x2c: {  	[sflag:s22] =	ssyncadd.s32 $0xFFFFD000  }
0x2d: {  	[spmem:s1] =	stream.indirect.scatter.add.f32 [tilespmem:s21], [sflag:$0x2], $0x60, s20, s20, $0xb8;
	[tilespmem:$0x12180] =	vst v63  }
0x2e: {  	_ =	swait.ge [sflag:s19], $0x3000  }
0x2f: {  	s30 =	simm.s32 $0x20;
	s29 =	simm.s32 $0x10;
	[sflag:s19] =	ssyncset.done $0x0  }
.LBB2_2:
0x30: {  	s31 =	sadd.s32 s29, s18  }
0x31: {  	[sflag:s19] =	ssyncadd.s32 $0xFFFFD000;
	s0 =	smov.u32 s30;
	s6 =	sadd.s32 $0x10, s30  }
0x32: {  	[tilespmem:s3], [sflag:$0x2] =	stream.linear.gather [hbm4b:s31+s3], $0x80, $0x38;
	[tilespmem:$0x12180] =	vst v63  }
0x33: {  	p5 =	sne.s32 s30, $0x4D0;
	_ =	swait.ge [sflag:s19], $0x80  }
0x34: {  	[sflag:s19] =	ssyncset.done $0x0  }
0x35: {  	s30 =	sadd.s32 s29, s17;
	s29 =	smov.u32 s0;
	[sflag:s19] =	ssyncadd.s32 $0xFFFFFF80  }
0x36: {  	[tilespmem:s20], [sflag:$0x2] =	stream.linear.gather [hbm4b:s30+s3], $0x80, $0x38;
	[tilespmem:$0x12180] =	vst v63  }
0x37: {  	_ =	swait.ge [sflag:s19], $0x80  }
0x38: {  	[sflag:s19] =	ssyncset.done $0x0  }
0x39: {  	[sflag:s19] =	ssyncadd.s32 $0xFFFFFF80  }
0x3a: {  	[tilespmem:s21], [sflag:$0x1] =	stream.indirect.gather [hbm4b:s13+s20], $0x60, s3, s20, $0xb8;
	[tilespmem:$0x12180] =	vst v63  }
0x3b: {  	_ =	swait.ge [sflag:s22], $0x3000  }
.Ltmp0:
0x3c: {  	[sflag:s22] =	ssyncset.done $0x0;
	(pc) =	sbr.rel @p5 .LBB2_2-.Ltmp0, $4  }
0x3d: {  	[sflag:s22] =	ssyncadd.s32 $0xFFFFD000  }
0x3e: {  	[spmem:s1] =	stream.indirect.scatter.add.f32 [tilespmem:s21], [sflag:$0x2], $0x60, s20, s20, $0xb8;
	[tilespmem:$0x12180] =	vst v63  }
0x3f: {  	_ =	swait.ge [sflag:s19], $0x3000  }
0x40: {  	s30 =	smov.u32 s6;
	[sflag:s19] =	ssyncset.done $0x0  }
0x41: {  	s0 =	sadd.s32 s29, s18;
	[sflag:s19] =	ssyncadd.s32 $0xFFFFD000  }
0x42: {  	[tilespmem:s3], [sflag:$0x2] =	stream.linear.gather [hbm4b:s0+s3], $0x80, $0x38;
	[tilespmem:$0x12180] =	vst v63  }
0x43: {  	_ =	swait.ge [sflag:s19], $0x80  }
0x44: {  	[sflag:s19] =	ssyncset.done $0x0  }
0x45: {  	s31 =	sadd.s32 s29, s17;
	[sflag:s19] =	ssyncadd.s32 $0xFFFFFF80  }
0x46: {  	[tilespmem:s20], [sflag:$0x2] =	stream.linear.gather [hbm4b:s31+s3], $0x80, $0x38;
	[tilespmem:$0x12180] =	vst v63  }
0x47: {  	_ =	swait.ge [sflag:s19], $0x80  }
0x48: {  	[sflag:s19] =	ssyncset.done $0x0  }
0x49: {  	[sflag:s19] =	ssyncadd.s32 $0xFFFFFF80  }
0x4a: {  	[tilespmem:s21], [sflag:$0x1] =	stream.indirect.gather [hbm4b:s13+s20], $0x60, s3, s20, $0xb8;
	[tilespmem:$0x12180] =	vst v63  }
0x4b: {  	_ =	swait.ge [sflag:s22], $0x3000  }
0x4c: {  	[sflag:s22] =	ssyncset.done $0x0  }
0x4d: {  	[sflag:s22] =	ssyncadd.s32 $0xFFFFD000  }
0x4e: {  	[spmem:s1] =	stream.indirect.scatter.add.f32 [tilespmem:s21], [sflag:$0x2], $0x60, s20, s20, $0xb8;
	[tilespmem:$0x12180] =	vst v63  }
0x4f: {  	_ =	swait.ge [sflag:s19], $0x3000  }
0x50: {  	[sflag:s19] =	ssyncset.done $0x0  }
0x51: {  	[sflag:s19] =	ssyncadd.s32 $0xFFFFD000  }
0x52: {  	[tilespmem:s23], [sflag:$0x2] =	stream.linear.gather [hbm4b:s9+s3], $0x10, $0x38;
	[tilespmem:$0x12180] =	vst v63  }
0x53: {  	_ =	swait.ge [sflag:s19], $0x10  }
0x54: {  	[sflag:s19] =	ssyncset.done $0x0  }
0x55: {  	[sflag:s19] =	ssyncadd.s32 $0xFFFFFFF0  }
0x56: {  	[tilespmem:s24], [sflag:$0x2] =	stream.linear.gather [hbm4b:s10+s3], $0x10, $0x38;
	[tilespmem:$0x12180] =	vst v63  }
0x57: {  	_ =	swait.ge [sflag:s19], $0x10  }
0x58: {  	[sflag:s19] =	ssyncset.done $0x0  }
0x59: {  	[sflag:s19] =	ssyncadd.s32 $0xFFFFFFF0  }
0x5a: {  	[tilespmem:s26], [sflag:$0x1] =	stream.indirect.gather [hbm4b:s4+s25], $0x60, s23, s25, $0xb8;
	[tilespmem:$0x12180] =	vst v63  }
0x5b: {  	_ =	swait.ge [sflag:s22], $0x600  }
0x5c: {  	[sflag:s22] =	ssyncset.done $0x0  }
0x5d: {  	[sflag:s22] =	ssyncadd.s32 $0xFFFFFA00  }
0x5e: {  	[spmem:s1] =	stream.indirect.scatter.add.f32 [tilespmem:s26], [sflag:$0x2], $0x60, s24, s25, $0xb8;
	[tilespmem:$0x12180] =	vst v63  }
0x5f: {  	_ =	swait.ge [sflag:s19], $0x600  }
0x60: {  	[sflag:s19] =	ssyncset.done $0x0  }
0x61: {  	[sflag:s19] =	ssyncadd.s32 $0xFFFFFA00  }
0x62: {  	s6 =	simm.s32 @!p1 $0x1FC2;
	s0 =	sshrl.u32 @!p1 s7, $0x3;
	[bflag:$0x0] =	sbarrier.arrive $0xFFFF  }
0x63: {  	[hbm:s14], [sflag:s6] =	dma.local @!p1 [spmem:s0], $0x1E00  }
0x64: {  	s0 =	simm.s32 @!p1 $0x2  }
0x65: {  	_ =	swait.ge @!p1 [sflag:s0], $0x1E00  }
0x66: {  	[sflag:s0] =	ssyncset.done @!p1 $0x0  }
0x67: {  	s6 =	simm.s32 @!p2 $0x1FC2;
	[sflag:s0] =	ssyncadd.s32 @!p1 $0xFFFFE200;
	s0 =	sshrl.u32 @!p2 s7, $0x3  }
0x68: {  	[hbm:s15], [sflag:s6] =	dma.local @!p2 [spmem:s0], $0x1E00  }
0x69: {  	s0 =	simm.s32 @!p2 $0x2  }
0x6a: {  	_ =	swait.ge @!p2 [sflag:s0], $0x1E00  }
0x6b: {  	s6 =	sshll.u32 @!p3 s2, $0x6;
	[sflag:s0] =	ssyncset.done @!p2 $0x0  }
0x6c: {  	[sflag:s0] =	ssyncadd.s32 @!p2 $0xFFFFE200;
	s0 =	sor.u32 @!p3 $0x1C02, s6;
	s6 =	sshrl.u32 @!p3 s5, $0x3  }
0x6d: {  	[hbm:s11], [sflag:s0] =	dma.local @!p3 [spmem:s6], $0x1D40  }
0x6e: {  	s0 =	simm.s32 @!p3 $0x2  }
0x6f: {  	s28 =	sadd.s32 $0x1, s28;
	_ =	swait.ge @!p3 [sflag:s0], $0x1D40  }
0x70: {  	p5 =	sne.s32 s28, s16;
	s6 =	sshll.u32 @!p4 s2, $0x6;
	[sflag:s0] =	ssyncset.done @!p3 $0x0  }
0x71: {  	[sflag:s0] =	ssyncadd.s32 @!p3 $0xFFFFE2C0;
	s0 =	sor.u32 @!p4 $0x1C02, s6;
	s6 =	sshrl.u32 @!p4 s5, $0x3  }
0x72: {  	[hbm:s12], [sflag:s0] =	dma.local @!p4 [spmem:s6], $0x1D40  }
.Ltmp1:
0x73: {  	_ = 	snop;
	(pc) =	sbr.rel @p5 .LBB2_1-.Ltmp1, $4  }
0x74: {  	s0 =	simm.s32 @!p4 $0x2  }
0x75: {  	_ =	swait.ge @!p4 [sflag:s0], $0x1D40  }
0x76: {  	[sflag:s0] =	ssyncset.done @!p4 $0x0  }
0x77: {  	[sflag:s0] =	ssyncadd.s32 @!p4 $0xFFFFE2C0  }
0x78: {  	_ =	sfence.sel $0x180000  }
0x79: {  	[bflag:$0x0] =	sbarrier.arrive $0xFFFF  }
0x7a: {  	_ =	strace $0x90000050  }
0x7b: {  	[bflag:$0x2] =	sbarrier.arrive $0xFFFF  }
0x7c: {  	p0 =	sne.s32 s2, $0x0;
	s0 =	rddreg [dreg:$0x2]  }
0x7d: {  	s0 =	sadd.s32 @!p0 $0x100000, s0  }
0x7e: {  	[sflag:s0] =	ssyncadd.tile.s32 @!p0 $0x1;
	_ =	shalt  }
.Lfunc_end2:
_tile_overlayer_lowered:
.L_overlay_start_2:
0x7f: {  	(tag) =	ssettag $0x2  }
0x80: {  	s0 =	rddreg [dreg:$0x0];
	s2 =	stileid.u32  }
0x81: {  	s1 =	rddreg [dreg:$0x1];
	p0 =	sne.s32 s2, $0x0  }
0x82: {  	s3 =	rddreg [dreg:$0x2];
	[bflag:$0x3] =	sbarrier.arrive $0xFFFF;
	s2 =	simm.s32 @!p0 $0x1C02  }
0x83: {  	[timem:s3], [sflag:s2] =	dma.local @!p0 [hbm:s0], s1  }
0x84: {  	s0 =	simm.s32 @!p0 $0x2  }
0x85: {  	_ =	swait.ge @!p0 [sflag:s0], s1  }
0x86: {  	s1 =	ssub.s32 @!p0 $0x0, s1;
	[sflag:s0] =	ssyncset.done @!p0 $0x0  }
0x87: {  	[sflag:s0] =	ssyncadd.s32 @!p0 s1  }
0x88: {  	[bflag:$0x3] =	sbarrier.arrive $0xFFFF  }
0x89: {  	_ =	shalt  }

// kernel: kernel.9.cloned.1.call-start
scs
__scs_entry_jumppad:
0x0: {  	(pc) =	sbr.rel $0x88, $3  }
0x1: {  	(tag) =	ssettag $0x0;
	lr =	simm.s32 $0x1  }
0x2: {  	[smem:$0x3F7C] =	sst lr;
	_ =	strace $0xD0000000  }
0x3: {  	_ = 	snop  }
0x4: {  	_ = 	snop  }
0x5: {  	_ = 	snop  }
0x6: {  	_ = 	snop  }
0x7: {  	_ = 	snop  }
__scs_overlays_trampoline_lowered:
0x8: {  	[smem:$0x3F8B] =	sst s0  }
0x9: {  	[smem:$0x3F8C] =	sst s1  }
0xa: {  	[smem:$0x3F8D] =	sst s2  }
0xb: {  	[smem:$0x3F8E] =	sst s3  }
0xc: {  	[smem:$0x3F8F] =	sst s4  }
0xd: {  	[smem:$0x3F90] =	sst s5  }
0xe: {  	[smem:$0x3F91] =	sst s6  }
0xf: {  	[smem:$0x3F92] =	sst s7  }
0x10: {  	[smem:$0x3F93] =	sst s8  }
0x11: {  	[smem:$0x3F94] =	sst s9;
	s0 =	simm.s32 @!p0 $0x0  }
0x12: {  	s1 =	sld [smem:$0x3F7A];
	s0 =	simm.s32 @p0 $0x1  }
0x13: {  	[smem:$0x3F95] =	sst s0;
	s0 =	simm.s32 @!p1 $0x0  }
0x14: {  	s2 =	sld [smem:$0x3F79];
	s0 =	simm.s32 @p1 $0x1  }
0x15: {  	[smem:$0x3F96] =	sst s0;
	s0 =	simm.s32 @!p2 $0x0  }
0x16: {  	s3 =	sld [smem:$0x3FDB];
	s0 =	simm.s32 @p2 $0x1  }
0x17: {  	s4 =	simm.s32 $0x1BF5;
	[smem:$0x3F98] =	sst s0  }
0x18: {  	s0 =	sld [smem:$0x3F7B];
	_ =	swait.ge [sflag:s4], $0x0  }
0x19: {  	s7 =	sld [smem:$0x3F7C]  }
0x1a: {  	s8 =	sadd.s32 $0xFFFFE003, lr  }
0x1b: {  	s9 =	sadd.s32 $0xFFFFFEF7, lr;
	s5 =	simm.s32 $0xFFFFFFFF;
	p2 =	slt.u32 s8, $0xFFFFF086  }
0x1c: {  	p1 =	slt.u32 s9, $0xF7A;
	s5 =	simm.s32 @!p2 $0x0  }
0x1d: {  	s5 =	simm.s32 @p1 $0x1;
	p0 =	seq.s32 s7, s2  }
0x1e: {  	s7 =	smul.u32 @!p0 $0xF7A, s2;
	p2 =	seq.s32 @!p0 s5, $0x0  }
0x1f: {  	s9 =	smul.u32 $0xF7A, s1;
	s8 =	simm.s32 @!p0 $0x1BF5;
	p2 =	por !p2, p0  }
0x20: {  	[sflag:s8] =	ssyncset.s32 @!p0 $0xFFFFF086;
	s6 =	sadd.s32 @!p0 s3, s7;
	s7 =	simm.s32 @!p0 $0x108  }
0x21: {  	s3 =	sadd.s32 s3, s9;
	s6 =	sadd.s32 @!p0 $0x88, s6;
	s7 =	simm.s32 @p2 $0x1082  }
0x22: {  	[simem:s7], [sflag:s8] =	dma.local @!p0 [hbm:s6], $0xF7A  }
0x23: {  	s9 =	sor.u32 $0xD0000000, s2;
	s6 =	simm.s32 $0x108;
	_ =	swait.ge @!p0 [sflag:s8], $0x0  }
0x24: {  	s3 =	sadd.s32 $0x88, s3;
	s6 =	simm.s32 @!p1 $0x1082;
	[sflag:s4] =	ssyncset.s32 $0xFFFFF086  }
0x25: {  	[simem:s6], [sflag:s4] =	dma.local [hbm:s3], $0xF7A  }
0x26: {  	[smem:$0x3F7C] =	sst s1;
	(tag) =	ssettag s2;
	_ =	strace s9  }
0x27: {  	s1 =	sld [smem:$0x3F8C]  }
0x28: {  	s2 =	sld [smem:$0x3F8D]  }
0x29: {  	s4 =	sld [smem:$0x3F8F]  }
0x2a: {  	p0 =	seq.s32 s5, $0x0;
	s5 =	sld [smem:$0x3F90]  }
0x2b: {  	s6 =	sld [smem:$0x3F91]  }
0x2c: {  	s7 =	sld [smem:$0x3F92]  }
0x2d: {  	s3 =	simm.s32 $0x108;
	s8 =	sld [smem:$0x3F93]  }
0x2e: {  	s3 =	simm.s32 @!p0 $0x1082;
	s9 =	sld [smem:$0x3F94]  }
0x2f: {  	lr =	sadd.s32 s0, s3;
	s0 =	sld [smem:$0x3F8B]  }
0x30: {  	s3 =	sld [smem:$0x3F8E]  }
0x31: {  	[smem:$0x3F97] =	sst s10  }
0x32: {  	s10 =	sld [smem:$0x3F95];
	_ =	sdelay $0x3  }
0x33: {  	p0 =	seq.s32 s10, $0x1;
	s10 =	sld [smem:$0x3F97];
	_ =	sdelay $0x3  }
0x34: {  	[smem:$0x3F97] =	sst s10  }
0x35: {  	s10 =	sld [smem:$0x3F96];
	_ =	sdelay $0x3  }
0x36: {  	p1 =	seq.s32 s10, $0x1;
	s10 =	sld [smem:$0x3F97];
	_ =	sdelay $0x3  }
0x37: {  	[smem:$0x3F97] =	sst s10  }
0x38: {  	s10 =	sld [smem:$0x3F98]  }
0x39: {  	_ = 	snop;
	(pc) =	sbr.ind lr, $3  }
0x3a: {  	_ = 	snop  }
0x3b: {  	_ = 	snop  }
0x3c: {  	p2 =	seq.s32 s10, $0x1;
	s10 =	sld [smem:$0x3F97]  }
0x3d: {  	_ =	shalt  }
0x3e: {  	_ =	shalt  }
0x3f: {  	_ =	shalt  }
0x40: {  	_ =	shalt  }
0x41: {  	_ =	shalt  }
0x42: {  	_ =	shalt  }
0x43: {  	_ =	shalt  }
0x44: {  	_ =	shalt  }
0x45: {  	_ =	shalt  }
0x46: {  	_ =	shalt  }
0x47: {  	_ =	shalt  }
0x48: {  	_ =	shalt  }
0x49: {  	_ =	shalt  }
0x4a: {  	_ =	shalt  }
0x4b: {  	_ =	shalt  }
0x4c: {  	_ =	shalt  }
0x4d: {  	_ =	shalt  }
0x4e: {  	_ =	shalt  }
0x4f: {  	_ =	shalt  }
0x50: {  	_ =	shalt  }
0x51: {  	_ =	shalt  }
0x52: {  	_ =	shalt  }
0x53: {  	_ =	shalt  }
0x54: {  	_ =	shalt  }
0x55: {  	_ =	shalt  }
0x56: {  	_ =	shalt  }
0x57: {  	_ =	shalt  }
0x58: {  	_ =	shalt  }
0x59: {  	_ =	shalt  }
0x5a: {  	_ =	shalt  }
0x5b: {  	_ =	shalt  }
0x5c: {  	_ =	shalt  }
0x5d: {  	_ =	shalt  }
0x5e: {  	_ =	shalt  }
0x5f: {  	_ =	shalt  }
0x60: {  	_ =	shalt  }
0x61: {  	_ =	shalt  }
0x62: {  	_ =	shalt  }
0x63: {  	_ =	shalt  }
0x64: {  	_ =	shalt  }
0x65: {  	_ =	shalt  }
0x66: {  	_ =	shalt  }
0x67: {  	_ =	shalt  }
0x68: {  	_ =	shalt  }
0x69: {  	_ =	shalt  }
0x6a: {  	_ =	shalt  }
0x6b: {  	_ =	shalt  }
0x6c: {  	_ =	shalt  }
0x6d: {  	_ =	shalt  }
0x6e: {  	_ =	shalt  }
0x6f: {  	_ =	shalt  }
0x70: {  	_ =	shalt  }
0x71: {  	_ =	shalt  }
0x72: {  	_ =	shalt  }
0x73: {  	_ =	shalt  }
0x74: {  	_ =	shalt  }
0x75: {  	_ =	shalt  }
0x76: {  	_ =	shalt  }
0x77: {  	_ =	shalt  }
0x78: {  	_ =	shalt  }
0x79: {  	_ =	shalt  }
0x7a: {  	_ =	shalt  }
0x7b: {  	_ =	shalt  }
0x7c: {  	_ =	shalt  }
0x7d: {  	_ =	shalt  }
0x7e: {  	_ =	shalt  }
0x7f: {  	_ =	shalt  }
0x80: {  	_ =	shalt  }
0x81: {  	_ =	shalt  }
0x82: {  	_ =	shalt  }
0x83: {  	_ =	shalt  }
0x84: {  	_ =	shalt  }
0x85: {  	_ =	shalt  }
0x86: {  	_ =	shalt  }
0x87: {  	_ =	shalt  }
.Lfunc_end0:
.L_simem_size_0:
called_computation_lowered:
.L_overlay_start_0:
0x88: {  	s2 =	sld [smem:$0x3FD9]  }
0x89: {  	s3 =	sld [smem:$0x3FFE];
	_ =	sdelay $0x1  }
0x8a: {  	s1 =	srdreg.scid  }
0x8b: {  	s0 =	sand.u32 $0x1, s1  }
0x8c: {  	s16 =	sshll.u32 s0, $0xA;
	s2 =	sadd.s32 s3, s2  }
0x8d: {  	s2 =	sadd.s32 s2, s16  }
0x8e: {  	[smem:$0x3FA3] =	sst s2  }
0x8f: {  	_ = 	snop  }
0x90: {  	(tm) =	ssettm $0x1  }
0x91: {  	s17 =	sld [smem:$0x3FFB];
	_ =	sdelay $0x3  }
0x92: {  	_ =	strace s17  }
0x93: {  	s2 =	sld [smem:$0x3FFC];
	_ =	sdelay $0x3  }
0x94: {  	_ =	strace s2  }
0x95: {  	s2 =	sld [smem:$0x3FFD];
	_ =	sdelay $0x3  }
0x96: {  	_ =	strace s2  }
0x97: {  	_ =	strace $0x8FFFFFFF  }
0x98: {  	s18 =	sld [smem:$0x3FDB];
	_ =	sdelay $0x1  }
0x99: {  	s19 =	simm.s32 $_scs_section_size  }
0x9a: {  	s4 =	simm.s32 $_size__tile_overlayer_lowered;
	s5 =	simm.s32 $_tile_overlayer_lowered  }
0x9b: {  	s22 =	simm.s32 $0x1BFF;
	s21 =	sshll.u32 s5, $0x1;
	s2 =	sadd.s32 s19, s18  }
0x9c: {  	s6 =	simm.s32 $0x0;
	s20 =	sshll.u32 s4, $0x1;
	s4 =	sadd.s32 s21, s2  }
0x9d: {  	[timem:s6], [sflag:s22] =	dma.local [hbm:s4], s20  }
0x9e: {  	_ =	swait.ge [sflag:s22], s20  }
0x9f: {  	s3 =	ssub.s32 $0x0, s20;
	[sflag:s22] =	ssyncset.done $0x0  }
0xa0: {  	[sflag:s22] =	ssyncadd.s32 s3;
	_ =	sdelay $0x1  }
0xa1: {  	s23 =	simm.s32 $0x1B8B  }
0xa2: {  	_ =	swait.ge [sflag:s23], $0x1  }
0xa3: {  	[sflag:s23] =	ssyncset.done $0x0  }
0xa4: {  	s25 =	simm.s32 $0x1B8E;
	s24 =	sld [smem:$0x3FFE];
	[sflag:s23] =	ssyncadd.s32 $0xFFFFFFFF  }
0xa5: {  	s26 =	simm.s32 $execute0_lowered;
	[smem:$0x3FD2] =	sst s25  }
0xa6: {  	s4 =	sshll.u32 s26, $0x1;
	_ =	strace $0x80000046;
	[dreg:$0x1] =	wrdreg $0xFFFFFFFF  }
0xa7: {  	s28 =	simm.s32 $_size_execute0_lowered;
	s2 =	sadd.s32 s2, s4;
	[dreg:$0x0] =	wrdreg $0x0  }
0xa8: {  	s4 =	sshll.u32 s28, $0x1;
	[dreg:$0x2] =	wrdreg s2  }
0xa9: {  	[dreg:$0x3] =	wrdreg s4  }
0xaa: {  	[dreg:$0x4] =	wrdreg $0xC0  }
0xab: {  	_ =	task [dreg:s6], $0x5FFFF  }
0xac: {  	[dreg:$0x1] =	wrdreg $0xFFFFFFFF  }
0xad: {  	[dreg:$0x0] =	wrdreg $0x60  }
0xae: {  	[dreg:$0x2] =	wrdreg s24  }
0xaf: {  	[dreg:$0x3] =	wrdreg $0x3B200  }
0xb0: {  	[dreg:$0x4] =	wrdreg $0x125800  }
0xb1: {  	[dreg:$0x5] =	wrdreg $0x9  }
0xb2: {  	_ =	task.clear_ibuf [dreg:s6], $0x6FFFF;
	_ =	strace $0x90000046  }
0xb3: {  	s29 =	simm.s32 $0x9;
	_ =	strace $0x80000048  }
0xb4: {  	_ =	swait.ge [sflag:s29], $0x1  }
0xb5: {  	[sflag:s29] =	ssyncadd.s32 $0xFFFFFFFF  }
0xb6: {  	_ =	strace $0x90000048  }
0xb7: {  	_ =	sfence  }
0xb8: {  	s30 =	sld [smem:$0x0];
	_ =	sdelay $0x2  }
0xb9: {  	s31 =	sshll.u32 s1, $0xD;
	s1 =	sshrl.u32 s1, $0x2  }
0xba: {  	s3 =	sand.u32 $0x4000, s31;
	s1 =	sadd.s32 s1, s30  }
0xbb: {  	s0 =	sor.u32 s3, s0;
	s1 =	sshll.u32 s1, $0x11  }
0xbc: {  	s0 =	sor.u32 s1, s0  }
0xbd: {  	s0 =	sadd.s32 $0x8F2B, s0  }
0xbe: {  	[sflag:s0] =	ssyncadd.remote.s32 $0x1  }
0xbf: {  	_ =	sfence.sel $0xFFFF  }
0xc0: {  	[dreg:$0x0] =	wrdreg $0xFFFFFFFF;
	(pc) =	sbr.abs _section_cstart, $3  }
0xc1: {  	[dreg:$0x1] =	wrdreg $0xFFFFFFFF  }
0xc2: {  	_ =	task.clear_ibuf [dreg:s6], $0x2FFFF;
	_ =	strace $0x9FFFFFFF  }
0xc3: {  	(tm) =	ssettm $0x7FFFFFFF  }
tec
execute0_lowered:
.L_overlay_start_1:
0x0: {  	(tag) =	ssettag $0x1  }
0x1: {  	s0 =	rddreg [dreg:$0x0]  }
0x2: {  	s1 =	rddreg [dreg:$0x1]  }
0x3: {  	s2 =	rddreg [dreg:$0x2];
	s4 =	simm.s32 $0x0;
	s3 =	stileid.u32  }
0x4: {  	s7 =	srdreg.scid;
	s28 =	simm.s32 $0x2;
	s29 =	simm.s32 $0x3  }
0x5: {  	s30 =	simm.s32 $0x80;
	s31 =	simm.s32 $0x100;
	s6 =	smul.u32 $0xEA00, s3  }
0x6: {  	[smem:$0x7FF] =	sst s4;
	s5 =	sadd.s32 $0x4C800, s0;
	s8 =	smul.u32 $0x1380, s3  }
0x7: {  	s9 =	sadd.s32 $0x25600, s0;
	s7 =	sand.u32 $0x1, s7;
	s18 =	smul.u32 $0x2710, s3  }
0x8: {  	s10 =	sadd.s32 $0x2CE00, s0;
	s21 =	sadd.s32 $0x6CEC0, s0;
	s24 =	smul.u32 $0x4E2, s3  }
0x9: {  	s25 =	sadd.s32 $0x8A4C0, s0;
	_ =	strace $0x80000047;
	[dreg:$0x4] =	wrdreg s10  }
0xa: {  	s11 =	ssub.s32 $0x2, s7;
	s10 =	sadd.s32 $0xDB600, s1;
	[dreg:$0x7] =	wrdreg s21  }
0xb: {  	p1 =	seq.s32 s7, $0x0;
	[dreg:$0xc] =	wrdreg s25;
	p0 =	sne.s32 s7, $0x0  }
0xc: {  	s7 =	simm.s32 $0x10;
	s16 =	sshrl.u32 s6, $0x3;
	s17 =	sshrl.u32 s8, $0x3  }
0xd: {  	s12 =	sshrl.u32 s11, $0x1;
	s6 =	sadd.s32 s6, s1;
	s8 =	sadd.s32 s8, s2  }
0xe: {  	s15 =	sshrl.u32 s18, $0x3;
	s21 =	sadd.s32 s24, s5;
	p3 =	seq.s32 @p0 s3, $0xF  }
0xf: {  	p5 =	seq.s32 @!p0 s3, $0xF;
	s13 =	sadd.s32 s16, s0;
	s14 =	sadd.s32 s17, s0  }
0x10: {  	s11 =	ssub.s32 s11, s12;
	s12 =	sadd.s32 $0x12480, s2;
	s16 =	sadd.s32 $0x2CA90, s0  }
0x11: {  	s15 =	sadd.s32 $0x4E0, s15;
	s19 =	sadd.s32 $0x51800, s13;
	[dreg:$0x8] =	wrdreg s16  }
0x12: {  	p2 =	por !p3, !p0;
	s20 =	sadd.s32 $0x2A600, s14;
	[dreg:$0x5] =	wrdreg s19  }
0x13: {  	p3 =	por p3, !p0;
	s22 =	sadd.s32 s5, s15;
	[dreg:$0x6] =	wrdreg s20  }
0x14: {  	p4 =	por !p5, p0;
	s15 =	sadd.s32 s9, s15;
	[dreg:$0x9] =	wrdreg s22  }
0x15: {  	p5 =	por p5, p0;
	s23 =	sadd.s32 $0x6EE00, s13;
	[dreg:$0xa] =	wrdreg s15  }
0x16: {  	s13 =	sadd.s32 $0x8C400, s13;
	s26 =	sadd.s32 $0xA9A00, s14;
	[dreg:$0xb] =	wrdreg s23  }
0x17: {  	s5 =	simm.s32 $0x8000;
	s25 =	smax.u32 s11, $0x1;
	[dreg:$0xd] =	wrdreg s13  }
0x18: {  	s11 =	simm.s32 $0x0;
	[dreg:$0xe] =	wrdreg s26;
	s20 =	sadd.s32 s24, s9  }
0x19: {  	s22 =	sadd.s32 $0xA7AC0, s0;
	s5 =	simm.s32 @!p1 $0x2F200;
	s24 =	sadd.s32 $0xABE90, s0  }
0x1a: {  	p1 =	seq.s32 s3, $0xF;
	s26 =	simm.s32 $0x3100;
	s9 =	simm.s32 $0x3120  }
0x1b: {  	s23 =	sadd.s32 s5, s0;
	s0 =	simm.s32 $0x1;
	s5 =	simm.s32 $0x3110  }
.LBB2_1:
0x1c: {  	s13 =	sshrl.u32 @p1 s10, $0x3;
	s14 =	simm.s32 @p1 $0x1FC2;
	s15 =	rddreg [dreg:$0x7]  }
0x1d: {  	[spmem:s13], [sflag:s14] =	dma.local @p1 [hbm:s15], $0x1E00  }
0x1e: {  	s13 =	simm.s32 @p1 $0x2  }
0x1f: {  	_ =	swait.ge @p1 [sflag:s13], $0x1E00  }
0x20: {  	[sflag:s13] =	ssyncset.done @p1 $0x0  }
0x21: {  	s15 =	sshrl.u32 @p1 s12, $0x3;
	s16 =	rddreg [dreg:$0x8];
	[sflag:s13] =	ssyncadd.s32 @p1 $0xFFFFE200  }
0x22: {  	[spmem:s15], [sflag:s14] =	dma.local @p1 [hbm:s16], $0x280  }
0x23: {  	_ =	swait.ge @p1 [sflag:s13], $0x280  }
0x24: {  	s14 =	sshll.u32 @!p1 s3, $0x6;
	[sflag:s13] =	ssyncset.done @p1 $0x0;
	s15 =	rddreg [dreg:$0x5]  }
0x25: {  	[sflag:s13] =	ssyncadd.s32 @p1 $0xFFFFFD80;
	s13 =	sor.u32 @!p1 $0x1C02, s14;
	s14 =	sshrl.u32 @!p1 s6, $0x3  }
0x26: {  	[spmem:s14], [sflag:s13] =	dma.local @!p1 [hbm:s15], $0x1D40  }
0x27: {  	s14 =	simm.s32 @!p1 $0x2  }
0x28: {  	_ =	swait.ge @!p1 [sflag:s14], $0x1D40  }
0x29: {  	[sflag:s14] =	ssyncset.done @!p1 $0x0  }
0x2a: {  	s15 =	sshrl.u32 @!p1 s8, $0x3;
	s16 =	rddreg [dreg:$0x6];
	[sflag:s14] =	ssyncadd.s32 @!p1 $0xFFFFE2C0  }
0x2b: {  	[spmem:s15], [sflag:s13] =	dma.local @!p1 [hbm:s16], $0x270  }
0x2c: {  	_ =	swait.ge @!p1 [sflag:s14], $0x270  }
0x2d: {  	[sflag:s14] =	ssyncset.done @!p1 $0x0  }
0x2e: {  	s17 =	simm.s32 $0x3720;
	s16 =	rddreg [dreg:$0x4];
	[sflag:s14] =	ssyncadd.s32 @!p1 $0xFFFFFD90  }
0x2f: {  	[tilespmem:s17], [sflag:$0x2] =	stream.linear.gather [hbm4b:s16+s4], $0x400, $0x38;
	[tilespmem:$0x13908] =	vst v63  }
0x30: {  	_ =	swait.ge [sflag:s28], $0x400  }
0x31: {  	[sflag:s28] =	ssyncset.done $0x0  }
0x32: {  	[sflag:s28] =	ssyncadd.s32 $0xFFFFFC00  }
0x33: {  	s18 =	sadd.s32 $0x0, s21;
	[bflag:$0x0] =	sbarrier.arrive $0xFFFF  }
0x34: {  	[tilespmem:s4], [sflag:$0x3] =	stream.linear.gather [hbm4b:s18+s4], $0x80, $0x38;
	[tilespmem:$0x13908] =	vst v63  }
0x35: {  	_ =	swait.ge [sflag:s29], $0x80  }
0x36: {  	[sflag:s29] =	ssyncset.done $0x0  }
0x37: {  	s19 =	sadd.s32 $0x0, s20;
	[sflag:s29] =	ssyncadd.s32 $0xFFFFFF80  }
0x38: {  	[tilespmem:s30], [sflag:$0x3] =	stream.linear.gather [hbm4b:s19+s4], $0x80, $0x38;
	[tilespmem:$0x13908] =	vst v63  }
0x39: {  	_ =	swait.ge [sflag:s29], $0x80  }
0x3a: {  	[sflag:s29] =	ssyncset.done $0x0  }
0x3b: {  	[sflag:s29] =	ssyncadd.s32 $0xFFFFFF80  }
0x3c: {  	[tilespmem:s31], [sflag:$0x1] =	stream.indirect.gather [hbm4b:s23+s30], $0x60, s4, s30, $0xb8;
	[tilespmem:$0x13908] =	vst v63  }
0x3d: {  	_ =	swait.ge [sflag:s0], $0x3000  }
0x3e: {  	[sflag:s0] =	ssyncset.done $0x0  }
0x3f: {  	[sflag:s0] =	ssyncadd.s32 $0xFFFFD000  }
0x40: {  	[spmem:s1] =	stream.indirect.scatter.add.f32 [tilespmem:s31], [sflag:$0x3], $0x60, s30, s30, $0xb8;
	[tilespmem:$0x13908] =	vst v63  }
0x41: {  	_ =	swait.ge [sflag:s29], $0x3000  }
0x42: {  	s13 =	simm.s32 @!p0 $0x2;
	[sflag:s29] =	ssyncset.done $0x0  }
0x43: {  	s15 =	simm.s32 @!p0 $0x80;
	s16 =	simm.s32 @!p0 $0x3720;
	[sflag:s29] =	ssyncadd.s32 $0xFFFFD000  }
0x44: {  	[spmem:s2] =	stream.indirect.scatter.add.f32 @!p0 [tilespmem:s16], [sflag:$0x2], $0x8, s15, s15, $0xb8;
	[tilespmem:$0x13908] =	vst v63  }
0x45: {  	_ =	swait.ge @!p0 [sflag:s13], $0x400  }
0x46: {  	s14 =	simm.s32 $0x10;
	s17 =	simm.s32 $0x20;
	[sflag:s13] =	ssyncset.done @!p0 $0x0  }
.LBB2_2:
0x47: {  	s18 =	sadd.s32 s14, s21  }
0x48: {  	[sflag:s13] =	ssyncadd.s32 @!p0 $0xFFFFFC00;
	s19 =	smov.u32 s17;
	s17 =	sadd.s32 $0x10, s17  }
0x49: {  	[tilespmem:s4], [sflag:$0x3] =	stream.linear.gather [hbm4b:s18+s4], $0x80, $0x38;
	[tilespmem:$0x13908] =	vst v63  }
0x4a: {  	p6 =	sne.s32 s17, $0x4E0;
	_ =	swait.ge [sflag:s29], $0x80  }
0x4b: {  	[sflag:s29] =	ssyncset.done $0x0  }
0x4c: {  	s18 =	sadd.s32 s14, s20;
	s14 =	smov.u32 s19;
	[sflag:s29] =	ssyncadd.s32 $0xFFFFFF80  }
0x4d: {  	[tilespmem:s30], [sflag:$0x3] =	stream.linear.gather [hbm4b:s18+s4], $0x80, $0x38;
	[tilespmem:$0x13908] =	vst v63  }
0x4e: {  	_ =	swait.ge [sflag:s29], $0x80  }
0x4f: {  	[sflag:s29] =	ssyncset.done $0x0  }
0x50: {  	[sflag:s29] =	ssyncadd.s32 $0xFFFFFF80  }
0x51: {  	[tilespmem:s31], [sflag:$0x1] =	stream.indirect.gather [hbm4b:s23+s30], $0x60, s4, s30, $0xb8;
	[tilespmem:$0x13908] =	vst v63  }
0x52: {  	_ =	swait.ge [sflag:s0], $0x3000  }
0x53: {  	[sflag:s0] =	ssyncset.done $0x0  }
0x54: {  	[sflag:s0] =	ssyncadd.s32 $0xFFFFD000  }
0x55: {  	[spmem:s1] =	stream.indirect.scatter.add.f32 [tilespmem:s31], [sflag:$0x3], $0x60, s30, s30, $0xb8;
	[tilespmem:$0x13908] =	vst v63  }
0x56: {  	_ =	swait.ge [sflag:s29], $0x3000  }
.Ltmp0:
0x57: {  	[sflag:s29] =	ssyncset.done $0x0;
	(pc) =	sbr.rel @p6 .LBB2_2-.Ltmp0, $4  }
0x58: {  	[sflag:s29] =	ssyncadd.s32 $0xFFFFD000  }
0x59: {  	[spmem:s2] =	stream.indirect.scatter.add.f32 @!p0 [tilespmem:s16], [sflag:$0x2], $0x8, s15, s15, $0xb8;
	[tilespmem:$0x13908] =	vst v63  }
0x5a: {  	_ =	swait.ge @!p0 [sflag:s13], $0x400  }
0x5b: {  	[sflag:s13] =	ssyncset.done @!p0 $0x0  }
0x5c: {  	s15 =	sadd.s32 s14, s21;
	[sflag:s13] =	ssyncadd.s32 @!p0 $0xFFFFFC00  }
0x5d: {  	[tilespmem:s4], [sflag:$0x3] =	stream.linear.gather [hbm4b:s15+s4], $0x80, $0x38;
	[tilespmem:$0x13908] =	vst v63  }
0x5e: {  	_ =	swait.ge [sflag:s29], $0x80  }
0x5f: {  	[sflag:s29] =	ssyncset.done $0x0  }
0x60: {  	s17 =	sadd.s32 s14, s20;
	[sflag:s29] =	ssyncadd.s32 $0xFFFFFF80  }
0x61: {  	[tilespmem:s30], [sflag:$0x3] =	stream.linear.gather [hbm4b:s17+s4], $0x80, $0x38;
	[tilespmem:$0x13908] =	vst v63  }
0x62: {  	_ =	swait.ge [sflag:s29], $0x80  }
0x63: {  	[sflag:s29] =	ssyncset.done $0x0  }
0x64: {  	[sflag:s29] =	ssyncadd.s32 $0xFFFFFF80  }
0x65: {  	[tilespmem:s31], [sflag:$0x1] =	stream.indirect.gather [hbm4b:s23+s30], $0x60, s4, s30, $0xb8;
	[tilespmem:$0x13908] =	vst v63  }
0x66: {  	_ =	swait.ge [sflag:s0], $0x3000  }
0x67: {  	[sflag:s0] =	ssyncset.done $0x0  }
0x68: {  	[sflag:s0] =	ssyncadd.s32 $0xFFFFD000  }
0x69: {  	[spmem:s1] =	stream.indirect.scatter.add.f32 [tilespmem:s31], [sflag:$0x3], $0x60, s30, s30, $0xb8;
	[tilespmem:$0x13908] =	vst v63  }
0x6a: {  	_ =	swait.ge [sflag:s29], $0x3000  }
0x6b: {  	s13 =	simm.s32 @!p0 $0x2;
	[sflag:s29] =	ssyncset.done $0x0  }
0x6c: {  	s14 =	simm.s32 @!p0 $0x80;
	s15 =	simm.s32 @!p0 $0x3720;
	[sflag:s29] =	ssyncadd.s32 $0xFFFFD000  }
0x6d: {  	[spmem:s2] =	stream.indirect.scatter.add.f32 @!p0 [tilespmem:s15], [sflag:$0x2], $0x8, s14, s14, $0xb8;
	[tilespmem:$0x13908] =	vst v63  }
0x6e: {  	_ =	swait.ge @!p0 [sflag:s13], $0x400  }
0x6f: {  	[sflag:s13] =	ssyncset.done @!p0 $0x0  }
0x70: {  	s18 =	rddreg [dreg:$0x9];
	[sflag:s13] =	ssyncadd.s32 @!p0 $0xFFFFFC00  }
0x71: {  	[tilespmem:s26], [sflag:$0x2] =	stream.linear.gather [hbm4b:s18+s4], $0x10, $0x38;
	[tilespmem:$0x13908] =	vst v63  }
0x72: {  	_ =	swait.ge [sflag:s28], $0x10  }
0x73: {  	[sflag:s28] =	ssyncset.done $0x0  }
0x74: {  	s19 =	rddreg [dreg:$0xa];
	[sflag:s28] =	ssyncadd.s32 $0xFFFFFFF0  }
0x75: {  	[tilespmem:s5], [sflag:$0x2] =	stream.linear.gather [hbm4b:s19+s4], $0x10, $0x38;
	[tilespmem:$0x13908] =	vst v63  }
0x76: {  	_ =	swait.ge [sflag:s28], $0x10  }
0x77: {  	[sflag:s28] =	ssyncset.done $0x0  }
0x78: {  	[sflag:s28] =	ssyncadd.s32 $0xFFFFFFF0  }
0x79: {  	[tilespmem:s9], [sflag:$0x1] =	stream.indirect.gather [hbm4b:s23+s7], $0x60, s26, s7, $0xb8;
	[tilespmem:$0x13908] =	vst v63  }
0x7a: {  	_ =	swait.ge [sflag:s0], $0x600  }
0x7b: {  	[sflag:s0] =	ssyncset.done $0x0  }
0x7c: {  	[sflag:s0] =	ssyncadd.s32 $0xFFFFFA00  }
0x7d: {  	[spmem:s1] =	stream.indirect.scatter.add.f32 [tilespmem:s9], [sflag:$0x2], $0x60, s5, s7, $0xb8;
	[tilespmem:$0x13908] =	vst v63  }
0x7e: {  	_ =	swait.ge [sflag:s28], $0x600  }
0x7f: {  	[sflag:s28] =	ssyncset.done $0x0  }
0x80: {  	[sflag:s28] =	ssyncadd.s32 $0xFFFFFA00  }
0x81: {  	[bflag:$0x0] =	sbarrier.arrive @p0 $0xFFFF  }
0x82: {  	s16 =	simm.s32 @!p2 $0x1FC2;
	s14 =	sshrl.u32 @!p2 s10, $0x3;
	s17 =	rddreg [dreg:$0xc]  }
0x83: {  	[hbm:s17], [sflag:s16] =	dma.local @!p2 [spmem:s14], $0x1E00  }
0x84: {  	s14 =	simm.s32 @!p2 $0x2  }
0x85: {  	_ =	swait.ge @!p2 [sflag:s14], $0x1E00  }
0x86: {  	s16 =	sshll.u32 @!p3 s3, $0x6;
	[sflag:s14] =	ssyncset.done @!p2 $0x0;
	s17 =	rddreg [dreg:$0xb]  }
0x87: {  	[sflag:s14] =	ssyncadd.s32 @!p2 $0xFFFFE200;
	s14 =	sor.u32 @!p3 $0x1C02, s16;
	s16 =	sshrl.u32 @!p3 s6, $0x3  }
0x88: {  	[hbm:s17], [sflag:s14] =	dma.local @!p3 [spmem:s16], $0x1D40  }
0x89: {  	s14 =	simm.s32 @!p3 $0x2  }
0x8a: {  	_ =	swait.ge @!p3 [sflag:s14], $0x1D40  }
0x8b: {  	[sflag:s14] =	ssyncset.done @!p3 $0x0  }
0x8c: {  	s16 =	simm.s32 @!p0 $0x3110;
	[sflag:s14] =	ssyncadd.s32 @!p3 $0xFFFFE2C0;
	s14 =	simm.s32 @!p0 $0x10  }
0x8d: {  	[spmem:s2] =	stream.indirect.scatter.add.f32 @!p0 [tilespmem:s15], [sflag:$0x2], $0x8, s16, s14, $0xb8;
	[tilespmem:$0x13908] =	vst v63  }
0x8e: {  	_ =	swait.ge @!p0 [sflag:s13], $0x80  }
0x8f: {  	[sflag:s13] =	ssyncset.done @!p0 $0x0  }
0x90: {  	[sflag:s13] =	ssyncadd.s32 @!p0 $0xFFFFFF80  }
0x91: {  	s14 =	simm.s32 @!p4 $0x1FC2;
	s13 =	sshrl.u32 @!p4 s10, $0x3;
	[bflag:$0x0] =	sbarrier.arrive @!p0 $0xFFFF  }
0x92: {  	[hbm:s22], [sflag:s14] =	dma.local @!p4 [spmem:s13], $0x1E00  }
0x93: {  	s13 =	simm.s32 @!p4 $0x2  }
0x94: {  	_ =	swait.ge @!p4 [sflag:s13], $0x1E00  }
0x95: {  	[sflag:s13] =	ssyncset.done @!p4 $0x0  }
0x96: {  	s15 =	sshrl.u32 @!p4 s12, $0x3;
	[sflag:s13] =	ssyncadd.s32 @!p4 $0xFFFFE200  }
0x97: {  	[hbm:s24], [sflag:s14] =	dma.local @!p4 [spmem:s15], $0x280  }
0x98: {  	_ =	swait.ge @!p4 [sflag:s13], $0x280  }
0x99: {  	s14 =	sshll.u32 @!p5 s3, $0x6;
	[sflag:s13] =	ssyncset.done @!p4 $0x0;
	s15 =	rddreg [dreg:$0xd]  }
0x9a: {  	[sflag:s13] =	ssyncadd.s32 @!p4 $0xFFFFFD80;
	s13 =	sor.u32 @!p5 $0x1C02, s14;
	s14 =	sshrl.u32 @!p5 s6, $0x3  }
0x9b: {  	[hbm:s15], [sflag:s13] =	dma.local @!p5 [spmem:s14], $0x1D40  }
0x9c: {  	s14 =	simm.s32 @!p5 $0x2  }
0x9d: {  	s11 =	sadd.s32 $0x1, s11;
	_ =	swait.ge @!p5 [sflag:s14], $0x1D40  }
0x9e: {  	p6 =	sne.s32 s11, s25;
	s15 =	sshrl.u32 @!p5 s8, $0x3;
	[sflag:s14] =	ssyncset.done @!p5 $0x0  }
.Ltmp1:
0x9f: {  	s16 =	rddreg [dreg:$0xe];
	[sflag:s14] =	ssyncadd.s32 @!p5 $0xFFFFE2C0;
	(pc) =	sbr.rel @p6 .LBB2_1-.Ltmp1, $4  }
0xa0: {  	[hbm:s16], [sflag:s13] =	dma.local @!p5 [spmem:s15], $0x270  }
0xa1: {  	_ =	swait.ge @!p5 [sflag:s14], $0x270  }
0xa2: {  	[sflag:s14] =	ssyncset.done @!p5 $0x0  }
0xa3: {  	[sflag:s14] =	ssyncadd.s32 @!p5 $0xFFFFFD90  }
0xa4: {  	_ =	sfence.sel $0x180000  }
0xa5: {  	[bflag:$0x0] =	sbarrier.arrive $0xFFFF  }
0xa6: {  	_ =	strace $0x90000047  }
0xa7: {  	[bflag:$0x2] =	sbarrier.arrive $0xFFFF  }
0xa8: {  	p0 =	sne.s32 s3, $0x0;
	s0 =	rddreg [dreg:$0x3]  }
0xa9: {  	s0 =	sadd.s32 @!p0 $0x100000, s0  }
0xaa: {  	[sflag:s0] =	ssyncadd.tile.s32 @!p0 $0x1;
	_ =	shalt  }
.Lfunc_end2:
_tile_overlayer_lowered:
.L_overlay_start_2:
0xab: {  	(tag) =	ssettag $0x2  }
0xac: {  	s0 =	rddreg [dreg:$0x0];
	s2 =	stileid.u32  }
0xad: {  	s1 =	rddreg [dreg:$0x1];
	p0 =	sne.s32 s2, $0x0  }
0xae: {  	s3 =	rddreg [dreg:$0x2];
	[bflag:$0x3] =	sbarrier.arrive $0xFFFF;
	s2 =	simm.s32 @!p0 $0x1C02  }
0xaf: {  	[timem:s3], [sflag:s2] =	dma.local @!p0 [hbm:s0], s1  }
0xb0: {  	s0 =	simm.s32 @!p0 $0x2  }
0xb1: {  	_ =	swait.ge @!p0 [sflag:s0], s1  }
0xb2: {  	s1 =	ssub.s32 @!p0 $0x0, s1;
	[sflag:s0] =	ssyncset.done @!p0 $0x0  }
0xb3: {  	[sflag:s0] =	ssyncadd.s32 @!p0 s1  }
0xb4: {  	[bflag:$0x3] =	sbarrier.arrive $0xFFFF  }
0xb5: {  	_ =	shalt  }

</sc_bundles>
